<compile_context>
chip_gen: v7x
topology: tpu7x:2x2x1
jax: 0.10.2.dev20260603
libtpu: 0.0.44.dev20260713+nightly
codegen_flags: <defaults>
</compile_context>

<pallas_src>
import functools

import jax
import jax.numpy as jnp
import numpy as np
from jax import lax
from jax.experimental import pallas as pl
from jax.experimental.pallas import tpu as pltpu
from jax.experimental.pallas import tpu_sc as plsc

KNN = 16
NPAD = 10240
INF = np.float32(np.inf)
IMAX = np.int32(2**31 - 1)
NORM17 = float(np.float32(np.float32(17.0) ** -0.5) * np.float32(np.float32(17.0) ** -0.5))


def _extract16_T(vals, base_f, lo_vec, hi_vec):
    bv, bi = [], []
    for _ in range(KNN):
        m = jnp.min(vals, axis=0)
        eq = vals == m[None, :]
        eqf = jnp.where(eq, 1.0, 0.0)
        lo = lax.dot_general(lo_vec, eqf, (((1,), (0,)), ((), ())),
                             preferred_element_type=jnp.float32)
        hi = lax.dot_general(hi_vec, eqf, (((1,), (0,)), ((), ())),
                             preferred_element_type=jnp.float32)
        vals = jnp.where(eq, INF, vals)
        bv.append(m)
        bi.append(lo[0] + 256.0 * hi[0] + base_f)
    return jnp.stack(bv, axis=0), jnp.stack(bi, axis=0)


def _extract16_sub(vals, idxs):
    bv, bi = [], []
    for _ in range(KNN):
        m = jnp.min(vals, axis=0)
        eq = vals == m[None, :]
        it = jnp.min(jnp.where(eq, idxs, INF), axis=0)
        vals = jnp.where(eq, INF, vals)
        bv.append(m)
        bi.append(it)
    return jnp.stack(bv, axis=0), jnp.stack(bi, axis=0)


def _knn_body(rows_ref, ct_ref, idx_ref, *, rb, cb, npad):
    r = pl.program_id(1)
    rows2 = rows_ref[0] * 2.0
    grow = r * rb + lax.broadcasted_iota(jnp.int32, (cb, rb), 1)
    subi = lax.broadcasted_iota(jnp.int32, (cb, rb), 0)
    lo_vec = (lax.broadcasted_iota(jnp.int32, (1, cb), 1) % 256
              ).astype(jnp.float32)
    hi_vec = (lax.broadcasted_iota(jnp.int32, (1, cb), 1) // 256
              ).astype(jnp.float32)
    best_v = jnp.full((KNN, rb), INF, jnp.float32)
    best_i = jnp.zeros((KNN, rb), jnp.float32)

    def chunk(c, carry):
        bv, bi = carry
        cs = ct_ref[0, :, pl.ds(c * cb, cb)]
        sqj = jnp.sum(cs * cs, axis=0)
        dot2 = lax.dot_general(cs, rows2, (((0,), (1,)), ((), ())),
                               preferred_element_type=jnp.float32)
        score = sqj[:, None] - dot2
        score = jnp.where(subi + c * cb == grow, INF, score)
        cv, ci = _extract16_T(score, (c * cb).astype(jnp.float32),
                              lo_vec, hi_vec)
        return _extract16_sub(jnp.concatenate([bv, cv], axis=0),
                              jnp.concatenate([bi, ci], axis=0))

    best_v, best_i = lax.fori_loop(0, npad // cb, chunk, (best_v, best_i))
    bi_c = jnp.minimum(jnp.maximum(best_i, 0.0), float(npad - 1))
    idx_ref[0] = bi_c.T.astype(jnp.int32)


def _knn(coords_pad, coords_padT, rb=512, cb=512):
    b, npad, _ = coords_pad.shape
    return pl.pallas_call(
        functools.partial(_knn_body, rb=rb, cb=cb, npad=npad),
        grid=(b, npad // rb),
        in_specs=[
            pl.BlockSpec((1, rb, 8), lambda i, r: (i, r, 0)),
            pl.BlockSpec((1, 8, npad), lambda i, r: (i, 0, 0)),
        ],
        out_specs=pl.BlockSpec((1, rb, KNN), lambda i, r: (i, r, 0)),
        out_shape=jax.ShapeDtypeStruct((b, npad, KNN), jnp.int32),
    )(coords_pad, coords_padT)


def _linear_body(x_ref, w_ref, o_ref):
    o_ref[0] = jnp.dot(x_ref[0], w_ref[...], preferred_element_type=jnp.float32)


def _linear(x, wT, rb=1024):
    b, npad, f = x.shape
    d = wT.shape[1]
    return pl.pallas_call(
        _linear_body,
        grid=(b, npad // rb),
        in_specs=[
            pl.BlockSpec((1, rb, f), lambda i, r: (i, r, 0)),
            pl.BlockSpec((f, d), lambda i, r: (0, 0)),
        ],
        out_specs=pl.BlockSpec((1, rb, d), lambda i, r: (i, r, 0)),
        out_shape=jax.ShapeDtypeStruct((b, npad, d), jnp.float32),
    )(x, wT)


def _layer_body(agg_ref, xw_ref, bias_ref, w_ref, o_ref):
    h = jnp.maximum((agg_ref[0] + xw_ref[0]) * NORM17 + bias_ref[...], 0.0)
    o_ref[0] = jnp.dot(h, w_ref[...], preferred_element_type=jnp.float32)


def _layer(agg, xw, bias, wT, rb=1024):
    b, npad, f = xw.shape
    d = wT.shape[1]
    return pl.pallas_call(
        _layer_body,
        grid=(b, npad // rb),
        in_specs=[
            pl.BlockSpec((1, rb, f), lambda i, r: (i, r, 0)),
            pl.BlockSpec((1, rb, f), lambda i, r: (i, r, 0)),
            pl.BlockSpec((1, f), lambda i, r: (0, 0)),
            pl.BlockSpec((f, d), lambda i, r: (0, 0)),
        ],
        out_specs=pl.BlockSpec((1, rb, d), lambda i, r: (i, r, 0)),
        out_shape=jax.ShapeDtypeStruct((b, npad, d), jnp.float32),
    )(agg, xw, bias, wT)


def _final_body(agg_ref, xw_ref, bias_ref, w_ref, bf_ref, o_ref):
    h = jnp.maximum((agg_ref[0] + xw_ref[0]) * NORM17 + bias_ref[...], 0.0)
    o_ref[0] = (jnp.dot(h, w_ref[...], preferred_element_type=jnp.float32)
                + bf_ref[...])


def _final(agg, xw, bias, wT, bf, rb=1024):
    b, npad, f = xw.shape
    d = wT.shape[1]
    return pl.pallas_call(
        _final_body,
        grid=(b, npad // rb),
        in_specs=[
            pl.BlockSpec((1, rb, f), lambda i, r: (i, r, 0)),
            pl.BlockSpec((1, rb, f), lambda i, r: (i, r, 0)),
            pl.BlockSpec((1, f), lambda i, r: (0, 0)),
            pl.BlockSpec((f, d), lambda i, r: (0, 0)),
            pl.BlockSpec((1, d), lambda i, r: (0, 0)),
        ],
        out_specs=pl.BlockSpec((1, rb, d), lambda i, r: (i, r, 0)),
        out_shape=jax.ShapeDtypeStruct((b, npad, d), jnp.float32),
    )(agg, xw, bias, wT, bf)


def _sc_gather_sum(xw, idx3):
    npad, d = xw.shape
    info = plsc.get_sparse_core_info()
    nw = info.num_cores * info.num_subcores
    bpw = npad // nw
    mesh = plsc.VectorSubcoreMesh(core_axis_name="c", subcore_axis_name="s")

    @functools.partial(
        pl.kernel,
        out_type=jax.ShapeDtypeStruct((npad, d), jnp.float32),
        mesh=mesh,
        compiler_params=pltpu.CompilerParams(use_tc_tiling_on_sc=False),
        scratch_types=[
            pltpu.VMEM((KNN, bpw), jnp.int32),
            pltpu.VMEM((bpw, d), jnp.float32),
            pltpu.SemaphoreType.DMA,
        ],
    )
    def k(xw_hbm, idx_hbm, out_hbm, idx_v, acc_v, sem):
        wid = lax.axis_index("s") * info.num_cores + lax.axis_index("c")
        base = wid * bpw
        pltpu.sync_copy(idx_hbm.at[wid], idx_v)
        pltpu.async_copy(xw_hbm.at[idx_v.at[0]], acc_v, sem).wait()
        cps = [pltpu.async_copy(xw_hbm.at[idx_v.at[j]], acc_v, sem, add=True)
               for j in range(1, KNN)]
        for cp in cps:
            cp.wait()
        pltpu.sync_copy(acc_v, out_hbm.at[pl.ds(base, bpw)])

    return k(xw, idx3)


def kernel(feats_batch, W1, b1, W2, b2, Wf, bf):
    b, n, f = feats_batch.shape
    fb = jnp.pad(feats_batch, ((0, 0), (0, NPAD - n), (0, 2)))
    valid = (jnp.arange(NPAD) < n)[None, :, None]
    coords = jnp.where(valid, fb[..., :3], 1e6)
    coords_pad = jnp.pad(coords, ((0, 0), (0, 0), (0, 5)))
    coords_padT = jnp.swapaxes(coords_pad, 1, 2)

    idx = _knn(coords_pad, coords_padT)
    nw = 32
    idxT = jnp.swapaxes(
        jnp.swapaxes(idx, 1, 2).reshape(b, KNN, nw, NPAD // nw), 1, 2)

    w1T = jnp.pad(W1, ((0, 64), (0, 2))).T
    xw1 = _linear(fb, w1T)
    agg1 = jnp.stack([_sc_gather_sum(xw1[i], idxT[i]) for i in range(b)])
    b1p = jnp.pad(b1, (0, 64))
    w2T = jnp.pad(W2.T, ((0, 64), (0, 0)))
    xw2 = _layer(agg1, xw1, b1p[None, :], w2T)
    agg2 = jnp.stack([_sc_gather_sum(xw2[i], idxT[i]) for i in range(b)])
    out = _final(agg2, xw2, b2[None, :], Wf.T, bf[None, :])
    return out[:, :n, :]

# --- scband reference (transcript-rebuilt; emitter-appended) ---
"""Pipeline reference for scband-graph-encoder-23596550324443 (READ-ONLY COPY).

The authoritative reference and input builder live on the scoring server;
editing this copy changes nothing except your own understanding.
"""

import jax, jax.numpy as jnp
import numpy as np

K = 16

def knn_graph(coords, k):
    n = coords.shape[0]
    sq = jnp.sum(coords * coords, axis=1)
    d = sq[:, None] + sq[None, :] - 2.0 * (coords @ coords.T)
    d = d.at[jnp.arange(n), jnp.arange(n)].set(jnp.inf)  # loop=False
    _, idx = jax.lax.top_k(-d, k)  # [n, k] neighbor (source) indices
    src = idx.reshape(-1)
    dst = jnp.repeat(jnp.arange(n), k)
    return src, dst

def gcn_conv(x, src, dst, W, b):
    # torch_geometric GCNConv: add self loops, symmetric normalization, sum aggregate
    n = x.shape[0]
    loop = jnp.arange(n)
    s = jnp.concatenate([src, loop])
    t = jnp.concatenate([dst, loop])
    deg = jnp.zeros((n,), x.dtype).at[t].add(1.0)
    dinv = jnp.where(deg > 0, deg ** -0.5, 0.0)
    norm = dinv[s] * dinv[t]
    xw = x @ W.T
    out = jnp.zeros((n, xw.shape[1]), x.dtype).at[t].add(xw[s] * norm[:, None])
    return out + b

def setup_inputs(seed: int = 0) -> dict:
    key = jax.random.key(seed)
    ks = jax.random.split(key, 7)
    feats_batch = jax.random.normal(ks[0], (2, 10000, 6), dtype=jnp.float32)
    W1 = jax.random.normal(ks[1], (64, 6), dtype=jnp.float32) * 0.2
    b1 = jnp.zeros((64,), dtype=jnp.float32)
    W2 = jax.random.normal(ks[2], (128, 64), dtype=jnp.float32) * 0.08
    b2 = jnp.zeros((128,), dtype=jnp.float32)
    Wf = jax.random.normal(ks[3], (128, 128), dtype=jnp.float32) * 0.08
    bf = jnp.zeros((128,), dtype=jnp.float32)
    return {"feats_batch": feats_batch, "W1": W1, "b1": b1, "W2": W2, "b2": b2, "Wf": Wf, "bf": bf}

def reference(feats_batch, W1, b1, W2, b2, Wf, bf):
    B = feats_batch.shape[0]
    outs = []
    for i in range(B):
        fb = feats_batch[i]
        coords = fb[:, :3]
        src, dst = knn_graph(coords, K)
        x = jax.nn.relu(gcn_conv(fb, src, dst, W1, b1))
        x = jax.nn.relu(gcn_conv(x, src, dst, W2, b2))
        outs.append(x @ Wf.T + bf)
    return jnp.stack(outs, axis=0)

if __name__ == "__main__":
    import jax
    _d = setup_inputs()
    print(jax.jit(kernel)(*tuple(_d.values())))

</pallas_src>

<mosaic_0001>
#map = affine_map<(d0, d1) -> (0, 0)>
#map1 = affine_map<(d0, d1) -> (0, 0, 0)>
module attributes {stable_mosaic.version = 14 : i64} {
  func.func @k(%arg0: i32, %arg1: i32, %arg2: memref<10240x128xf32, #tpu.memory_space<hbm>>, %arg3: memref<32x16x320xi32, #tpu.memory_space<hbm>>, %arg4: memref<10240x128xf32, #tpu.memory_space<hbm>>, %arg5: memref<16x320xi32, #tpu.memory_space<vmem>>, %arg6: memref<320x128xf32, #tpu.memory_space<vmem>>, %arg7: memref<!tpu.dma_semaphore, #tpu.memory_space<semaphore_mem>>) attributes {dimension_semantics = [#tpu.dimension_semantics<core_parallel>, #tpu.dimension_semantics<subcore_parallel>], iteration_bounds = array<i64: 2, 16>, scalar_prefetch = 0 : i64, scratch_operands = 3 : i64, tpu.core_type = #tpu.core_type<sc_vector_subcore>, window_params = [{transform_indices = #map}, {transform_indices = #map1}, {transform_indices = #map}]} {
    %mul3A = arith.constant 2 : i32
    %mul3A_0 = arith.muli %arg1, %mul3A : i32
    %add3A = arith.addi %mul3A_0, %arg0 : i32
    %mul3A_1 = arith.constant 320 : i32
    %mul3A_2 = arith.muli %add3A, %mul3A_1 : i32
    "tpu.region"() ({
      %run_scoped3A = tpu.sem_alloc : memref<!tpu.dma_semaphore, #tpu.memory_space<semaphore_mem>>
      %dma_start3A_225 = arith.constant 0 : i32
      %dma_start3A_226 = arith.constant 0 : i32
      %dma_start3A_227 = tpu.memref_slice %arg3[%add3A, %dma_start3A_225, %dma_start3A_226] : memref<32x16x320xi32, #tpu.memory_space<hbm>> -> memref<1x16x320xi32, #tpu.memory_space<hbm>>
      %dma_start3A_228 = tpu.memref_squeeze %dma_start3A_227 : memref<1x16x320xi32, #tpu.memory_space<hbm>> -> memref<16x320xi32, #tpu.memory_space<hbm>>
      %dma_start3A_229 = arith.constant 0 : i32
      %dma_start3A_230 = arith.constant 0 : i32
      %dma_start3A_231 = tpu.memref_slice %arg3[%add3A, %dma_start3A_229, %dma_start3A_230] : memref<32x16x320xi32, #tpu.memory_space<hbm>> -> memref<1x16x320xi32, #tpu.memory_space<hbm>>
      %dma_start3A_232 = tpu.memref_squeeze %dma_start3A_231 : memref<1x16x320xi32, #tpu.memory_space<hbm>> -> memref<16x320xi32, #tpu.memory_space<hbm>>
      tpu.enqueue_dma source(%dma_start3A_232 : memref<16x320xi32, #tpu.memory_space<hbm>>) target(%arg5 : memref<16x320xi32, #tpu.memory_space<vmem>>) target_semaphore(%run_scoped3A : memref<!tpu.dma_semaphore, #tpu.memory_space<semaphore_mem>>)
      %dma_wait3A_233 = arith.constant 0 : i32
      %dma_wait3A_234 = arith.constant 0 : i32
      %dma_wait3A_235 = tpu.memref_slice %arg3[%add3A, %dma_wait3A_233, %dma_wait3A_234] : memref<32x16x320xi32, #tpu.memory_space<hbm>> -> memref<1x16x320xi32, #tpu.memory_space<hbm>>
      %dma_wait3A_236 = tpu.memref_squeeze %dma_wait3A_235 : memref<1x16x320xi32, #tpu.memory_space<hbm>> -> memref<16x320xi32, #tpu.memory_space<hbm>>
      %dma_wait3A_237 = arith.constant 0 : i32
      %dma_wait3A_238 = arith.constant 0 : i32
      %dma_wait3A_239 = tpu.memref_slice %arg3[%add3A, %dma_wait3A_237, %dma_wait3A_238] : memref<32x16x320xi32, #tpu.memory_space<hbm>> -> memref<1x16x320xi32, #tpu.memory_space<hbm>>
      %dma_wait3A_240 = tpu.memref_squeeze %dma_wait3A_239 : memref<1x16x320xi32, #tpu.memory_space<hbm>> -> memref<16x320xi32, #tpu.memory_space<hbm>>
      tpu.wait_dma2 semaphore(%run_scoped3A : memref<!tpu.dma_semaphore, #tpu.memory_space<semaphore_mem>>) src(%dma_wait3A_240 : memref<16x320xi32, #tpu.memory_space<hbm>>) dst(%arg5 : memref<16x320xi32, #tpu.memory_space<vmem>>)
      tpu.yield
    }) : () -> ()
    %dma_start3A = arith.constant 0 : i32
    %dma_start3A_3 = arith.constant 0 : i32
    %dma_start3A_4 = tpu.memref_slice %arg5[%dma_start3A, %dma_start3A_3] : memref<16x320xi32, #tpu.memory_space<vmem>> -> memref<1x320xi32, #tpu.memory_space<vmem>>
    %dma_start3A_5 = tpu.memref_squeeze %dma_start3A_4 : memref<1x320xi32, #tpu.memory_space<vmem>> -> memref<320xi32, #tpu.memory_space<vmem>>
    %dma_start3A_6 = arith.constant 0 : i32
    %dma_start3A_7 = arith.constant 0 : i32
    %dma_start3A_8 = tpu.memref_slice %arg2[%dma_start3A_6, %dma_start3A_7] : memref<10240x128xf32, #tpu.memory_space<hbm>> -> memref<10240x128xf32, #tpu.memory_space<hbm>>
    tpu.enqueue_indirect_dma source(%dma_start3A_8 : memref<10240x128xf32, #tpu.memory_space<hbm>>) target(%arg6 : memref<320x128xf32, #tpu.memory_space<vmem>>) offsets(%dma_start3A_5 : memref<320xi32, #tpu.memory_space<vmem>>) semaphore(%arg7 : memref<!tpu.dma_semaphore, #tpu.memory_space<semaphore_mem>>)
    %dma_wait3A = arith.constant 0 : i32
    %dma_wait3A_9 = arith.constant 0 : i32
    %dma_wait3A_10 = tpu.memref_slice %arg5[%dma_wait3A, %dma_wait3A_9] : memref<16x320xi32, #tpu.memory_space<vmem>> -> memref<1x320xi32, #tpu.memory_space<vmem>>
    %dma_wait3A_11 = tpu.memref_squeeze %dma_wait3A_10 : memref<1x320xi32, #tpu.memory_space<vmem>> -> memref<320xi32, #tpu.memory_space<vmem>>
    %dma_wait3A_12 = arith.constant 0 : i32
    %dma_wait3A_13 = arith.constant 0 : i32
    %dma_wait3A_14 = tpu.memref_slice %arg2[%dma_wait3A_12, %dma_wait3A_13] : memref<10240x128xf32, #tpu.memory_space<hbm>> -> memref<10240x128xf32, #tpu.memory_space<hbm>>
    tpu.wait_indirect_dma semaphore(%arg7 : memref<!tpu.dma_semaphore, #tpu.memory_space<semaphore_mem>>) src(%dma_wait3A_14 : memref<10240x128xf32, #tpu.memory_space<hbm>>) dst(%arg6 : memref<320x128xf32, #tpu.memory_space<vmem>>)
    %dma_start3A_15 = arith.constant 1 : i32
    %dma_start3A_16 = arith.constant 0 : i32
    %dma_start3A_17 = tpu.memref_slice %arg5[%dma_start3A_15, %dma_start3A_16] : memref<16x320xi32, #tpu.memory_space<vmem>> -> memref<1x320xi32, #tpu.memory_space<vmem>>
    %dma_start3A_18 = tpu.memref_squeeze %dma_start3A_17 : memref<1x320xi32, #tpu.memory_space<vmem>> -> memref<320xi32, #tpu.memory_space<vmem>>
    %dma_start3A_19 = arith.constant 0 : i32
    %dma_start3A_20 = arith.constant 0 : i32
    %dma_start3A_21 = tpu.memref_slice %arg2[%dma_start3A_19, %dma_start3A_20] : memref<10240x128xf32, #tpu.memory_space<hbm>> -> memref<10240x128xf32, #tpu.memory_space<hbm>>
    tpu.enqueue_indirect_dma source(%dma_start3A_21 : memref<10240x128xf32, #tpu.memory_space<hbm>>) target(%arg6 : memref<320x128xf32, #tpu.memory_space<vmem>>) offsets(%dma_start3A_18 : memref<320xi32, #tpu.memory_space<vmem>>) semaphore(%arg7 : memref<!tpu.dma_semaphore, #tpu.memory_space<semaphore_mem>>) {add = true}
    %dma_start3A_22 = arith.constant 2 : i32
    %dma_start3A_23 = arith.constant 0 : i32
    %dma_start3A_24 = tpu.memref_slice %arg5[%dma_start3A_22, %dma_start3A_23] : memref<16x320xi32, #tpu.memory_space<vmem>> -> memref<1x320xi32, #tpu.memory_space<vmem>>
    %dma_start3A_25 = tpu.memref_squeeze %dma_start3A_24 : memref<1x320xi32, #tpu.memory_space<vmem>> -> memref<320xi32, #tpu.memory_space<vmem>>
    %dma_start3A_26 = arith.constant 0 : i32
    %dma_start3A_27 = arith.constant 0 : i32
    %dma_start3A_28 = tpu.memref_slice %arg2[%dma_start3A_26, %dma_start3A_27] : memref<10240x128xf32, #tpu.memory_space<hbm>> -> memref<10240x128xf32, #tpu.memory_space<hbm>>
    tpu.enqueue_indirect_dma source(%dma_start3A_28 : memref<10240x128xf32, #tpu.memory_space<hbm>>) target(%arg6 : memref<320x128xf32, #tpu.memory_space<vmem>>) offsets(%dma_start3A_25 : memref<320xi32, #tpu.memory_space<vmem>>) semaphore(%arg7 : memref<!tpu.dma_semaphore, #tpu.memory_space<semaphore_mem>>) {add = true}
    %dma_start3A_29 = arith.constant 3 : i32
    %dma_start3A_30 = arith.constant 0 : i32
    %dma_start3A_31 = tpu.memref_slice %arg5[%dma_start3A_29, %dma_start3A_30] : memref<16x320xi32, #tpu.memory_space<vmem>> -> memref<1x320xi32, #tpu.memory_space<vmem>>
    %dma_start3A_32 = tpu.memref_squeeze %dma_start3A_31 : memref<1x320xi32, #tpu.memory_space<vmem>> -> memref<320xi32, #tpu.memory_space<vmem>>
    %dma_start3A_33 = arith.constant 0 : i32
    %dma_start3A_34 = arith.constant 0 : i32
    %dma_start3A_35 = tpu.memref_slice %arg2[%dma_start3A_33, %dma_start3A_34] : memref<10240x128xf32, #tpu.memory_space<hbm>> -> memref<10240x128xf32, #tpu.memory_space<hbm>>
    tpu.enqueue_indirect_dma source(%dma_start3A_35 : memref<10240x128xf32, #tpu.memory_space<hbm>>) target(%arg6 : memref<320x128xf32, #tpu.memory_space<vmem>>) offsets(%dma_start3A_32 : memref<320xi32, #tpu.memory_space<vmem>>) semaphore(%arg7 : memref<!tpu.dma_semaphore, #tpu.memory_space<semaphore_mem>>) {add = true}
    %dma_start3A_36 = arith.constant 4 : i32
    %dma_start3A_37 = arith.constant 0 : i32
    %dma_start3A_38 = tpu.memref_slice %arg5[%dma_start3A_36, %dma_start3A_37] : memref<16x320xi32, #tpu.memory_space<vmem>> -> memref<1x320xi32, #tpu.memory_space<vmem>>
    %dma_start3A_39 = tpu.memref_squeeze %dma_start3A_38 : memref<1x320xi32, #tpu.memory_space<vmem>> -> memref<320xi32, #tpu.memory_space<vmem>>
    %dma_start3A_40 = arith.constant 0 : i32
    %dma_start3A_41 = arith.constant 0 : i32
    %dma_start3A_42 = tpu.memref_slice %arg2[%dma_start3A_40, %dma_start3A_41] : memref<10240x128xf32, #tpu.memory_space<hbm>> -> memref<10240x128xf32, #tpu.memory_space<hbm>>
    tpu.enqueue_indirect_dma source(%dma_start3A_42 : memref<10240x128xf32, #tpu.memory_space<hbm>>) target(%arg6 : memref<320x128xf32, #tpu.memory_space<vmem>>) offsets(%dma_start3A_39 : memref<320xi32, #tpu.memory_space<vmem>>) semaphore(%arg7 : memref<!tpu.dma_semaphore, #tpu.memory_space<semaphore_mem>>) {add = true}
    %dma_start3A_43 = arith.constant 5 : i32
    %dma_start3A_44 = arith.constant 0 : i32
    %dma_start3A_45 = tpu.memref_slice %arg5[%dma_start3A_43, %dma_start3A_44] : memref<16x320xi32, #tpu.memory_space<vmem>> -> memref<1x320xi32, #tpu.memory_space<vmem>>
    %dma_start3A_46 = tpu.memref_squeeze %dma_start3A_45 : memref<1x320xi32, #tpu.memory_space<vmem>> -> memref<320xi32, #tpu.memory_space<vmem>>
    %dma_start3A_47 = arith.constant 0 : i32
    %dma_start3A_48 = arith.constant 0 : i32
    %dma_start3A_49 = tpu.memref_slice %arg2[%dma_start3A_47, %dma_start3A_48] : memref<10240x128xf32, #tpu.memory_space<hbm>> -> memref<10240x128xf32, #tpu.memory_space<hbm>>
    tpu.enqueue_indirect_dma source(%dma_start3A_49 : memref<10240x128xf32, #tpu.memory_space<hbm>>) target(%arg6 : memref<320x128xf32, #tpu.memory_space<vmem>>) offsets(%dma_start3A_46 : memref<320xi32, #tpu.memory_space<vmem>>) semaphore(%arg7 : memref<!tpu.dma_semaphore, #tpu.memory_space<semaphore_mem>>) {add = true}
    %dma_start3A_50 = arith.constant 6 : i32
    %dma_start3A_51 = arith.constant 0 : i32
    %dma_start3A_52 = tpu.memref_slice %arg5[%dma_start3A_50, %dma_start3A_51] : memref<16x320xi32, #tpu.memory_space<vmem>> -> memref<1x320xi32, #tpu.memory_space<vmem>>
    %dma_start3A_53 = tpu.memref_squeeze %dma_start3A_52 : memref<1x320xi32, #tpu.memory_space<vmem>> -> memref<320xi32, #tpu.memory_space<vmem>>
    %dma_start3A_54 = arith.constant 0 : i32
    %dma_start3A_55 = arith.constant 0 : i32
    %dma_start3A_56 = tpu.memref_slice %arg2[%dma_start3A_54, %dma_start3A_55] : memref<10240x128xf32, #tpu.memory_space<hbm>> -> memref<10240x128xf32, #tpu.memory_space<hbm>>
    tpu.enqueue_indirect_dma source(%dma_start3A_56 : memref<10240x128xf32, #tpu.memory_space<hbm>>) target(%arg6 : memref<320x128xf32, #tpu.memory_space<vmem>>) offsets(%dma_start3A_53 : memref<320xi32, #tpu.memory_space<vmem>>) semaphore(%arg7 : memref<!tpu.dma_semaphore, #tpu.memory_space<semaphore_mem>>) {add = true}
    %dma_start3A_57 = arith.constant 7 : i32
    %dma_start3A_58 = arith.constant 0 : i32
    %dma_start3A_59 = tpu.memref_slice %arg5[%dma_start3A_57, %dma_start3A_58] : memref<16x320xi32, #tpu.memory_space<vmem>> -> memref<1x320xi32, #tpu.memory_space<vmem>>
    %dma_start3A_60 = tpu.memref_squeeze %dma_start3A_59 : memref<1x320xi32, #tpu.memory_space<vmem>> -> memref<320xi32, #tpu.memory_space<vmem>>
    %dma_start3A_61 = arith.constant 0 : i32
    %dma_start3A_62 = arith.constant 0 : i32
    %dma_start3A_63 = tpu.memref_slice %arg2[%dma_start3A_61, %dma_start3A_62] : memref<10240x128xf32, #tpu.memory_space<hbm>> -> memref<10240x128xf32, #tpu.memory_space<hbm>>
    tpu.enqueue_indirect_dma source(%dma_start3A_63 : memref<10240x128xf32, #tpu.memory_space<hbm>>) target(%arg6 : memref<320x128xf32, #tpu.memory_space<vmem>>) offsets(%dma_start3A_60 : memref<320xi32, #tpu.memory_space<vmem>>) semaphore(%arg7 : memref<!tpu.dma_semaphore, #tpu.memory_space<semaphore_mem>>) {add = true}
    %dma_start3A_64 = arith.constant 8 : i32
    %dma_start3A_65 = arith.constant 0 : i32
    %dma_start3A_66 = tpu.memref_slice %arg5[%dma_start3A_64, %dma_start3A_65] : memref<16x320xi32, #tpu.memory_space<vmem>> -> memref<1x320xi32, #tpu.memory_space<vmem>>
    %dma_start3A_67 = tpu.memref_squeeze %dma_start3A_66 : memref<1x320xi32, #tpu.memory_space<vmem>> -> memref<320xi32, #tpu.memory_space<vmem>>
    %dma_start3A_68 = arith.constant 0 : i32
    %dma_start3A_69 = arith.constant 0 : i32
    %dma_start3A_70 = tpu.memref_slice %arg2[%dma_start3A_68, %dma_start3A_69] : memref<10240x128xf32, #tpu.memory_space<hbm>> -> memref<10240x128xf32, #tpu.memory_space<hbm>>
    tpu.enqueue_indirect_dma source(%dma_start3A_70 : memref<10240x128xf32, #tpu.memory_space<hbm>>) target(%arg6 : memref<320x128xf32, #tpu.memory_space<vmem>>) offsets(%dma_start3A_67 : memref<320xi32, #tpu.memory_space<vmem>>) semaphore(%arg7 : memref<!tpu.dma_semaphore, #tpu.memory_space<semaphore_mem>>) {add = true}
    %dma_start3A_71 = arith.constant 9 : i32
    %dma_start3A_72 = arith.constant 0 : i32
    %dma_start3A_73 = tpu.memref_slice %arg5[%dma_start3A_71, %dma_start3A_72] : memref<16x320xi32, #tpu.memory_space<vmem>> -> memref<1x320xi32, #tpu.memory_space<vmem>>
    %dma_start3A_74 = tpu.memref_squeeze %dma_start3A_73 : memref<1x320xi32, #tpu.memory_space<vmem>> -> memref<320xi32, #tpu.memory_space<vmem>>
    %dma_start3A_75 = arith.constant 0 : i32
    %dma_start3A_76 = arith.constant 0 : i32
    %dma_start3A_77 = tpu.memref_slice %arg2[%dma_start3A_75, %dma_start3A_76] : memref<10240x128xf32, #tpu.memory_space<hbm>> -> memref<10240x128xf32, #tpu.memory_space<hbm>>
    tpu.enqueue_indirect_dma source(%dma_start3A_77 : memref<10240x128xf32, #tpu.memory_space<hbm>>) target(%arg6 : memref<320x128xf32, #tpu.memory_space<vmem>>) offsets(%dma_start3A_74 : memref<320xi32, #tpu.memory_space<vmem>>) semaphore(%arg7 : memref<!tpu.dma_semaphore, #tpu.memory_space<semaphore_mem>>) {add = true}
    %dma_start3A_78 = arith.constant 10 : i32
    %dma_start3A_79 = arith.constant 0 : i32
    %dma_start3A_80 = tpu.memref_slice %arg5[%dma_start3A_78, %dma_start3A_79] : memref<16x320xi32, #tpu.memory_space<vmem>> -> memref<1x320xi32, #tpu.memory_space<vmem>>
    %dma_start3A_81 = tpu.memref_squeeze %dma_start3A_80 : memref<1x320xi32, #tpu.memory_space<vmem>> -> memref<320xi32, #tpu.memory_space<vmem>>
    %dma_start3A_82 = arith.constant 0 : i32
    %dma_start3A_83 = arith.constant 0 : i32
    %dma_start3A_84 = tpu.memref_slice %arg2[%dma_start3A_82, %dma_start3A_83] : memref<10240x128xf32, #tpu.memory_space<hbm>> -> memref<10240x128xf32, #tpu.memory_space<hbm>>
    tpu.enqueue_indirect_dma source(%dma_start3A_84 : memref<10240x128xf32, #tpu.memory_space<hbm>>) target(%arg6 : memref<320x128xf32, #tpu.memory_space<vmem>>) offsets(%dma_start3A_81 : memref<320xi32, #tpu.memory_space<vmem>>) semaphore(%arg7 : memref<!tpu.dma_semaphore, #tpu.memory_space<semaphore_mem>>) {add = true}
    %dma_start3A_85 = arith.constant 11 : i32
    %dma_start3A_86 = arith.constant 0 : i32
    %dma_start3A_87 = tpu.memref_slice %arg5[%dma_start3A_85, %dma_start3A_86] : memref<16x320xi32, #tpu.memory_space<vmem>> -> memref<1x320xi32, #tpu.memory_space<vmem>>
    %dma_start3A_88 = tpu.memref_squeeze %dma_start3A_87 : memref<1x320xi32, #tpu.memory_space<vmem>> -> memref<320xi32, #tpu.memory_space<vmem>>
    %dma_start3A_89 = arith.constant 0 : i32
    %dma_start3A_90 = arith.constant 0 : i32
    %dma_start3A_91 = tpu.memref_slice %arg2[%dma_start3A_89, %dma_start3A_90] : memref<10240x128xf32, #tpu.memory_space<hbm>> -> memref<10240x128xf32, #tpu.memory_space<hbm>>
    tpu.enqueue_indirect_dma source(%dma_start3A_91 : memref<10240x128xf32, #tpu.memory_space<hbm>>) target(%arg6 : memref<320x128xf32, #tpu.memory_space<vmem>>) offsets(%dma_start3A_88 : memref<320xi32, #tpu.memory_space<vmem>>) semaphore(%arg7 : memref<!tpu.dma_semaphore, #tpu.memory_space<semaphore_mem>>) {add = true}
    %dma_start3A_92 = arith.constant 12 : i32
    %dma_start3A_93 = arith.constant 0 : i32
    %dma_start3A_94 = tpu.memref_slice %arg5[%dma_start3A_92, %dma_start3A_93] : memref<16x320xi32, #tpu.memory_space<vmem>> -> memref<1x320xi32, #tpu.memory_space<vmem>>
    %dma_start3A_95 = tpu.memref_squeeze %dma_start3A_94 : memref<1x320xi32, #tpu.memory_space<vmem>> -> memref<320xi32, #tpu.memory_space<vmem>>
    %dma_start3A_96 = arith.constant 0 : i32
    %dma_start3A_97 = arith.constant 0 : i32
    %dma_start3A_98 = tpu.memref_slice %arg2[%dma_start3A_96, %dma_start3A_97] : memref<10240x128xf32, #tpu.memory_space<hbm>> -> memref<10240x128xf32, #tpu.memory_space<hbm>>
    tpu.enqueue_indirect_dma source(%dma_start3A_98 : memref<10240x128xf32, #tpu.memory_space<hbm>>) target(%arg6 : memref<320x128xf32, #tpu.memory_space<vmem>>) offsets(%dma_start3A_95 : memref<320xi32, #tpu.memory_space<vmem>>) semaphore(%arg7 : memref<!tpu.dma_semaphore, #tpu.memory_space<semaphore_mem>>) {add = true}
    %dma_start3A_99 = arith.constant 13 : i32
    %dma_start3A_100 = arith.constant 0 : i32
    %dma_start3A_101 = tpu.memref_slice %arg5[%dma_start3A_99, %dma_start3A_100] : memref<16x320xi32, #tpu.memory_space<vmem>> -> memref<1x320xi32, #tpu.memory_space<vmem>>
    %dma_start3A_102 = tpu.memref_squeeze %dma_start3A_101 : memref<1x320xi32, #tpu.memory_space<vmem>> -> memref<320xi32, #tpu.memory_space<vmem>>
    %dma_start3A_103 = arith.constant 0 : i32
    %dma_start3A_104 = arith.constant 0 : i32
    %dma_start3A_105 = tpu.memref_slice %arg2[%dma_start3A_103, %dma_start3A_104] : memref<10240x128xf32, #tpu.memory_space<hbm>> -> memref<10240x128xf32, #tpu.memory_space<hbm>>
    tpu.enqueue_indirect_dma source(%dma_start3A_105 : memref<10240x128xf32, #tpu.memory_space<hbm>>) target(%arg6 : memref<320x128xf32, #tpu.memory_space<vmem>>) offsets(%dma_start3A_102 : memref<320xi32, #tpu.memory_space<vmem>>) semaphore(%arg7 : memref<!tpu.dma_semaphore, #tpu.memory_space<semaphore_mem>>) {add = true}
    %dma_start3A_106 = arith.constant 14 : i32
    %dma_start3A_107 = arith.constant 0 : i32
    %dma_start3A_108 = tpu.memref_slice %arg5[%dma_start3A_106, %dma_start3A_107] : memref<16x320xi32, #tpu.memory_space<vmem>> -> memref<1x320xi32, #tpu.memory_space<vmem>>
    %dma_start3A_109 = tpu.memref_squeeze %dma_start3A_108 : memref<1x320xi32, #tpu.memory_space<vmem>> -> memref<320xi32, #tpu.memory_space<vmem>>
    %dma_start3A_110 = arith.constant 0 : i32
    %dma_start3A_111 = arith.constant 0 : i32
    %dma_start3A_112 = tpu.memref_slice %arg2[%dma_start3A_110, %dma_start3A_111] : memref<10240x128xf32, #tpu.memory_space<hbm>> -> memref<10240x128xf32, #tpu.memory_space<hbm>>
    tpu.enqueue_indirect_dma source(%dma_start3A_112 : memref<10240x128xf32, #tpu.memory_space<hbm>>) target(%arg6 : memref<320x128xf32, #tpu.memory_space<vmem>>) offsets(%dma_start3A_109 : memref<320xi32, #tpu.memory_space<vmem>>) semaphore(%arg7 : memref<!tpu.dma_semaphore, #tpu.memory_space<semaphore_mem>>) {add = true}
    %dma_start3A_113 = arith.constant 15 : i32
    %dma_start3A_114 = arith.constant 0 : i32
    %dma_start3A_115 = tpu.memref_slice %arg5[%dma_start3A_113, %dma_start3A_114] : memref<16x320xi32, #tpu.memory_space<vmem>> -> memref<1x320xi32, #tpu.memory_space<vmem>>
    %dma_start3A_116 = tpu.memref_squeeze %dma_start3A_115 : memref<1x320xi32, #tpu.memory_space<vmem>> -> memref<320xi32, #tpu.memory_space<vmem>>
    %dma_start3A_117 = arith.constant 0 : i32
    %dma_start3A_118 = arith.constant 0 : i32
    %dma_start3A_119 = tpu.memref_slice %arg2[%dma_start3A_117, %dma_start3A_118] : memref<10240x128xf32, #tpu.memory_space<hbm>> -> memref<10240x128xf32, #tpu.memory_space<hbm>>
    tpu.enqueue_indirect_dma source(%dma_start3A_119 : memref<10240x128xf32, #tpu.memory_space<hbm>>) target(%arg6 : memref<320x128xf32, #tpu.memory_space<vmem>>) offsets(%dma_start3A_116 : memref<320xi32, #tpu.memory_space<vmem>>) semaphore(%arg7 : memref<!tpu.dma_semaphore, #tpu.memory_space<semaphore_mem>>) {add = true}
    %dma_wait3A_120 = arith.constant 1 : i32
    %dma_wait3A_121 = arith.constant 0 : i32
    %dma_wait3A_122 = tpu.memref_slice %arg5[%dma_wait3A_120, %dma_wait3A_121] : memref<16x320xi32, #tpu.memory_space<vmem>> -> memref<1x320xi32, #tpu.memory_space<vmem>>
    %dma_wait3A_123 = tpu.memref_squeeze %dma_wait3A_122 : memref<1x320xi32, #tpu.memory_space<vmem>> -> memref<320xi32, #tpu.memory_space<vmem>>
    %dma_wait3A_124 = arith.constant 0 : i32
    %dma_wait3A_125 = arith.constant 0 : i32
    %dma_wait3A_126 = tpu.memref_slice %arg2[%dma_wait3A_124, %dma_wait3A_125] : memref<10240x128xf32, #tpu.memory_space<hbm>> -> memref<10240x128xf32, #tpu.memory_space<hbm>>
    tpu.wait_indirect_dma semaphore(%arg7 : memref<!tpu.dma_semaphore, #tpu.memory_space<semaphore_mem>>) src(%dma_wait3A_126 : memref<10240x128xf32, #tpu.memory_space<hbm>>) dst(%arg6 : memref<320x128xf32, #tpu.memory_space<vmem>>)
    %dma_wait3A_127 = arith.constant 2 : i32
    %dma_wait3A_128 = arith.constant 0 : i32
    %dma_wait3A_129 = tpu.memref_slice %arg5[%dma_wait3A_127, %dma_wait3A_128] : memref<16x320xi32, #tpu.memory_space<vmem>> -> memref<1x320xi32, #tpu.memory_space<vmem>>
    %dma_wait3A_130 = tpu.memref_squeeze %dma_wait3A_129 : memref<1x320xi32, #tpu.memory_space<vmem>> -> memref<320xi32, #tpu.memory_space<vmem>>
    %dma_wait3A_131 = arith.constant 0 : i32
    %dma_wait3A_132 = arith.constant 0 : i32
    %dma_wait3A_133 = tpu.memref_slice %arg2[%dma_wait3A_131, %dma_wait3A_132] : memref<10240x128xf32, #tpu.memory_space<hbm>> -> memref<10240x128xf32, #tpu.memory_space<hbm>>
    tpu.wait_indirect_dma semaphore(%arg7 : memref<!tpu.dma_semaphore, #tpu.memory_space<semaphore_mem>>) src(%dma_wait3A_133 : memref<10240x128xf32, #tpu.memory_space<hbm>>) dst(%arg6 : memref<320x128xf32, #tpu.memory_space<vmem>>)
    %dma_wait3A_134 = arith.constant 3 : i32
    %dma_wait3A_135 = arith.constant 0 : i32
    %dma_wait3A_136 = tpu.memref_slice %arg5[%dma_wait3A_134, %dma_wait3A_135] : memref<16x320xi32, #tpu.memory_space<vmem>> -> memref<1x320xi32, #tpu.memory_space<vmem>>
    %dma_wait3A_137 = tpu.memref_squeeze %dma_wait3A_136 : memref<1x320xi32, #tpu.memory_space<vmem>> -> memref<320xi32, #tpu.memory_space<vmem>>
    %dma_wait3A_138 = arith.constant 0 : i32
    %dma_wait3A_139 = arith.constant 0 : i32
    %dma_wait3A_140 = tpu.memref_slice %arg2[%dma_wait3A_138, %dma_wait3A_139] : memref<10240x128xf32, #tpu.memory_space<hbm>> -> memref<10240x128xf32, #tpu.memory_space<hbm>>
    tpu.wait_indirect_dma semaphore(%arg7 : memref<!tpu.dma_semaphore, #tpu.memory_space<semaphore_mem>>) src(%dma_wait3A_140 : memref<10240x128xf32, #tpu.memory_space<hbm>>) dst(%arg6 : memref<320x128xf32, #tpu.memory_space<vmem>>)
    %dma_wait3A_141 = arith.constant 4 : i32
    %dma_wait3A_142 = arith.constant 0 : i32
    %dma_wait3A_143 = tpu.memref_slice %arg5[%dma_wait3A_141, %dma_wait3A_142] : memref<16x320xi32, #tpu.memory_space<vmem>> -> memref<1x320xi32, #tpu.memory_space<vmem>>
    %dma_wait3A_144 = tpu.memref_squeeze %dma_wait3A_143 : memref<1x320xi32, #tpu.memory_space<vmem>> -> memref<320xi32, #tpu.memory_space<vmem>>
    %dma_wait3A_145 = arith.constant 0 : i32
    %dma_wait3A_146 = arith.constant 0 : i32
    %dma_wait3A_147 = tpu.memref_slice %arg2[%dma_wait3A_145, %dma_wait3A_146] : memref<10240x128xf32, #tpu.memory_space<hbm>> -> memref<10240x128xf32, #tpu.memory_space<hbm>>
    tpu.wait_indirect_dma semaphore(%arg7 : memref<!tpu.dma_semaphore, #tpu.memory_space<semaphore_mem>>) src(%dma_wait3A_147 : memref<10240x128xf32, #tpu.memory_space<hbm>>) dst(%arg6 : memref<320x128xf32, #tpu.memory_space<vmem>>)
    %dma_wait3A_148 = arith.constant 5 : i32
    %dma_wait3A_149 = arith.constant 0 : i32
    %dma_wait3A_150 = tpu.memref_slice %arg5[%dma_wait3A_148, %dma_wait3A_149] : memref<16x320xi32, #tpu.memory_space<vmem>> -> memref<1x320xi32, #tpu.memory_space<vmem>>
    %dma_wait3A_151 = tpu.memref_squeeze %dma_wait3A_150 : memref<1x320xi32, #tpu.memory_space<vmem>> -> memref<320xi32, #tpu.memory_space<vmem>>
    %dma_wait3A_152 = arith.constant 0 : i32
    %dma_wait3A_153 = arith.constant 0 : i32
    %dma_wait3A_154 = tpu.memref_slice %arg2[%dma_wait3A_152, %dma_wait3A_153] : memref<10240x128xf32, #tpu.memory_space<hbm>> -> memref<10240x128xf32, #tpu.memory_space<hbm>>
    tpu.wait_indirect_dma semaphore(%arg7 : memref<!tpu.dma_semaphore, #tpu.memory_space<semaphore_mem>>) src(%dma_wait3A_154 : memref<10240x128xf32, #tpu.memory_space<hbm>>) dst(%arg6 : memref<320x128xf32, #tpu.memory_space<vmem>>)
    %dma_wait3A_155 = arith.constant 6 : i32
    %dma_wait3A_156 = arith.constant 0 : i32
    %dma_wait3A_157 = tpu.memref_slice %arg5[%dma_wait3A_155, %dma_wait3A_156] : memref<16x320xi32, #tpu.memory_space<vmem>> -> memref<1x320xi32, #tpu.memory_space<vmem>>
    %dma_wait3A_158 = tpu.memref_squeeze %dma_wait3A_157 : memref<1x320xi32, #tpu.memory_space<vmem>> -> memref<320xi32, #tpu.memory_space<vmem>>
    %dma_wait3A_159 = arith.constant 0 : i32
    %dma_wait3A_160 = arith.constant 0 : i32
    %dma_wait3A_161 = tpu.memref_slice %arg2[%dma_wait3A_159, %dma_wait3A_160] : memref<10240x128xf32, #tpu.memory_space<hbm>> -> memref<10240x128xf32, #tpu.memory_space<hbm>>
    tpu.wait_indirect_dma semaphore(%arg7 : memref<!tpu.dma_semaphore, #tpu.memory_space<semaphore_mem>>) src(%dma_wait3A_161 : memref<10240x128xf32, #tpu.memory_space<hbm>>) dst(%arg6 : memref<320x128xf32, #tpu.memory_space<vmem>>)
    %dma_wait3A_162 = arith.constant 7 : i32
    %dma_wait3A_163 = arith.constant 0 : i32
    %dma_wait3A_164 = tpu.memref_slice %arg5[%dma_wait3A_162, %dma_wait3A_163] : memref<16x320xi32, #tpu.memory_space<vmem>> -> memref<1x320xi32, #tpu.memory_space<vmem>>
    %dma_wait3A_165 = tpu.memref_squeeze %dma_wait3A_164 : memref<1x320xi32, #tpu.memory_space<vmem>> -> memref<320xi32, #tpu.memory_space<vmem>>
    %dma_wait3A_166 = arith.constant 0 : i32
    %dma_wait3A_167 = arith.constant 0 : i32
    %dma_wait3A_168 = tpu.memref_slice %arg2[%dma_wait3A_166, %dma_wait3A_167] : memref<10240x128xf32, #tpu.memory_space<hbm>> -> memref<10240x128xf32, #tpu.memory_space<hbm>>
    tpu.wait_indirect_dma semaphore(%arg7 : memref<!tpu.dma_semaphore, #tpu.memory_space<semaphore_mem>>) src(%dma_wait3A_168 : memref<10240x128xf32, #tpu.memory_space<hbm>>) dst(%arg6 : memref<320x128xf32, #tpu.memory_space<vmem>>)
    %dma_wait3A_169 = arith.constant 8 : i32
    %dma_wait3A_170 = arith.constant 0 : i32
    %dma_wait3A_171 = tpu.memref_slice %arg5[%dma_wait3A_169, %dma_wait3A_170] : memref<16x320xi32, #tpu.memory_space<vmem>> -> memref<1x320xi32, #tpu.memory_space<vmem>>
    %dma_wait3A_172 = tpu.memref_squeeze %dma_wait3A_171 : memref<1x320xi32, #tpu.memory_space<vmem>> -> memref<320xi32, #tpu.memory_space<vmem>>
    %dma_wait3A_173 = arith.constant 0 : i32
    %dma_wait3A_174 = arith.constant 0 : i32
    %dma_wait3A_175 = tpu.memref_slice %arg2[%dma_wait3A_173, %dma_wait3A_174] : memref<10240x128xf32, #tpu.memory_space<hbm>> -> memref<10240x128xf32, #tpu.memory_space<hbm>>
    tpu.wait_indirect_dma semaphore(%arg7 : memref<!tpu.dma_semaphore, #tpu.memory_space<semaphore_mem>>) src(%dma_wait3A_175 : memref<10240x128xf32, #tpu.memory_space<hbm>>) dst(%arg6 : memref<320x128xf32, #tpu.memory_space<vmem>>)
    %dma_wait3A_176 = arith.constant 9 : i32
    %dma_wait3A_177 = arith.constant 0 : i32
    %dma_wait3A_178 = tpu.memref_slice %arg5[%dma_wait3A_176, %dma_wait3A_177] : memref<16x320xi32, #tpu.memory_space<vmem>> -> memref<1x320xi32, #tpu.memory_space<vmem>>
    %dma_wait3A_179 = tpu.memref_squeeze %dma_wait3A_178 : memref<1x320xi32, #tpu.memory_space<vmem>> -> memref<320xi32, #tpu.memory_space<vmem>>
    %dma_wait3A_180 = arith.constant 0 : i32
    %dma_wait3A_181 = arith.constant 0 : i32
    %dma_wait3A_182 = tpu.memref_slice %arg2[%dma_wait3A_180, %dma_wait3A_181] : memref<10240x128xf32, #tpu.memory_space<hbm>> -> memref<10240x128xf32, #tpu.memory_space<hbm>>
    tpu.wait_indirect_dma semaphore(%arg7 : memref<!tpu.dma_semaphore, #tpu.memory_space<semaphore_mem>>) src(%dma_wait3A_182 : memref<10240x128xf32, #tpu.memory_space<hbm>>) dst(%arg6 : memref<320x128xf32, #tpu.memory_space<vmem>>)
    %dma_wait3A_183 = arith.constant 10 : i32
    %dma_wait3A_184 = arith.constant 0 : i32
    %dma_wait3A_185 = tpu.memref_slice %arg5[%dma_wait3A_183, %dma_wait3A_184] : memref<16x320xi32, #tpu.memory_space<vmem>> -> memref<1x320xi32, #tpu.memory_space<vmem>>
    %dma_wait3A_186 = tpu.memref_squeeze %dma_wait3A_185 : memref<1x320xi32, #tpu.memory_space<vmem>> -> memref<320xi32, #tpu.memory_space<vmem>>
    %dma_wait3A_187 = arith.constant 0 : i32
    %dma_wait3A_188 = arith.constant 0 : i32
    %dma_wait3A_189 = tpu.memref_slice %arg2[%dma_wait3A_187, %dma_wait3A_188] : memref<10240x128xf32, #tpu.memory_space<hbm>> -> memref<10240x128xf32, #tpu.memory_space<hbm>>
    tpu.wait_indirect_dma semaphore(%arg7 : memref<!tpu.dma_semaphore, #tpu.memory_space<semaphore_mem>>) src(%dma_wait3A_189 : memref<10240x128xf32, #tpu.memory_space<hbm>>) dst(%arg6 : memref<320x128xf32, #tpu.memory_space<vmem>>)
    %dma_wait3A_190 = arith.constant 11 : i32
    %dma_wait3A_191 = arith.constant 0 : i32
    %dma_wait3A_192 = tpu.memref_slice %arg5[%dma_wait3A_190, %dma_wait3A_191] : memref<16x320xi32, #tpu.memory_space<vmem>> -> memref<1x320xi32, #tpu.memory_space<vmem>>
    %dma_wait3A_193 = tpu.memref_squeeze %dma_wait3A_192 : memref<1x320xi32, #tpu.memory_space<vmem>> -> memref<320xi32, #tpu.memory_space<vmem>>
    %dma_wait3A_194 = arith.constant 0 : i32
    %dma_wait3A_195 = arith.constant 0 : i32
    %dma_wait3A_196 = tpu.memref_slice %arg2[%dma_wait3A_194, %dma_wait3A_195] : memref<10240x128xf32, #tpu.memory_space<hbm>> -> memref<10240x128xf32, #tpu.memory_space<hbm>>
    tpu.wait_indirect_dma semaphore(%arg7 : memref<!tpu.dma_semaphore, #tpu.memory_space<semaphore_mem>>) src(%dma_wait3A_196 : memref<10240x128xf32, #tpu.memory_space<hbm>>) dst(%arg6 : memref<320x128xf32, #tpu.memory_space<vmem>>)
    %dma_wait3A_197 = arith.constant 12 : i32
    %dma_wait3A_198 = arith.constant 0 : i32
    %dma_wait3A_199 = tpu.memref_slice %arg5[%dma_wait3A_197, %dma_wait3A_198] : memref<16x320xi32, #tpu.memory_space<vmem>> -> memref<1x320xi32, #tpu.memory_space<vmem>>
    %dma_wait3A_200 = tpu.memref_squeeze %dma_wait3A_199 : memref<1x320xi32, #tpu.memory_space<vmem>> -> memref<320xi32, #tpu.memory_space<vmem>>
    %dma_wait3A_201 = arith.constant 0 : i32
    %dma_wait3A_202 = arith.constant 0 : i32
    %dma_wait3A_203 = tpu.memref_slice %arg2[%dma_wait3A_201, %dma_wait3A_202] : memref<10240x128xf32, #tpu.memory_space<hbm>> -> memref<10240x128xf32, #tpu.memory_space<hbm>>
    tpu.wait_indirect_dma semaphore(%arg7 : memref<!tpu.dma_semaphore, #tpu.memory_space<semaphore_mem>>) src(%dma_wait3A_203 : memref<10240x128xf32, #tpu.memory_space<hbm>>) dst(%arg6 : memref<320x128xf32, #tpu.memory_space<vmem>>)
    %dma_wait3A_204 = arith.constant 13 : i32
    %dma_wait3A_205 = arith.constant 0 : i32
    %dma_wait3A_206 = tpu.memref_slice %arg5[%dma_wait3A_204, %dma_wait3A_205] : memref<16x320xi32, #tpu.memory_space<vmem>> -> memref<1x320xi32, #tpu.memory_space<vmem>>
    %dma_wait3A_207 = tpu.memref_squeeze %dma_wait3A_206 : memref<1x320xi32, #tpu.memory_space<vmem>> -> memref<320xi32, #tpu.memory_space<vmem>>
    %dma_wait3A_208 = arith.constant 0 : i32
    %dma_wait3A_209 = arith.constant 0 : i32
    %dma_wait3A_210 = tpu.memref_slice %arg2[%dma_wait3A_208, %dma_wait3A_209] : memref<10240x128xf32, #tpu.memory_space<hbm>> -> memref<10240x128xf32, #tpu.memory_space<hbm>>
    tpu.wait_indirect_dma semaphore(%arg7 : memref<!tpu.dma_semaphore, #tpu.memory_space<semaphore_mem>>) src(%dma_wait3A_210 : memref<10240x128xf32, #tpu.memory_space<hbm>>) dst(%arg6 : memref<320x128xf32, #tpu.memory_space<vmem>>)
    %dma_wait3A_211 = arith.constant 14 : i32
    %dma_wait3A_212 = arith.constant 0 : i32
    %dma_wait3A_213 = tpu.memref_slice %arg5[%dma_wait3A_211, %dma_wait3A_212] : memref<16x320xi32, #tpu.memory_space<vmem>> -> memref<1x320xi32, #tpu.memory_space<vmem>>
    %dma_wait3A_214 = tpu.memref_squeeze %dma_wait3A_213 : memref<1x320xi32, #tpu.memory_space<vmem>> -> memref<320xi32, #tpu.memory_space<vmem>>
    %dma_wait3A_215 = arith.constant 0 : i32
    %dma_wait3A_216 = arith.constant 0 : i32
    %dma_wait3A_217 = tpu.memref_slice %arg2[%dma_wait3A_215, %dma_wait3A_216] : memref<10240x128xf32, #tpu.memory_space<hbm>> -> memref<10240x128xf32, #tpu.memory_space<hbm>>
    tpu.wait_indirect_dma semaphore(%arg7 : memref<!tpu.dma_semaphore, #tpu.memory_space<semaphore_mem>>) src(%dma_wait3A_217 : memref<10240x128xf32, #tpu.memory_space<hbm>>) dst(%arg6 : memref<320x128xf32, #tpu.memory_space<vmem>>)
    %dma_wait3A_218 = arith.constant 15 : i32
    %dma_wait3A_219 = arith.constant 0 : i32
    %dma_wait3A_220 = tpu.memref_slice %arg5[%dma_wait3A_218, %dma_wait3A_219] : memref<16x320xi32, #tpu.memory_space<vmem>> -> memref<1x320xi32, #tpu.memory_space<vmem>>
    %dma_wait3A_221 = tpu.memref_squeeze %dma_wait3A_220 : memref<1x320xi32, #tpu.memory_space<vmem>> -> memref<320xi32, #tpu.memory_space<vmem>>
    %dma_wait3A_222 = arith.constant 0 : i32
    %dma_wait3A_223 = arith.constant 0 : i32
    %dma_wait3A_224 = tpu.memref_slice %arg2[%dma_wait3A_222, %dma_wait3A_223] : memref<10240x128xf32, #tpu.memory_space<hbm>> -> memref<10240x128xf32, #tpu.memory_space<hbm>>
    tpu.wait_indirect_dma semaphore(%arg7 : memref<!tpu.dma_semaphore, #tpu.memory_space<semaphore_mem>>) src(%dma_wait3A_224 : memref<10240x128xf32, #tpu.memory_space<hbm>>) dst(%arg6 : memref<320x128xf32, #tpu.memory_space<vmem>>)
    "tpu.region"() ({
      %run_scoped3A = tpu.sem_alloc : memref<!tpu.dma_semaphore, #tpu.memory_space<semaphore_mem>>
      %dma_start3A_225 = arith.constant 0 : i32
      %dma_start3A_226 = tpu.memref_slice %arg4[%mul3A_2, %dma_start3A_225] : memref<10240x128xf32, #tpu.memory_space<hbm>> -> memref<320x128xf32, #tpu.memory_space<hbm>>
      %dma_start3A_227 = arith.constant 0 : i32
      %dma_start3A_228 = tpu.memref_slice %arg4[%mul3A_2, %dma_start3A_227] : memref<10240x128xf32, #tpu.memory_space<hbm>> -> memref<320x128xf32, #tpu.memory_space<hbm>>
      tpu.enqueue_dma source(%arg6 : memref<320x128xf32, #tpu.memory_space<vmem>>) target(%dma_start3A_228 : memref<320x128xf32, #tpu.memory_space<hbm>>) target_semaphore(%run_scoped3A : memref<!tpu.dma_semaphore, #tpu.memory_space<semaphore_mem>>)
      %dma_wait3A_229 = arith.constant 0 : i32
      %dma_wait3A_230 = tpu.memref_slice %arg4[%mul3A_2, %dma_wait3A_229] : memref<10240x128xf32, #tpu.memory_space<hbm>> -> memref<320x128xf32, #tpu.memory_space<hbm>>
      %dma_wait3A_231 = arith.constant 0 : i32
      %dma_wait3A_232 = tpu.memref_slice %arg4[%mul3A_2, %dma_wait3A_231] : memref<10240x128xf32, #tpu.memory_space<hbm>> -> memref<320x128xf32, #tpu.memory_space<hbm>>
      tpu.wait_dma2 semaphore(%run_scoped3A : memref<!tpu.dma_semaphore, #tpu.memory_space<semaphore_mem>>) src(%arg6 : memref<320x128xf32, #tpu.memory_space<vmem>>) dst(%dma_wait3A_232 : memref<320x128xf32, #tpu.memory_space<hbm>>)
      tpu.yield
    }) : () -> ()
    return
  }
}

#map = affine_map<(d0, d1) -> (0, 0)>
#map1 = affine_map<(d0, d1) -> (0, 0, 0)>
module attributes {stable_mosaic.version = 14 : i64} {
  func.func @k(%arg0: i32, %arg1: i32, %arg2: memref<10240x128xf32, #tpu.memory_space<hbm>>, %arg3: memref<32x16x320xi32, #tpu.memory_space<hbm>>, %arg4: memref<10240x128xf32, #tpu.memory_space<hbm>>, %arg5: memref<16x320xi32, #tpu.memory_space<vmem>>, %arg6: memref<320x128xf32, #tpu.memory_space<vmem>>, %arg7: memref<!tpu.dma_semaphore, #tpu.memory_space<semaphore_mem>>) attributes {dimension_semantics = [#tpu.dimension_semantics<core_parallel>, #tpu.dimension_semantics<subcore_parallel>], iteration_bounds = array<i64: 2, 16>, scalar_prefetch = 0 : i64, scratch_operands = 3 : i64, tpu.core_type = #tpu.core_type<sc_vector_subcore>, window_params = [{transform_indices = #map}, {transform_indices = #map1}, {transform_indices = #map}]} {
    %mul3A = arith.constant 2 : i32
    %mul3A_0 = arith.muli %arg1, %mul3A : i32
    %add3A = arith.addi %mul3A_0, %arg0 : i32
    %mul3A_1 = arith.constant 320 : i32
    %mul3A_2 = arith.muli %add3A, %mul3A_1 : i32
    "tpu.region"() ({
      %run_scoped3A = tpu.sem_alloc : memref<!tpu.dma_semaphore, #tpu.memory_space<semaphore_mem>>
      %dma_start3A_225 = arith.constant 0 : i32
      %dma_start3A_226 = arith.constant 0 : i32
      %dma_start3A_227 = tpu.memref_slice %arg3[%add3A, %dma_start3A_225, %dma_start3A_226] : memref<32x16x320xi32, #tpu.memory_space<hbm>> -> memref<1x16x320xi32, #tpu.memory_space<hbm>>
      %dma_start3A_228 = tpu.memref_squeeze %dma_start3A_227 : memref<1x16x320xi32, #tpu.memory_space<hbm>> -> memref<16x320xi32, #tpu.memory_space<hbm>>
      %dma_start3A_229 = arith.constant 0 : i32
      %dma_start3A_230 = arith.constant 0 : i32
      %dma_start3A_231 = tpu.memref_slice %arg3[%add3A, %dma_start3A_229, %dma_start3A_230] : memref<32x16x320xi32, #tpu.memory_space<hbm>> -> memref<1x16x320xi32, #tpu.memory_space<hbm>>
      %dma_start3A_232 = tpu.memref_squeeze %dma_start3A_231 : memref<1x16x320xi32, #tpu.memory_space<hbm>> -> memref<16x320xi32, #tpu.memory_space<hbm>>
      tpu.enqueue_dma source(%dma_start3A_232 : memref<16x320xi32, #tpu.memory_space<hbm>>) target(%arg5 : memref<16x320xi32, #tpu.memory_space<vmem>>) target_semaphore(%run_scoped3A : memref<!tpu.dma_semaphore, #tpu.memory_space<semaphore_mem>>)
      %dma_wait3A_233 = arith.constant 0 : i32
      %dma_wait3A_234 = arith.constant 0 : i32
      %dma_wait3A_235 = tpu.memref_slice %arg3[%add3A, %dma_wait3A_233, %dma_wait3A_234] : memref<32x16x320xi32, #tpu.memory_space<hbm>> -> memref<1x16x320xi32, #tpu.memory_space<hbm>>
      %dma_wait3A_236 = tpu.memref_squeeze %dma_wait3A_235 : memref<1x16x320xi32, #tpu.memory_space<hbm>> -> memref<16x320xi32, #tpu.memory_space<hbm>>
      %dma_wait3A_237 = arith.constant 0 : i32
      %dma_wait3A_238 = arith.constant 0 : i32
      %dma_wait3A_239 = tpu.memref_slice %arg3[%add3A, %dma_wait3A_237, %dma_wait3A_238] : memref<32x16x320xi32, #tpu.memory_space<hbm>> -> memref<1x16x320xi32, #tpu.memory_space<hbm>>
      %dma_wait3A_240 = tpu.memref_squeeze %dma_wait3A_239 : memref<1x16x320xi32, #tpu.memory_space<hbm>> -> memref<16x320xi32, #tpu.memory_space<hbm>>
      tpu.wait_dma2 semaphore(%run_scoped3A : memref<!tpu.dma_semaphore, #tpu.memory_space<semaphore_mem>>) src(%dma_wait3A_240 : memref<16x320xi32, #tpu.memory_space<hbm>>) dst(%arg5 : memref<16x320xi32, #tpu.memory_space<vmem>>)
      tpu.yield
    }) : () -> ()
    %dma_start3A = arith.constant 0 : i32
    %dma_start3A_3 = arith.constant 0 : i32
    %dma_start3A_4 = tpu.memref_slice %arg5[%dma_start3A, %dma_start3A_3] : memref<16x320xi32, #tpu.memory_space<vmem>> -> memref<1x320xi32, #tpu.memory_space<vmem>>
    %dma_start3A_5 = tpu.memref_squeeze %dma_start3A_4 : memref<1x320xi32, #tpu.memory_space<vmem>> -> memref<320xi32, #tpu.memory_space<vmem>>
    %dma_start3A_6 = arith.constant 0 : i32
    %dma_start3A_7 = arith.constant 0 : i32
    %dma_start3A_8 = tpu.memref_slice %arg2[%dma_start3A_6, %dma_start3A_7] : memref<10240x128xf32, #tpu.memory_space<hbm>> -> memref<10240x128xf32, #tpu.memory_space<hbm>>
    tpu.enqueue_indirect_dma source(%dma_start3A_8 : memref<10240x128xf32, #tpu.memory_space<hbm>>) target(%arg6 : memref<320x128xf32, #tpu.memory_space<vmem>>) offsets(%dma_start3A_5 : memref<320xi32, #tpu.memory_space<vmem>>) semaphore(%arg7 : memref<!tpu.dma_semaphore, #tpu.memory_space<semaphore_mem>>)
    %dma_wait3A = arith.constant 0 : i32
    %dma_wait3A_9 = arith.constant 0 : i32
    %dma_wait3A_10 = tpu.memref_slice %arg5[%dma_wait3A, %dma_wait3A_9] : memref<16x320xi32, #tpu.memory_space<vmem>> -> memref<1x320xi32, #tpu.memory_space<vmem>>
    %dma_wait3A_11 = tpu.memref_squeeze %dma_wait3A_10 : memref<1x320xi32, #tpu.memory_space<vmem>> -> memref<320xi32, #tpu.memory_space<vmem>>
    %dma_wait3A_12 = arith.constant 0 : i32
    %dma_wait3A_13 = arith.constant 0 : i32
    %dma_wait3A_14 = tpu.memref_slice %arg2[%dma_wait3A_12, %dma_wait3A_13] : memref<10240x128xf32, #tpu.memory_space<hbm>> -> memref<10240x128xf32, #tpu.memory_space<hbm>>
    tpu.wait_indirect_dma semaphore(%arg7 : memref<!tpu.dma_semaphore, #tpu.memory_space<semaphore_mem>>) src(%dma_wait3A_14 : memref<10240x128xf32, #tpu.memory_space<hbm>>) dst(%arg6 : memref<320x128xf32, #tpu.memory_space<vmem>>)
    %dma_start3A_15 = arith.constant 1 : i32
    %dma_start3A_16 = arith.constant 0 : i32
    %dma_start3A_17 = tpu.memref_slice %arg5[%dma_start3A_15, %dma_start3A_16] : memref<16x320xi32, #tpu.memory_space<vmem>> -> memref<1x320xi32, #tpu.memory_space<vmem>>
    %dma_start3A_18 = tpu.memref_squeeze %dma_start3A_17 : memref<1x320xi32, #tpu.memory_space<vmem>> -> memref<320xi32, #tpu.memory_space<vmem>>
    %dma_start3A_19 = arith.constant 0 : i32
    %dma_start3A_20 = arith.constant 0 : i32
    %dma_start3A_21 = tpu.memref_slice %arg2[%dma_start3A_19, %dma_start3A_20] : memref<10240x128xf32, #tpu.memory_space<hbm>> -> memref<10240x128xf32, #tpu.memory_space<hbm>>
    tpu.enqueue_indirect_dma source(%dma_start3A_21 : memref<10240x128xf32, #tpu.memory_space<hbm>>) target(%arg6 : memref<320x128xf32, #tpu.memory_space<vmem>>) offsets(%dma_start3A_18 : memref<320xi32, #tpu.memory_space<vmem>>) semaphore(%arg7 : memref<!tpu.dma_semaphore, #tpu.memory_space<semaphore_mem>>) {add = true}
    %dma_start3A_22 = arith.constant 2 : i32
    %dma_start3A_23 = arith.constant 0 : i32
    %dma_start3A_24 = tpu.memref_slice %arg5[%dma_start3A_22, %dma_start3A_23] : memref<16x320xi32, #tpu.memory_space<vmem>> -> memref<1x320xi32, #tpu.memory_space<vmem>>
    %dma_start3A_25 = tpu.memref_squeeze %dma_start3A_24 : memref<1x320xi32, #tpu.memory_space<vmem>> -> memref<320xi32, #tpu.memory_space<vmem>>
    %dma_start3A_26 = arith.constant 0 : i32
    %dma_start3A_27 = arith.constant 0 : i32
    %dma_start3A_28 = tpu.memref_slice %arg2[%dma_start3A_26, %dma_start3A_27] : memref<10240x128xf32, #tpu.memory_space<hbm>> -> memref<10240x128xf32, #tpu.memory_space<hbm>>
    tpu.enqueue_indirect_dma source(%dma_start3A_28 : memref<10240x128xf32, #tpu.memory_space<hbm>>) target(%arg6 : memref<320x128xf32, #tpu.memory_space<vmem>>) offsets(%dma_start3A_25 : memref<320xi32, #tpu.memory_space<vmem>>) semaphore(%arg7 : memref<!tpu.dma_semaphore, #tpu.memory_space<semaphore_mem>>) {add = true}
    %dma_start3A_29 = arith.constant 3 : i32
    %dma_start3A_30 = arith.constant 0 : i32
    %dma_start3A_31 = tpu.memref_slice %arg5[%dma_start3A_29, %dma_start3A_30] : memref<16x320xi32, #tpu.memory_space<vmem>> -> memref<1x320xi32, #tpu.memory_space<vmem>>
    %dma_start3A_32 = tpu.memref_squeeze %dma_start3A_31 : memref<1x320xi32, #tpu.memory_space<vmem>> -> memref<320xi32, #tpu.memory_space<vmem>>
    %dma_start3A_33 = arith.constant 0 : i32
    %dma_start3A_34 = arith.constant 0 : i32
    %dma_start3A_35 = tpu.memref_slice %arg2[%dma_start3A_33, %dma_start3A_34] : memref<10240x128xf32, #tpu.memory_space<hbm>> -> memref<10240x128xf32, #tpu.memory_space<hbm>>
    tpu.enqueue_indirect_dma source(%dma_start3A_35 : memref<10240x128xf32, #tpu.memory_space<hbm>>) target(%arg6 : memref<320x128xf32, #tpu.memory_space<vmem>>) offsets(%dma_start3A_32 : memref<320xi32, #tpu.memory_space<vmem>>) semaphore(%arg7 : memref<!tpu.dma_semaphore, #tpu.memory_space<semaphore_mem>>) {add = true}
    %dma_start3A_36 = arith.constant 4 : i32
    %dma_start3A_37 = arith.constant 0 : i32
    %dma_start3A_38 = tpu.memref_slice %arg5[%dma_start3A_36, %dma_start3A_37] : memref<16x320xi32, #tpu.memory_space<vmem>> -> memref<1x320xi32, #tpu.memory_space<vmem>>
    %dma_start3A_39 = tpu.memref_squeeze %dma_start3A_38 : memref<1x320xi32, #tpu.memory_space<vmem>> -> memref<320xi32, #tpu.memory_space<vmem>>
    %dma_start3A_40 = arith.constant 0 : i32
    %dma_start3A_41 = arith.constant 0 : i32
    %dma_start3A_42 = tpu.memref_slice %arg2[%dma_start3A_40, %dma_start3A_41] : memref<10240x128xf32, #tpu.memory_space<hbm>> -> memref<10240x128xf32, #tpu.memory_space<hbm>>
    tpu.enqueue_indirect_dma source(%dma_start3A_42 : memref<10240x128xf32, #tpu.memory_space<hbm>>) target(%arg6 : memref<320x128xf32, #tpu.memory_space<vmem>>) offsets(%dma_start3A_39 : memref<320xi32, #tpu.memory_space<vmem>>) semaphore(%arg7 : memref<!tpu.dma_semaphore, #tpu.memory_space<semaphore_mem>>) {add = true}
    %dma_start3A_43 = arith.constant 5 : i32
    %dma_start3A_44 = arith.constant 0 : i32
    %dma_start3A_45 = tpu.memref_slice %arg5[%dma_start3A_43, %dma_start3A_44] : memref<16x320xi32, #tpu.memory_space<vmem>> -> memref<1x320xi32, #tpu.memory_space<vmem>>
    %dma_start3A_46 = tpu.memref_squeeze %dma_start3A_45 : memref<1x320xi32, #tpu.memory_space<vmem>> -> memref<320xi32, #tpu.memory_space<vmem>>
    %dma_start3A_47 = arith.constant 0 : i32
    %dma_start3A_48 = arith.constant 0 : i32
    %dma_start3A_49 = tpu.memref_slice %arg2[%dma_start3A_47, %dma_start3A_48] : memref<10240x128xf32, #tpu.memory_space<hbm>> -> memref<10240x128xf32, #tpu.memory_space<hbm>>
    tpu.enqueue_indirect_dma source(%dma_start3A_49 : memref<10240x128xf32, #tpu.memory_space<hbm>>) target(%arg6 : memref<320x128xf32, #tpu.memory_space<vmem>>) offsets(%dma_start3A_46 : memref<320xi32, #tpu.memory_space<vmem>>) semaphore(%arg7 : memref<!tpu.dma_semaphore, #tpu.memory_space<semaphore_mem>>) {add = true}
    %dma_start3A_50 = arith.constant 6 : i32
    %dma_start3A_51 = arith.constant 0 : i32
    %dma_start3A_52 = tpu.memref_slice %arg5[%dma_start3A_50, %dma_start3A_51] : memref<16x320xi32, #tpu.memory_space<vmem>> -> memref<1x320xi32, #tpu.memory_space<vmem>>
    %dma_start3A_53 = tpu.memref_squeeze %dma_start3A_52 : memref<1x320xi32, #tpu.memory_space<vmem>> -> memref<320xi32, #tpu.memory_space<vmem>>
    %dma_start3A_54 = arith.constant 0 : i32
    %dma_start3A_55 = arith.constant 0 : i32
    %dma_start3A_56 = tpu.memref_slice %arg2[%dma_start3A_54, %dma_start3A_55] : memref<10240x128xf32, #tpu.memory_space<hbm>> -> memref<10240x128xf32, #tpu.memory_space<hbm>>
    tpu.enqueue_indirect_dma source(%dma_start3A_56 : memref<10240x128xf32, #tpu.memory_space<hbm>>) target(%arg6 : memref<320x128xf32, #tpu.memory_space<vmem>>) offsets(%dma_start3A_53 : memref<320xi32, #tpu.memory_space<vmem>>) semaphore(%arg7 : memref<!tpu.dma_semaphore, #tpu.memory_space<semaphore_mem>>) {add = true}
    %dma_start3A_57 = arith.constant 7 : i32
    %dma_start3A_58 = arith.constant 0 : i32
    %dma_start3A_59 = tpu.memref_slice %arg5[%dma_start3A_57, %dma_start3A_58] : memref<16x320xi32, #tpu.memory_space<vmem>> -> memref<1x320xi32, #tpu.memory_space<vmem>>
    %dma_start3A_60 = tpu.memref_squeeze %dma_start3A_59 : memref<1x320xi32, #tpu.memory_space<vmem>> -> memref<320xi32, #tpu.memory_space<vmem>>
    %dma_start3A_61 = arith.constant 0 : i32
    %dma_start3A_62 = arith.constant 0 : i32
    %dma_start3A_63 = tpu.memref_slice %arg2[%dma_start3A_61, %dma_start3A_62] : memref<10240x128xf32, #tpu.memory_space<hbm>> -> memref<10240x128xf32, #tpu.memory_space<hbm>>
    tpu.enqueue_indirect_dma source(%dma_start3A_63 : memref<10240x128xf32, #tpu.memory_space<hbm>>) target(%arg6 : memref<320x128xf32, #tpu.memory_space<vmem>>) offsets(%dma_start3A_60 : memref<320xi32, #tpu.memory_space<vmem>>) semaphore(%arg7 : memref<!tpu.dma_semaphore, #tpu.memory_space<semaphore_mem>>) {add = true}
    %dma_start3A_64 = arith.constant 8 : i32
    %dma_start3A_65 = arith.constant 0 : i32
    %dma_start3A_66 = tpu.memref_slice %arg5[%dma_start3A_64, %dma_start3A_65] : memref<16x320xi32, #tpu.memory_space<vmem>> -> memref<1x320xi32, #tpu.memory_space<vmem>>
    %dma_start3A_67 = tpu.memref_squeeze %dma_start3A_66 : memref<1x320xi32, #tpu.memory_space<vmem>> -> memref<320xi32, #tpu.memory_space<vmem>>
    %dma_start3A_68 = arith.constant 0 : i32
    %dma_start3A_69 = arith.constant 0 : i32
    %dma_start3A_70 = tpu.memref_slice %arg2[%dma_start3A_68, %dma_start3A_69] : memref<10240x128xf32, #tpu.memory_space<hbm>> -> memref<10240x128xf32, #tpu.memory_space<hbm>>
    tpu.enqueue_indirect_dma source(%dma_start3A_70 : memref<10240x128xf32, #tpu.memory_space<hbm>>) target(%arg6 : memref<320x128xf32, #tpu.memory_space<vmem>>) offsets(%dma_start3A_67 : memref<320xi32, #tpu.memory_space<vmem>>) semaphore(%arg7 : memref<!tpu.dma_semaphore, #tpu.memory_space<semaphore_mem>>) {add = true}
    %dma_start3A_71 = arith.constant 9 : i32
    %dma_start3A_72 = arith.constant 0 : i32
    %dma_start3A_73 = tpu.memref_slice %arg5[%dma_start3A_71, %dma_start3A_72] : memref<16x320xi32, #tpu.memory_space<vmem>> -> memref<1x320xi32, #tpu.memory_space<vmem>>
    %dma_start3A_74 = tpu.memref_squeeze %dma_start3A_73 : memref<1x320xi32, #tpu.memory_space<vmem>> -> memref<320xi32, #tpu.memory_space<vmem>>
    %dma_start3A_75 = arith.constant 0 : i32
    %dma_start3A_76 = arith.constant 0 : i32
    %dma_start3A_77 = tpu.memref_slice %arg2[%dma_start3A_75, %dma_start3A_76] : memref<10240x128xf32, #tpu.memory_space<hbm>> -> memref<10240x128xf32, #tpu.memory_space<hbm>>
    tpu.enqueue_indirect_dma source(%dma_start3A_77 : memref<10240x128xf32, #tpu.memory_space<hbm>>) target(%arg6 : memref<320x128xf32, #tpu.memory_space<vmem>>) offsets(%dma_start3A_74 : memref<320xi32, #tpu.memory_space<vmem>>) semaphore(%arg7 : memref<!tpu.dma_semaphore, #tpu.memory_space<semaphore_mem>>) {add = true}
    %dma_start3A_78 = arith.constant 10 : i32
    %dma_start3A_79 = arith.constant 0 : i32
    %dma_start3A_80 = tpu.memref_slice %arg5[%dma_start3A_78, %dma_start3A_79] : memref<16x320xi32, #tpu.memory_space<vmem>> -> memref<1x320xi32, #tpu.memory_space<vmem>>
    %dma_start3A_81 = tpu.memref_squeeze %dma_start3A_80 : memref<1x320xi32, #tpu.memory_space<vmem>> -> memref<320xi32, #tpu.memory_space<vmem>>
    %dma_start3A_82 = arith.constant 0 : i32
    %dma_start3A_83 = arith.constant 0 : i32
    %dma_start3A_84 = tpu.memref_slice %arg2[%dma_start3A_82, %dma_start3A_83] : memref<10240x128xf32, #tpu.memory_space<hbm>> -> memref<10240x128xf32, #tpu.memory_space<hbm>>
    tpu.enqueue_indirect_dma source(%dma_start3A_84 : memref<10240x128xf32, #tpu.memory_space<hbm>>) target(%arg6 : memref<320x128xf32, #tpu.memory_space<vmem>>) offsets(%dma_start3A_81 : memref<320xi32, #tpu.memory_space<vmem>>) semaphore(%arg7 : memref<!tpu.dma_semaphore, #tpu.memory_space<semaphore_mem>>) {add = true}
    %dma_start3A_85 = arith.constant 11 : i32
    %dma_start3A_86 = arith.constant 0 : i32
    %dma_start3A_87 = tpu.memref_slice %arg5[%dma_start3A_85, %dma_start3A_86] : memref<16x320xi32, #tpu.memory_space<vmem>> -> memref<1x320xi32, #tpu.memory_space<vmem>>
    %dma_start3A_88 = tpu.memref_squeeze %dma_start3A_87 : memref<1x320xi32, #tpu.memory_space<vmem>> -> memref<320xi32, #tpu.memory_space<vmem>>
    %dma_start3A_89 = arith.constant 0 : i32
    %dma_start3A_90 = arith.constant 0 : i32
    %dma_start3A_91 = tpu.memref_slice %arg2[%dma_start3A_89, %dma_start3A_90] : memref<10240x128xf32, #tpu.memory_space<hbm>> -> memref<10240x128xf32, #tpu.memory_space<hbm>>
    tpu.enqueue_indirect_dma source(%dma_start3A_91 : memref<10240x128xf32, #tpu.memory_space<hbm>>) target(%arg6 : memref<320x128xf32, #tpu.memory_space<vmem>>) offsets(%dma_start3A_88 : memref<320xi32, #tpu.memory_space<vmem>>) semaphore(%arg7 : memref<!tpu.dma_semaphore, #tpu.memory_space<semaphore_mem>>) {add = true}
    %dma_start3A_92 = arith.constant 12 : i32
    %dma_start3A_93 = arith.constant 0 : i32
    %dma_start3A_94 = tpu.memref_slice %arg5[%dma_start3A_92, %dma_start3A_93] : memref<16x320xi32, #tpu.memory_space<vmem>> -> memref<1x320xi32, #tpu.memory_space<vmem>>
    %dma_start3A_95 = tpu.memref_squeeze %dma_start3A_94 : memref<1x320xi32, #tpu.memory_space<vmem>> -> memref<320xi32, #tpu.memory_space<vmem>>
    %dma_start3A_96 = arith.constant 0 : i32
    %dma_start3A_97 = arith.constant 0 : i32
    %dma_start3A_98 = tpu.memref_slice %arg2[%dma_start3A_96, %dma_start3A_97] : memref<10240x128xf32, #tpu.memory_space<hbm>> -> memref<10240x128xf32, #tpu.memory_space<hbm>>
    tpu.enqueue_indirect_dma source(%dma_start3A_98 : memref<10240x128xf32, #tpu.memory_space<hbm>>) target(%arg6 : memref<320x128xf32, #tpu.memory_space<vmem>>) offsets(%dma_start3A_95 : memref<320xi32, #tpu.memory_space<vmem>>) semaphore(%arg7 : memref<!tpu.dma_semaphore, #tpu.memory_space<semaphore_mem>>) {add = true}
    %dma_start3A_99 = arith.constant 13 : i32
    %dma_start3A_100 = arith.constant 0 : i32
    %dma_start3A_101 = tpu.memref_slice %arg5[%dma_start3A_99, %dma_start3A_100] : memref<16x320xi32, #tpu.memory_space<vmem>> -> memref<1x320xi32, #tpu.memory_space<vmem>>
    %dma_start3A_102 = tpu.memref_squeeze %dma_start3A_101 : memref<1x320xi32, #tpu.memory_space<vmem>> -> memref<320xi32, #tpu.memory_space<vmem>>
    %dma_start3A_103 = arith.constant 0 : i32
    %dma_start3A_104 = arith.constant 0 : i32
    %dma_start3A_105 = tpu.memref_slice %arg2[%dma_start3A_103, %dma_start3A_104] : memref<10240x128xf32, #tpu.memory_space<hbm>> -> memref<10240x128xf32, #tpu.memory_space<hbm>>
    tpu.enqueue_indirect_dma source(%dma_start3A_105 : memref<10240x128xf32, #tpu.memory_space<hbm>>) target(%arg6 : memref<320x128xf32, #tpu.memory_space<vmem>>) offsets(%dma_start3A_102 : memref<320xi32, #tpu.memory_space<vmem>>) semaphore(%arg7 : memref<!tpu.dma_semaphore, #tpu.memory_space<semaphore_mem>>) {add = true}
    %dma_start3A_106 = arith.constant 14 : i32
    %dma_start3A_107 = arith.constant 0 : i32
    %dma_start3A_108 = tpu.memref_slice %arg5[%dma_start3A_106, %dma_start3A_107] : memref<16x320xi32, #tpu.memory_space<vmem>> -> memref<1x320xi32, #tpu.memory_space<vmem>>
    %dma_start3A_109 = tpu.memref_squeeze %dma_start3A_108 : memref<1x320xi32, #tpu.memory_space<vmem>> -> memref<320xi32, #tpu.memory_space<vmem>>
    %dma_start3A_110 = arith.constant 0 : i32
    %dma_start3A_111 = arith.constant 0 : i32
    %dma_start3A_112 = tpu.memref_slice %arg2[%dma_start3A_110, %dma_start3A_111] : memref<10240x128xf32, #tpu.memory_space<hbm>> -> memref<10240x128xf32, #tpu.memory_space<hbm>>
    tpu.enqueue_indirect_dma source(%dma_start3A_112 : memref<10240x128xf32, #tpu.memory_space<hbm>>) target(%arg6 : memref<320x128xf32, #tpu.memory_space<vmem>>) offsets(%dma_start3A_109 : memref<320xi32, #tpu.memory_space<vmem>>) semaphore(%arg7 : memref<!tpu.dma_semaphore, #tpu.memory_space<semaphore_mem>>) {add = true}
    %dma_start3A_113 = arith.constant 15 : i32
    %dma_start3A_114 = arith.constant 0 : i32
    %dma_start3A_115 = tpu.memref_slice %arg5[%dma_start3A_113, %dma_start3A_114] : memref<16x320xi32, #tpu.memory_space<vmem>> -> memref<1x320xi32, #tpu.memory_space<vmem>>
    %dma_start3A_116 = tpu.memref_squeeze %dma_start3A_115 : memref<1x320xi32, #tpu.memory_space<vmem>> -> memref<320xi32, #tpu.memory_space<vmem>>
    %dma_start3A_117 = arith.constant 0 : i32
    %dma_start3A_118 = arith.constant 0 : i32
    %dma_start3A_119 = tpu.memref_slice %arg2[%dma_start3A_117, %dma_start3A_118] : memref<10240x128xf32, #tpu.memory_space<hbm>> -> memref<10240x128xf32, #tpu.memory_space<hbm>>
    tpu.enqueue_indirect_dma source(%dma_start3A_119 : memref<10240x128xf32, #tpu.memory_space<hbm>>) target(%arg6 : memref<320x128xf32, #tpu.memory_space<vmem>>) offsets(%dma_start3A_116 : memref<320xi32, #tpu.memory_space<vmem>>) semaphore(%arg7 : memref<!tpu.dma_semaphore, #tpu.memory_space<semaphore_mem>>) {add = true}
    %dma_wait3A_120 = arith.constant 1 : i32
    %dma_wait3A_121 = arith.constant 0 : i32
    %dma_wait3A_122 = tpu.memref_slice %arg5[%dma_wait3A_120, %dma_wait3A_121] : memref<16x320xi32, #tpu.memory_space<vmem>> -> memref<1x320xi32, #tpu.memory_space<vmem>>
    %dma_wait3A_123 = tpu.memref_squeeze %dma_wait3A_122 : memref<1x320xi32, #tpu.memory_space<vmem>> -> memref<320xi32, #tpu.memory_space<vmem>>
    %dma_wait3A_124 = arith.constant 0 : i32
    %dma_wait3A_125 = arith.constant 0 : i32
    %dma_wait3A_126 = tpu.memref_slice %arg2[%dma_wait3A_124, %dma_wait3A_125] : memref<10240x128xf32, #tpu.memory_space<hbm>> -> memref<10240x128xf32, #tpu.memory_space<hbm>>
    tpu.wait_indirect_dma semaphore(%arg7 : memref<!tpu.dma_semaphore, #tpu.memory_space<semaphore_mem>>) src(%dma_wait3A_126 : memref<10240x128xf32, #tpu.memory_space<hbm>>) dst(%arg6 : memref<320x128xf32, #tpu.memory_space<vmem>>)
    %dma_wait3A_127 = arith.constant 2 : i32
    %dma_wait3A_128 = arith.constant 0 : i32
    %dma_wait3A_129 = tpu.memref_slice %arg5[%dma_wait3A_127, %dma_wait3A_128] : memref<16x320xi32, #tpu.memory_space<vmem>> -> memref<1x320xi32, #tpu.memory_space<vmem>>
    %dma_wait3A_130 = tpu.memref_squeeze %dma_wait3A_129 : memref<1x320xi32, #tpu.memory_space<vmem>> -> memref<320xi32, #tpu.memory_space<vmem>>
    %dma_wait3A_131 = arith.constant 0 : i32
    %dma_wait3A_132 = arith.constant 0 : i32
    %dma_wait3A_133 = tpu.memref_slice %arg2[%dma_wait3A_131, %dma_wait3A_132] : memref<10240x128xf32, #tpu.memory_space<hbm>> -> memref<10240x128xf32, #tpu.memory_space<hbm>>
    tpu.wait_indirect_dma semaphore(%arg7 : memref<!tpu.dma_semaphore, #tpu.memory_space<semaphore_mem>>) src(%dma_wait3A_133 : memref<10240x128xf32, #tpu.memory_space<hbm>>) dst(%arg6 : memref<320x128xf32, #tpu.memory_space<vmem>>)
    %dma_wait3A_134 = arith.constant 3 : i32
    %dma_wait3A_135 = arith.constant 0 : i32
    %dma_wait3A_136 = tpu.memref_slice %arg5[%dma_wait3A_134, %dma_wait3A_135] : memref<16x320xi32, #tpu.memory_space<vmem>> -> memref<1x320xi32, #tpu.memory_space<vmem>>
    %dma_wait3A_137 = tpu.memref_squeeze %dma_wait3A_136 : memref<1x320xi32, #tpu.memory_space<vmem>> -> memref<320xi32, #tpu.memory_space<vmem>>
    %dma_wait3A_138 = arith.constant 0 : i32
    %dma_wait3A_139 = arith.constant 0 : i32
    %dma_wait3A_140 = tpu.memref_slice %arg2[%dma_wait3A_138, %dma_wait3A_139] : memref<10240x128xf32, #tpu.memory_space<hbm>> -> memref<10240x128xf32, #tpu.memory_space<hbm>>
    tpu.wait_indirect_dma semaphore(%arg7 : memref<!tpu.dma_semaphore, #tpu.memory_space<semaphore_mem>>) src(%dma_wait3A_140 : memref<10240x128xf32, #tpu.memory_space<hbm>>) dst(%arg6 : memref<320x128xf32, #tpu.memory_space<vmem>>)
    %dma_wait3A_141 = arith.constant 4 : i32
    %dma_wait3A_142 = arith.constant 0 : i32
    %dma_wait3A_143 = tpu.memref_slice %arg5[%dma_wait3A_141, %dma_wait3A_142] : memref<16x320xi32, #tpu.memory_space<vmem>> -> memref<1x320xi32, #tpu.memory_space<vmem>>
    %dma_wait3A_144 = tpu.memref_squeeze %dma_wait3A_143 : memref<1x320xi32, #tpu.memory_space<vmem>> -> memref<320xi32, #tpu.memory_space<vmem>>
    %dma_wait3A_145 = arith.constant 0 : i32
    %dma_wait3A_146 = arith.constant 0 : i32
    %dma_wait3A_147 = tpu.memref_slice %arg2[%dma_wait3A_145, %dma_wait3A_146] : memref<10240x128xf32, #tpu.memory_space<hbm>> -> memref<10240x128xf32, #tpu.memory_space<hbm>>
    tpu.wait_indirect_dma semaphore(%arg7 : memref<!tpu.dma_semaphore, #tpu.memory_space<semaphore_mem>>) src(%dma_wait3A_147 : memref<10240x128xf32, #tpu.memory_space<hbm>>) dst(%arg6 : memref<320x128xf32, #tpu.memory_space<vmem>>)
    %dma_wait3A_148 = arith.constant 5 : i32
    %dma_wait3A_149 = arith.constant 0 : i32
    %dma_wait3A_150 = tpu.memref_slice %arg5[%dma_wait3A_148, %dma_wait3A_149] : memref<16x320xi32, #tpu.memory_space<vmem>> -> memref<1x320xi32, #tpu.memory_space<vmem>>
    %dma_wait3A_151 = tpu.memref_squeeze %dma_wait3A_150 : memref<1x320xi32, #tpu.memory_space<vmem>> -> memref<320xi32, #tpu.memory_space<vmem>>
    %dma_wait3A_152 = arith.constant 0 : i32
    %dma_wait3A_153 = arith.constant 0 : i32
    %dma_wait3A_154 = tpu.memref_slice %arg2[%dma_wait3A_152, %dma_wait3A_153] : memref<10240x128xf32, #tpu.memory_space<hbm>> -> memref<10240x128xf32, #tpu.memory_space<hbm>>
    tpu.wait_indirect_dma semaphore(%arg7 : memref<!tpu.dma_semaphore, #tpu.memory_space<semaphore_mem>>) src(%dma_wait3A_154 : memref<10240x128xf32, #tpu.memory_space<hbm>>) dst(%arg6 : memref<320x128xf32, #tpu.memory_space<vmem>>)
    %dma_wait3A_155 = arith.constant 6 : i32
    %dma_wait3A_156 = arith.constant 0 : i32
    %dma_wait3A_157 = tpu.memref_slice %arg5[%dma_wait3A_155, %dma_wait3A_156] : memref<16x320xi32, #tpu.memory_space<vmem>> -> memref<1x320xi32, #tpu.memory_space<vmem>>
    %dma_wait3A_158 = tpu.memref_squeeze %dma_wait3A_157 : memref<1x320xi32, #tpu.memory_space<vmem>> -> memref<320xi32, #tpu.memory_space<vmem>>
    %dma_wait3A_159 = arith.constant 0 : i32
    %dma_wait3A_160 = arith.constant 0 : i32
    %dma_wait3A_161 = tpu.memref_slice %arg2[%dma_wait3A_159, %dma_wait3A_160] : memref<10240x128xf32, #tpu.memory_space<hbm>> -> memref<10240x128xf32, #tpu.memory_space<hbm>>
    tpu.wait_indirect_dma semaphore(%arg7 : memref<!tpu.dma_semaphore, #tpu.memory_space<semaphore_mem>>) src(%dma_wait3A_161 : memref<10240x128xf32, #tpu.memory_space<hbm>>) dst(%arg6 : memref<320x128xf32, #tpu.memory_space<vmem>>)
    %dma_wait3A_162 = arith.constant 7 : i32
    %dma_wait3A_163 = arith.constant 0 : i32
    %dma_wait3A_164 = tpu.memref_slice %arg5[%dma_wait3A_162, %dma_wait3A_163] : memref<16x320xi32, #tpu.memory_space<vmem>> -> memref<1x320xi32, #tpu.memory_space<vmem>>
    %dma_wait3A_165 = tpu.memref_squeeze %dma_wait3A_164 : memref<1x320xi32, #tpu.memory_space<vmem>> -> memref<320xi32, #tpu.memory_space<vmem>>
    %dma_wait3A_166 = arith.constant 0 : i32
    %dma_wait3A_167 = arith.constant 0 : i32
    %dma_wait3A_168 = tpu.memref_slice %arg2[%dma_wait3A_166, %dma_wait3A_167] : memref<10240x128xf32, #tpu.memory_space<hbm>> -> memref<10240x128xf32, #tpu.memory_space<hbm>>
    tpu.wait_indirect_dma semaphore(%arg7 : memref<!tpu.dma_semaphore, #tpu.memory_space<semaphore_mem>>) src(%dma_wait3A_168 : memref<10240x128xf32, #tpu.memory_space<hbm>>) dst(%arg6 : memref<320x128xf32, #tpu.memory_space<vmem>>)
    %dma_wait3A_169 = arith.constant 8 : i32
    %dma_wait3A_170 = arith.constant 0 : i32
    %dma_wait3A_171 = tpu.memref_slice %arg5[%dma_wait3A_169, %dma_wait3A_170] : memref<16x320xi32, #tpu.memory_space<vmem>> -> memref<1x320xi32, #tpu.memory_space<vmem>>
    %dma_wait3A_172 = tpu.memref_squeeze %dma_wait3A_171 : memref<1x320xi32, #tpu.memory_space<vmem>> -> memref<320xi32, #tpu.memory_space<vmem>>
    %dma_wait3A_173 = arith.constant 0 : i32
    %dma_wait3A_174 = arith.constant 0 : i32
    %dma_wait3A_175 = tpu.memref_slice %arg2[%dma_wait3A_173, %dma_wait3A_174] : memref<10240x128xf32, #tpu.memory_space<hbm>> -> memref<10240x128xf32, #tpu.memory_space<hbm>>
    tpu.wait_indirect_dma semaphore(%arg7 : memref<!tpu.dma_semaphore, #tpu.memory_space<semaphore_mem>>) src(%dma_wait3A_175 : memref<10240x128xf32, #tpu.memory_space<hbm>>) dst(%arg6 : memref<320x128xf32, #tpu.memory_space<vmem>>)
    %dma_wait3A_176 = arith.constant 9 : i32
    %dma_wait3A_177 = arith.constant 0 : i32
    %dma_wait3A_178 = tpu.memref_slice %arg5[%dma_wait3A_176, %dma_wait3A_177] : memref<16x320xi32, #tpu.memory_space<vmem>> -> memref<1x320xi32, #tpu.memory_space<vmem>>
    %dma_wait3A_179 = tpu.memref_squeeze %dma_wait3A_178 : memref<1x320xi32, #tpu.memory_space<vmem>> -> memref<320xi32, #tpu.memory_space<vmem>>
    %dma_wait3A_180 = arith.constant 0 : i32
    %dma_wait3A_181 = arith.constant 0 : i32
    %dma_wait3A_182 = tpu.memref_slice %arg2[%dma_wait3A_180, %dma_wait3A_181] : memref<10240x128xf32, #tpu.memory_space<hbm>> -> memref<10240x128xf32, #tpu.memory_space<hbm>>
    tpu.wait_indirect_dma semaphore(%arg7 : memref<!tpu.dma_semaphore, #tpu.memory_space<semaphore_mem>>) src(%dma_wait3A_182 : memref<10240x128xf32, #tpu.memory_space<hbm>>) dst(%arg6 : memref<320x128xf32, #tpu.memory_space<vmem>>)
    %dma_wait3A_183 = arith.constant 10 : i32
    %dma_wait3A_184 = arith.constant 0 : i32
    %dma_wait3A_185 = tpu.memref_slice %arg5[%dma_wait3A_183, %dma_wait3A_184] : memref<16x320xi32, #tpu.memory_space<vmem>> -> memref<1x320xi32, #tpu.memory_space<vmem>>
    %dma_wait3A_186 = tpu.memref_squeeze %dma_wait3A_185 : memref<1x320xi32, #tpu.memory_space<vmem>> -> memref<320xi32, #tpu.memory_space<vmem>>
    %dma_wait3A_187 = arith.constant 0 : i32
    %dma_wait3A_188 = arith.constant 0 : i32
    %dma_wait3A_189 = tpu.memref_slice %arg2[%dma_wait3A_187, %dma_wait3A_188] : memref<10240x128xf32, #tpu.memory_space<hbm>> -> memref<10240x128xf32, #tpu.memory_space<hbm>>
    tpu.wait_indirect_dma semaphore(%arg7 : memref<!tpu.dma_semaphore, #tpu.memory_space<semaphore_mem>>) src(%dma_wait3A_189 : memref<10240x128xf32, #tpu.memory_space<hbm>>) dst(%arg6 : memref<320x128xf32, #tpu.memory_space<vmem>>)
    %dma_wait3A_190 = arith.constant 11 : i32
    %dma_wait3A_191 = arith.constant 0 : i32
    %dma_wait3A_192 = tpu.memref_slice %arg5[%dma_wait3A_190, %dma_wait3A_191] : memref<16x320xi32, #tpu.memory_space<vmem>> -> memref<1x320xi32, #tpu.memory_space<vmem>>
    %dma_wait3A_193 = tpu.memref_squeeze %dma_wait3A_192 : memref<1x320xi32, #tpu.memory_space<vmem>> -> memref<320xi32, #tpu.memory_space<vmem>>
    %dma_wait3A_194 = arith.constant 0 : i32
    %dma_wait3A_195 = arith.constant 0 : i32
    %dma_wait3A_196 = tpu.memref_slice %arg2[%dma_wait3A_194, %dma_wait3A_195] : memref<10240x128xf32, #tpu.memory_space<hbm>> -> memref<10240x128xf32, #tpu.memory_space<hbm>>
    tpu.wait_indirect_dma semaphore(%arg7 : memref<!tpu.dma_semaphore, #tpu.memory_space<semaphore_mem>>) src(%dma_wait3A_196 : memref<10240x128xf32, #tpu.memory_space<hbm>>) dst(%arg6 : memref<320x128xf32, #tpu.memory_space<vmem>>)
    %dma_wait3A_197 = arith.constant 12 : i32
    %dma_wait3A_198 = arith.constant 0 : i32
    %dma_wait3A_199 = tpu.memref_slice %arg5[%dma_wait3A_197, %dma_wait3A_198] : memref<16x320xi32, #tpu.memory_space<vmem>> -> memref<1x320xi32, #tpu.memory_space<vmem>>
    %dma_wait3A_200 = tpu.memref_squeeze %dma_wait3A_199 : memref<1x320xi32, #tpu.memory_space<vmem>> -> memref<320xi32, #tpu.memory_space<vmem>>
    %dma_wait3A_201 = arith.constant 0 : i32
    %dma_wait3A_202 = arith.constant 0 : i32
    %dma_wait3A_203 = tpu.memref_slice %arg2[%dma_wait3A_201, %dma_wait3A_202] : memref<10240x128xf32, #tpu.memory_space<hbm>> -> memref<10240x128xf32, #tpu.memory_space<hbm>>
    tpu.wait_indirect_dma semaphore(%arg7 : memref<!tpu.dma_semaphore, #tpu.memory_space<semaphore_mem>>) src(%dma_wait3A_203 : memref<10240x128xf32, #tpu.memory_space<hbm>>) dst(%arg6 : memref<320x128xf32, #tpu.memory_space<vmem>>)
    %dma_wait3A_204 = arith.constant 13 : i32
    %dma_wait3A_205 = arith.constant 0 : i32
    %dma_wait3A_206 = tpu.memref_slice %arg5[%dma_wait3A_204, %dma_wait3A_205] : memref<16x320xi32, #tpu.memory_space<vmem>> -> memref<1x320xi32, #tpu.memory_space<vmem>>
    %dma_wait3A_207 = tpu.memref_squeeze %dma_wait3A_206 : memref<1x320xi32, #tpu.memory_space<vmem>> -> memref<320xi32, #tpu.memory_space<vmem>>
    %dma_wait3A_208 = arith.constant 0 : i32
    %dma_wait3A_209 = arith.constant 0 : i32
    %dma_wait3A_210 = tpu.memref_slice %arg2[%dma_wait3A_208, %dma_wait3A_209] : memref<10240x128xf32, #tpu.memory_space<hbm>> -> memref<10240x128xf32, #tpu.memory_space<hbm>>
    tpu.wait_indirect_dma semaphore(%arg7 : memref<!tpu.dma_semaphore, #tpu.memory_space<semaphore_mem>>) src(%dma_wait3A_210 : memref<10240x128xf32, #tpu.memory_space<hbm>>) dst(%arg6 : memref<320x128xf32, #tpu.memory_space<vmem>>)
    %dma_wait3A_211 = arith.constant 14 : i32
    %dma_wait3A_212 = arith.constant 0 : i32
    %dma_wait3A_213 = tpu.memref_slice %arg5[%dma_wait3A_211, %dma_wait3A_212] : memref<16x320xi32, #tpu.memory_space<vmem>> -> memref<1x320xi32, #tpu.memory_space<vmem>>
    %dma_wait3A_214 = tpu.memref_squeeze %dma_wait3A_213 : memref<1x320xi32, #tpu.memory_space<vmem>> -> memref<320xi32, #tpu.memory_space<vmem>>
    %dma_wait3A_215 = arith.constant 0 : i32
    %dma_wait3A_216 = arith.constant 0 : i32
    %dma_wait3A_217 = tpu.memref_slice %arg2[%dma_wait3A_215, %dma_wait3A_216] : memref<10240x128xf32, #tpu.memory_space<hbm>> -> memref<10240x128xf32, #tpu.memory_space<hbm>>
    tpu.wait_indirect_dma semaphore(%arg7 : memref<!tpu.dma_semaphore, #tpu.memory_space<semaphore_mem>>) src(%dma_wait3A_217 : memref<10240x128xf32, #tpu.memory_space<hbm>>) dst(%arg6 : memref<320x128xf32, #tpu.memory_space<vmem>>)
    %dma_wait3A_218 = arith.constant 15 : i32
    %dma_wait3A_219 = arith.constant 0 : i32
    %dma_wait3A_220 = tpu.memref_slice %arg5[%dma_wait3A_218, %dma_wait3A_219] : memref<16x320xi32, #tpu.memory_space<vmem>> -> memref<1x320xi32, #tpu.memory_space<vmem>>
    %dma_wait3A_221 = tpu.memref_squeeze %dma_wait3A_220 : memref<1x320xi32, #tpu.memory_space<vmem>> -> memref<320xi32, #tpu.memory_space<vmem>>
    %dma_wait3A_222 = arith.constant 0 : i32
    %dma_wait3A_223 = arith.constant 0 : i32
    %dma_wait3A_224 = tpu.memref_slice %arg2[%dma_wait3A_222, %dma_wait3A_223] : memref<10240x128xf32, #tpu.memory_space<hbm>> -> memref<10240x128xf32, #tpu.memory_space<hbm>>
    tpu.wait_indirect_dma semaphore(%arg7 : memref<!tpu.dma_semaphore, #tpu.memory_space<semaphore_mem>>) src(%dma_wait3A_224 : memref<10240x128xf32, #tpu.memory_space<hbm>>) dst(%arg6 : memref<320x128xf32, #tpu.memory_space<vmem>>)
    "tpu.region"() ({
      %run_scoped3A = tpu.sem_alloc : memref<!tpu.dma_semaphore, #tpu.memory_space<semaphore_mem>>
      %dma_start3A_225 = arith.constant 0 : i32
      %dma_start3A_226 = tpu.memref_slice %arg4[%mul3A_2, %dma_start3A_225] : memref<10240x128xf32, #tpu.memory_space<hbm>> -> memref<320x128xf32, #tpu.memory_space<hbm>>
      %dma_start3A_227 = arith.constant 0 : i32
      %dma_start3A_228 = tpu.memref_slice %arg4[%mul3A_2, %dma_start3A_227] : memref<10240x128xf32, #tpu.memory_space<hbm>> -> memref<320x128xf32, #tpu.memory_space<hbm>>
      tpu.enqueue_dma source(%arg6 : memref<320x128xf32, #tpu.memory_space<vmem>>) target(%dma_start3A_228 : memref<320x128xf32, #tpu.memory_space<hbm>>) target_semaphore(%run_scoped3A : memref<!tpu.dma_semaphore, #tpu.memory_space<semaphore_mem>>)
      %dma_wait3A_229 = arith.constant 0 : i32
      %dma_wait3A_230 = tpu.memref_slice %arg4[%mul3A_2, %dma_wait3A_229] : memref<10240x128xf32, #tpu.memory_space<hbm>> -> memref<320x128xf32, #tpu.memory_space<hbm>>
      %dma_wait3A_231 = arith.constant 0 : i32
      %dma_wait3A_232 = tpu.memref_slice %arg4[%mul3A_2, %dma_wait3A_231] : memref<10240x128xf32, #tpu.memory_space<hbm>> -> memref<320x128xf32, #tpu.memory_space<hbm>>
      tpu.wait_dma2 semaphore(%run_scoped3A : memref<!tpu.dma_semaphore, #tpu.memory_space<semaphore_mem>>) src(%arg6 : memref<320x128xf32, #tpu.memory_space<vmem>>) dst(%dma_wait3A_232 : memref<320x128xf32, #tpu.memory_space<hbm>>)
      tpu.yield
    }) : () -> ()
    return
  }
}

#map = affine_map<(d0, d1) -> (0, 0)>
#map1 = affine_map<(d0, d1) -> (0, 0, 0)>
module attributes {stable_mosaic.version = 14 : i64} {
  func.func @k(%arg0: i32, %arg1: i32, %arg2: memref<10240x128xf32, #tpu.memory_space<hbm>>, %arg3: memref<32x16x320xi32, #tpu.memory_space<hbm>>, %arg4: memref<10240x128xf32, #tpu.memory_space<hbm>>, %arg5: memref<16x320xi32, #tpu.memory_space<vmem>>, %arg6: memref<320x128xf32, #tpu.memory_space<vmem>>, %arg7: memref<!tpu.dma_semaphore, #tpu.memory_space<semaphore_mem>>) attributes {dimension_semantics = [#tpu.dimension_semantics<core_parallel>, #tpu.dimension_semantics<subcore_parallel>], iteration_bounds = array<i64: 2, 16>, scalar_prefetch = 0 : i64, scratch_operands = 3 : i64, tpu.core_type = #tpu.core_type<sc_vector_subcore>, window_params = [{transform_indices = #map}, {transform_indices = #map1}, {transform_indices = #map}]} {
    %mul3A = arith.constant 2 : i32
    %mul3A_0 = arith.muli %arg1, %mul3A : i32
    %add3A = arith.addi %mul3A_0, %arg0 : i32
    %mul3A_1 = arith.constant 320 : i32
    %mul3A_2 = arith.muli %add3A, %mul3A_1 : i32
    "tpu.region"() ({
      %run_scoped3A = tpu.sem_alloc : memref<!tpu.dma_semaphore, #tpu.memory_space<semaphore_mem>>
      %dma_start3A_225 = arith.constant 0 : i32
      %dma_start3A_226 = arith.constant 0 : i32
      %dma_start3A_227 = tpu.memref_slice %arg3[%add3A, %dma_start3A_225, %dma_start3A_226] : memref<32x16x320xi32, #tpu.memory_space<hbm>> -> memref<1x16x320xi32, #tpu.memory_space<hbm>>
      %dma_start3A_228 = tpu.memref_squeeze %dma_start3A_227 : memref<1x16x320xi32, #tpu.memory_space<hbm>> -> memref<16x320xi32, #tpu.memory_space<hbm>>
      %dma_start3A_229 = arith.constant 0 : i32
      %dma_start3A_230 = arith.constant 0 : i32
      %dma_start3A_231 = tpu.memref_slice %arg3[%add3A, %dma_start3A_229, %dma_start3A_230] : memref<32x16x320xi32, #tpu.memory_space<hbm>> -> memref<1x16x320xi32, #tpu.memory_space<hbm>>
      %dma_start3A_232 = tpu.memref_squeeze %dma_start3A_231 : memref<1x16x320xi32, #tpu.memory_space<hbm>> -> memref<16x320xi32, #tpu.memory_space<hbm>>
      tpu.enqueue_dma source(%dma_start3A_232 : memref<16x320xi32, #tpu.memory_space<hbm>>) target(%arg5 : memref<16x320xi32, #tpu.memory_space<vmem>>) target_semaphore(%run_scoped3A : memref<!tpu.dma_semaphore, #tpu.memory_space<semaphore_mem>>)
      %dma_wait3A_233 = arith.constant 0 : i32
      %dma_wait3A_234 = arith.constant 0 : i32
      %dma_wait3A_235 = tpu.memref_slice %arg3[%add3A, %dma_wait3A_233, %dma_wait3A_234] : memref<32x16x320xi32, #tpu.memory_space<hbm>> -> memref<1x16x320xi32, #tpu.memory_space<hbm>>
      %dma_wait3A_236 = tpu.memref_squeeze %dma_wait3A_235 : memref<1x16x320xi32, #tpu.memory_space<hbm>> -> memref<16x320xi32, #tpu.memory_space<hbm>>
      %dma_wait3A_237 = arith.constant 0 : i32
      %dma_wait3A_238 = arith.constant 0 : i32
      %dma_wait3A_239 = tpu.memref_slice %arg3[%add3A, %dma_wait3A_237, %dma_wait3A_238] : memref<32x16x320xi32, #tpu.memory_space<hbm>> -> memref<1x16x320xi32, #tpu.memory_space<hbm>>
      %dma_wait3A_240 = tpu.memref_squeeze %dma_wait3A_239 : memref<1x16x320xi32, #tpu.memory_space<hbm>> -> memref<16x320xi32, #tpu.memory_space<hbm>>
      tpu.wait_dma2 semaphore(%run_scoped3A : memref<!tpu.dma_semaphore, #tpu.memory_space<semaphore_mem>>) src(%dma_wait3A_240 : memref<16x320xi32, #tpu.memory_space<hbm>>) dst(%arg5 : memref<16x320xi32, #tpu.memory_space<vmem>>)
      tpu.yield
    }) : () -> ()
    %dma_start3A = arith.constant 0 : i32
    %dma_start3A_3 = arith.constant 0 : i32
    %dma_start3A_4 = tpu.memref_slice %arg5[%dma_start3A, %dma_start3A_3] : memref<16x320xi32, #tpu.memory_space<vmem>> -> memref<1x320xi32, #tpu.memory_space<vmem>>
    %dma_start3A_5 = tpu.memref_squeeze %dma_start3A_4 : memref<1x320xi32, #tpu.memory_space<vmem>> -> memref<320xi32, #tpu.memory_space<vmem>>
    %dma_start3A_6 = arith.constant 0 : i32
    %dma_start3A_7 = arith.constant 0 : i32
    %dma_start3A_8 = tpu.memref_slice %arg2[%dma_start3A_6, %dma_start3A_7] : memref<10240x128xf32, #tpu.memory_space<hbm>> -> memref<10240x128xf32, #tpu.memory_space<hbm>>
    tpu.enqueue_indirect_dma source(%dma_start3A_8 : memref<10240x128xf32, #tpu.memory_space<hbm>>) target(%arg6 : memref<320x128xf32, #tpu.memory_space<vmem>>) offsets(%dma_start3A_5 : memref<320xi32, #tpu.memory_space<vmem>>) semaphore(%arg7 : memref<!tpu.dma_semaphore, #tpu.memory_space<semaphore_mem>>)
    %dma_wait3A = arith.constant 0 : i32
    %dma_wait3A_9 = arith.constant 0 : i32
    %dma_wait3A_10 = tpu.memref_slice %arg5[%dma_wait3A, %dma_wait3A_9] : memref<16x320xi32, #tpu.memory_space<vmem>> -> memref<1x320xi32, #tpu.memory_space<vmem>>
    %dma_wait3A_11 = tpu.memref_squeeze %dma_wait3A_10 : memref<1x320xi32, #tpu.memory_space<vmem>> -> memref<320xi32, #tpu.memory_space<vmem>>
    %dma_wait3A_12 = arith.constant 0 : i32
    %dma_wait3A_13 = arith.constant 0 : i32
    %dma_wait3A_14 = tpu.memref_slice %arg2[%dma_wait3A_12, %dma_wait3A_13] : memref<10240x128xf32, #tpu.memory_space<hbm>> -> memref<10240x128xf32, #tpu.memory_space<hbm>>
    tpu.wait_indirect_dma semaphore(%arg7 : memref<!tpu.dma_semaphore, #tpu.memory_space<semaphore_mem>>) src(%dma_wait3A_14 : memref<10240x128xf32, #tpu.memory_space<hbm>>) dst(%arg6 : memref<320x128xf32, #tpu.memory_space<vmem>>)
    %dma_start3A_15 = arith.constant 1 : i32
    %dma_start3A_16 = arith.constant 0 : i32
    %dma_start3A_17 = tpu.memref_slice %arg5[%dma_start3A_15, %dma_start3A_16] : memref<16x320xi32, #tpu.memory_space<vmem>> -> memref<1x320xi32, #tpu.memory_space<vmem>>
    %dma_start3A_18 = tpu.memref_squeeze %dma_start3A_17 : memref<1x320xi32, #tpu.memory_space<vmem>> -> memref<320xi32, #tpu.memory_space<vmem>>
    %dma_start3A_19 = arith.constant 0 : i32
    %dma_start3A_20 = arith.constant 0 : i32
    %dma_start3A_21 = tpu.memref_slice %arg2[%dma_start3A_19, %dma_start3A_20] : memref<10240x128xf32, #tpu.memory_space<hbm>> -> memref<10240x128xf32, #tpu.memory_space<hbm>>
    tpu.enqueue_indirect_dma source(%dma_start3A_21 : memref<10240x128xf32, #tpu.memory_space<hbm>>) target(%arg6 : memref<320x128xf32, #tpu.memory_space<vmem>>) offsets(%dma_start3A_18 : memref<320xi32, #tpu.memory_space<vmem>>) semaphore(%arg7 : memref<!tpu.dma_semaphore, #tpu.memory_space<semaphore_mem>>) {add = true}
    %dma_start3A_22 = arith.constant 2 : i32
    %dma_start3A_23 = arith.constant 0 : i32
    %dma_start3A_24 = tpu.memref_slice %arg5[%dma_start3A_22, %dma_start3A_23] : memref<16x320xi32, #tpu.memory_space<vmem>> -> memref<1x320xi32, #tpu.memory_space<vmem>>
    %dma_start3A_25 = tpu.memref_squeeze %dma_start3A_24 : memref<1x320xi32, #tpu.memory_space<vmem>> -> memref<320xi32, #tpu.memory_space<vmem>>
    %dma_start3A_26 = arith.constant 0 : i32
    %dma_start3A_27 = arith.constant 0 : i32
    %dma_start3A_28 = tpu.memref_slice %arg2[%dma_start3A_26, %dma_start3A_27] : memref<10240x128xf32, #tpu.memory_space<hbm>> -> memref<10240x128xf32, #tpu.memory_space<hbm>>
    tpu.enqueue_indirect_dma source(%dma_start3A_28 : memref<10240x128xf32, #tpu.memory_space<hbm>>) target(%arg6 : memref<320x128xf32, #tpu.memory_space<vmem>>) offsets(%dma_start3A_25 : memref<320xi32, #tpu.memory_space<vmem>>) semaphore(%arg7 : memref<!tpu.dma_semaphore, #tpu.memory_space<semaphore_mem>>) {add = true}
    %dma_start3A_29 = arith.constant 3 : i32
    %dma_start3A_30 = arith.constant 0 : i32
    %dma_start3A_31 = tpu.memref_slice %arg5[%dma_start3A_29, %dma_start3A_30] : memref<16x320xi32, #tpu.memory_space<vmem>> -> memref<1x320xi32, #tpu.memory_space<vmem>>
    %dma_start3A_32 = tpu.memref_squeeze %dma_start3A_31 : memref<1x320xi32, #tpu.memory_space<vmem>> -> memref<320xi32, #tpu.memory_space<vmem>>
    %dma_start3A_33 = arith.constant 0 : i32
    %dma_start3A_34 = arith.constant 0 : i32
    %dma_start3A_35 = tpu.memref_slice %arg2[%dma_start3A_33, %dma_start3A_34] : memref<10240x128xf32, #tpu.memory_space<hbm>> -> memref<10240x128xf32, #tpu.memory_space<hbm>>
    tpu.enqueue_indirect_dma source(%dma_start3A_35 : memref<10240x128xf32, #tpu.memory_space<hbm>>) target(%arg6 : memref<320x128xf32, #tpu.memory_space<vmem>>) offsets(%dma_start3A_32 : memref<320xi32, #tpu.memory_space<vmem>>) semaphore(%arg7 : memref<!tpu.dma_semaphore, #tpu.memory_space<semaphore_mem>>) {add = true}
    %dma_start3A_36 = arith.constant 4 : i32
    %dma_start3A_37 = arith.constant 0 : i32
    %dma_start3A_38 = tpu.memref_slice %arg5[%dma_start3A_36, %dma_start3A_37] : memref<16x320xi32, #tpu.memory_space<vmem>> -> memref<1x320xi32, #tpu.memory_space<vmem>>
    %dma_start3A_39 = tpu.memref_squeeze %dma_start3A_38 : memref<1x320xi32, #tpu.memory_space<vmem>> -> memref<320xi32, #tpu.memory_space<vmem>>
    %dma_start3A_40 = arith.constant 0 : i32
    %dma_start3A_41 = arith.constant 0 : i32
    %dma_start3A_42 = tpu.memref_slice %arg2[%dma_start3A_40, %dma_start3A_41] : memref<10240x128xf32, #tpu.memory_space<hbm>> -> memref<10240x128xf32, #tpu.memory_space<hbm>>
    tpu.enqueue_indirect_dma source(%dma_start3A_42 : memref<10240x128xf32, #tpu.memory_space<hbm>>) target(%arg6 : memref<320x128xf32, #tpu.memory_space<vmem>>) offsets(%dma_start3A_39 : memref<320xi32, #tpu.memory_space<vmem>>) semaphore(%arg7 : memref<!tpu.dma_semaphore, #tpu.memory_space<semaphore_mem>>) {add = true}
    %dma_start3A_43 = arith.constant 5 : i32
    %dma_start3A_44 = arith.constant 0 : i32
    %dma_start3A_45 = tpu.memref_slice %arg5[%dma_start3A_43, %dma_start3A_44] : memref<16x320xi32, #tpu.memory_space<vmem>> -> memref<1x320xi32, #tpu.memory_space<vmem>>
    %dma_start3A_46 = tpu.memref_squeeze %dma_start3A_45 : memref<1x320xi32, #tpu.memory_space<vmem>> -> memref<320xi32, #tpu.memory_space<vmem>>
    %dma_start3A_47 = arith.constant 0 : i32
    %dma_start3A_48 = arith.constant 0 : i32
    %dma_start3A_49 = tpu.memref_slice %arg2[%dma_start3A_47, %dma_start3A_48] : memref<10240x128xf32, #tpu.memory_space<hbm>> -> memref<10240x128xf32, #tpu.memory_space<hbm>>
    tpu.enqueue_indirect_dma source(%dma_start3A_49 : memref<10240x128xf32, #tpu.memory_space<hbm>>) target(%arg6 : memref<320x128xf32, #tpu.memory_space<vmem>>) offsets(%dma_start3A_46 : memref<320xi32, #tpu.memory_space<vmem>>) semaphore(%arg7 : memref<!tpu.dma_semaphore, #tpu.memory_space<semaphore_mem>>) {add = true}
    %dma_start3A_50 = arith.constant 6 : i32
    %dma_start3A_51 = arith.constant 0 : i32
    %dma_start3A_52 = tpu.memref_slice %arg5[%dma_start3A_50, %dma_start3A_51] : memref<16x320xi32, #tpu.memory_space<vmem>> -> memref<1x320xi32, #tpu.memory_space<vmem>>
    %dma_start3A_53 = tpu.memref_squeeze %dma_start3A_52 : memref<1x320xi32, #tpu.memory_space<vmem>> -> memref<320xi32, #tpu.memory_space<vmem>>
    %dma_start3A_54 = arith.constant 0 : i32
    %dma_start3A_55 = arith.constant 0 : i32
    %dma_start3A_56 = tpu.memref_slice %arg2[%dma_start3A_54, %dma_start3A_55] : memref<10240x128xf32, #tpu.memory_space<hbm>> -> memref<10240x128xf32, #tpu.memory_space<hbm>>
    tpu.enqueue_indirect_dma source(%dma_start3A_56 : memref<10240x128xf32, #tpu.memory_space<hbm>>) target(%arg6 : memref<320x128xf32, #tpu.memory_space<vmem>>) offsets(%dma_start3A_53 : memref<320xi32, #tpu.memory_space<vmem>>) semaphore(%arg7 : memref<!tpu.dma_semaphore, #tpu.memory_space<semaphore_mem>>) {add = true}
    %dma_start3A_57 = arith.constant 7 : i32
    %dma_start3A_58 = arith.constant 0 : i32
    %dma_start3A_59 = tpu.memref_slice %arg5[%dma_start3A_57, %dma_start3A_58] : memref<16x320xi32, #tpu.memory_space<vmem>> -> memref<1x320xi32, #tpu.memory_space<vmem>>
    %dma_start3A_60 = tpu.memref_squeeze %dma_start3A_59 : memref<1x320xi32, #tpu.memory_space<vmem>> -> memref<320xi32, #tpu.memory_space<vmem>>
    %dma_start3A_61 = arith.constant 0 : i32
    %dma_start3A_62 = arith.constant 0 : i32
    %dma_start3A_63 = tpu.memref_slice %arg2[%dma_start3A_61, %dma_start3A_62] : memref<10240x128xf32, #tpu.memory_space<hbm>> -> memref<10240x128xf32, #tpu.memory_space<hbm>>
    tpu.enqueue_indirect_dma source(%dma_start3A_63 : memref<10240x128xf32, #tpu.memory_space<hbm>>) target(%arg6 : memref<320x128xf32, #tpu.memory_space<vmem>>) offsets(%dma_start3A_60 : memref<320xi32, #tpu.memory_space<vmem>>) semaphore(%arg7 : memref<!tpu.dma_semaphore, #tpu.memory_space<semaphore_mem>>) {add = true}
    %dma_start3A_64 = arith.constant 8 : i32
    %dma_start3A_65 = arith.constant 0 : i32
    %dma_start3A_66 = tpu.memref_slice %arg5[%dma_start3A_64, %dma_start3A_65] : memref<16x320xi32, #tpu.memory_space<vmem>> -> memref<1x320xi32, #tpu.memory_space<vmem>>
    %dma_start3A_67 = tpu.memref_squeeze %dma_start3A_66 : memref<1x320xi32, #tpu.memory_space<vmem>> -> memref<320xi32, #tpu.memory_space<vmem>>
    %dma_start3A_68 = arith.constant 0 : i32
    %dma_start3A_69 = arith.constant 0 : i32
    %dma_start3A_70 = tpu.memref_slice %arg2[%dma_start3A_68, %dma_start3A_69] : memref<10240x128xf32, #tpu.memory_space<hbm>> -> memref<10240x128xf32, #tpu.memory_space<hbm>>
    tpu.enqueue_indirect_dma source(%dma_start3A_70 : memref<10240x128xf32, #tpu.memory_space<hbm>>) target(%arg6 : memref<320x128xf32, #tpu.memory_space<vmem>>) offsets(%dma_start3A_67 : memref<320xi32, #tpu.memory_space<vmem>>) semaphore(%arg7 : memref<!tpu.dma_semaphore, #tpu.memory_space<semaphore_mem>>) {add = true}
    %dma_start3A_71 = arith.constant 9 : i32
    %dma_start3A_72 = arith.constant 0 : i32
    %dma_start3A_73 = tpu.memref_slice %arg5[%dma_start3A_71, %dma_start3A_72] : memref<16x320xi32, #tpu.memory_space<vmem>> -> memref<1x320xi32, #tpu.memory_space<vmem>>
    %dma_start3A_74 = tpu.memref_squeeze %dma_start3A_73 : memref<1x320xi32, #tpu.memory_space<vmem>> -> memref<320xi32, #tpu.memory_space<vmem>>
    %dma_start3A_75 = arith.constant 0 : i32
    %dma_start3A_76 = arith.constant 0 : i32
    %dma_start3A_77 = tpu.memref_slice %arg2[%dma_start3A_75, %dma_start3A_76] : memref<10240x128xf32, #tpu.memory_space<hbm>> -> memref<10240x128xf32, #tpu.memory_space<hbm>>
    tpu.enqueue_indirect_dma source(%dma_start3A_77 : memref<10240x128xf32, #tpu.memory_space<hbm>>) target(%arg6 : memref<320x128xf32, #tpu.memory_space<vmem>>) offsets(%dma_start3A_74 : memref<320xi32, #tpu.memory_space<vmem>>) semaphore(%arg7 : memref<!tpu.dma_semaphore, #tpu.memory_space<semaphore_mem>>) {add = true}
    %dma_start3A_78 = arith.constant 10 : i32
    %dma_start3A_79 = arith.constant 0 : i32
    %dma_start3A_80 = tpu.memref_slice %arg5[%dma_start3A_78, %dma_start3A_79] : memref<16x320xi32, #tpu.memory_space<vmem>> -> memref<1x320xi32, #tpu.memory_space<vmem>>
    %dma_start3A_81 = tpu.memref_squeeze %dma_start3A_80 : memref<1x320xi32, #tpu.memory_space<vmem>> -> memref<320xi32, #tpu.memory_space<vmem>>
    %dma_start3A_82 = arith.constant 0 : i32
    %dma_start3A_83 = arith.constant 0 : i32
    %dma_start3A_84 = tpu.memref_slice %arg2[%dma_start3A_82, %dma_start3A_83] : memref<10240x128xf32, #tpu.memory_space<hbm>> -> memref<10240x128xf32, #tpu.memory_space<hbm>>
    tpu.enqueue_indirect_dma source(%dma_start3A_84 : memref<10240x128xf32, #tpu.memory_space<hbm>>) target(%arg6 : memref<320x128xf32, #tpu.memory_space<vmem>>) offsets(%dma_start3A_81 : memref<320xi32, #tpu.memory_space<vmem>>) semaphore(%arg7 : memref<!tpu.dma_semaphore, #tpu.memory_space<semaphore_mem>>) {add = true}
    %dma_start3A_85 = arith.constant 11 : i32
    %dma_start3A_86 = arith.constant 0 : i32
    %dma_start3A_87 = tpu.memref_slice %arg5[%dma_start3A_85, %dma_start3A_86] : memref<16x320xi32, #tpu.memory_space<vmem>> -> memref<1x320xi32, #tpu.memory_space<vmem>>
    %dma_start3A_88 = tpu.memref_squeeze %dma_start3A_87 : memref<1x320xi32, #tpu.memory_space<vmem>> -> memref<320xi32, #tpu.memory_space<vmem>>
    %dma_start3A_89 = arith.constant 0 : i32
    %dma_start3A_90 = arith.constant 0 : i32
    %dma_start3A_91 = tpu.memref_slice %arg2[%dma_start3A_89, %dma_start3A_90] : memref<10240x128xf32, #tpu.memory_space<hbm>> -> memref<10240x128xf32, #tpu.memory_space<hbm>>
    tpu.enqueue_indirect_dma source(%dma_start3A_91 : memref<10240x128xf32, #tpu.memory_space<hbm>>) target(%arg6 : memref<320x128xf32, #tpu.memory_space<vmem>>) offsets(%dma_start3A_88 : memref<320xi32, #tpu.memory_space<vmem>>) semaphore(%arg7 : memref<!tpu.dma_semaphore, #tpu.memory_space<semaphore_mem>>) {add = true}
    %dma_start3A_92 = arith.constant 12 : i32
    %dma_start3A_93 = arith.constant 0 : i32
    %dma_start3A_94 = tpu.memref_slice %arg5[%dma_start3A_92, %dma_start3A_93] : memref<16x320xi32, #tpu.memory_space<vmem>> -> memref<1x320xi32, #tpu.memory_space<vmem>>
    %dma_start3A_95 = tpu.memref_squeeze %dma_start3A_94 : memref<1x320xi32, #tpu.memory_space<vmem>> -> memref<320xi32, #tpu.memory_space<vmem>>
    %dma_start3A_96 = arith.constant 0 : i32
    %dma_start3A_97 = arith.constant 0 : i32
    %dma_start3A_98 = tpu.memref_slice %arg2[%dma_start3A_96, %dma_start3A_97] : memref<10240x128xf32, #tpu.memory_space<hbm>> -> memref<10240x128xf32, #tpu.memory_space<hbm>>
    tpu.enqueue_indirect_dma source(%dma_start3A_98 : memref<10240x128xf32, #tpu.memory_space<hbm>>) target(%arg6 : memref<320x128xf32, #tpu.memory_space<vmem>>) offsets(%dma_start3A_95 : memref<320xi32, #tpu.memory_space<vmem>>) semaphore(%arg7 : memref<!tpu.dma_semaphore, #tpu.memory_space<semaphore_mem>>) {add = true}
    %dma_start3A_99 = arith.constant 13 : i32
    %dma_start3A_100 = arith.constant 0 : i32
    %dma_start3A_101 = tpu.memref_slice %arg5[%dma_start3A_99, %dma_start3A_100] : memref<16x320xi32, #tpu.memory_space<vmem>> -> memref<1x320xi32, #tpu.memory_space<vmem>>
    %dma_start3A_102 = tpu.memref_squeeze %dma_start3A_101 : memref<1x320xi32, #tpu.memory_space<vmem>> -> memref<320xi32, #tpu.memory_space<vmem>>
    %dma_start3A_103 = arith.constant 0 : i32
    %dma_start3A_104 = arith.constant 0 : i32
    %dma_start3A_105 = tpu.memref_slice %arg2[%dma_start3A_103, %dma_start3A_104] : memref<10240x128xf32, #tpu.memory_space<hbm>> -> memref<10240x128xf32, #tpu.memory_space<hbm>>
    tpu.enqueue_indirect_dma source(%dma_start3A_105 : memref<10240x128xf32, #tpu.memory_space<hbm>>) target(%arg6 : memref<320x128xf32, #tpu.memory_space<vmem>>) offsets(%dma_start3A_102 : memref<320xi32, #tpu.memory_space<vmem>>) semaphore(%arg7 : memref<!tpu.dma_semaphore, #tpu.memory_space<semaphore_mem>>) {add = true}
    %dma_start3A_106 = arith.constant 14 : i32
    %dma_start3A_107 = arith.constant 0 : i32
    %dma_start3A_108 = tpu.memref_slice %arg5[%dma_start3A_106, %dma_start3A_107] : memref<16x320xi32, #tpu.memory_space<vmem>> -> memref<1x320xi32, #tpu.memory_space<vmem>>
    %dma_start3A_109 = tpu.memref_squeeze %dma_start3A_108 : memref<1x320xi32, #tpu.memory_space<vmem>> -> memref<320xi32, #tpu.memory_space<vmem>>
    %dma_start3A_110 = arith.constant 0 : i32
    %dma_start3A_111 = arith.constant 0 : i32
    %dma_start3A_112 = tpu.memref_slice %arg2[%dma_start3A_110, %dma_start3A_111] : memref<10240x128xf32, #tpu.memory_space<hbm>> -> memref<10240x128xf32, #tpu.memory_space<hbm>>
    tpu.enqueue_indirect_dma source(%dma_start3A_112 : memref<10240x128xf32, #tpu.memory_space<hbm>>) target(%arg6 : memref<320x128xf32, #tpu.memory_space<vmem>>) offsets(%dma_start3A_109 : memref<320xi32, #tpu.memory_space<vmem>>) semaphore(%arg7 : memref<!tpu.dma_semaphore, #tpu.memory_space<semaphore_mem>>) {add = true}
    %dma_start3A_113 = arith.constant 15 : i32
    %dma_start3A_114 = arith.constant 0 : i32
    %dma_start3A_115 = tpu.memref_slice %arg5[%dma_start3A_113, %dma_start3A_114] : memref<16x320xi32, #tpu.memory_space<vmem>> -> memref<1x320xi32, #tpu.memory_space<vmem>>
    %dma_start3A_116 = tpu.memref_squeeze %dma_start3A_115 : memref<1x320xi32, #tpu.memory_space<vmem>> -> memref<320xi32, #tpu.memory_space<vmem>>
    %dma_start3A_117 = arith.constant 0 : i32
    %dma_start3A_118 = arith.constant 0 : i32
    %dma_start3A_119 = tpu.memref_slice %arg2[%dma_start3A_117, %dma_start3A_118] : memref<10240x128xf32, #tpu.memory_space<hbm>> -> memref<10240x128xf32, #tpu.memory_space<hbm>>
    tpu.enqueue_indirect_dma source(%dma_start3A_119 : memref<10240x128xf32, #tpu.memory_space<hbm>>) target(%arg6 : memref<320x128xf32, #tpu.memory_space<vmem>>) offsets(%dma_start3A_116 : memref<320xi32, #tpu.memory_space<vmem>>) semaphore(%arg7 : memref<!tpu.dma_semaphore, #tpu.memory_space<semaphore_mem>>) {add = true}
    %dma_wait3A_120 = arith.constant 1 : i32
    %dma_wait3A_121 = arith.constant 0 : i32
    %dma_wait3A_122 = tpu.memref_slice %arg5[%dma_wait3A_120, %dma_wait3A_121] : memref<16x320xi32, #tpu.memory_space<vmem>> -> memref<1x320xi32, #tpu.memory_space<vmem>>
    %dma_wait3A_123 = tpu.memref_squeeze %dma_wait3A_122 : memref<1x320xi32, #tpu.memory_space<vmem>> -> memref<320xi32, #tpu.memory_space<vmem>>
    %dma_wait3A_124 = arith.constant 0 : i32
    %dma_wait3A_125 = arith.constant 0 : i32
    %dma_wait3A_126 = tpu.memref_slice %arg2[%dma_wait3A_124, %dma_wait3A_125] : memref<10240x128xf32, #tpu.memory_space<hbm>> -> memref<10240x128xf32, #tpu.memory_space<hbm>>
    tpu.wait_indirect_dma semaphore(%arg7 : memref<!tpu.dma_semaphore, #tpu.memory_space<semaphore_mem>>) src(%dma_wait3A_126 : memref<10240x128xf32, #tpu.memory_space<hbm>>) dst(%arg6 : memref<320x128xf32, #tpu.memory_space<vmem>>)
    %dma_wait3A_127 = arith.constant 2 : i32
    %dma_wait3A_128 = arith.constant 0 : i32
    %dma_wait3A_129 = tpu.memref_slice %arg5[%dma_wait3A_127, %dma_wait3A_128] : memref<16x320xi32, #tpu.memory_space<vmem>> -> memref<1x320xi32, #tpu.memory_space<vmem>>
    %dma_wait3A_130 = tpu.memref_squeeze %dma_wait3A_129 : memref<1x320xi32, #tpu.memory_space<vmem>> -> memref<320xi32, #tpu.memory_space<vmem>>
    %dma_wait3A_131 = arith.constant 0 : i32
    %dma_wait3A_132 = arith.constant 0 : i32
    %dma_wait3A_133 = tpu.memref_slice %arg2[%dma_wait3A_131, %dma_wait3A_132] : memref<10240x128xf32, #tpu.memory_space<hbm>> -> memref<10240x128xf32, #tpu.memory_space<hbm>>
    tpu.wait_indirect_dma semaphore(%arg7 : memref<!tpu.dma_semaphore, #tpu.memory_space<semaphore_mem>>) src(%dma_wait3A_133 : memref<10240x128xf32, #tpu.memory_space<hbm>>) dst(%arg6 : memref<320x128xf32, #tpu.memory_space<vmem>>)
    %dma_wait3A_134 = arith.constant 3 : i32
    %dma_wait3A_135 = arith.constant 0 : i32
    %dma_wait3A_136 = tpu.memref_slice %arg5[%dma_wait3A_134, %dma_wait3A_135] : memref<16x320xi32, #tpu.memory_space<vmem>> -> memref<1x320xi32, #tpu.memory_space<vmem>>
    %dma_wait3A_137 = tpu.memref_squeeze %dma_wait3A_136 : memref<1x320xi32, #tpu.memory_space<vmem>> -> memref<320xi32, #tpu.memory_space<vmem>>
    %dma_wait3A_138 = arith.constant 0 : i32
    %dma_wait3A_139 = arith.constant 0 : i32
    %dma_wait3A_140 = tpu.memref_slice %arg2[%dma_wait3A_138, %dma_wait3A_139] : memref<10240x128xf32, #tpu.memory_space<hbm>> -> memref<10240x128xf32, #tpu.memory_space<hbm>>
    tpu.wait_indirect_dma semaphore(%arg7 : memref<!tpu.dma_semaphore, #tpu.memory_space<semaphore_mem>>) src(%dma_wait3A_140 : memref<10240x128xf32, #tpu.memory_space<hbm>>) dst(%arg6 : memref<320x128xf32, #tpu.memory_space<vmem>>)
    %dma_wait3A_141 = arith.constant 4 : i32
    %dma_wait3A_142 = arith.constant 0 : i32
    %dma_wait3A_143 = tpu.memref_slice %arg5[%dma_wait3A_141, %dma_wait3A_142] : memref<16x320xi32, #tpu.memory_space<vmem>> -> memref<1x320xi32, #tpu.memory_space<vmem>>
    %dma_wait3A_144 = tpu.memref_squeeze %dma_wait3A_143 : memref<1x320xi32, #tpu.memory_space<vmem>> -> memref<320xi32, #tpu.memory_space<vmem>>
    %dma_wait3A_145 = arith.constant 0 : i32
    %dma_wait3A_146 = arith.constant 0 : i32
    %dma_wait3A_147 = tpu.memref_slice %arg2[%dma_wait3A_145, %dma_wait3A_146] : memref<10240x128xf32, #tpu.memory_space<hbm>> -> memref<10240x128xf32, #tpu.memory_space<hbm>>
    tpu.wait_indirect_dma semaphore(%arg7 : memref<!tpu.dma_semaphore, #tpu.memory_space<semaphore_mem>>) src(%dma_wait3A_147 : memref<10240x128xf32, #tpu.memory_space<hbm>>) dst(%arg6 : memref<320x128xf32, #tpu.memory_space<vmem>>)
    %dma_wait3A_148 = arith.constant 5 : i32
    %dma_wait3A_149 = arith.constant 0 : i32
    %dma_wait3A_150 = tpu.memref_slice %arg5[%dma_wait3A_148, %dma_wait3A_149] : memref<16x320xi32, #tpu.memory_space<vmem>> -> memref<1x320xi32, #tpu.memory_space<vmem>>
    %dma_wait3A_151 = tpu.memref_squeeze %dma_wait3A_150 : memref<1x320xi32, #tpu.memory_space<vmem>> -> memref<320xi32, #tpu.memory_space<vmem>>
    %dma_wait3A_152 = arith.constant 0 : i32
    %dma_wait3A_153 = arith.constant 0 : i32
    %dma_wait3A_154 = tpu.memref_slice %arg2[%dma_wait3A_152, %dma_wait3A_153] : memref<10240x128xf32, #tpu.memory_space<hbm>> -> memref<10240x128xf32, #tpu.memory_space<hbm>>
    tpu.wait_indirect_dma semaphore(%arg7 : memref<!tpu.dma_semaphore, #tpu.memory_space<semaphore_mem>>) src(%dma_wait3A_154 : memref<10240x128xf32, #tpu.memory_space<hbm>>) dst(%arg6 : memref<320x128xf32, #tpu.memory_space<vmem>>)
    %dma_wait3A_155 = arith.constant 6 : i32
    %dma_wait3A_156 = arith.constant 0 : i32
    %dma_wait3A_157 = tpu.memref_slice %arg5[%dma_wait3A_155, %dma_wait3A_156] : memref<16x320xi32, #tpu.memory_space<vmem>> -> memref<1x320xi32, #tpu.memory_space<vmem>>
    %dma_wait3A_158 = tpu.memref_squeeze %dma_wait3A_157 : memref<1x320xi32, #tpu.memory_space<vmem>> -> memref<320xi32, #tpu.memory_space<vmem>>
    %dma_wait3A_159 = arith.constant 0 : i32
    %dma_wait3A_160 = arith.constant 0 : i32
    %dma_wait3A_161 = tpu.memref_slice %arg2[%dma_wait3A_159, %dma_wait3A_160] : memref<10240x128xf32, #tpu.memory_space<hbm>> -> memref<10240x128xf32, #tpu.memory_space<hbm>>
    tpu.wait_indirect_dma semaphore(%arg7 : memref<!tpu.dma_semaphore, #tpu.memory_space<semaphore_mem>>) src(%dma_wait3A_161 : memref<10240x128xf32, #tpu.memory_space<hbm>>) dst(%arg6 : memref<320x128xf32, #tpu.memory_space<vmem>>)
    %dma_wait3A_162 = arith.constant 7 : i32
    %dma_wait3A_163 = arith.constant 0 : i32
    %dma_wait3A_164 = tpu.memref_slice %arg5[%dma_wait3A_162, %dma_wait3A_163] : memref<16x320xi32, #tpu.memory_space<vmem>> -> memref<1x320xi32, #tpu.memory_space<vmem>>
    %dma_wait3A_165 = tpu.memref_squeeze %dma_wait3A_164 : memref<1x320xi32, #tpu.memory_space<vmem>> -> memref<320xi32, #tpu.memory_space<vmem>>
    %dma_wait3A_166 = arith.constant 0 : i32
    %dma_wait3A_167 = arith.constant 0 : i32
    %dma_wait3A_168 = tpu.memref_slice %arg2[%dma_wait3A_166, %dma_wait3A_167] : memref<10240x128xf32, #tpu.memory_space<hbm>> -> memref<10240x128xf32, #tpu.memory_space<hbm>>
    tpu.wait_indirect_dma semaphore(%arg7 : memref<!tpu.dma_semaphore, #tpu.memory_space<semaphore_mem>>) src(%dma_wait3A_168 : memref<10240x128xf32, #tpu.memory_space<hbm>>) dst(%arg6 : memref<320x128xf32, #tpu.memory_space<vmem>>)
    %dma_wait3A_169 = arith.constant 8 : i32
    %dma_wait3A_170 = arith.constant 0 : i32
    %dma_wait3A_171 = tpu.memref_slice %arg5[%dma_wait3A_169, %dma_wait3A_170] : memref<16x320xi32, #tpu.memory_space<vmem>> -> memref<1x320xi32, #tpu.memory_space<vmem>>
    %dma_wait3A_172 = tpu.memref_squeeze %dma_wait3A_171 : memref<1x320xi32, #tpu.memory_space<vmem>> -> memref<320xi32, #tpu.memory_space<vmem>>
    %dma_wait3A_173 = arith.constant 0 : i32
    %dma_wait3A_174 = arith.constant 0 : i32
    %dma_wait3A_175 = tpu.memref_slice %arg2[%dma_wait3A_173, %dma_wait3A_174] : memref<10240x128xf32, #tpu.memory_space<hbm>> -> memref<10240x128xf32, #tpu.memory_space<hbm>>
    tpu.wait_indirect_dma semaphore(%arg7 : memref<!tpu.dma_semaphore, #tpu.memory_space<semaphore_mem>>) src(%dma_wait3A_175 : memref<10240x128xf32, #tpu.memory_space<hbm>>) dst(%arg6 : memref<320x128xf32, #tpu.memory_space<vmem>>)
    %dma_wait3A_176 = arith.constant 9 : i32
    %dma_wait3A_177 = arith.constant 0 : i32
    %dma_wait3A_178 = tpu.memref_slice %arg5[%dma_wait3A_176, %dma_wait3A_177] : memref<16x320xi32, #tpu.memory_space<vmem>> -> memref<1x320xi32, #tpu.memory_space<vmem>>
    %dma_wait3A_179 = tpu.memref_squeeze %dma_wait3A_178 : memref<1x320xi32, #tpu.memory_space<vmem>> -> memref<320xi32, #tpu.memory_space<vmem>>
    %dma_wait3A_180 = arith.constant 0 : i32
    %dma_wait3A_181 = arith.constant 0 : i32
    %dma_wait3A_182 = tpu.memref_slice %arg2[%dma_wait3A_180, %dma_wait3A_181] : memref<10240x128xf32, #tpu.memory_space<hbm>> -> memref<10240x128xf32, #tpu.memory_space<hbm>>
    tpu.wait_indirect_dma semaphore(%arg7 : memref<!tpu.dma_semaphore, #tpu.memory_space<semaphore_mem>>) src(%dma_wait3A_182 : memref<10240x128xf32, #tpu.memory_space<hbm>>) dst(%arg6 : memref<320x128xf32, #tpu.memory_space<vmem>>)
    %dma_wait3A_183 = arith.constant 10 : i32
    %dma_wait3A_184 = arith.constant 0 : i32
    %dma_wait3A_185 = tpu.memref_slice %arg5[%dma_wait3A_183, %dma_wait3A_184] : memref<16x320xi32, #tpu.memory_space<vmem>> -> memref<1x320xi32, #tpu.memory_space<vmem>>
    %dma_wait3A_186 = tpu.memref_squeeze %dma_wait3A_185 : memref<1x320xi32, #tpu.memory_space<vmem>> -> memref<320xi32, #tpu.memory_space<vmem>>
    %dma_wait3A_187 = arith.constant 0 : i32
    %dma_wait3A_188 = arith.constant 0 : i32
    %dma_wait3A_189 = tpu.memref_slice %arg2[%dma_wait3A_187, %dma_wait3A_188] : memref<10240x128xf32, #tpu.memory_space<hbm>> -> memref<10240x128xf32, #tpu.memory_space<hbm>>
    tpu.wait_indirect_dma semaphore(%arg7 : memref<!tpu.dma_semaphore, #tpu.memory_space<semaphore_mem>>) src(%dma_wait3A_189 : memref<10240x128xf32, #tpu.memory_space<hbm>>) dst(%arg6 : memref<320x128xf32, #tpu.memory_space<vmem>>)
    %dma_wait3A_190 = arith.constant 11 : i32
    %dma_wait3A_191 = arith.constant 0 : i32
    %dma_wait3A_192 = tpu.memref_slice %arg5[%dma_wait3A_190, %dma_wait3A_191] : memref<16x320xi32, #tpu.memory_space<vmem>> -> memref<1x320xi32, #tpu.memory_space<vmem>>
    %dma_wait3A_193 = tpu.memref_squeeze %dma_wait3A_192 : memref<1x320xi32, #tpu.memory_space<vmem>> -> memref<320xi32, #tpu.memory_space<vmem>>
    %dma_wait3A_194 = arith.constant 0 : i32
    %dma_wait3A_195 = arith.constant 0 : i32
    %dma_wait3A_196 = tpu.memref_slice %arg2[%dma_wait3A_194, %dma_wait3A_195] : memref<10240x128xf32, #tpu.memory_space<hbm>> -> memref<10240x128xf32, #tpu.memory_space<hbm>>
    tpu.wait_indirect_dma semaphore(%arg7 : memref<!tpu.dma_semaphore, #tpu.memory_space<semaphore_mem>>) src(%dma_wait3A_196 : memref<10240x128xf32, #tpu.memory_space<hbm>>) dst(%arg6 : memref<320x128xf32, #tpu.memory_space<vmem>>)
    %dma_wait3A_197 = arith.constant 12 : i32
    %dma_wait3A_198 = arith.constant 0 : i32
    %dma_wait3A_199 = tpu.memref_slice %arg5[%dma_wait3A_197, %dma_wait3A_198] : memref<16x320xi32, #tpu.memory_space<vmem>> -> memref<1x320xi32, #tpu.memory_space<vmem>>
    %dma_wait3A_200 = tpu.memref_squeeze %dma_wait3A_199 : memref<1x320xi32, #tpu.memory_space<vmem>> -> memref<320xi32, #tpu.memory_space<vmem>>
    %dma_wait3A_201 = arith.constant 0 : i32
    %dma_wait3A_202 = arith.constant 0 : i32
    %dma_wait3A_203 = tpu.memref_slice %arg2[%dma_wait3A_201, %dma_wait3A_202] : memref<10240x128xf32, #tpu.memory_space<hbm>> -> memref<10240x128xf32, #tpu.memory_space<hbm>>
    tpu.wait_indirect_dma semaphore(%arg7 : memref<!tpu.dma_semaphore, #tpu.memory_space<semaphore_mem>>) src(%dma_wait3A_203 : memref<10240x128xf32, #tpu.memory_space<hbm>>) dst(%arg6 : memref<320x128xf32, #tpu.memory_space<vmem>>)
    %dma_wait3A_204 = arith.constant 13 : i32
    %dma_wait3A_205 = arith.constant 0 : i32
    %dma_wait3A_206 = tpu.memref_slice %arg5[%dma_wait3A_204, %dma_wait3A_205] : memref<16x320xi32, #tpu.memory_space<vmem>> -> memref<1x320xi32, #tpu.memory_space<vmem>>
    %dma_wait3A_207 = tpu.memref_squeeze %dma_wait3A_206 : memref<1x320xi32, #tpu.memory_space<vmem>> -> memref<320xi32, #tpu.memory_space<vmem>>
    %dma_wait3A_208 = arith.constant 0 : i32
    %dma_wait3A_209 = arith.constant 0 : i32
    %dma_wait3A_210 = tpu.memref_slice %arg2[%dma_wait3A_208, %dma_wait3A_209] : memref<10240x128xf32, #tpu.memory_space<hbm>> -> memref<10240x128xf32, #tpu.memory_space<hbm>>
    tpu.wait_indirect_dma semaphore(%arg7 : memref<!tpu.dma_semaphore, #tpu.memory_space<semaphore_mem>>) src(%dma_wait3A_210 : memref<10240x128xf32, #tpu.memory_space<hbm>>) dst(%arg6 : memref<320x128xf32, #tpu.memory_space<vmem>>)
    %dma_wait3A_211 = arith.constant 14 : i32
    %dma_wait3A_212 = arith.constant 0 : i32
    %dma_wait3A_213 = tpu.memref_slice %arg5[%dma_wait3A_211, %dma_wait3A_212] : memref<16x320xi32, #tpu.memory_space<vmem>> -> memref<1x320xi32, #tpu.memory_space<vmem>>
    %dma_wait3A_214 = tpu.memref_squeeze %dma_wait3A_213 : memref<1x320xi32, #tpu.memory_space<vmem>> -> memref<320xi32, #tpu.memory_space<vmem>>
    %dma_wait3A_215 = arith.constant 0 : i32
    %dma_wait3A_216 = arith.constant 0 : i32
    %dma_wait3A_217 = tpu.memref_slice %arg2[%dma_wait3A_215, %dma_wait3A_216] : memref<10240x128xf32, #tpu.memory_space<hbm>> -> memref<10240x128xf32, #tpu.memory_space<hbm>>
    tpu.wait_indirect_dma semaphore(%arg7 : memref<!tpu.dma_semaphore, #tpu.memory_space<semaphore_mem>>) src(%dma_wait3A_217 : memref<10240x128xf32, #tpu.memory_space<hbm>>) dst(%arg6 : memref<320x128xf32, #tpu.memory_space<vmem>>)
    %dma_wait3A_218 = arith.constant 15 : i32
    %dma_wait3A_219 = arith.constant 0 : i32
    %dma_wait3A_220 = tpu.memref_slice %arg5[%dma_wait3A_218, %dma_wait3A_219] : memref<16x320xi32, #tpu.memory_space<vmem>> -> memref<1x320xi32, #tpu.memory_space<vmem>>
    %dma_wait3A_221 = tpu.memref_squeeze %dma_wait3A_220 : memref<1x320xi32, #tpu.memory_space<vmem>> -> memref<320xi32, #tpu.memory_space<vmem>>
    %dma_wait3A_222 = arith.constant 0 : i32
    %dma_wait3A_223 = arith.constant 0 : i32
    %dma_wait3A_224 = tpu.memref_slice %arg2[%dma_wait3A_222, %dma_wait3A_223] : memref<10240x128xf32, #tpu.memory_space<hbm>> -> memref<10240x128xf32, #tpu.memory_space<hbm>>
    tpu.wait_indirect_dma semaphore(%arg7 : memref<!tpu.dma_semaphore, #tpu.memory_space<semaphore_mem>>) src(%dma_wait3A_224 : memref<10240x128xf32, #tpu.memory_space<hbm>>) dst(%arg6 : memref<320x128xf32, #tpu.memory_space<vmem>>)
    "tpu.region"() ({
      %run_scoped3A = tpu.sem_alloc : memref<!tpu.dma_semaphore, #tpu.memory_space<semaphore_mem>>
      %dma_start3A_225 = arith.constant 0 : i32
      %dma_start3A_226 = tpu.memref_slice %arg4[%mul3A_2, %dma_start3A_225] : memref<10240x128xf32, #tpu.memory_space<hbm>> -> memref<320x128xf32, #tpu.memory_space<hbm>>
      %dma_start3A_227 = arith.constant 0 : i32
      %dma_start3A_228 = tpu.memref_slice %arg4[%mul3A_2, %dma_start3A_227] : memref<10240x128xf32, #tpu.memory_space<hbm>> -> memref<320x128xf32, #tpu.memory_space<hbm>>
      tpu.enqueue_dma source(%arg6 : memref<320x128xf32, #tpu.memory_space<vmem>>) target(%dma_start3A_228 : memref<320x128xf32, #tpu.memory_space<hbm>>) target_semaphore(%run_scoped3A : memref<!tpu.dma_semaphore, #tpu.memory_space<semaphore_mem>>)
      %dma_wait3A_229 = arith.constant 0 : i32
      %dma_wait3A_230 = tpu.memref_slice %arg4[%mul3A_2, %dma_wait3A_229] : memref<10240x128xf32, #tpu.memory_space<hbm>> -> memref<320x128xf32, #tpu.memory_space<hbm>>
      %dma_wait3A_231 = arith.constant 0 : i32
      %dma_wait3A_232 = tpu.memref_slice %arg4[%mul3A_2, %dma_wait3A_231] : memref<10240x128xf32, #tpu.memory_space<hbm>> -> memref<320x128xf32, #tpu.memory_space<hbm>>
      tpu.wait_dma2 semaphore(%run_scoped3A : memref<!tpu.dma_semaphore, #tpu.memory_space<semaphore_mem>>) src(%arg6 : memref<320x128xf32, #tpu.memory_space<vmem>>) dst(%dma_wait3A_232 : memref<320x128xf32, #tpu.memory_space<hbm>>)
      tpu.yield
    }) : () -> ()
    return
  }
}

#map = affine_map<(d0, d1) -> (0, 0)>
#map1 = affine_map<(d0, d1) -> (0, 0, 0)>
module attributes {stable_mosaic.version = 14 : i64} {
  func.func @k(%arg0: i32, %arg1: i32, %arg2: memref<10240x128xf32, #tpu.memory_space<hbm>>, %arg3: memref<32x16x320xi32, #tpu.memory_space<hbm>>, %arg4: memref<10240x128xf32, #tpu.memory_space<hbm>>, %arg5: memref<16x320xi32, #tpu.memory_space<vmem>>, %arg6: memref<320x128xf32, #tpu.memory_space<vmem>>, %arg7: memref<!tpu.dma_semaphore, #tpu.memory_space<semaphore_mem>>) attributes {dimension_semantics = [#tpu.dimension_semantics<core_parallel>, #tpu.dimension_semantics<subcore_parallel>], iteration_bounds = array<i64: 2, 16>, scalar_prefetch = 0 : i64, scratch_operands = 3 : i64, tpu.core_type = #tpu.core_type<sc_vector_subcore>, window_params = [{transform_indices = #map}, {transform_indices = #map1}, {transform_indices = #map}]} {
    %mul3A = arith.constant 2 : i32
    %mul3A_0 = arith.muli %arg1, %mul3A : i32
    %add3A = arith.addi %mul3A_0, %arg0 : i32
    %mul3A_1 = arith.constant 320 : i32
    %mul3A_2 = arith.muli %add3A, %mul3A_1 : i32
    "tpu.region"() ({
      %run_scoped3A = tpu.sem_alloc : memref<!tpu.dma_semaphore, #tpu.memory_space<semaphore_mem>>
      %dma_start3A_225 = arith.constant 0 : i32
      %dma_start3A_226 = arith.constant 0 : i32
      %dma_start3A_227 = tpu.memref_slice %arg3[%add3A, %dma_start3A_225, %dma_start3A_226] : memref<32x16x320xi32, #tpu.memory_space<hbm>> -> memref<1x16x320xi32, #tpu.memory_space<hbm>>
      %dma_start3A_228 = tpu.memref_squeeze %dma_start3A_227 : memref<1x16x320xi32, #tpu.memory_space<hbm>> -> memref<16x320xi32, #tpu.memory_space<hbm>>
      %dma_start3A_229 = arith.constant 0 : i32
      %dma_start3A_230 = arith.constant 0 : i32
      %dma_start3A_231 = tpu.memref_slice %arg3[%add3A, %dma_start3A_229, %dma_start3A_230] : memref<32x16x320xi32, #tpu.memory_space<hbm>> -> memref<1x16x320xi32, #tpu.memory_space<hbm>>
      %dma_start3A_232 = tpu.memref_squeeze %dma_start3A_231 : memref<1x16x320xi32, #tpu.memory_space<hbm>> -> memref<16x320xi32, #tpu.memory_space<hbm>>
      tpu.enqueue_dma source(%dma_start3A_232 : memref<16x320xi32, #tpu.memory_space<hbm>>) target(%arg5 : memref<16x320xi32, #tpu.memory_space<vmem>>) target_semaphore(%run_scoped3A : memref<!tpu.dma_semaphore, #tpu.memory_space<semaphore_mem>>)
      %dma_wait3A_233 = arith.constant 0 : i32
      %dma_wait3A_234 = arith.constant 0 : i32
      %dma_wait3A_235 = tpu.memref_slice %arg3[%add3A, %dma_wait3A_233, %dma_wait3A_234] : memref<32x16x320xi32, #tpu.memory_space<hbm>> -> memref<1x16x320xi32, #tpu.memory_space<hbm>>
      %dma_wait3A_236 = tpu.memref_squeeze %dma_wait3A_235 : memref<1x16x320xi32, #tpu.memory_space<hbm>> -> memref<16x320xi32, #tpu.memory_space<hbm>>
      %dma_wait3A_237 = arith.constant 0 : i32
      %dma_wait3A_238 = arith.constant 0 : i32
      %dma_wait3A_239 = tpu.memref_slice %arg3[%add3A, %dma_wait3A_237, %dma_wait3A_238] : memref<32x16x320xi32, #tpu.memory_space<hbm>> -> memref<1x16x320xi32, #tpu.memory_space<hbm>>
      %dma_wait3A_240 = tpu.memref_squeeze %dma_wait3A_239 : memref<1x16x320xi32, #tpu.memory_space<hbm>> -> memref<16x320xi32, #tpu.memory_space<hbm>>
      tpu.wait_dma2 semaphore(%run_scoped3A : memref<!tpu.dma_semaphore, #tpu.memory_space<semaphore_mem>>) src(%dma_wait3A_240 : memref<16x320xi32, #tpu.memory_space<hbm>>) dst(%arg5 : memref<16x320xi32, #tpu.memory_space<vmem>>)
      tpu.yield
    }) : () -> ()
    %dma_start3A = arith.constant 0 : i32
    %dma_start3A_3 = arith.constant 0 : i32
    %dma_start3A_4 = tpu.memref_slice %arg5[%dma_start3A, %dma_start3A_3] : memref<16x320xi32, #tpu.memory_space<vmem>> -> memref<1x320xi32, #tpu.memory_space<vmem>>
    %dma_start3A_5 = tpu.memref_squeeze %dma_start3A_4 : memref<1x320xi32, #tpu.memory_space<vmem>> -> memref<320xi32, #tpu.memory_space<vmem>>
    %dma_start3A_6 = arith.constant 0 : i32
    %dma_start3A_7 = arith.constant 0 : i32
    %dma_start3A_8 = tpu.memref_slice %arg2[%dma_start3A_6, %dma_start3A_7] : memref<10240x128xf32, #tpu.memory_space<hbm>> -> memref<10240x128xf32, #tpu.memory_space<hbm>>
    tpu.enqueue_indirect_dma source(%dma_start3A_8 : memref<10240x128xf32, #tpu.memory_space<hbm>>) target(%arg6 : memref<320x128xf32, #tpu.memory_space<vmem>>) offsets(%dma_start3A_5 : memref<320xi32, #tpu.memory_space<vmem>>) semaphore(%arg7 : memref<!tpu.dma_semaphore, #tpu.memory_space<semaphore_mem>>)
    %dma_wait3A = arith.constant 0 : i32
    %dma_wait3A_9 = arith.constant 0 : i32
    %dma_wait3A_10 = tpu.memref_slice %arg5[%dma_wait3A, %dma_wait3A_9] : memref<16x320xi32, #tpu.memory_space<vmem>> -> memref<1x320xi32, #tpu.memory_space<vmem>>
    %dma_wait3A_11 = tpu.memref_squeeze %dma_wait3A_10 : memref<1x320xi32, #tpu.memory_space<vmem>> -> memref<320xi32, #tpu.memory_space<vmem>>
    %dma_wait3A_12 = arith.constant 0 : i32
    %dma_wait3A_13 = arith.constant 0 : i32
    %dma_wait3A_14 = tpu.memref_slice %arg2[%dma_wait3A_12, %dma_wait3A_13] : memref<10240x128xf32, #tpu.memory_space<hbm>> -> memref<10240x128xf32, #tpu.memory_space<hbm>>
    tpu.wait_indirect_dma semaphore(%arg7 : memref<!tpu.dma_semaphore, #tpu.memory_space<semaphore_mem>>) src(%dma_wait3A_14 : memref<10240x128xf32, #tpu.memory_space<hbm>>) dst(%arg6 : memref<320x128xf32, #tpu.memory_space<vmem>>)
    %dma_start3A_15 = arith.constant 1 : i32
    %dma_start3A_16 = arith.constant 0 : i32
    %dma_start3A_17 = tpu.memref_slice %arg5[%dma_start3A_15, %dma_start3A_16] : memref<16x320xi32, #tpu.memory_space<vmem>> -> memref<1x320xi32, #tpu.memory_space<vmem>>
    %dma_start3A_18 = tpu.memref_squeeze %dma_start3A_17 : memref<1x320xi32, #tpu.memory_space<vmem>> -> memref<320xi32, #tpu.memory_space<vmem>>
    %dma_start3A_19 = arith.constant 0 : i32
    %dma_start3A_20 = arith.constant 0 : i32
    %dma_start3A_21 = tpu.memref_slice %arg2[%dma_start3A_19, %dma_start3A_20] : memref<10240x128xf32, #tpu.memory_space<hbm>> -> memref<10240x128xf32, #tpu.memory_space<hbm>>
    tpu.enqueue_indirect_dma source(%dma_start3A_21 : memref<10240x128xf32, #tpu.memory_space<hbm>>) target(%arg6 : memref<320x128xf32, #tpu.memory_space<vmem>>) offsets(%dma_start3A_18 : memref<320xi32, #tpu.memory_space<vmem>>) semaphore(%arg7 : memref<!tpu.dma_semaphore, #tpu.memory_space<semaphore_mem>>) {add = true}
    %dma_start3A_22 = arith.constant 2 : i32
    %dma_start3A_23 = arith.constant 0 : i32
    %dma_start3A_24 = tpu.memref_slice %arg5[%dma_start3A_22, %dma_start3A_23] : memref<16x320xi32, #tpu.memory_space<vmem>> -> memref<1x320xi32, #tpu.memory_space<vmem>>
    %dma_start3A_25 = tpu.memref_squeeze %dma_start3A_24 : memref<1x320xi32, #tpu.memory_space<vmem>> -> memref<320xi32, #tpu.memory_space<vmem>>
    %dma_start3A_26 = arith.constant 0 : i32
    %dma_start3A_27 = arith.constant 0 : i32
    %dma_start3A_28 = tpu.memref_slice %arg2[%dma_start3A_26, %dma_start3A_27] : memref<10240x128xf32, #tpu.memory_space<hbm>> -> memref<10240x128xf32, #tpu.memory_space<hbm>>
    tpu.enqueue_indirect_dma source(%dma_start3A_28 : memref<10240x128xf32, #tpu.memory_space<hbm>>) target(%arg6 : memref<320x128xf32, #tpu.memory_space<vmem>>) offsets(%dma_start3A_25 : memref<320xi32, #tpu.memory_space<vmem>>) semaphore(%arg7 : memref<!tpu.dma_semaphore, #tpu.memory_space<semaphore_mem>>) {add = true}
    %dma_start3A_29 = arith.constant 3 : i32
    %dma_start3A_30 = arith.constant 0 : i32
    %dma_start3A_31 = tpu.memref_slice %arg5[%dma_start3A_29, %dma_start3A_30] : memref<16x320xi32, #tpu.memory_space<vmem>> -> memref<1x320xi32, #tpu.memory_space<vmem>>
    %dma_start3A_32 = tpu.memref_squeeze %dma_start3A_31 : memref<1x320xi32, #tpu.memory_space<vmem>> -> memref<320xi32, #tpu.memory_space<vmem>>
    %dma_start3A_33 = arith.constant 0 : i32
    %dma_start3A_34 = arith.constant 0 : i32
    %dma_start3A_35 = tpu.memref_slice %arg2[%dma_start3A_33, %dma_start3A_34] : memref<10240x128xf32, #tpu.memory_space<hbm>> -> memref<10240x128xf32, #tpu.memory_space<hbm>>
    tpu.enqueue_indirect_dma source(%dma_start3A_35 : memref<10240x128xf32, #tpu.memory_space<hbm>>) target(%arg6 : memref<320x128xf32, #tpu.memory_space<vmem>>) offsets(%dma_start3A_32 : memref<320xi32, #tpu.memory_space<vmem>>) semaphore(%arg7 : memref<!tpu.dma_semaphore, #tpu.memory_space<semaphore_mem>>) {add = true}
    %dma_start3A_36 = arith.constant 4 : i32
    %dma_start3A_37 = arith.constant 0 : i32
    %dma_start3A_38 = tpu.memref_slice %arg5[%dma_start3A_36, %dma_start3A_37] : memref<16x320xi32, #tpu.memory_space<vmem>> -> memref<1x320xi32, #tpu.memory_space<vmem>>
    %dma_start3A_39 = tpu.memref_squeeze %dma_start3A_38 : memref<1x320xi32, #tpu.memory_space<vmem>> -> memref<320xi32, #tpu.memory_space<vmem>>
    %dma_start3A_40 = arith.constant 0 : i32
    %dma_start3A_41 = arith.constant 0 : i32
    %dma_start3A_42 = tpu.memref_slice %arg2[%dma_start3A_40, %dma_start3A_41] : memref<10240x128xf32, #tpu.memory_space<hbm>> -> memref<10240x128xf32, #tpu.memory_space<hbm>>
    tpu.enqueue_indirect_dma source(%dma_start3A_42 : memref<10240x128xf32, #tpu.memory_space<hbm>>) target(%arg6 : memref<320x128xf32, #tpu.memory_space<vmem>>) offsets(%dma_start3A_39 : memref<320xi32, #tpu.memory_space<vmem>>) semaphore(%arg7 : memref<!tpu.dma_semaphore, #tpu.memory_space<semaphore_mem>>) {add = true}
    %dma_start3A_43 = arith.constant 5 : i32
    %dma_start3A_44 = arith.constant 0 : i32
    %dma_start3A_45 = tpu.memref_slice %arg5[%dma_start3A_43, %dma_start3A_44] : memref<16x320xi32, #tpu.memory_space<vmem>> -> memref<1x320xi32, #tpu.memory_space<vmem>>
    %dma_start3A_46 = tpu.memref_squeeze %dma_start3A_45 : memref<1x320xi32, #tpu.memory_space<vmem>> -> memref<320xi32, #tpu.memory_space<vmem>>
    %dma_start3A_47 = arith.constant 0 : i32
    %dma_start3A_48 = arith.constant 0 : i32
    %dma_start3A_49 = tpu.memref_slice %arg2[%dma_start3A_47, %dma_start3A_48] : memref<10240x128xf32, #tpu.memory_space<hbm>> -> memref<10240x128xf32, #tpu.memory_space<hbm>>
    tpu.enqueue_indirect_dma source(%dma_start3A_49 : memref<10240x128xf32, #tpu.memory_space<hbm>>) target(%arg6 : memref<320x128xf32, #tpu.memory_space<vmem>>) offsets(%dma_start3A_46 : memref<320xi32, #tpu.memory_space<vmem>>) semaphore(%arg7 : memref<!tpu.dma_semaphore, #tpu.memory_space<semaphore_mem>>) {add = true}
    %dma_start3A_50 = arith.constant 6 : i32
    %dma_start3A_51 = arith.constant 0 : i32
    %dma_start3A_52 = tpu.memref_slice %arg5[%dma_start3A_50, %dma_start3A_51] : memref<16x320xi32, #tpu.memory_space<vmem>> -> memref<1x320xi32, #tpu.memory_space<vmem>>
    %dma_start3A_53 = tpu.memref_squeeze %dma_start3A_52 : memref<1x320xi32, #tpu.memory_space<vmem>> -> memref<320xi32, #tpu.memory_space<vmem>>
    %dma_start3A_54 = arith.constant 0 : i32
    %dma_start3A_55 = arith.constant 0 : i32
    %dma_start3A_56 = tpu.memref_slice %arg2[%dma_start3A_54, %dma_start3A_55] : memref<10240x128xf32, #tpu.memory_space<hbm>> -> memref<10240x128xf32, #tpu.memory_space<hbm>>
    tpu.enqueue_indirect_dma source(%dma_start3A_56 : memref<10240x128xf32, #tpu.memory_space<hbm>>) target(%arg6 : memref<320x128xf32, #tpu.memory_space<vmem>>) offsets(%dma_start3A_53 : memref<320xi32, #tpu.memory_space<vmem>>) semaphore(%arg7 : memref<!tpu.dma_semaphore, #tpu.memory_space<semaphore_mem>>) {add = true}
    %dma_start3A_57 = arith.constant 7 : i32
    %dma_start3A_58 = arith.constant 0 : i32
    %dma_start3A_59 = tpu.memref_slice %arg5[%dma_start3A_57, %dma_start3A_58] : memref<16x320xi32, #tpu.memory_space<vmem>> -> memref<1x320xi32, #tpu.memory_space<vmem>>
    %dma_start3A_60 = tpu.memref_squeeze %dma_start3A_59 : memref<1x320xi32, #tpu.memory_space<vmem>> -> memref<320xi32, #tpu.memory_space<vmem>>
    %dma_start3A_61 = arith.constant 0 : i32
    %dma_start3A_62 = arith.constant 0 : i32
    %dma_start3A_63 = tpu.memref_slice %arg2[%dma_start3A_61, %dma_start3A_62] : memref<10240x128xf32, #tpu.memory_space<hbm>> -> memref<10240x128xf32, #tpu.memory_space<hbm>>
    tpu.enqueue_indirect_dma source(%dma_start3A_63 : memref<10240x128xf32, #tpu.memory_space<hbm>>) target(%arg6 : memref<320x128xf32, #tpu.memory_space<vmem>>) offsets(%dma_start3A_60 : memref<320xi32, #tpu.memory_space<vmem>>) semaphore(%arg7 : memref<!tpu.dma_semaphore, #tpu.memory_space<semaphore_mem>>) {add = true}
    %dma_start3A_64 = arith.constant 8 : i32
    %dma_start3A_65 = arith.constant 0 : i32
    %dma_start3A_66 = tpu.memref_slice %arg5[%dma_start3A_64, %dma_start3A_65] : memref<16x320xi32, #tpu.memory_space<vmem>> -> memref<1x320xi32, #tpu.memory_space<vmem>>
    %dma_start3A_67 = tpu.memref_squeeze %dma_start3A_66 : memref<1x320xi32, #tpu.memory_space<vmem>> -> memref<320xi32, #tpu.memory_space<vmem>>
    %dma_start3A_68 = arith.constant 0 : i32
    %dma_start3A_69 = arith.constant 0 : i32
    %dma_start3A_70 = tpu.memref_slice %arg2[%dma_start3A_68, %dma_start3A_69] : memref<10240x128xf32, #tpu.memory_space<hbm>> -> memref<10240x128xf32, #tpu.memory_space<hbm>>
    tpu.enqueue_indirect_dma source(%dma_start3A_70 : memref<10240x128xf32, #tpu.memory_space<hbm>>) target(%arg6 : memref<320x128xf32, #tpu.memory_space<vmem>>) offsets(%dma_start3A_67 : memref<320xi32, #tpu.memory_space<vmem>>) semaphore(%arg7 : memref<!tpu.dma_semaphore, #tpu.memory_space<semaphore_mem>>) {add = true}
    %dma_start3A_71 = arith.constant 9 : i32
    %dma_start3A_72 = arith.constant 0 : i32
    %dma_start3A_73 = tpu.memref_slice %arg5[%dma_start3A_71, %dma_start3A_72] : memref<16x320xi32, #tpu.memory_space<vmem>> -> memref<1x320xi32, #tpu.memory_space<vmem>>
    %dma_start3A_74 = tpu.memref_squeeze %dma_start3A_73 : memref<1x320xi32, #tpu.memory_space<vmem>> -> memref<320xi32, #tpu.memory_space<vmem>>
    %dma_start3A_75 = arith.constant 0 : i32
    %dma_start3A_76 = arith.constant 0 : i32
    %dma_start3A_77 = tpu.memref_slice %arg2[%dma_start3A_75, %dma_start3A_76] : memref<10240x128xf32, #tpu.memory_space<hbm>> -> memref<10240x128xf32, #tpu.memory_space<hbm>>
    tpu.enqueue_indirect_dma source(%dma_start3A_77 : memref<10240x128xf32, #tpu.memory_space<hbm>>) target(%arg6 : memref<320x128xf32, #tpu.memory_space<vmem>>) offsets(%dma_start3A_74 : memref<320xi32, #tpu.memory_space<vmem>>) semaphore(%arg7 : memref<!tpu.dma_semaphore, #tpu.memory_space<semaphore_mem>>) {add = true}
    %dma_start3A_78 = arith.constant 10 : i32
    %dma_start3A_79 = arith.constant 0 : i32
    %dma_start3A_80 = tpu.memref_slice %arg5[%dma_start3A_78, %dma_start3A_79] : memref<16x320xi32, #tpu.memory_space<vmem>> -> memref<1x320xi32, #tpu.memory_space<vmem>>
    %dma_start3A_81 = tpu.memref_squeeze %dma_start3A_80 : memref<1x320xi32, #tpu.memory_space<vmem>> -> memref<320xi32, #tpu.memory_space<vmem>>
    %dma_start3A_82 = arith.constant 0 : i32
    %dma_start3A_83 = arith.constant 0 : i32
    %dma_start3A_84 = tpu.memref_slice %arg2[%dma_start3A_82, %dma_start3A_83] : memref<10240x128xf32, #tpu.memory_space<hbm>> -> memref<10240x128xf32, #tpu.memory_space<hbm>>
    tpu.enqueue_indirect_dma source(%dma_start3A_84 : memref<10240x128xf32, #tpu.memory_space<hbm>>) target(%arg6 : memref<320x128xf32, #tpu.memory_space<vmem>>) offsets(%dma_start3A_81 : memref<320xi32, #tpu.memory_space<vmem>>) semaphore(%arg7 : memref<!tpu.dma_semaphore, #tpu.memory_space<semaphore_mem>>) {add = true}
    %dma_start3A_85 = arith.constant 11 : i32
    %dma_start3A_86 = arith.constant 0 : i32
    %dma_start3A_87 = tpu.memref_slice %arg5[%dma_start3A_85, %dma_start3A_86] : memref<16x320xi32, #tpu.memory_space<vmem>> -> memref<1x320xi32, #tpu.memory_space<vmem>>
    %dma_start3A_88 = tpu.memref_squeeze %dma_start3A_87 : memref<1x320xi32, #tpu.memory_space<vmem>> -> memref<320xi32, #tpu.memory_space<vmem>>
    %dma_start3A_89 = arith.constant 0 : i32
    %dma_start3A_90 = arith.constant 0 : i32
    %dma_start3A_91 = tpu.memref_slice %arg2[%dma_start3A_89, %dma_start3A_90] : memref<10240x128xf32, #tpu.memory_space<hbm>> -> memref<10240x128xf32, #tpu.memory_space<hbm>>
    tpu.enqueue_indirect_dma source(%dma_start3A_91 : memref<10240x128xf32, #tpu.memory_space<hbm>>) target(%arg6 : memref<320x128xf32, #tpu.memory_space<vmem>>) offsets(%dma_start3A_88 : memref<320xi32, #tpu.memory_space<vmem>>) semaphore(%arg7 : memref<!tpu.dma_semaphore, #tpu.memory_space<semaphore_mem>>) {add = true}
    %dma_start3A_92 = arith.constant 12 : i32
    %dma_start3A_93 = arith.constant 0 : i32
    %dma_start3A_94 = tpu.memref_slice %arg5[%dma_start3A_92, %dma_start3A_93] : memref<16x320xi32, #tpu.memory_space<vmem>> -> memref<1x320xi32, #tpu.memory_space<vmem>>
    %dma_start3A_95 = tpu.memref_squeeze %dma_start3A_94 : memref<1x320xi32, #tpu.memory_space<vmem>> -> memref<320xi32, #tpu.memory_space<vmem>>
    %dma_start3A_96 = arith.constant 0 : i32
    %dma_start3A_97 = arith.constant 0 : i32
    %dma_start3A_98 = tpu.memref_slice %arg2[%dma_start3A_96, %dma_start3A_97] : memref<10240x128xf32, #tpu.memory_space<hbm>> -> memref<10240x128xf32, #tpu.memory_space<hbm>>
    tpu.enqueue_indirect_dma source(%dma_start3A_98 : memref<10240x128xf32, #tpu.memory_space<hbm>>) target(%arg6 : memref<320x128xf32, #tpu.memory_space<vmem>>) offsets(%dma_start3A_95 : memref<320xi32, #tpu.memory_space<vmem>>) semaphore(%arg7 : memref<!tpu.dma_semaphore, #tpu.memory_space<semaphore_mem>>) {add = true}
    %dma_start3A_99 = arith.constant 13 : i32
    %dma_start3A_100 = arith.constant 0 : i32
    %dma_start3A_101 = tpu.memref_slice %arg5[%dma_start3A_99, %dma_start3A_100] : memref<16x320xi32, #tpu.memory_space<vmem>> -> memref<1x320xi32, #tpu.memory_space<vmem>>
    %dma_start3A_102 = tpu.memref_squeeze %dma_start3A_101 : memref<1x320xi32, #tpu.memory_space<vmem>> -> memref<320xi32, #tpu.memory_space<vmem>>
    %dma_start3A_103 = arith.constant 0 : i32
    %dma_start3A_104 = arith.constant 0 : i32
    %dma_start3A_105 = tpu.memref_slice %arg2[%dma_start3A_103, %dma_start3A_104] : memref<10240x128xf32, #tpu.memory_space<hbm>> -> memref<10240x128xf32, #tpu.memory_space<hbm>>
    tpu.enqueue_indirect_dma source(%dma_start3A_105 : memref<10240x128xf32, #tpu.memory_space<hbm>>) target(%arg6 : memref<320x128xf32, #tpu.memory_space<vmem>>) offsets(%dma_start3A_102 : memref<320xi32, #tpu.memory_space<vmem>>) semaphore(%arg7 : memref<!tpu.dma_semaphore, #tpu.memory_space<semaphore_mem>>) {add = true}
    %dma_start3A_106 = arith.constant 14 : i32
    %dma_start3A_107 = arith.constant 0 : i32
    %dma_start3A_108 = tpu.memref_slice %arg5[%dma_start3A_106, %dma_start3A_107] : memref<16x320xi32, #tpu.memory_space<vmem>> -> memref<1x320xi32, #tpu.memory_space<vmem>>
    %dma_start3A_109 = tpu.memref_squeeze %dma_start3A_108 : memref<1x320xi32, #tpu.memory_space<vmem>> -> memref<320xi32, #tpu.memory_space<vmem>>
    %dma_start3A_110 = arith.constant 0 : i32
    %dma_start3A_111 = arith.constant 0 : i32
    %dma_start3A_112 = tpu.memref_slice %arg2[%dma_start3A_110, %dma_start3A_111] : memref<10240x128xf32, #tpu.memory_space<hbm>> -> memref<10240x128xf32, #tpu.memory_space<hbm>>
    tpu.enqueue_indirect_dma source(%dma_start3A_112 : memref<10240x128xf32, #tpu.memory_space<hbm>>) target(%arg6 : memref<320x128xf32, #tpu.memory_space<vmem>>) offsets(%dma_start3A_109 : memref<320xi32, #tpu.memory_space<vmem>>) semaphore(%arg7 : memref<!tpu.dma_semaphore, #tpu.memory_space<semaphore_mem>>) {add = true}
    %dma_start3A_113 = arith.constant 15 : i32
    %dma_start3A_114 = arith.constant 0 : i32
    %dma_start3A_115 = tpu.memref_slice %arg5[%dma_start3A_113, %dma_start3A_114] : memref<16x320xi32, #tpu.memory_space<vmem>> -> memref<1x320xi32, #tpu.memory_space<vmem>>
    %dma_start3A_116 = tpu.memref_squeeze %dma_start3A_115 : memref<1x320xi32, #tpu.memory_space<vmem>> -> memref<320xi32, #tpu.memory_space<vmem>>
    %dma_start3A_117 = arith.constant 0 : i32
    %dma_start3A_118 = arith.constant 0 : i32
    %dma_start3A_119 = tpu.memref_slice %arg2[%dma_start3A_117, %dma_start3A_118] : memref<10240x128xf32, #tpu.memory_space<hbm>> -> memref<10240x128xf32, #tpu.memory_space<hbm>>
    tpu.enqueue_indirect_dma source(%dma_start3A_119 : memref<10240x128xf32, #tpu.memory_space<hbm>>) target(%arg6 : memref<320x128xf32, #tpu.memory_space<vmem>>) offsets(%dma_start3A_116 : memref<320xi32, #tpu.memory_space<vmem>>) semaphore(%arg7 : memref<!tpu.dma_semaphore, #tpu.memory_space<semaphore_mem>>) {add = true}
    %dma_wait3A_120 = arith.constant 1 : i32
    %dma_wait3A_121 = arith.constant 0 : i32
    %dma_wait3A_122 = tpu.memref_slice %arg5[%dma_wait3A_120, %dma_wait3A_121] : memref<16x320xi32, #tpu.memory_space<vmem>> -> memref<1x320xi32, #tpu.memory_space<vmem>>
    %dma_wait3A_123 = tpu.memref_squeeze %dma_wait3A_122 : memref<1x320xi32, #tpu.memory_space<vmem>> -> memref<320xi32, #tpu.memory_space<vmem>>
    %dma_wait3A_124 = arith.constant 0 : i32
    %dma_wait3A_125 = arith.constant 0 : i32
    %dma_wait3A_126 = tpu.memref_slice %arg2[%dma_wait3A_124, %dma_wait3A_125] : memref<10240x128xf32, #tpu.memory_space<hbm>> -> memref<10240x128xf32, #tpu.memory_space<hbm>>
    tpu.wait_indirect_dma semaphore(%arg7 : memref<!tpu.dma_semaphore, #tpu.memory_space<semaphore_mem>>) src(%dma_wait3A_126 : memref<10240x128xf32, #tpu.memory_space<hbm>>) dst(%arg6 : memref<320x128xf32, #tpu.memory_space<vmem>>)
    %dma_wait3A_127 = arith.constant 2 : i32
    %dma_wait3A_128 = arith.constant 0 : i32
    %dma_wait3A_129 = tpu.memref_slice %arg5[%dma_wait3A_127, %dma_wait3A_128] : memref<16x320xi32, #tpu.memory_space<vmem>> -> memref<1x320xi32, #tpu.memory_space<vmem>>
    %dma_wait3A_130 = tpu.memref_squeeze %dma_wait3A_129 : memref<1x320xi32, #tpu.memory_space<vmem>> -> memref<320xi32, #tpu.memory_space<vmem>>
    %dma_wait3A_131 = arith.constant 0 : i32
    %dma_wait3A_132 = arith.constant 0 : i32
    %dma_wait3A_133 = tpu.memref_slice %arg2[%dma_wait3A_131, %dma_wait3A_132] : memref<10240x128xf32, #tpu.memory_space<hbm>> -> memref<10240x128xf32, #tpu.memory_space<hbm>>
    tpu.wait_indirect_dma semaphore(%arg7 : memref<!tpu.dma_semaphore, #tpu.memory_space<semaphore_mem>>) src(%dma_wait3A_133 : memref<10240x128xf32, #tpu.memory_space<hbm>>) dst(%arg6 : memref<320x128xf32, #tpu.memory_space<vmem>>)
    %dma_wait3A_134 = arith.constant 3 : i32
    %dma_wait3A_135 = arith.constant 0 : i32
    %dma_wait3A_136 = tpu.memref_slice %arg5[%dma_wait3A_134, %dma_wait3A_135] : memref<16x320xi32, #tpu.memory_space<vmem>> -> memref<1x320xi32, #tpu.memory_space<vmem>>
    %dma_wait3A_137 = tpu.memref_squeeze %dma_wait3A_136 : memref<1x320xi32, #tpu.memory_space<vmem>> -> memref<320xi32, #tpu.memory_space<vmem>>
    %dma_wait3A_138 = arith.constant 0 : i32
    %dma_wait3A_139 = arith.constant 0 : i32
    %dma_wait3A_140 = tpu.memref_slice %arg2[%dma_wait3A_138, %dma_wait3A_139] : memref<10240x128xf32, #tpu.memory_space<hbm>> -> memref<10240x128xf32, #tpu.memory_space<hbm>>
    tpu.wait_indirect_dma semaphore(%arg7 : memref<!tpu.dma_semaphore, #tpu.memory_space<semaphore_mem>>) src(%dma_wait3A_140 : memref<10240x128xf32, #tpu.memory_space<hbm>>) dst(%arg6 : memref<320x128xf32, #tpu.memory_space<vmem>>)
    %dma_wait3A_141 = arith.constant 4 : i32
    %dma_wait3A_142 = arith.constant 0 : i32
    %dma_wait3A_143 = tpu.memref_slice %arg5[%dma_wait3A_141, %dma_wait3A_142] : memref<16x320xi32, #tpu.memory_space<vmem>> -> memref<1x320xi32, #tpu.memory_space<vmem>>
    %dma_wait3A_144 = tpu.memref_squeeze %dma_wait3A_143 : memref<1x320xi32, #tpu.memory_space<vmem>> -> memref<320xi32, #tpu.memory_space<vmem>>
    %dma_wait3A_145 = arith.constant 0 : i32
    %dma_wait3A_146 = arith.constant 0 : i32
    %dma_wait3A_147 = tpu.memref_slice %arg2[%dma_wait3A_145, %dma_wait3A_146] : memref<10240x128xf32, #tpu.memory_space<hbm>> -> memref<10240x128xf32, #tpu.memory_space<hbm>>
    tpu.wait_indirect_dma semaphore(%arg7 : memref<!tpu.dma_semaphore, #tpu.memory_space<semaphore_mem>>) src(%dma_wait3A_147 : memref<10240x128xf32, #tpu.memory_space<hbm>>) dst(%arg6 : memref<320x128xf32, #tpu.memory_space<vmem>>)
    %dma_wait3A_148 = arith.constant 5 : i32
    %dma_wait3A_149 = arith.constant 0 : i32
    %dma_wait3A_150 = tpu.memref_slice %arg5[%dma_wait3A_148, %dma_wait3A_149] : memref<16x320xi32, #tpu.memory_space<vmem>> -> memref<1x320xi32, #tpu.memory_space<vmem>>
    %dma_wait3A_151 = tpu.memref_squeeze %dma_wait3A_150 : memref<1x320xi32, #tpu.memory_space<vmem>> -> memref<320xi32, #tpu.memory_space<vmem>>
    %dma_wait3A_152 = arith.constant 0 : i32
    %dma_wait3A_153 = arith.constant 0 : i32
    %dma_wait3A_154 = tpu.memref_slice %arg2[%dma_wait3A_152, %dma_wait3A_153] : memref<10240x128xf32, #tpu.memory_space<hbm>> -> memref<10240x128xf32, #tpu.memory_space<hbm>>
    tpu.wait_indirect_dma semaphore(%arg7 : memref<!tpu.dma_semaphore, #tpu.memory_space<semaphore_mem>>) src(%dma_wait3A_154 : memref<10240x128xf32, #tpu.memory_space<hbm>>) dst(%arg6 : memref<320x128xf32, #tpu.memory_space<vmem>>)
    %dma_wait3A_155 = arith.constant 6 : i32
    %dma_wait3A_156 = arith.constant 0 : i32
    %dma_wait3A_157 = tpu.memref_slice %arg5[%dma_wait3A_155, %dma_wait3A_156] : memref<16x320xi32, #tpu.memory_space<vmem>> -> memref<1x320xi32, #tpu.memory_space<vmem>>
    %dma_wait3A_158 = tpu.memref_squeeze %dma_wait3A_157 : memref<1x320xi32, #tpu.memory_space<vmem>> -> memref<320xi32, #tpu.memory_space<vmem>>
    %dma_wait3A_159 = arith.constant 0 : i32
    %dma_wait3A_160 = arith.constant 0 : i32
    %dma_wait3A_161 = tpu.memref_slice %arg2[%dma_wait3A_159, %dma_wait3A_160] : memref<10240x128xf32, #tpu.memory_space<hbm>> -> memref<10240x128xf32, #tpu.memory_space<hbm>>
    tpu.wait_indirect_dma semaphore(%arg7 : memref<!tpu.dma_semaphore, #tpu.memory_space<semaphore_mem>>) src(%dma_wait3A_161 : memref<10240x128xf32, #tpu.memory_space<hbm>>) dst(%arg6 : memref<320x128xf32, #tpu.memory_space<vmem>>)
    %dma_wait3A_162 = arith.constant 7 : i32
    %dma_wait3A_163 = arith.constant 0 : i32
    %dma_wait3A_164 = tpu.memref_slice %arg5[%dma_wait3A_162, %dma_wait3A_163] : memref<16x320xi32, #tpu.memory_space<vmem>> -> memref<1x320xi32, #tpu.memory_space<vmem>>
    %dma_wait3A_165 = tpu.memref_squeeze %dma_wait3A_164 : memref<1x320xi32, #tpu.memory_space<vmem>> -> memref<320xi32, #tpu.memory_space<vmem>>
    %dma_wait3A_166 = arith.constant 0 : i32
    %dma_wait3A_167 = arith.constant 0 : i32
    %dma_wait3A_168 = tpu.memref_slice %arg2[%dma_wait3A_166, %dma_wait3A_167] : memref<10240x128xf32, #tpu.memory_space<hbm>> -> memref<10240x128xf32, #tpu.memory_space<hbm>>
    tpu.wait_indirect_dma semaphore(%arg7 : memref<!tpu.dma_semaphore, #tpu.memory_space<semaphore_mem>>) src(%dma_wait3A_168 : memref<10240x128xf32, #tpu.memory_space<hbm>>) dst(%arg6 : memref<320x128xf32, #tpu.memory_space<vmem>>)
    %dma_wait3A_169 = arith.constant 8 : i32
    %dma_wait3A_170 = arith.constant 0 : i32
    %dma_wait3A_171 = tpu.memref_slice %arg5[%dma_wait3A_169, %dma_wait3A_170] : memref<16x320xi32, #tpu.memory_space<vmem>> -> memref<1x320xi32, #tpu.memory_space<vmem>>
    %dma_wait3A_172 = tpu.memref_squeeze %dma_wait3A_171 : memref<1x320xi32, #tpu.memory_space<vmem>> -> memref<320xi32, #tpu.memory_space<vmem>>
    %dma_wait3A_173 = arith.constant 0 : i32
    %dma_wait3A_174 = arith.constant 0 : i32
    %dma_wait3A_175 = tpu.memref_slice %arg2[%dma_wait3A_173, %dma_wait3A_174] : memref<10240x128xf32, #tpu.memory_space<hbm>> -> memref<10240x128xf32, #tpu.memory_space<hbm>>
    tpu.wait_indirect_dma semaphore(%arg7 : memref<!tpu.dma_semaphore, #tpu.memory_space<semaphore_mem>>) src(%dma_wait3A_175 : memref<10240x128xf32, #tpu.memory_space<hbm>>) dst(%arg6 : memref<320x128xf32, #tpu.memory_space<vmem>>)
    %dma_wait3A_176 = arith.constant 9 : i32
    %dma_wait3A_177 = arith.constant 0 : i32
    %dma_wait3A_178 = tpu.memref_slice %arg5[%dma_wait3A_176, %dma_wait3A_177] : memref<16x320xi32, #tpu.memory_space<vmem>> -> memref<1x320xi32, #tpu.memory_space<vmem>>
    %dma_wait3A_179 = tpu.memref_squeeze %dma_wait3A_178 : memref<1x320xi32, #tpu.memory_space<vmem>> -> memref<320xi32, #tpu.memory_space<vmem>>
    %dma_wait3A_180 = arith.constant 0 : i32
    %dma_wait3A_181 = arith.constant 0 : i32
    %dma_wait3A_182 = tpu.memref_slice %arg2[%dma_wait3A_180, %dma_wait3A_181] : memref<10240x128xf32, #tpu.memory_space<hbm>> -> memref<10240x128xf32, #tpu.memory_space<hbm>>
    tpu.wait_indirect_dma semaphore(%arg7 : memref<!tpu.dma_semaphore, #tpu.memory_space<semaphore_mem>>) src(%dma_wait3A_182 : memref<10240x128xf32, #tpu.memory_space<hbm>>) dst(%arg6 : memref<320x128xf32, #tpu.memory_space<vmem>>)
    %dma_wait3A_183 = arith.constant 10 : i32
    %dma_wait3A_184 = arith.constant 0 : i32
    %dma_wait3A_185 = tpu.memref_slice %arg5[%dma_wait3A_183, %dma_wait3A_184] : memref<16x320xi32, #tpu.memory_space<vmem>> -> memref<1x320xi32, #tpu.memory_space<vmem>>
    %dma_wait3A_186 = tpu.memref_squeeze %dma_wait3A_185 : memref<1x320xi32, #tpu.memory_space<vmem>> -> memref<320xi32, #tpu.memory_space<vmem>>
    %dma_wait3A_187 = arith.constant 0 : i32
    %dma_wait3A_188 = arith.constant 0 : i32
    %dma_wait3A_189 = tpu.memref_slice %arg2[%dma_wait3A_187, %dma_wait3A_188] : memref<10240x128xf32, #tpu.memory_space<hbm>> -> memref<10240x128xf32, #tpu.memory_space<hbm>>
    tpu.wait_indirect_dma semaphore(%arg7 : memref<!tpu.dma_semaphore, #tpu.memory_space<semaphore_mem>>) src(%dma_wait3A_189 : memref<10240x128xf32, #tpu.memory_space<hbm>>) dst(%arg6 : memref<320x128xf32, #tpu.memory_space<vmem>>)
    %dma_wait3A_190 = arith.constant 11 : i32
    %dma_wait3A_191 = arith.constant 0 : i32
    %dma_wait3A_192 = tpu.memref_slice %arg5[%dma_wait3A_190, %dma_wait3A_191] : memref<16x320xi32, #tpu.memory_space<vmem>> -> memref<1x320xi32, #tpu.memory_space<vmem>>
    %dma_wait3A_193 = tpu.memref_squeeze %dma_wait3A_192 : memref<1x320xi32, #tpu.memory_space<vmem>> -> memref<320xi32, #tpu.memory_space<vmem>>
    %dma_wait3A_194 = arith.constant 0 : i32
    %dma_wait3A_195 = arith.constant 0 : i32
    %dma_wait3A_196 = tpu.memref_slice %arg2[%dma_wait3A_194, %dma_wait3A_195] : memref<10240x128xf32, #tpu.memory_space<hbm>> -> memref<10240x128xf32, #tpu.memory_space<hbm>>
    tpu.wait_indirect_dma semaphore(%arg7 : memref<!tpu.dma_semaphore, #tpu.memory_space<semaphore_mem>>) src(%dma_wait3A_196 : memref<10240x128xf32, #tpu.memory_space<hbm>>) dst(%arg6 : memref<320x128xf32, #tpu.memory_space<vmem>>)
    %dma_wait3A_197 = arith.constant 12 : i32
    %dma_wait3A_198 = arith.constant 0 : i32
    %dma_wait3A_199 = tpu.memref_slice %arg5[%dma_wait3A_197, %dma_wait3A_198] : memref<16x320xi32, #tpu.memory_space<vmem>> -> memref<1x320xi32, #tpu.memory_space<vmem>>
    %dma_wait3A_200 = tpu.memref_squeeze %dma_wait3A_199 : memref<1x320xi32, #tpu.memory_space<vmem>> -> memref<320xi32, #tpu.memory_space<vmem>>
    %dma_wait3A_201 = arith.constant 0 : i32
    %dma_wait3A_202 = arith.constant 0 : i32
    %dma_wait3A_203 = tpu.memref_slice %arg2[%dma_wait3A_201, %dma_wait3A_202] : memref<10240x128xf32, #tpu.memory_space<hbm>> -> memref<10240x128xf32, #tpu.memory_space<hbm>>
    tpu.wait_indirect_dma semaphore(%arg7 : memref<!tpu.dma_semaphore, #tpu.memory_space<semaphore_mem>>) src(%dma_wait3A_203 : memref<10240x128xf32, #tpu.memory_space<hbm>>) dst(%arg6 : memref<320x128xf32, #tpu.memory_space<vmem>>)
    %dma_wait3A_204 = arith.constant 13 : i32
    %dma_wait3A_205 = arith.constant 0 : i32
    %dma_wait3A_206 = tpu.memref_slice %arg5[%dma_wait3A_204, %dma_wait3A_205] : memref<16x320xi32, #tpu.memory_space<vmem>> -> memref<1x320xi32, #tpu.memory_space<vmem>>
    %dma_wait3A_207 = tpu.memref_squeeze %dma_wait3A_206 : memref<1x320xi32, #tpu.memory_space<vmem>> -> memref<320xi32, #tpu.memory_space<vmem>>
    %dma_wait3A_208 = arith.constant 0 : i32
    %dma_wait3A_209 = arith.constant 0 : i32
    %dma_wait3A_210 = tpu.memref_slice %arg2[%dma_wait3A_208, %dma_wait3A_209] : memref<10240x128xf32, #tpu.memory_space<hbm>> -> memref<10240x128xf32, #tpu.memory_space<hbm>>
    tpu.wait_indirect_dma semaphore(%arg7 : memref<!tpu.dma_semaphore, #tpu.memory_space<semaphore_mem>>) src(%dma_wait3A_210 : memref<10240x128xf32, #tpu.memory_space<hbm>>) dst(%arg6 : memref<320x128xf32, #tpu.memory_space<vmem>>)
    %dma_wait3A_211 = arith.constant 14 : i32
    %dma_wait3A_212 = arith.constant 0 : i32
    %dma_wait3A_213 = tpu.memref_slice %arg5[%dma_wait3A_211, %dma_wait3A_212] : memref<16x320xi32, #tpu.memory_space<vmem>> -> memref<1x320xi32, #tpu.memory_space<vmem>>
    %dma_wait3A_214 = tpu.memref_squeeze %dma_wait3A_213 : memref<1x320xi32, #tpu.memory_space<vmem>> -> memref<320xi32, #tpu.memory_space<vmem>>
    %dma_wait3A_215 = arith.constant 0 : i32
    %dma_wait3A_216 = arith.constant 0 : i32
    %dma_wait3A_217 = tpu.memref_slice %arg2[%dma_wait3A_215, %dma_wait3A_216] : memref<10240x128xf32, #tpu.memory_space<hbm>> -> memref<10240x128xf32, #tpu.memory_space<hbm>>
    tpu.wait_indirect_dma semaphore(%arg7 : memref<!tpu.dma_semaphore, #tpu.memory_space<semaphore_mem>>) src(%dma_wait3A_217 : memref<10240x128xf32, #tpu.memory_space<hbm>>) dst(%arg6 : memref<320x128xf32, #tpu.memory_space<vmem>>)
    %dma_wait3A_218 = arith.constant 15 : i32
    %dma_wait3A_219 = arith.constant 0 : i32
    %dma_wait3A_220 = tpu.memref_slice %arg5[%dma_wait3A_218, %dma_wait3A_219] : memref<16x320xi32, #tpu.memory_space<vmem>> -> memref<1x320xi32, #tpu.memory_space<vmem>>
    %dma_wait3A_221 = tpu.memref_squeeze %dma_wait3A_220 : memref<1x320xi32, #tpu.memory_space<vmem>> -> memref<320xi32, #tpu.memory_space<vmem>>
    %dma_wait3A_222 = arith.constant 0 : i32
    %dma_wait3A_223 = arith.constant 0 : i32
    %dma_wait3A_224 = tpu.memref_slice %arg2[%dma_wait3A_222, %dma_wait3A_223] : memref<10240x128xf32, #tpu.memory_space<hbm>> -> memref<10240x128xf32, #tpu.memory_space<hbm>>
    tpu.wait_indirect_dma semaphore(%arg7 : memref<!tpu.dma_semaphore, #tpu.memory_space<semaphore_mem>>) src(%dma_wait3A_224 : memref<10240x128xf32, #tpu.memory_space<hbm>>) dst(%arg6 : memref<320x128xf32, #tpu.memory_space<vmem>>)
    "tpu.region"() ({
      %run_scoped3A = tpu.sem_alloc : memref<!tpu.dma_semaphore, #tpu.memory_space<semaphore_mem>>
      %dma_start3A_225 = arith.constant 0 : i32
      %dma_start3A_226 = tpu.memref_slice %arg4[%mul3A_2, %dma_start3A_225] : memref<10240x128xf32, #tpu.memory_space<hbm>> -> memref<320x128xf32, #tpu.memory_space<hbm>>
      %dma_start3A_227 = arith.constant 0 : i32
      %dma_start3A_228 = tpu.memref_slice %arg4[%mul3A_2, %dma_start3A_227] : memref<10240x128xf32, #tpu.memory_space<hbm>> -> memref<320x128xf32, #tpu.memory_space<hbm>>
      tpu.enqueue_dma source(%arg6 : memref<320x128xf32, #tpu.memory_space<vmem>>) target(%dma_start3A_228 : memref<320x128xf32, #tpu.memory_space<hbm>>) target_semaphore(%run_scoped3A : memref<!tpu.dma_semaphore, #tpu.memory_space<semaphore_mem>>)
      %dma_wait3A_229 = arith.constant 0 : i32
      %dma_wait3A_230 = tpu.memref_slice %arg4[%mul3A_2, %dma_wait3A_229] : memref<10240x128xf32, #tpu.memory_space<hbm>> -> memref<320x128xf32, #tpu.memory_space<hbm>>
      %dma_wait3A_231 = arith.constant 0 : i32
      %dma_wait3A_232 = tpu.memref_slice %arg4[%mul3A_2, %dma_wait3A_231] : memref<10240x128xf32, #tpu.memory_space<hbm>> -> memref<320x128xf32, #tpu.memory_space<hbm>>
      tpu.wait_dma2 semaphore(%run_scoped3A : memref<!tpu.dma_semaphore, #tpu.memory_space<semaphore_mem>>) src(%arg6 : memref<320x128xf32, #tpu.memory_space<vmem>>) dst(%dma_wait3A_232 : memref<320x128xf32, #tpu.memory_space<hbm>>)
      tpu.yield
    }) : () -> ()
    return
  }
}

module attributes {stable_mosaic.version = 14 : i64} {
  func.func @_knn_body(%arg0: i32, %arg1: i32, %arg2: memref<1x512x8xf32, #tpu.memory_space<vmem>>, %arg3: memref<1x8x10240xf32, #tpu.memory_space<vmem>>, %arg4: memref<1x512x16xi32, #tpu.memory_space<vmem>>) attributes {dimension_semantics = [#tpu.dimension_semantics<arbitrary>, #tpu.dimension_semantics<arbitrary>], iteration_bounds = array<i64: 2, 20>, scalar_prefetch = 0 : i64, scratch_operands = 0 : i64, tpu.core_type = #tpu.core_type<tc>, window_params = [{transform_indices = @transform_0, window_bounds = array<i64: 1, 512, 8>}, {transform_indices = @transform_1, window_bounds = array<i64: 1, 8, 10240>}, {transform_indices = @transform_2, window_bounds = array<i64: 1, 512, 16>}]} {
    %get3A = arith.constant 0 : index
    %get3A_0 = arith.constant 0 : index
    %get3A_1 = arith.constant 0 : index
    %get3A_2 = vector.load %arg2[%get3A, %get3A_0, %get3A_1] : memref<1x512x8xf32, #tpu.memory_space<vmem>>, vector<1x512x8xf32>
    %get3A_3 = vector.shape_cast %get3A_2 : vector<1x512x8xf32> to vector<512x8xf32>
    %mul3A = arith.constant 2.000000e+00 : f32
    %mul3A_4 = vector.broadcast %mul3A : f32 to vector<512x8xf32>
    %mul3A_5 = arith.mulf %get3A_3, %mul3A_4 : vector<512x8xf32>
    %mul3A_6 = arith.constant 512 : i32
    %mul3A_7 = arith.muli %arg1, %mul3A_6 : i32
    %iota3A = tpu.iota {dimensions = array<i32: 1>} : vector<512x512xi32>
    %add3A = vector.broadcast %mul3A_7 : i32 to vector<512x512xi32>
    %add3A_8 = arith.addi %add3A, %iota3A : vector<512x512xi32>
    %iota3A_9 = tpu.iota {dimensions = array<i32: 0>} : vector<512x512xi32>
    %iota3A_10 = tpu.iota {dimensions = array<i32: 1>} : vector<1x512xi32>
    %jit3A = arith.constant 256 : i32
    %eq3A = arith.constant 0 : i32
    %eq3A_11 = arith.cmpi eq, %jit3A, %eq3A : i32
    %jit3A_12 = arith.constant 1 : i32
    %select_n3A = arith.select %eq3A_11, %jit3A_12, %jit3A : i32
    %rem3A = vector.broadcast %select_n3A : i32 to vector<1x512xi32>
    %rem3A_13 = arith.remsi %iota3A_10, %rem3A : vector<1x512xi32>
    %ne3A = arith.constant 0 : i32
    %ne3A_14 = vector.broadcast %ne3A : i32 to vector<1x512xi32>
    %ne3A_15 = arith.cmpi ne, %rem3A_13, %ne3A_14 : vector<1x512xi32>
    %lt3A = arith.constant 0 : i32
    %lt3A_16 = vector.broadcast %lt3A : i32 to vector<1x512xi32>
    %lt3A_17 = arith.cmpi slt, %rem3A_13, %lt3A_16 : vector<1x512xi32>
    %lt3A_18 = arith.constant 0 : i32
    %lt3A_19 = arith.cmpi slt, %select_n3A, %lt3A_18 : i32
    %ne3A_20 = vector.broadcast %lt3A_19 : i1 to vector<1x512xi1>
    %ne3A_21 = vector.broadcast %ne3A_20 : vector<1x512xi1> to vector<1x512xi1>
    %ne3A_22 = arith.xori %lt3A_17, %ne3A_21 : vector<1x512xi1>
    %and3A = arith.andi %ne3A_22, %ne3A_15 : vector<1x512xi1>
    %add3A_23 = vector.broadcast %select_n3A : i32 to vector<1x512xi32>
    %add3A_24 = arith.addi %rem3A_13, %add3A_23 : vector<1x512xi32>
    %select_n3A_25 = arith.select %and3A, %add3A_24, %rem3A_13 : vector<1x512xi1>, vector<1x512xi32>
    %convert_element_type3A = arith.sitofp %select_n3A_25 : vector<1x512xi32> to vector<1x512xf32>
    %iota3A_26 = tpu.iota {dimensions = array<i32: 1>} : vector<1x512xi32>
    %jit3A_27 = arith.constant 256 : i32
    %div3A = vector.broadcast %jit3A_27 : i32 to vector<1x512xi32>
    %div3A_28 = arith.divsi %iota3A_26, %div3A : vector<1x512xi32>
    %sign3A = arith.constant 0 : i32
    %sign3A_29 = vector.broadcast %sign3A : i32 to vector<1x512xi32>
    %sign3A_30 = arith.cmpi sgt, %iota3A_26, %sign3A_29 : vector<1x512xi32>
    %sign3A_31 = arith.extui %sign3A_30 : vector<1x512xi1> to vector<1x512xi32>
    %sign3A_32 = arith.constant 0 : i32
    %sign3A_33 = vector.broadcast %sign3A_32 : i32 to vector<1x512xi32>
    %sign3A_34 = arith.cmpi slt, %iota3A_26, %sign3A_33 : vector<1x512xi32>
    %sign3A_35 = arith.extui %sign3A_34 : vector<1x512xi1> to vector<1x512xi32>
    %sign3A_36 = arith.subi %sign3A_31, %sign3A_35 : vector<1x512xi32>
    %sign3A_37 = arith.constant 0 : i32
    %sign3A_38 = arith.cmpi sgt, %jit3A_27, %sign3A_37 : i32
    %sign3A_39 = arith.extui %sign3A_38 : i1 to i32
    %sign3A_40 = arith.constant 0 : i32
    %sign3A_41 = arith.cmpi slt, %jit3A_27, %sign3A_40 : i32
    %sign3A_42 = arith.extui %sign3A_41 : i1 to i32
    %sign3A_43 = arith.subi %sign3A_39, %sign3A_42 : i32
    %ne3A_44 = vector.broadcast %sign3A_43 : i32 to vector<1x512xi32>
    %ne3A_45 = arith.cmpi ne, %sign3A_36, %ne3A_44 : vector<1x512xi32>
    %rem3A_46 = vector.broadcast %jit3A_27 : i32 to vector<1x512xi32>
    %rem3A_47 = arith.remsi %iota3A_26, %rem3A_46 : vector<1x512xi32>
    %ne3A_48 = arith.constant 0 : i32
    %ne3A_49 = vector.broadcast %ne3A_48 : i32 to vector<1x512xi32>
    %ne3A_50 = arith.cmpi ne, %rem3A_47, %ne3A_49 : vector<1x512xi32>
    %and3A_51 = arith.andi %ne3A_45, %ne3A_50 : vector<1x512xi1>
    %sub3A = arith.constant 1 : i32
    %sub3A_52 = vector.broadcast %sub3A : i32 to vector<1x512xi32>
    %sub3A_53 = arith.subi %div3A_28, %sub3A_52 : vector<1x512xi32>
    %select_n3A_54 = arith.select %and3A_51, %sub3A_53, %div3A_28 : vector<1x512xi1>, vector<1x512xi32>
    %convert_element_type3A_55 = arith.sitofp %select_n3A_54 : vector<1x512xi32> to vector<1x512xf32>
    %broadcast_in_dim3A = arith.constant 0x7F800000 : f32
    %broadcast_in_dim3A_56 = vector.broadcast %broadcast_in_dim3A : f32 to vector<16x512xf32>
    %broadcast_in_dim3A_57 = arith.constant 0.000000e+00 : f32
    %broadcast_in_dim3A_58 = vector.broadcast %broadcast_in_dim3A_57 : f32 to vector<16x512xf32>
    %scan3A = arith.constant 0 : i32
    %scan3A_59 = arith.constant 20 : i32
    %scan3A_60 = arith.addi %scan3A, %scan3A_59 : i32
    %scan3A_61 = arith.constant 1 : i32
    %scan3A_62:2 = scf.for %scan3A_74 = %scan3A to %scan3A_60 step %scan3A_61 iter_args(%scan3A_75 = %broadcast_in_dim3A_56, %scan3A_76 = %broadcast_in_dim3A_58) -> (vector<16x512xf32>, vector<16x512xf32>)  : i32 {
      %mul3A_77 = arith.constant 512 : i32
      %mul3A_78 = arith.muli %scan3A_74, %mul3A_77 : i32
      %get3A_79 = arith.constant 0 : index
      %get3A_80 = arith.constant 0 : index
      %get3A_81 = arith.index_cast %mul3A_78 : i32 to index
      %get3A_82 = vector.load %arg3[%get3A_79, %get3A_80, %get3A_81] : memref<1x8x10240xf32, #tpu.memory_space<vmem>>, vector<1x8x512xf32>
      %get3A_83 = vector.shape_cast %get3A_82 : vector<1x8x512xf32> to vector<8x512xf32>
      %mul3A_84 = arith.mulf %get3A_83, %get3A_83 : vector<8x512xf32>
      %reduce_sum3A = arith.constant dense<0.000000e+00> : vector<512xf32>
      %reduce_sum3A_85 = vector.multi_reduction <add>, %mul3A_84, %reduce_sum3A [0] : vector<8x512xf32> to vector<512xf32>
      %dot_general3A = arith.constant dense<0.000000e+00> : vector<512x512xf32>
      %dot_general3A_86 = tpu.matmul %get3A_83, %mul3A_5, %dot_general3A {dimension_numbers = #tpu.dot_dimension_numbers<[0], [1], [1], [0], [0, 1, 1, 0], [], []>, transpose_lhs_hint = false} : vector<8x512xf32>, vector<512x8xf32>, vector<512x512xf32> -> vector<512x512xf32>
      %broadcast_in_dim3A_87 = vector.shape_cast %reduce_sum3A_85 : vector<512xf32> to vector<512x1xf32>
      %sub3A_88 = vector.broadcast %broadcast_in_dim3A_87 : vector<512x1xf32> to vector<512x512xf32>
      %sub3A_89 = arith.subf %sub3A_88, %dot_general3A_86 : vector<512x512xf32>
      %mul3A_90 = arith.constant 512 : i32
      %mul3A_91 = arith.muli %scan3A_74, %mul3A_90 : i32
      %add3A_92 = vector.broadcast %mul3A_91 : i32 to vector<512x512xi32>
      %add3A_93 = arith.addi %iota3A_9, %add3A_92 : vector<512x512xi32>
      %eq3A_94 = arith.cmpi eq, %add3A_93, %add3A_8 : vector<512x512xi32>
      %jit3A_95 = arith.constant 0x7F800000 : f32
      %broadcast_in_dim3A_96 = vector.broadcast %jit3A_95 : f32 to vector<512x512xf32>
      %select_n3A_97 = arith.select %eq3A_94, %broadcast_in_dim3A_96, %sub3A_89 : vector<512x512xi1>, vector<512x512xf32>
      %mul3A_98 = arith.constant 512 : i32
      %mul3A_99 = arith.muli %scan3A_74, %mul3A_98 : i32
      %convert_element_type3A_100 = arith.sitofp %mul3A_99 : i32 to f32
      %reduce_min3A = arith.constant dense<0x7F800000> : vector<512xf32>
      %reduce_min3A_101 = vector.multi_reduction <minimumf>, %select_n3A_97, %reduce_min3A [0] : vector<512x512xf32> to vector<512xf32>
      %broadcast_in_dim3A_102 = vector.shape_cast %reduce_min3A_101 : vector<512xf32> to vector<1x512xf32>
      %eq3A_103 = vector.broadcast %broadcast_in_dim3A_102 : vector<1x512xf32> to vector<512x512xf32>
      %eq3A_104 = arith.cmpf oeq, %select_n3A_97, %eq3A_103 : vector<512x512xf32>
      %jit3A_105 = arith.constant 1.000000e+00 : f32
      %jit3A_106 = arith.constant 0.000000e+00 : f32
      %broadcast_in_dim3A_107 = vector.broadcast %jit3A_105 : f32 to vector<512x512xf32>
      %broadcast_in_dim3A_108 = vector.broadcast %jit3A_106 : f32 to vector<512x512xf32>
      %select_n3A_109 = arith.select %eq3A_104, %broadcast_in_dim3A_107, %broadcast_in_dim3A_108 : vector<512x512xi1>, vector<512x512xf32>
      %dot_general3A_110 = arith.constant dense<0.000000e+00> : vector<1x512xf32>
      %dot_general3A_111 = tpu.matmul %convert_element_type3A, %select_n3A_109, %dot_general3A_110 {dimension_numbers = #tpu.dot_dimension_numbers<[1], [0], [0], [1], [0, 0, 1, 1], [], []>, transpose_lhs_hint = false} : vector<1x512xf32>, vector<512x512xf32>, vector<1x512xf32> -> vector<1x512xf32>
      %dot_general3A_112 = arith.constant dense<0.000000e+00> : vector<1x512xf32>
      %dot_general3A_113 = tpu.matmul %convert_element_type3A_55, %select_n3A_109, %dot_general3A_112 {dimension_numbers = #tpu.dot_dimension_numbers<[1], [0], [0], [1], [0, 0, 1, 1], [], []>, transpose_lhs_hint = false} : vector<1x512xf32>, vector<512x512xf32>, vector<1x512xf32> -> vector<1x512xf32>
      %jit3A_114 = arith.constant 0x7F800000 : f32
      %broadcast_in_dim3A_115 = vector.broadcast %jit3A_114 : f32 to vector<512x512xf32>
      %select_n3A_116 = arith.select %eq3A_104, %broadcast_in_dim3A_115, %select_n3A_97 : vector<512x512xi1>, vector<512x512xf32>
      %squeeze3A = vector.shape_cast %dot_general3A_111 : vector<1x512xf32> to vector<512xf32>
      %squeeze3A_117 = vector.shape_cast %dot_general3A_113 : vector<1x512xf32> to vector<512xf32>
      %mul3A_118 = arith.constant 2.560000e+02 : f32
      %mul3A_119 = vector.broadcast %mul3A_118 : f32 to vector<512xf32>
      %mul3A_120 = arith.mulf %mul3A_119, %squeeze3A_117 : vector<512xf32>
      %add3A_121 = arith.addf %squeeze3A, %mul3A_120 : vector<512xf32>
      %add3A_122 = vector.broadcast %convert_element_type3A_100 : f32 to vector<512xf32>
      %add3A_123 = arith.addf %add3A_121, %add3A_122 : vector<512xf32>
      %reduce_min3A_124 = arith.constant dense<0x7F800000> : vector<512xf32>
      %reduce_min3A_125 = vector.multi_reduction <minimumf>, %select_n3A_116, %reduce_min3A_124 [0] : vector<512x512xf32> to vector<512xf32>
      %broadcast_in_dim3A_126 = vector.shape_cast %reduce_min3A_125 : vector<512xf32> to vector<1x512xf32>
      %eq3A_127 = vector.broadcast %broadcast_in_dim3A_126 : vector<1x512xf32> to vector<512x512xf32>
      %eq3A_128 = arith.cmpf oeq, %select_n3A_116, %eq3A_127 : vector<512x512xf32>
      %jit3A_129 = arith.constant 1.000000e+00 : f32
      %jit3A_130 = arith.constant 0.000000e+00 : f32
      %broadcast_in_dim3A_131 = vector.broadcast %jit3A_129 : f32 to vector<512x512xf32>
      %broadcast_in_dim3A_132 = vector.broadcast %jit3A_130 : f32 to vector<512x512xf32>
      %select_n3A_133 = arith.select %eq3A_128, %broadcast_in_dim3A_131, %broadcast_in_dim3A_132 : vector<512x512xi1>, vector<512x512xf32>
      %dot_general3A_134 = arith.constant dense<0.000000e+00> : vector<1x512xf32>
      %dot_general3A_135 = tpu.matmul %convert_element_type3A, %select_n3A_133, %dot_general3A_134 {dimension_numbers = #tpu.dot_dimension_numbers<[1], [0], [0], [1], [0, 0, 1, 1], [], []>, transpose_lhs_hint = false} : vector<1x512xf32>, vector<512x512xf32>, vector<1x512xf32> -> vector<1x512xf32>
      %dot_general3A_136 = arith.constant dense<0.000000e+00> : vector<1x512xf32>
      %dot_general3A_137 = tpu.matmul %convert_element_type3A_55, %select_n3A_133, %dot_general3A_136 {dimension_numbers = #tpu.dot_dimension_numbers<[1], [0], [0], [1], [0, 0, 1, 1], [], []>, transpose_lhs_hint = false} : vector<1x512xf32>, vector<512x512xf32>, vector<1x512xf32> -> vector<1x512xf32>
      %jit3A_138 = arith.constant 0x7F800000 : f32
      %broadcast_in_dim3A_139 = vector.broadcast %jit3A_138 : f32 to vector<512x512xf32>
      %select_n3A_140 = arith.select %eq3A_128, %broadcast_in_dim3A_139, %select_n3A_116 : vector<512x512xi1>, vector<512x512xf32>
      %squeeze3A_141 = vector.shape_cast %dot_general3A_135 : vector<1x512xf32> to vector<512xf32>
      %squeeze3A_142 = vector.shape_cast %dot_general3A_137 : vector<1x512xf32> to vector<512xf32>
      %mul3A_143 = arith.constant 2.560000e+02 : f32
      %mul3A_144 = vector.broadcast %mul3A_143 : f32 to vector<512xf32>
      %mul3A_145 = arith.mulf %mul3A_144, %squeeze3A_142 : vector<512xf32>
      %add3A_146 = arith.addf %squeeze3A_141, %mul3A_145 : vector<512xf32>
      %add3A_147 = vector.broadcast %convert_element_type3A_100 : f32 to vector<512xf32>
      %add3A_148 = arith.addf %add3A_146, %add3A_147 : vector<512xf32>
      %reduce_min3A_149 = arith.constant dense<0x7F800000> : vector<512xf32>
      %reduce_min3A_150 = vector.multi_reduction <minimumf>, %select_n3A_140, %reduce_min3A_149 [0] : vector<512x512xf32> to vector<512xf32>
      %broadcast_in_dim3A_151 = vector.shape_cast %reduce_min3A_150 : vector<512xf32> to vector<1x512xf32>
      %eq3A_152 = vector.broadcast %broadcast_in_dim3A_151 : vector<1x512xf32> to vector<512x512xf32>
      %eq3A_153 = arith.cmpf oeq, %select_n3A_140, %eq3A_152 : vector<512x512xf32>
      %jit3A_154 = arith.constant 1.000000e+00 : f32
      %jit3A_155 = arith.constant 0.000000e+00 : f32
      %broadcast_in_dim3A_156 = vector.broadcast %jit3A_154 : f32 to vector<512x512xf32>
      %broadcast_in_dim3A_157 = vector.broadcast %jit3A_155 : f32 to vector<512x512xf32>
      %select_n3A_158 = arith.select %eq3A_153, %broadcast_in_dim3A_156, %broadcast_in_dim3A_157 : vector<512x512xi1>, vector<512x512xf32>
      %dot_general3A_159 = arith.constant dense<0.000000e+00> : vector<1x512xf32>
      %dot_general3A_160 = tpu.matmul %convert_element_type3A, %select_n3A_158, %dot_general3A_159 {dimension_numbers = #tpu.dot_dimension_numbers<[1], [0], [0], [1], [0, 0, 1, 1], [], []>, transpose_lhs_hint = false} : vector<1x512xf32>, vector<512x512xf32>, vector<1x512xf32> -> vector<1x512xf32>
      %dot_general3A_161 = arith.constant dense<0.000000e+00> : vector<1x512xf32>
      %dot_general3A_162 = tpu.matmul %convert_element_type3A_55, %select_n3A_158, %dot_general3A_161 {dimension_numbers = #tpu.dot_dimension_numbers<[1], [0], [0], [1], [0, 0, 1, 1], [], []>, transpose_lhs_hint = false} : vector<1x512xf32>, vector<512x512xf32>, vector<1x512xf32> -> vector<1x512xf32>
      %jit3A_163 = arith.constant 0x7F800000 : f32
      %broadcast_in_dim3A_164 = vector.broadcast %jit3A_163 : f32 to vector<512x512xf32>
      %select_n3A_165 = arith.select %eq3A_153, %broadcast_in_dim3A_164, %select_n3A_140 : vector<512x512xi1>, vector<512x512xf32>
      %squeeze3A_166 = vector.shape_cast %dot_general3A_160 : vector<1x512xf32> to vector<512xf32>
      %squeeze3A_167 = vector.shape_cast %dot_general3A_162 : vector<1x512xf32> to vector<512xf32>
      %mul3A_168 = arith.constant 2.560000e+02 : f32
      %mul3A_169 = vector.broadcast %mul3A_168 : f32 to vector<512xf32>
      %mul3A_170 = arith.mulf %mul3A_169, %squeeze3A_167 : vector<512xf32>
      %add3A_171 = arith.addf %squeeze3A_166, %mul3A_170 : vector<512xf32>
      %add3A_172 = vector.broadcast %convert_element_type3A_100 : f32 to vector<512xf32>
      %add3A_173 = arith.addf %add3A_171, %add3A_172 : vector<512xf32>
      %reduce_min3A_174 = arith.constant dense<0x7F800000> : vector<512xf32>
      %reduce_min3A_175 = vector.multi_reduction <minimumf>, %select_n3A_165, %reduce_min3A_174 [0] : vector<512x512xf32> to vector<512xf32>
      %broadcast_in_dim3A_176 = vector.shape_cast %reduce_min3A_175 : vector<512xf32> to vector<1x512xf32>
      %eq3A_177 = vector.broadcast %broadcast_in_dim3A_176 : vector<1x512xf32> to vector<512x512xf32>
      %eq3A_178 = arith.cmpf oeq, %select_n3A_165, %eq3A_177 : vector<512x512xf32>
      %jit3A_179 = arith.constant 1.000000e+00 : f32
      %jit3A_180 = arith.constant 0.000000e+00 : f32
      %broadcast_in_dim3A_181 = vector.broadcast %jit3A_179 : f32 to vector<512x512xf32>
      %broadcast_in_dim3A_182 = vector.broadcast %jit3A_180 : f32 to vector<512x512xf32>
      %select_n3A_183 = arith.select %eq3A_178, %broadcast_in_dim3A_181, %broadcast_in_dim3A_182 : vector<512x512xi1>, vector<512x512xf32>
      %dot_general3A_184 = arith.constant dense<0.000000e+00> : vector<1x512xf32>
      %dot_general3A_185 = tpu.matmul %convert_element_type3A, %select_n3A_183, %dot_general3A_184 {dimension_numbers = #tpu.dot_dimension_numbers<[1], [0], [0], [1], [0, 0, 1, 1], [], []>, transpose_lhs_hint = false} : vector<1x512xf32>, vector<512x512xf32>, vector<1x512xf32> -> vector<1x512xf32>
      %dot_general3A_186 = arith.constant dense<0.000000e+00> : vector<1x512xf32>
      %dot_general3A_187 = tpu.matmul %convert_element_type3A_55, %select_n3A_183, %dot_general3A_186 {dimension_numbers = #tpu.dot_dimension_numbers<[1], [0], [0], [1], [0, 0, 1, 1], [], []>, transpose_lhs_hint = false} : vector<1x512xf32>, vector<512x512xf32>, vector<1x512xf32> -> vector<1x512xf32>
      %jit3A_188 = arith.constant 0x7F800000 : f32
      %broadcast_in_dim3A_189 = vector.broadcast %jit3A_188 : f32 to vector<512x512xf32>
      %select_n3A_190 = arith.select %eq3A_178, %broadcast_in_dim3A_189, %select_n3A_165 : vector<512x512xi1>, vector<512x512xf32>
      %squeeze3A_191 = vector.shape_cast %dot_general3A_185 : vector<1x512xf32> to vector<512xf32>
      %squeeze3A_192 = vector.shape_cast %dot_general3A_187 : vector<1x512xf32> to vector<512xf32>
      %mul3A_193 = arith.constant 2.560000e+02 : f32
      %mul3A_194 = vector.broadcast %mul3A_193 : f32 to vector<512xf32>
      %mul3A_195 = arith.mulf %mul3A_194, %squeeze3A_192 : vector<512xf32>
      %add3A_196 = arith.addf %squeeze3A_191, %mul3A_195 : vector<512xf32>
      %add3A_197 = vector.broadcast %convert_element_type3A_100 : f32 to vector<512xf32>
      %add3A_198 = arith.addf %add3A_196, %add3A_197 : vector<512xf32>
      %reduce_min3A_199 = arith.constant dense<0x7F800000> : vector<512xf32>
      %reduce_min3A_200 = vector.multi_reduction <minimumf>, %select_n3A_190, %reduce_min3A_199 [0] : vector<512x512xf32> to vector<512xf32>
      %broadcast_in_dim3A_201 = vector.shape_cast %reduce_min3A_200 : vector<512xf32> to vector<1x512xf32>
      %eq3A_202 = vector.broadcast %broadcast_in_dim3A_201 : vector<1x512xf32> to vector<512x512xf32>
      %eq3A_203 = arith.cmpf oeq, %select_n3A_190, %eq3A_202 : vector<512x512xf32>
      %jit3A_204 = arith.constant 1.000000e+00 : f32
      %jit3A_205 = arith.constant 0.000000e+00 : f32
      %broadcast_in_dim3A_206 = vector.broadcast %jit3A_204 : f32 to vector<512x512xf32>
      %broadcast_in_dim3A_207 = vector.broadcast %jit3A_205 : f32 to vector<512x512xf32>
      %select_n3A_208 = arith.select %eq3A_203, %broadcast_in_dim3A_206, %broadcast_in_dim3A_207 : vector<512x512xi1>, vector<512x512xf32>
      %dot_general3A_209 = arith.constant dense<0.000000e+00> : vector<1x512xf32>
      %dot_general3A_210 = tpu.matmul %convert_element_type3A, %select_n3A_208, %dot_general3A_209 {dimension_numbers = #tpu.dot_dimension_numbers<[1], [0], [0], [1], [0, 0, 1, 1], [], []>, transpose_lhs_hint = false} : vector<1x512xf32>, vector<512x512xf32>, vector<1x512xf32> -> vector<1x512xf32>
      %dot_general3A_211 = arith.constant dense<0.000000e+00> : vector<1x512xf32>
      %dot_general3A_212 = tpu.matmul %convert_element_type3A_55, %select_n3A_208, %dot_general3A_211 {dimension_numbers = #tpu.dot_dimension_numbers<[1], [0], [0], [1], [0, 0, 1, 1], [], []>, transpose_lhs_hint = false} : vector<1x512xf32>, vector<512x512xf32>, vector<1x512xf32> -> vector<1x512xf32>
      %jit3A_213 = arith.constant 0x7F800000 : f32
      %broadcast_in_dim3A_214 = vector.broadcast %jit3A_213 : f32 to vector<512x512xf32>
      %select_n3A_215 = arith.select %eq3A_203, %broadcast_in_dim3A_214, %select_n3A_190 : vector<512x512xi1>, vector<512x512xf32>
      %squeeze3A_216 = vector.shape_cast %dot_general3A_210 : vector<1x512xf32> to vector<512xf32>
      %squeeze3A_217 = vector.shape_cast %dot_general3A_212 : vector<1x512xf32> to vector<512xf32>
      %mul3A_218 = arith.constant 2.560000e+02 : f32
      %mul3A_219 = vector.broadcast %mul3A_218 : f32 to vector<512xf32>
      %mul3A_220 = arith.mulf %mul3A_219, %squeeze3A_217 : vector<512xf32>
      %add3A_221 = arith.addf %squeeze3A_216, %mul3A_220 : vector<512xf32>
      %add3A_222 = vector.broadcast %convert_element_type3A_100 : f32 to vector<512xf32>
      %add3A_223 = arith.addf %add3A_221, %add3A_222 : vector<512xf32>
      %reduce_min3A_224 = arith.constant dense<0x7F800000> : vector<512xf32>
      %reduce_min3A_225 = vector.multi_reduction <minimumf>, %select_n3A_215, %reduce_min3A_224 [0] : vector<512x512xf32> to vector<512xf32>
      %broadcast_in_dim3A_226 = vector.shape_cast %reduce_min3A_225 : vector<512xf32> to vector<1x512xf32>
      %eq3A_227 = vector.broadcast %broadcast_in_dim3A_226 : vector<1x512xf32> to vector<512x512xf32>
      %eq3A_228 = arith.cmpf oeq, %select_n3A_215, %eq3A_227 : vector<512x512xf32>
      %jit3A_229 = arith.constant 1.000000e+00 : f32
      %jit3A_230 = arith.constant 0.000000e+00 : f32
      %broadcast_in_dim3A_231 = vector.broadcast %jit3A_229 : f32 to vector<512x512xf32>
      %broadcast_in_dim3A_232 = vector.broadcast %jit3A_230 : f32 to vector<512x512xf32>
      %select_n3A_233 = arith.select %eq3A_228, %broadcast_in_dim3A_231, %broadcast_in_dim3A_232 : vector<512x512xi1>, vector<512x512xf32>
      %dot_general3A_234 = arith.constant dense<0.000000e+00> : vector<1x512xf32>
      %dot_general3A_235 = tpu.matmul %convert_element_type3A, %select_n3A_233, %dot_general3A_234 {dimension_numbers = #tpu.dot_dimension_numbers<[1], [0], [0], [1], [0, 0, 1, 1], [], []>, transpose_lhs_hint = false} : vector<1x512xf32>, vector<512x512xf32>, vector<1x512xf32> -> vector<1x512xf32>
      %dot_general3A_236 = arith.constant dense<0.000000e+00> : vector<1x512xf32>
      %dot_general3A_237 = tpu.matmul %convert_element_type3A_55, %select_n3A_233, %dot_general3A_236 {dimension_numbers = #tpu.dot_dimension_numbers<[1], [0], [0], [1], [0, 0, 1, 1], [], []>, transpose_lhs_hint = false} : vector<1x512xf32>, vector<512x512xf32>, vector<1x512xf32> -> vector<1x512xf32>
      %jit3A_238 = arith.constant 0x7F800000 : f32
      %broadcast_in_dim3A_239 = vector.broadcast %jit3A_238 : f32 to vector<512x512xf32>
      %select_n3A_240 = arith.select %eq3A_228, %broadcast_in_dim3A_239, %select_n3A_215 : vector<512x512xi1>, vector<512x512xf32>
      %squeeze3A_241 = vector.shape_cast %dot_general3A_235 : vector<1x512xf32> to vector<512xf32>
      %squeeze3A_242 = vector.shape_cast %dot_general3A_237 : vector<1x512xf32> to vector<512xf32>
      %mul3A_243 = arith.constant 2.560000e+02 : f32
      %mul3A_244 = vector.broadcast %mul3A_243 : f32 to vector<512xf32>
      %mul3A_245 = arith.mulf %mul3A_244, %squeeze3A_242 : vector<512xf32>
      %add3A_246 = arith.addf %squeeze3A_241, %mul3A_245 : vector<512xf32>
      %add3A_247 = vector.broadcast %convert_element_type3A_100 : f32 to vector<512xf32>
      %add3A_248 = arith.addf %add3A_246, %add3A_247 : vector<512xf32>
      %reduce_min3A_249 = arith.constant dense<0x7F800000> : vector<512xf32>
      %reduce_min3A_250 = vector.multi_reduction <minimumf>, %select_n3A_240, %reduce_min3A_249 [0] : vector<512x512xf32> to vector<512xf32>
      %broadcast_in_dim3A_251 = vector.shape_cast %reduce_min3A_250 : vector<512xf32> to vector<1x512xf32>
      %eq3A_252 = vector.broadcast %broadcast_in_dim3A_251 : vector<1x512xf32> to vector<512x512xf32>
      %eq3A_253 = arith.cmpf oeq, %select_n3A_240, %eq3A_252 : vector<512x512xf32>
      %jit3A_254 = arith.constant 1.000000e+00 : f32
      %jit3A_255 = arith.constant 0.000000e+00 : f32
      %broadcast_in_dim3A_256 = vector.broadcast %jit3A_254 : f32 to vector<512x512xf32>
      %broadcast_in_dim3A_257 = vector.broadcast %jit3A_255 : f32 to vector<512x512xf32>
      %select_n3A_258 = arith.select %eq3A_253, %broadcast_in_dim3A_256, %broadcast_in_dim3A_257 : vector<512x512xi1>, vector<512x512xf32>
      %dot_general3A_259 = arith.constant dense<0.000000e+00> : vector<1x512xf32>
      %dot_general3A_260 = tpu.matmul %convert_element_type3A, %select_n3A_258, %dot_general3A_259 {dimension_numbers = #tpu.dot_dimension_numbers<[1], [0], [0], [1], [0, 0, 1, 1], [], []>, transpose_lhs_hint = false} : vector<1x512xf32>, vector<512x512xf32>, vector<1x512xf32> -> vector<1x512xf32>
      %dot_general3A_261 = arith.constant dense<0.000000e+00> : vector<1x512xf32>
      %dot_general3A_262 = tpu.matmul %convert_element_type3A_55, %select_n3A_258, %dot_general3A_261 {dimension_numbers = #tpu.dot_dimension_numbers<[1], [0], [0], [1], [0, 0, 1, 1], [], []>, transpose_lhs_hint = false} : vector<1x512xf32>, vector<512x512xf32>, vector<1x512xf32> -> vector<1x512xf32>
      %jit3A_263 = arith.constant 0x7F800000 : f32
      %broadcast_in_dim3A_264 = vector.broadcast %jit3A_263 : f32 to vector<512x512xf32>
      %select_n3A_265 = arith.select %eq3A_253, %broadcast_in_dim3A_264, %select_n3A_240 : vector<512x512xi1>, vector<512x512xf32>
      %squeeze3A_266 = vector.shape_cast %dot_general3A_260 : vector<1x512xf32> to vector<512xf32>
      %squeeze3A_267 = vector.shape_cast %dot_general3A_262 : vector<1x512xf32> to vector<512xf32>
      %mul3A_268 = arith.constant 2.560000e+02 : f32
      %mul3A_269 = vector.broadcast %mul3A_268 : f32 to vector<512xf32>
      %mul3A_270 = arith.mulf %mul3A_269, %squeeze3A_267 : vector<512xf32>
      %add3A_271 = arith.addf %squeeze3A_266, %mul3A_270 : vector<512xf32>
      %add3A_272 = vector.broadcast %convert_element_type3A_100 : f32 to vector<512xf32>
      %add3A_273 = arith.addf %add3A_271, %add3A_272 : vector<512xf32>
      %reduce_min3A_274 = arith.constant dense<0x7F800000> : vector<512xf32>
      %reduce_min3A_275 = vector.multi_reduction <minimumf>, %select_n3A_265, %reduce_min3A_274 [0] : vector<512x512xf32> to vector<512xf32>
      %broadcast_in_dim3A_276 = vector.shape_cast %reduce_min3A_275 : vector<512xf32> to vector<1x512xf32>
      %eq3A_277 = vector.broadcast %broadcast_in_dim3A_276 : vector<1x512xf32> to vector<512x512xf32>
      %eq3A_278 = arith.cmpf oeq, %select_n3A_265, %eq3A_277 : vector<512x512xf32>
      %jit3A_279 = arith.constant 1.000000e+00 : f32
      %jit3A_280 = arith.constant 0.000000e+00 : f32
      %broadcast_in_dim3A_281 = vector.broadcast %jit3A_279 : f32 to vector<512x512xf32>
      %broadcast_in_dim3A_282 = vector.broadcast %jit3A_280 : f32 to vector<512x512xf32>
      %select_n3A_283 = arith.select %eq3A_278, %broadcast_in_dim3A_281, %broadcast_in_dim3A_282 : vector<512x512xi1>, vector<512x512xf32>
      %dot_general3A_284 = arith.constant dense<0.000000e+00> : vector<1x512xf32>
      %dot_general3A_285 = tpu.matmul %convert_element_type3A, %select_n3A_283, %dot_general3A_284 {dimension_numbers = #tpu.dot_dimension_numbers<[1], [0], [0], [1], [0, 0, 1, 1], [], []>, transpose_lhs_hint = false} : vector<1x512xf32>, vector<512x512xf32>, vector<1x512xf32> -> vector<1x512xf32>
      %dot_general3A_286 = arith.constant dense<0.000000e+00> : vector<1x512xf32>
      %dot_general3A_287 = tpu.matmul %convert_element_type3A_55, %select_n3A_283, %dot_general3A_286 {dimension_numbers = #tpu.dot_dimension_numbers<[1], [0], [0], [1], [0, 0, 1, 1], [], []>, transpose_lhs_hint = false} : vector<1x512xf32>, vector<512x512xf32>, vector<1x512xf32> -> vector<1x512xf32>
      %jit3A_288 = arith.constant 0x7F800000 : f32
      %broadcast_in_dim3A_289 = vector.broadcast %jit3A_288 : f32 to vector<512x512xf32>
      %select_n3A_290 = arith.select %eq3A_278, %broadcast_in_dim3A_289, %select_n3A_265 : vector<512x512xi1>, vector<512x512xf32>
      %squeeze3A_291 = vector.shape_cast %dot_general3A_285 : vector<1x512xf32> to vector<512xf32>
      %squeeze3A_292 = vector.shape_cast %dot_general3A_287 : vector<1x512xf32> to vector<512xf32>
      %mul3A_293 = arith.constant 2.560000e+02 : f32
      %mul3A_294 = vector.broadcast %mul3A_293 : f32 to vector<512xf32>
      %mul3A_295 = arith.mulf %mul3A_294, %squeeze3A_292 : vector<512xf32>
      %add3A_296 = arith.addf %squeeze3A_291, %mul3A_295 : vector<512xf32>
      %add3A_297 = vector.broadcast %convert_element_type3A_100 : f32 to vector<512xf32>
      %add3A_298 = arith.addf %add3A_296, %add3A_297 : vector<512xf32>
      %reduce_min3A_299 = arith.constant dense<0x7F800000> : vector<512xf32>
      %reduce_min3A_300 = vector.multi_reduction <minimumf>, %select_n3A_290, %reduce_min3A_299 [0] : vector<512x512xf32> to vector<512xf32>
      %broadcast_in_dim3A_301 = vector.shape_cast %reduce_min3A_300 : vector<512xf32> to vector<1x512xf32>
      %eq3A_302 = vector.broadcast %broadcast_in_dim3A_301 : vector<1x512xf32> to vector<512x512xf32>
      %eq3A_303 = arith.cmpf oeq, %select_n3A_290, %eq3A_302 : vector<512x512xf32>
      %jit3A_304 = arith.constant 1.000000e+00 : f32
      %jit3A_305 = arith.constant 0.000000e+00 : f32
      %broadcast_in_dim3A_306 = vector.broadcast %jit3A_304 : f32 to vector<512x512xf32>
      %broadcast_in_dim3A_307 = vector.broadcast %jit3A_305 : f32 to vector<512x512xf32>
      %select_n3A_308 = arith.select %eq3A_303, %broadcast_in_dim3A_306, %broadcast_in_dim3A_307 : vector<512x512xi1>, vector<512x512xf32>
      %dot_general3A_309 = arith.constant dense<0.000000e+00> : vector<1x512xf32>
      %dot_general3A_310 = tpu.matmul %convert_element_type3A, %select_n3A_308, %dot_general3A_309 {dimension_numbers = #tpu.dot_dimension_numbers<[1], [0], [0], [1], [0, 0, 1, 1], [], []>, transpose_lhs_hint = false} : vector<1x512xf32>, vector<512x512xf32>, vector<1x512xf32> -> vector<1x512xf32>
      %dot_general3A_311 = arith.constant dense<0.000000e+00> : vector<1x512xf32>
      %dot_general3A_312 = tpu.matmul %convert_element_type3A_55, %select_n3A_308, %dot_general3A_311 {dimension_numbers = #tpu.dot_dimension_numbers<[1], [0], [0], [1], [0, 0, 1, 1], [], []>, transpose_lhs_hint = false} : vector<1x512xf32>, vector<512x512xf32>, vector<1x512xf32> -> vector<1x512xf32>
      %jit3A_313 = arith.constant 0x7F800000 : f32
      %broadcast_in_dim3A_314 = vector.broadcast %jit3A_313 : f32 to vector<512x512xf32>
      %select_n3A_315 = arith.select %eq3A_303, %broadcast_in_dim3A_314, %select_n3A_290 : vector<512x512xi1>, vector<512x512xf32>
      %squeeze3A_316 = vector.shape_cast %dot_general3A_310 : vector<1x512xf32> to vector<512xf32>
      %squeeze3A_317 = vector.shape_cast %dot_general3A_312 : vector<1x512xf32> to vector<512xf32>
      %mul3A_318 = arith.constant 2.560000e+02 : f32
      %mul3A_319 = vector.broadcast %mul3A_318 : f32 to vector<512xf32>
      %mul3A_320 = arith.mulf %mul3A_319, %squeeze3A_317 : vector<512xf32>
      %add3A_321 = arith.addf %squeeze3A_316, %mul3A_320 : vector<512xf32>
      %add3A_322 = vector.broadcast %convert_element_type3A_100 : f32 to vector<512xf32>
      %add3A_323 = arith.addf %add3A_321, %add3A_322 : vector<512xf32>
      %reduce_min3A_324 = arith.constant dense<0x7F800000> : vector<512xf32>
      %reduce_min3A_325 = vector.multi_reduction <minimumf>, %select_n3A_315, %reduce_min3A_324 [0] : vector<512x512xf32> to vector<512xf32>
      %broadcast_in_dim3A_326 = vector.shape_cast %reduce_min3A_325 : vector<512xf32> to vector<1x512xf32>
      %eq3A_327 = vector.broadcast %broadcast_in_dim3A_326 : vector<1x512xf32> to vector<512x512xf32>
      %eq3A_328 = arith.cmpf oeq, %select_n3A_315, %eq3A_327 : vector<512x512xf32>
      %jit3A_329 = arith.constant 1.000000e+00 : f32
      %jit3A_330 = arith.constant 0.000000e+00 : f32
      %broadcast_in_dim3A_331 = vector.broadcast %jit3A_329 : f32 to vector<512x512xf32>
      %broadcast_in_dim3A_332 = vector.broadcast %jit3A_330 : f32 to vector<512x512xf32>
      %select_n3A_333 = arith.select %eq3A_328, %broadcast_in_dim3A_331, %broadcast_in_dim3A_332 : vector<512x512xi1>, vector<512x512xf32>
      %dot_general3A_334 = arith.constant dense<0.000000e+00> : vector<1x512xf32>
      %dot_general3A_335 = tpu.matmul %convert_element_type3A, %select_n3A_333, %dot_general3A_334 {dimension_numbers = #tpu.dot_dimension_numbers<[1], [0], [0], [1], [0, 0, 1, 1], [], []>, transpose_lhs_hint = false} : vector<1x512xf32>, vector<512x512xf32>, vector<1x512xf32> -> vector<1x512xf32>
      %dot_general3A_336 = arith.constant dense<0.000000e+00> : vector<1x512xf32>
      %dot_general3A_337 = tpu.matmul %convert_element_type3A_55, %select_n3A_333, %dot_general3A_336 {dimension_numbers = #tpu.dot_dimension_numbers<[1], [0], [0], [1], [0, 0, 1, 1], [], []>, transpose_lhs_hint = false} : vector<1x512xf32>, vector<512x512xf32>, vector<1x512xf32> -> vector<1x512xf32>
      %jit3A_338 = arith.constant 0x7F800000 : f32
      %broadcast_in_dim3A_339 = vector.broadcast %jit3A_338 : f32 to vector<512x512xf32>
      %select_n3A_340 = arith.select %eq3A_328, %broadcast_in_dim3A_339, %select_n3A_315 : vector<512x512xi1>, vector<512x512xf32>
      %squeeze3A_341 = vector.shape_cast %dot_general3A_335 : vector<1x512xf32> to vector<512xf32>
      %squeeze3A_342 = vector.shape_cast %dot_general3A_337 : vector<1x512xf32> to vector<512xf32>
      %mul3A_343 = arith.constant 2.560000e+02 : f32
      %mul3A_344 = vector.broadcast %mul3A_343 : f32 to vector<512xf32>
      %mul3A_345 = arith.mulf %mul3A_344, %squeeze3A_342 : vector<512xf32>
      %add3A_346 = arith.addf %squeeze3A_341, %mul3A_345 : vector<512xf32>
      %add3A_347 = vector.broadcast %convert_element_type3A_100 : f32 to vector<512xf32>
      %add3A_348 = arith.addf %add3A_346, %add3A_347 : vector<512xf32>
      %reduce_min3A_349 = arith.constant dense<0x7F800000> : vector<512xf32>
      %reduce_min3A_350 = vector.multi_reduction <minimumf>, %select_n3A_340, %reduce_min3A_349 [0] : vector<512x512xf32> to vector<512xf32>
      %broadcast_in_dim3A_351 = vector.shape_cast %reduce_min3A_350 : vector<512xf32> to vector<1x512xf32>
      %eq3A_352 = vector.broadcast %broadcast_in_dim3A_351 : vector<1x512xf32> to vector<512x512xf32>
      %eq3A_353 = arith.cmpf oeq, %select_n3A_340, %eq3A_352 : vector<512x512xf32>
      %jit3A_354 = arith.constant 1.000000e+00 : f32
      %jit3A_355 = arith.constant 0.000000e+00 : f32
      %broadcast_in_dim3A_356 = vector.broadcast %jit3A_354 : f32 to vector<512x512xf32>
      %broadcast_in_dim3A_357 = vector.broadcast %jit3A_355 : f32 to vector<512x512xf32>
      %select_n3A_358 = arith.select %eq3A_353, %broadcast_in_dim3A_356, %broadcast_in_dim3A_357 : vector<512x512xi1>, vector<512x512xf32>
      %dot_general3A_359 = arith.constant dense<0.000000e+00> : vector<1x512xf32>
      %dot_general3A_360 = tpu.matmul %convert_element_type3A, %select_n3A_358, %dot_general3A_359 {dimension_numbers = #tpu.dot_dimension_numbers<[1], [0], [0], [1], [0, 0, 1, 1], [], []>, transpose_lhs_hint = false} : vector<1x512xf32>, vector<512x512xf32>, vector<1x512xf32> -> vector<1x512xf32>
      %dot_general3A_361 = arith.constant dense<0.000000e+00> : vector<1x512xf32>
      %dot_general3A_362 = tpu.matmul %convert_element_type3A_55, %select_n3A_358, %dot_general3A_361 {dimension_numbers = #tpu.dot_dimension_numbers<[1], [0], [0], [1], [0, 0, 1, 1], [], []>, transpose_lhs_hint = false} : vector<1x512xf32>, vector<512x512xf32>, vector<1x512xf32> -> vector<1x512xf32>
      %jit3A_363 = arith.constant 0x7F800000 : f32
      %broadcast_in_dim3A_364 = vector.broadcast %jit3A_363 : f32 to vector<512x512xf32>
      %select_n3A_365 = arith.select %eq3A_353, %broadcast_in_dim3A_364, %select_n3A_340 : vector<512x512xi1>, vector<512x512xf32>
      %squeeze3A_366 = vector.shape_cast %dot_general3A_360 : vector<1x512xf32> to vector<512xf32>
      %squeeze3A_367 = vector.shape_cast %dot_general3A_362 : vector<1x512xf32> to vector<512xf32>
      %mul3A_368 = arith.constant 2.560000e+02 : f32
      %mul3A_369 = vector.broadcast %mul3A_368 : f32 to vector<512xf32>
      %mul3A_370 = arith.mulf %mul3A_369, %squeeze3A_367 : vector<512xf32>
      %add3A_371 = arith.addf %squeeze3A_366, %mul3A_370 : vector<512xf32>
      %add3A_372 = vector.broadcast %convert_element_type3A_100 : f32 to vector<512xf32>
      %add3A_373 = arith.addf %add3A_371, %add3A_372 : vector<512xf32>
      %reduce_min3A_374 = arith.constant dense<0x7F800000> : vector<512xf32>
      %reduce_min3A_375 = vector.multi_reduction <minimumf>, %select_n3A_365, %reduce_min3A_374 [0] : vector<512x512xf32> to vector<512xf32>
      %broadcast_in_dim3A_376 = vector.shape_cast %reduce_min3A_375 : vector<512xf32> to vector<1x512xf32>
      %eq3A_377 = vector.broadcast %broadcast_in_dim3A_376 : vector<1x512xf32> to vector<512x512xf32>
      %eq3A_378 = arith.cmpf oeq, %select_n3A_365, %eq3A_377 : vector<512x512xf32>
      %jit3A_379 = arith.constant 1.000000e+00 : f32
      %jit3A_380 = arith.constant 0.000000e+00 : f32
      %broadcast_in_dim3A_381 = vector.broadcast %jit3A_379 : f32 to vector<512x512xf32>
      %broadcast_in_dim3A_382 = vector.broadcast %jit3A_380 : f32 to vector<512x512xf32>
      %select_n3A_383 = arith.select %eq3A_378, %broadcast_in_dim3A_381, %broadcast_in_dim3A_382 : vector<512x512xi1>, vector<512x512xf32>
      %dot_general3A_384 = arith.constant dense<0.000000e+00> : vector<1x512xf32>
      %dot_general3A_385 = tpu.matmul %convert_element_type3A, %select_n3A_383, %dot_general3A_384 {dimension_numbers = #tpu.dot_dimension_numbers<[1], [0], [0], [1], [0, 0, 1, 1], [], []>, transpose_lhs_hint = false} : vector<1x512xf32>, vector<512x512xf32>, vector<1x512xf32> -> vector<1x512xf32>
      %dot_general3A_386 = arith.constant dense<0.000000e+00> : vector<1x512xf32>
      %dot_general3A_387 = tpu.matmul %convert_element_type3A_55, %select_n3A_383, %dot_general3A_386 {dimension_numbers = #tpu.dot_dimension_numbers<[1], [0], [0], [1], [0, 0, 1, 1], [], []>, transpose_lhs_hint = false} : vector<1x512xf32>, vector<512x512xf32>, vector<1x512xf32> -> vector<1x512xf32>
      %jit3A_388 = arith.constant 0x7F800000 : f32
      %broadcast_in_dim3A_389 = vector.broadcast %jit3A_388 : f32 to vector<512x512xf32>
      %select_n3A_390 = arith.select %eq3A_378, %broadcast_in_dim3A_389, %select_n3A_365 : vector<512x512xi1>, vector<512x512xf32>
      %squeeze3A_391 = vector.shape_cast %dot_general3A_385 : vector<1x512xf32> to vector<512xf32>
      %squeeze3A_392 = vector.shape_cast %dot_general3A_387 : vector<1x512xf32> to vector<512xf32>
      %mul3A_393 = arith.constant 2.560000e+02 : f32
      %mul3A_394 = vector.broadcast %mul3A_393 : f32 to vector<512xf32>
      %mul3A_395 = arith.mulf %mul3A_394, %squeeze3A_392 : vector<512xf32>
      %add3A_396 = arith.addf %squeeze3A_391, %mul3A_395 : vector<512xf32>
      %add3A_397 = vector.broadcast %convert_element_type3A_100 : f32 to vector<512xf32>
      %add3A_398 = arith.addf %add3A_396, %add3A_397 : vector<512xf32>
      %reduce_min3A_399 = arith.constant dense<0x7F800000> : vector<512xf32>
      %reduce_min3A_400 = vector.multi_reduction <minimumf>, %select_n3A_390, %reduce_min3A_399 [0] : vector<512x512xf32> to vector<512xf32>
      %broadcast_in_dim3A_401 = vector.shape_cast %reduce_min3A_400 : vector<512xf32> to vector<1x512xf32>
      %eq3A_402 = vector.broadcast %broadcast_in_dim3A_401 : vector<1x512xf32> to vector<512x512xf32>
      %eq3A_403 = arith.cmpf oeq, %select_n3A_390, %eq3A_402 : vector<512x512xf32>
      %jit3A_404 = arith.constant 1.000000e+00 : f32
      %jit3A_405 = arith.constant 0.000000e+00 : f32
      %broadcast_in_dim3A_406 = vector.broadcast %jit3A_404 : f32 to vector<512x512xf32>
      %broadcast_in_dim3A_407 = vector.broadcast %jit3A_405 : f32 to vector<512x512xf32>
      %select_n3A_408 = arith.select %eq3A_403, %broadcast_in_dim3A_406, %broadcast_in_dim3A_407 : vector<512x512xi1>, vector<512x512xf32>
      %dot_general3A_409 = arith.constant dense<0.000000e+00> : vector<1x512xf32>
      %dot_general3A_410 = tpu.matmul %convert_element_type3A, %select_n3A_408, %dot_general3A_409 {dimension_numbers = #tpu.dot_dimension_numbers<[1], [0], [0], [1], [0, 0, 1, 1], [], []>, transpose_lhs_hint = false} : vector<1x512xf32>, vector<512x512xf32>, vector<1x512xf32> -> vector<1x512xf32>
      %dot_general3A_411 = arith.constant dense<0.000000e+00> : vector<1x512xf32>
      %dot_general3A_412 = tpu.matmul %convert_element_type3A_55, %select_n3A_408, %dot_general3A_411 {dimension_numbers = #tpu.dot_dimension_numbers<[1], [0], [0], [1], [0, 0, 1, 1], [], []>, transpose_lhs_hint = false} : vector<1x512xf32>, vector<512x512xf32>, vector<1x512xf32> -> vector<1x512xf32>
      %jit3A_413 = arith.constant 0x7F800000 : f32
      %broadcast_in_dim3A_414 = vector.broadcast %jit3A_413 : f32 to vector<512x512xf32>
      %select_n3A_415 = arith.select %eq3A_403, %broadcast_in_dim3A_414, %select_n3A_390 : vector<512x512xi1>, vector<512x512xf32>
      %squeeze3A_416 = vector.shape_cast %dot_general3A_410 : vector<1x512xf32> to vector<512xf32>
      %squeeze3A_417 = vector.shape_cast %dot_general3A_412 : vector<1x512xf32> to vector<512xf32>
      %mul3A_418 = arith.constant 2.560000e+02 : f32
      %mul3A_419 = vector.broadcast %mul3A_418 : f32 to vector<512xf32>
      %mul3A_420 = arith.mulf %mul3A_419, %squeeze3A_417 : vector<512xf32>
      %add3A_421 = arith.addf %squeeze3A_416, %mul3A_420 : vector<512xf32>
      %add3A_422 = vector.broadcast %convert_element_type3A_100 : f32 to vector<512xf32>
      %add3A_423 = arith.addf %add3A_421, %add3A_422 : vector<512xf32>
      %reduce_min3A_424 = arith.constant dense<0x7F800000> : vector<512xf32>
      %reduce_min3A_425 = vector.multi_reduction <minimumf>, %select_n3A_415, %reduce_min3A_424 [0] : vector<512x512xf32> to vector<512xf32>
      %broadcast_in_dim3A_426 = vector.shape_cast %reduce_min3A_425 : vector<512xf32> to vector<1x512xf32>
      %eq3A_427 = vector.broadcast %broadcast_in_dim3A_426 : vector<1x512xf32> to vector<512x512xf32>
      %eq3A_428 = arith.cmpf oeq, %select_n3A_415, %eq3A_427 : vector<512x512xf32>
      %jit3A_429 = arith.constant 1.000000e+00 : f32
      %jit3A_430 = arith.constant 0.000000e+00 : f32
      %broadcast_in_dim3A_431 = vector.broadcast %jit3A_429 : f32 to vector<512x512xf32>
      %broadcast_in_dim3A_432 = vector.broadcast %jit3A_430 : f32 to vector<512x512xf32>
      %select_n3A_433 = arith.select %eq3A_428, %broadcast_in_dim3A_431, %broadcast_in_dim3A_432 : vector<512x512xi1>, vector<512x512xf32>
      %dot_general3A_434 = arith.constant dense<0.000000e+00> : vector<1x512xf32>
      %dot_general3A_435 = tpu.matmul %convert_element_type3A, %select_n3A_433, %dot_general3A_434 {dimension_numbers = #tpu.dot_dimension_numbers<[1], [0], [0], [1], [0, 0, 1, 1], [], []>, transpose_lhs_hint = false} : vector<1x512xf32>, vector<512x512xf32>, vector<1x512xf32> -> vector<1x512xf32>
      %dot_general3A_436 = arith.constant dense<0.000000e+00> : vector<1x512xf32>
      %dot_general3A_437 = tpu.matmul %convert_element_type3A_55, %select_n3A_433, %dot_general3A_436 {dimension_numbers = #tpu.dot_dimension_numbers<[1], [0], [0], [1], [0, 0, 1, 1], [], []>, transpose_lhs_hint = false} : vector<1x512xf32>, vector<512x512xf32>, vector<1x512xf32> -> vector<1x512xf32>
      %jit3A_438 = arith.constant 0x7F800000 : f32
      %broadcast_in_dim3A_439 = vector.broadcast %jit3A_438 : f32 to vector<512x512xf32>
      %select_n3A_440 = arith.select %eq3A_428, %broadcast_in_dim3A_439, %select_n3A_415 : vector<512x512xi1>, vector<512x512xf32>
      %squeeze3A_441 = vector.shape_cast %dot_general3A_435 : vector<1x512xf32> to vector<512xf32>
      %squeeze3A_442 = vector.shape_cast %dot_general3A_437 : vector<1x512xf32> to vector<512xf32>
      %mul3A_443 = arith.constant 2.560000e+02 : f32
      %mul3A_444 = vector.broadcast %mul3A_443 : f32 to vector<512xf32>
      %mul3A_445 = arith.mulf %mul3A_444, %squeeze3A_442 : vector<512xf32>
      %add3A_446 = arith.addf %squeeze3A_441, %mul3A_445 : vector<512xf32>
      %add3A_447 = vector.broadcast %convert_element_type3A_100 : f32 to vector<512xf32>
      %add3A_448 = arith.addf %add3A_446, %add3A_447 : vector<512xf32>
      %reduce_min3A_449 = arith.constant dense<0x7F800000> : vector<512xf32>
      %reduce_min3A_450 = vector.multi_reduction <minimumf>, %select_n3A_440, %reduce_min3A_449 [0] : vector<512x512xf32> to vector<512xf32>
      %broadcast_in_dim3A_451 = vector.shape_cast %reduce_min3A_450 : vector<512xf32> to vector<1x512xf32>
      %eq3A_452 = vector.broadcast %broadcast_in_dim3A_451 : vector<1x512xf32> to vector<512x512xf32>
      %eq3A_453 = arith.cmpf oeq, %select_n3A_440, %eq3A_452 : vector<512x512xf32>
      %jit3A_454 = arith.constant 1.000000e+00 : f32
      %jit3A_455 = arith.constant 0.000000e+00 : f32
      %broadcast_in_dim3A_456 = vector.broadcast %jit3A_454 : f32 to vector<512x512xf32>
      %broadcast_in_dim3A_457 = vector.broadcast %jit3A_455 : f32 to vector<512x512xf32>
      %select_n3A_458 = arith.select %eq3A_453, %broadcast_in_dim3A_456, %broadcast_in_dim3A_457 : vector<512x512xi1>, vector<512x512xf32>
      %dot_general3A_459 = arith.constant dense<0.000000e+00> : vector<1x512xf32>
      %dot_general3A_460 = tpu.matmul %convert_element_type3A, %select_n3A_458, %dot_general3A_459 {dimension_numbers = #tpu.dot_dimension_numbers<[1], [0], [0], [1], [0, 0, 1, 1], [], []>, transpose_lhs_hint = false} : vector<1x512xf32>, vector<512x512xf32>, vector<1x512xf32> -> vector<1x512xf32>
      %dot_general3A_461 = arith.constant dense<0.000000e+00> : vector<1x512xf32>
      %dot_general3A_462 = tpu.matmul %convert_element_type3A_55, %select_n3A_458, %dot_general3A_461 {dimension_numbers = #tpu.dot_dimension_numbers<[1], [0], [0], [1], [0, 0, 1, 1], [], []>, transpose_lhs_hint = false} : vector<1x512xf32>, vector<512x512xf32>, vector<1x512xf32> -> vector<1x512xf32>
      %jit3A_463 = arith.constant 0x7F800000 : f32
      %broadcast_in_dim3A_464 = vector.broadcast %jit3A_463 : f32 to vector<512x512xf32>
      %select_n3A_465 = arith.select %eq3A_453, %broadcast_in_dim3A_464, %select_n3A_440 : vector<512x512xi1>, vector<512x512xf32>
      %squeeze3A_466 = vector.shape_cast %dot_general3A_460 : vector<1x512xf32> to vector<512xf32>
      %squeeze3A_467 = vector.shape_cast %dot_general3A_462 : vector<1x512xf32> to vector<512xf32>
      %mul3A_468 = arith.constant 2.560000e+02 : f32
      %mul3A_469 = vector.broadcast %mul3A_468 : f32 to vector<512xf32>
      %mul3A_470 = arith.mulf %mul3A_469, %squeeze3A_467 : vector<512xf32>
      %add3A_471 = arith.addf %squeeze3A_466, %mul3A_470 : vector<512xf32>
      %add3A_472 = vector.broadcast %convert_element_type3A_100 : f32 to vector<512xf32>
      %add3A_473 = arith.addf %add3A_471, %add3A_472 : vector<512xf32>
      %reduce_min3A_474 = arith.constant dense<0x7F800000> : vector<512xf32>
      %reduce_min3A_475 = vector.multi_reduction <minimumf>, %select_n3A_465, %reduce_min3A_474 [0] : vector<512x512xf32> to vector<512xf32>
      %broadcast_in_dim3A_476 = vector.shape_cast %reduce_min3A_475 : vector<512xf32> to vector<1x512xf32>
      %eq3A_477 = vector.broadcast %broadcast_in_dim3A_476 : vector<1x512xf32> to vector<512x512xf32>
      %eq3A_478 = arith.cmpf oeq, %select_n3A_465, %eq3A_477 : vector<512x512xf32>
      %jit3A_479 = arith.constant 1.000000e+00 : f32
      %jit3A_480 = arith.constant 0.000000e+00 : f32
      %broadcast_in_dim3A_481 = vector.broadcast %jit3A_479 : f32 to vector<512x512xf32>
      %broadcast_in_dim3A_482 = vector.broadcast %jit3A_480 : f32 to vector<512x512xf32>
      %select_n3A_483 = arith.select %eq3A_478, %broadcast_in_dim3A_481, %broadcast_in_dim3A_482 : vector<512x512xi1>, vector<512x512xf32>
      %dot_general3A_484 = arith.constant dense<0.000000e+00> : vector<1x512xf32>
      %dot_general3A_485 = tpu.matmul %convert_element_type3A, %select_n3A_483, %dot_general3A_484 {dimension_numbers = #tpu.dot_dimension_numbers<[1], [0], [0], [1], [0, 0, 1, 1], [], []>, transpose_lhs_hint = false} : vector<1x512xf32>, vector<512x512xf32>, vector<1x512xf32> -> vector<1x512xf32>
      %dot_general3A_486 = arith.constant dense<0.000000e+00> : vector<1x512xf32>
      %dot_general3A_487 = tpu.matmul %convert_element_type3A_55, %select_n3A_483, %dot_general3A_486 {dimension_numbers = #tpu.dot_dimension_numbers<[1], [0], [0], [1], [0, 0, 1, 1], [], []>, transpose_lhs_hint = false} : vector<1x512xf32>, vector<512x512xf32>, vector<1x512xf32> -> vector<1x512xf32>
      %squeeze3A_488 = vector.shape_cast %dot_general3A_485 : vector<1x512xf32> to vector<512xf32>
      %squeeze3A_489 = vector.shape_cast %dot_general3A_487 : vector<1x512xf32> to vector<512xf32>
      %mul3A_490 = arith.constant 2.560000e+02 : f32
      %mul3A_491 = vector.broadcast %mul3A_490 : f32 to vector<512xf32>
      %mul3A_492 = arith.mulf %mul3A_491, %squeeze3A_489 : vector<512xf32>
      %add3A_493 = arith.addf %squeeze3A_488, %mul3A_492 : vector<512xf32>
      %add3A_494 = vector.broadcast %convert_element_type3A_100 : f32 to vector<512xf32>
      %add3A_495 = arith.addf %add3A_493, %add3A_494 : vector<512xf32>
      %stack3A = vector.shape_cast %reduce_min3A_101 : vector<512xf32> to vector<1x512xf32>
      %stack3A_496 = vector.shape_cast %reduce_min3A_125 : vector<512xf32> to vector<1x512xf32>
      %stack3A_497 = vector.shape_cast %reduce_min3A_150 : vector<512xf32> to vector<1x512xf32>
      %stack3A_498 = vector.shape_cast %reduce_min3A_175 : vector<512xf32> to vector<1x512xf32>
      %stack3A_499 = vector.shape_cast %reduce_min3A_200 : vector<512xf32> to vector<1x512xf32>
      %stack3A_500 = vector.shape_cast %reduce_min3A_225 : vector<512xf32> to vector<1x512xf32>
      %stack3A_501 = vector.shape_cast %reduce_min3A_250 : vector<512xf32> to vector<1x512xf32>
      %stack3A_502 = vector.shape_cast %reduce_min3A_275 : vector<512xf32> to vector<1x512xf32>
      %stack3A_503 = vector.shape_cast %reduce_min3A_300 : vector<512xf32> to vector<1x512xf32>
      %stack3A_504 = vector.shape_cast %reduce_min3A_325 : vector<512xf32> to vector<1x512xf32>
      %stack3A_505 = vector.shape_cast %reduce_min3A_350 : vector<512xf32> to vector<1x512xf32>
      %stack3A_506 = vector.shape_cast %reduce_min3A_375 : vector<512xf32> to vector<1x512xf32>
      %stack3A_507 = vector.shape_cast %reduce_min3A_400 : vector<512xf32> to vector<1x512xf32>
      %stack3A_508 = vector.shape_cast %reduce_min3A_425 : vector<512xf32> to vector<1x512xf32>
      %stack3A_509 = vector.shape_cast %reduce_min3A_450 : vector<512xf32> to vector<1x512xf32>
      %stack3A_510 = vector.shape_cast %reduce_min3A_475 : vector<512xf32> to vector<1x512xf32>
      %stack3A_511 = tpu.concatenate %stack3A, %stack3A_496, %stack3A_497, %stack3A_498, %stack3A_499, %stack3A_500, %stack3A_501, %stack3A_502, %stack3A_503, %stack3A_504, %stack3A_505, %stack3A_506, %stack3A_507, %stack3A_508, %stack3A_509, %stack3A_510 in 0 : vector<1x512xf32>, vector<1x512xf32>, vector<1x512xf32>, vector<1x512xf32>, vector<1x512xf32>, vector<1x512xf32>, vector<1x512xf32>, vector<1x512xf32>, vector<1x512xf32>, vector<1x512xf32>, vector<1x512xf32>, vector<1x512xf32>, vector<1x512xf32>, vector<1x512xf32>, vector<1x512xf32>, vector<1x512xf32> -> vector<16x512xf32>
      %stack3A_512 = vector.shape_cast %add3A_123 : vector<512xf32> to vector<1x512xf32>
      %stack3A_513 = vector.shape_cast %add3A_148 : vector<512xf32> to vector<1x512xf32>
      %stack3A_514 = vector.shape_cast %add3A_173 : vector<512xf32> to vector<1x512xf32>
      %stack3A_515 = vector.shape_cast %add3A_198 : vector<512xf32> to vector<1x512xf32>
      %stack3A_516 = vector.shape_cast %add3A_223 : vector<512xf32> to vector<1x512xf32>
      %stack3A_517 = vector.shape_cast %add3A_248 : vector<512xf32> to vector<1x512xf32>
      %stack3A_518 = vector.shape_cast %add3A_273 : vector<512xf32> to vector<1x512xf32>
      %stack3A_519 = vector.shape_cast %add3A_298 : vector<512xf32> to vector<1x512xf32>
      %stack3A_520 = vector.shape_cast %add3A_323 : vector<512xf32> to vector<1x512xf32>
      %stack3A_521 = vector.shape_cast %add3A_348 : vector<512xf32> to vector<1x512xf32>
      %stack3A_522 = vector.shape_cast %add3A_373 : vector<512xf32> to vector<1x512xf32>
      %stack3A_523 = vector.shape_cast %add3A_398 : vector<512xf32> to vector<1x512xf32>
      %stack3A_524 = vector.shape_cast %add3A_423 : vector<512xf32> to vector<1x512xf32>
      %stack3A_525 = vector.shape_cast %add3A_448 : vector<512xf32> to vector<1x512xf32>
      %stack3A_526 = vector.shape_cast %add3A_473 : vector<512xf32> to vector<1x512xf32>
      %stack3A_527 = vector.shape_cast %add3A_495 : vector<512xf32> to vector<1x512xf32>
      %stack3A_528 = tpu.concatenate %stack3A_512, %stack3A_513, %stack3A_514, %stack3A_515, %stack3A_516, %stack3A_517, %stack3A_518, %stack3A_519, %stack3A_520, %stack3A_521, %stack3A_522, %stack3A_523, %stack3A_524, %stack3A_525, %stack3A_526, %stack3A_527 in 0 : vector<1x512xf32>, vector<1x512xf32>, vector<1x512xf32>, vector<1x512xf32>, vector<1x512xf32>, vector<1x512xf32>, vector<1x512xf32>, vector<1x512xf32>, vector<1x512xf32>, vector<1x512xf32>, vector<1x512xf32>, vector<1x512xf32>, vector<1x512xf32>, vector<1x512xf32>, vector<1x512xf32>, vector<1x512xf32> -> vector<16x512xf32>
      %concatenate3A = tpu.concatenate %scan3A_75, %stack3A_511 in 0 : vector<16x512xf32>, vector<16x512xf32> -> vector<32x512xf32>
      %concatenate3A_529 = tpu.concatenate %scan3A_76, %stack3A_528 in 0 : vector<16x512xf32>, vector<16x512xf32> -> vector<32x512xf32>
      %reduce_min3A_530 = arith.constant dense<0x7F800000> : vector<512xf32>
      %reduce_min3A_531 = vector.multi_reduction <minimumf>, %concatenate3A, %reduce_min3A_530 [0] : vector<32x512xf32> to vector<512xf32>
      %broadcast_in_dim3A_532 = vector.shape_cast %reduce_min3A_531 : vector<512xf32> to vector<1x512xf32>
      %eq3A_533 = vector.broadcast %broadcast_in_dim3A_532 : vector<1x512xf32> to vector<32x512xf32>
      %eq3A_534 = arith.cmpf oeq, %concatenate3A, %eq3A_533 : vector<32x512xf32>
      %jit3A_535 = arith.constant 0x7F800000 : f32
      %broadcast_in_dim3A_536 = vector.broadcast %jit3A_535 : f32 to vector<32x512xf32>
      %select_n3A_537 = arith.select %eq3A_534, %concatenate3A_529, %broadcast_in_dim3A_536 : vector<32x512xi1>, vector<32x512xf32>
      %reduce_min3A_538 = arith.constant dense<0x7F800000> : vector<512xf32>
      %reduce_min3A_539 = vector.multi_reduction <minimumf>, %select_n3A_537, %reduce_min3A_538 [0] : vector<32x512xf32> to vector<512xf32>
      %jit3A_540 = arith.constant 0x7F800000 : f32
      %broadcast_in_dim3A_541 = vector.broadcast %jit3A_540 : f32 to vector<32x512xf32>
      %select_n3A_542 = arith.select %eq3A_534, %broadcast_in_dim3A_541, %concatenate3A : vector<32x512xi1>, vector<32x512xf32>
      %reduce_min3A_543 = arith.constant dense<0x7F800000> : vector<512xf32>
      %reduce_min3A_544 = vector.multi_reduction <minimumf>, %select_n3A_542, %reduce_min3A_543 [0] : vector<32x512xf32> to vector<512xf32>
      %broadcast_in_dim3A_545 = vector.shape_cast %reduce_min3A_544 : vector<512xf32> to vector<1x512xf32>
      %eq3A_546 = vector.broadcast %broadcast_in_dim3A_545 : vector<1x512xf32> to vector<32x512xf32>
      %eq3A_547 = arith.cmpf oeq, %select_n3A_542, %eq3A_546 : vector<32x512xf32>
      %jit3A_548 = arith.constant 0x7F800000 : f32
      %broadcast_in_dim3A_549 = vector.broadcast %jit3A_548 : f32 to vector<32x512xf32>
      %select_n3A_550 = arith.select %eq3A_547, %concatenate3A_529, %broadcast_in_dim3A_549 : vector<32x512xi1>, vector<32x512xf32>
      %reduce_min3A_551 = arith.constant dense<0x7F800000> : vector<512xf32>
      %reduce_min3A_552 = vector.multi_reduction <minimumf>, %select_n3A_550, %reduce_min3A_551 [0] : vector<32x512xf32> to vector<512xf32>
      %jit3A_553 = arith.constant 0x7F800000 : f32
      %broadcast_in_dim3A_554 = vector.broadcast %jit3A_553 : f32 to vector<32x512xf32>
      %select_n3A_555 = arith.select %eq3A_547, %broadcast_in_dim3A_554, %select_n3A_542 : vector<32x512xi1>, vector<32x512xf32>
      %reduce_min3A_556 = arith.constant dense<0x7F800000> : vector<512xf32>
      %reduce_min3A_557 = vector.multi_reduction <minimumf>, %select_n3A_555, %reduce_min3A_556 [0] : vector<32x512xf32> to vector<512xf32>
      %broadcast_in_dim3A_558 = vector.shape_cast %reduce_min3A_557 : vector<512xf32> to vector<1x512xf32>
      %eq3A_559 = vector.broadcast %broadcast_in_dim3A_558 : vector<1x512xf32> to vector<32x512xf32>
      %eq3A_560 = arith.cmpf oeq, %select_n3A_555, %eq3A_559 : vector<32x512xf32>
      %jit3A_561 = arith.constant 0x7F800000 : f32
      %broadcast_in_dim3A_562 = vector.broadcast %jit3A_561 : f32 to vector<32x512xf32>
      %select_n3A_563 = arith.select %eq3A_560, %concatenate3A_529, %broadcast_in_dim3A_562 : vector<32x512xi1>, vector<32x512xf32>
      %reduce_min3A_564 = arith.constant dense<0x7F800000> : vector<512xf32>
      %reduce_min3A_565 = vector.multi_reduction <minimumf>, %select_n3A_563, %reduce_min3A_564 [0] : vector<32x512xf32> to vector<512xf32>
      %jit3A_566 = arith.constant 0x7F800000 : f32
      %broadcast_in_dim3A_567 = vector.broadcast %jit3A_566 : f32 to vector<32x512xf32>
      %select_n3A_568 = arith.select %eq3A_560, %broadcast_in_dim3A_567, %select_n3A_555 : vector<32x512xi1>, vector<32x512xf32>
      %reduce_min3A_569 = arith.constant dense<0x7F800000> : vector<512xf32>
      %reduce_min3A_570 = vector.multi_reduction <minimumf>, %select_n3A_568, %reduce_min3A_569 [0] : vector<32x512xf32> to vector<512xf32>
      %broadcast_in_dim3A_571 = vector.shape_cast %reduce_min3A_570 : vector<512xf32> to vector<1x512xf32>
      %eq3A_572 = vector.broadcast %broadcast_in_dim3A_571 : vector<1x512xf32> to vector<32x512xf32>
      %eq3A_573 = arith.cmpf oeq, %select_n3A_568, %eq3A_572 : vector<32x512xf32>
      %jit3A_574 = arith.constant 0x7F800000 : f32
      %broadcast_in_dim3A_575 = vector.broadcast %jit3A_574 : f32 to vector<32x512xf32>
      %select_n3A_576 = arith.select %eq3A_573, %concatenate3A_529, %broadcast_in_dim3A_575 : vector<32x512xi1>, vector<32x512xf32>
      %reduce_min3A_577 = arith.constant dense<0x7F800000> : vector<512xf32>
      %reduce_min3A_578 = vector.multi_reduction <minimumf>, %select_n3A_576, %reduce_min3A_577 [0] : vector<32x512xf32> to vector<512xf32>
      %jit3A_579 = arith.constant 0x7F800000 : f32
      %broadcast_in_dim3A_580 = vector.broadcast %jit3A_579 : f32 to vector<32x512xf32>
      %select_n3A_581 = arith.select %eq3A_573, %broadcast_in_dim3A_580, %select_n3A_568 : vector<32x512xi1>, vector<32x512xf32>
      %reduce_min3A_582 = arith.constant dense<0x7F800000> : vector<512xf32>
      %reduce_min3A_583 = vector.multi_reduction <minimumf>, %select_n3A_581, %reduce_min3A_582 [0] : vector<32x512xf32> to vector<512xf32>
      %broadcast_in_dim3A_584 = vector.shape_cast %reduce_min3A_583 : vector<512xf32> to vector<1x512xf32>
      %eq3A_585 = vector.broadcast %broadcast_in_dim3A_584 : vector<1x512xf32> to vector<32x512xf32>
      %eq3A_586 = arith.cmpf oeq, %select_n3A_581, %eq3A_585 : vector<32x512xf32>
      %jit3A_587 = arith.constant 0x7F800000 : f32
      %broadcast_in_dim3A_588 = vector.broadcast %jit3A_587 : f32 to vector<32x512xf32>
      %select_n3A_589 = arith.select %eq3A_586, %concatenate3A_529, %broadcast_in_dim3A_588 : vector<32x512xi1>, vector<32x512xf32>
      %reduce_min3A_590 = arith.constant dense<0x7F800000> : vector<512xf32>
      %reduce_min3A_591 = vector.multi_reduction <minimumf>, %select_n3A_589, %reduce_min3A_590 [0] : vector<32x512xf32> to vector<512xf32>
      %jit3A_592 = arith.constant 0x7F800000 : f32
      %broadcast_in_dim3A_593 = vector.broadcast %jit3A_592 : f32 to vector<32x512xf32>
      %select_n3A_594 = arith.select %eq3A_586, %broadcast_in_dim3A_593, %select_n3A_581 : vector<32x512xi1>, vector<32x512xf32>
      %reduce_min3A_595 = arith.constant dense<0x7F800000> : vector<512xf32>
      %reduce_min3A_596 = vector.multi_reduction <minimumf>, %select_n3A_594, %reduce_min3A_595 [0] : vector<32x512xf32> to vector<512xf32>
      %broadcast_in_dim3A_597 = vector.shape_cast %reduce_min3A_596 : vector<512xf32> to vector<1x512xf32>
      %eq3A_598 = vector.broadcast %broadcast_in_dim3A_597 : vector<1x512xf32> to vector<32x512xf32>
      %eq3A_599 = arith.cmpf oeq, %select_n3A_594, %eq3A_598 : vector<32x512xf32>
      %jit3A_600 = arith.constant 0x7F800000 : f32
      %broadcast_in_dim3A_601 = vector.broadcast %jit3A_600 : f32 to vector<32x512xf32>
      %select_n3A_602 = arith.select %eq3A_599, %concatenate3A_529, %broadcast_in_dim3A_601 : vector<32x512xi1>, vector<32x512xf32>
      %reduce_min3A_603 = arith.constant dense<0x7F800000> : vector<512xf32>
      %reduce_min3A_604 = vector.multi_reduction <minimumf>, %select_n3A_602, %reduce_min3A_603 [0] : vector<32x512xf32> to vector<512xf32>
      %jit3A_605 = arith.constant 0x7F800000 : f32
      %broadcast_in_dim3A_606 = vector.broadcast %jit3A_605 : f32 to vector<32x512xf32>
      %select_n3A_607 = arith.select %eq3A_599, %broadcast_in_dim3A_606, %select_n3A_594 : vector<32x512xi1>, vector<32x512xf32>
      %reduce_min3A_608 = arith.constant dense<0x7F800000> : vector<512xf32>
      %reduce_min3A_609 = vector.multi_reduction <minimumf>, %select_n3A_607, %reduce_min3A_608 [0] : vector<32x512xf32> to vector<512xf32>
      %broadcast_in_dim3A_610 = vector.shape_cast %reduce_min3A_609 : vector<512xf32> to vector<1x512xf32>
      %eq3A_611 = vector.broadcast %broadcast_in_dim3A_610 : vector<1x512xf32> to vector<32x512xf32>
      %eq3A_612 = arith.cmpf oeq, %select_n3A_607, %eq3A_611 : vector<32x512xf32>
      %jit3A_613 = arith.constant 0x7F800000 : f32
      %broadcast_in_dim3A_614 = vector.broadcast %jit3A_613 : f32 to vector<32x512xf32>
      %select_n3A_615 = arith.select %eq3A_612, %concatenate3A_529, %broadcast_in_dim3A_614 : vector<32x512xi1>, vector<32x512xf32>
      %reduce_min3A_616 = arith.constant dense<0x7F800000> : vector<512xf32>
      %reduce_min3A_617 = vector.multi_reduction <minimumf>, %select_n3A_615, %reduce_min3A_616 [0] : vector<32x512xf32> to vector<512xf32>
      %jit3A_618 = arith.constant 0x7F800000 : f32
      %broadcast_in_dim3A_619 = vector.broadcast %jit3A_618 : f32 to vector<32x512xf32>
      %select_n3A_620 = arith.select %eq3A_612, %broadcast_in_dim3A_619, %select_n3A_607 : vector<32x512xi1>, vector<32x512xf32>
      %reduce_min3A_621 = arith.constant dense<0x7F800000> : vector<512xf32>
      %reduce_min3A_622 = vector.multi_reduction <minimumf>, %select_n3A_620, %reduce_min3A_621 [0] : vector<32x512xf32> to vector<512xf32>
      %broadcast_in_dim3A_623 = vector.shape_cast %reduce_min3A_622 : vector<512xf32> to vector<1x512xf32>
      %eq3A_624 = vector.broadcast %broadcast_in_dim3A_623 : vector<1x512xf32> to vector<32x512xf32>
      %eq3A_625 = arith.cmpf oeq, %select_n3A_620, %eq3A_624 : vector<32x512xf32>
      %jit3A_626 = arith.constant 0x7F800000 : f32
      %broadcast_in_dim3A_627 = vector.broadcast %jit3A_626 : f32 to vector<32x512xf32>
      %select_n3A_628 = arith.select %eq3A_625, %concatenate3A_529, %broadcast_in_dim3A_627 : vector<32x512xi1>, vector<32x512xf32>
      %reduce_min3A_629 = arith.constant dense<0x7F800000> : vector<512xf32>
      %reduce_min3A_630 = vector.multi_reduction <minimumf>, %select_n3A_628, %reduce_min3A_629 [0] : vector<32x512xf32> to vector<512xf32>
      %jit3A_631 = arith.constant 0x7F800000 : f32
      %broadcast_in_dim3A_632 = vector.broadcast %jit3A_631 : f32 to vector<32x512xf32>
      %select_n3A_633 = arith.select %eq3A_625, %broadcast_in_dim3A_632, %select_n3A_620 : vector<32x512xi1>, vector<32x512xf32>
      %reduce_min3A_634 = arith.constant dense<0x7F800000> : vector<512xf32>
      %reduce_min3A_635 = vector.multi_reduction <minimumf>, %select_n3A_633, %reduce_min3A_634 [0] : vector<32x512xf32> to vector<512xf32>
      %broadcast_in_dim3A_636 = vector.shape_cast %reduce_min3A_635 : vector<512xf32> to vector<1x512xf32>
      %eq3A_637 = vector.broadcast %broadcast_in_dim3A_636 : vector<1x512xf32> to vector<32x512xf32>
      %eq3A_638 = arith.cmpf oeq, %select_n3A_633, %eq3A_637 : vector<32x512xf32>
      %jit3A_639 = arith.constant 0x7F800000 : f32
      %broadcast_in_dim3A_640 = vector.broadcast %jit3A_639 : f32 to vector<32x512xf32>
      %select_n3A_641 = arith.select %eq3A_638, %concatenate3A_529, %broadcast_in_dim3A_640 : vector<32x512xi1>, vector<32x512xf32>
      %reduce_min3A_642 = arith.constant dense<0x7F800000> : vector<512xf32>
      %reduce_min3A_643 = vector.multi_reduction <minimumf>, %select_n3A_641, %reduce_min3A_642 [0] : vector<32x512xf32> to vector<512xf32>
      %jit3A_644 = arith.constant 0x7F800000 : f32
      %broadcast_in_dim3A_645 = vector.broadcast %jit3A_644 : f32 to vector<32x512xf32>
      %select_n3A_646 = arith.select %eq3A_638, %broadcast_in_dim3A_645, %select_n3A_633 : vector<32x512xi1>, vector<32x512xf32>
      %reduce_min3A_647 = arith.constant dense<0x7F800000> : vector<512xf32>
      %reduce_min3A_648 = vector.multi_reduction <minimumf>, %select_n3A_646, %reduce_min3A_647 [0] : vector<32x512xf32> to vector<512xf32>
      %broadcast_in_dim3A_649 = vector.shape_cast %reduce_min3A_648 : vector<512xf32> to vector<1x512xf32>
      %eq3A_650 = vector.broadcast %broadcast_in_dim3A_649 : vector<1x512xf32> to vector<32x512xf32>
      %eq3A_651 = arith.cmpf oeq, %select_n3A_646, %eq3A_650 : vector<32x512xf32>
      %jit3A_652 = arith.constant 0x7F800000 : f32
      %broadcast_in_dim3A_653 = vector.broadcast %jit3A_652 : f32 to vector<32x512xf32>
      %select_n3A_654 = arith.select %eq3A_651, %concatenate3A_529, %broadcast_in_dim3A_653 : vector<32x512xi1>, vector<32x512xf32>
      %reduce_min3A_655 = arith.constant dense<0x7F800000> : vector<512xf32>
      %reduce_min3A_656 = vector.multi_reduction <minimumf>, %select_n3A_654, %reduce_min3A_655 [0] : vector<32x512xf32> to vector<512xf32>
      %jit3A_657 = arith.constant 0x7F800000 : f32
      %broadcast_in_dim3A_658 = vector.broadcast %jit3A_657 : f32 to vector<32x512xf32>
      %select_n3A_659 = arith.select %eq3A_651, %broadcast_in_dim3A_658, %select_n3A_646 : vector<32x512xi1>, vector<32x512xf32>
      %reduce_min3A_660 = arith.constant dense<0x7F800000> : vector<512xf32>
      %reduce_min3A_661 = vector.multi_reduction <minimumf>, %select_n3A_659, %reduce_min3A_660 [0] : vector<32x512xf32> to vector<512xf32>
      %broadcast_in_dim3A_662 = vector.shape_cast %reduce_min3A_661 : vector<512xf32> to vector<1x512xf32>
      %eq3A_663 = vector.broadcast %broadcast_in_dim3A_662 : vector<1x512xf32> to vector<32x512xf32>
      %eq3A_664 = arith.cmpf oeq, %select_n3A_659, %eq3A_663 : vector<32x512xf32>
      %jit3A_665 = arith.constant 0x7F800000 : f32
      %broadcast_in_dim3A_666 = vector.broadcast %jit3A_665 : f32 to vector<32x512xf32>
      %select_n3A_667 = arith.select %eq3A_664, %concatenate3A_529, %broadcast_in_dim3A_666 : vector<32x512xi1>, vector<32x512xf32>
      %reduce_min3A_668 = arith.constant dense<0x7F800000> : vector<512xf32>
      %reduce_min3A_669 = vector.multi_reduction <minimumf>, %select_n3A_667, %reduce_min3A_668 [0] : vector<32x512xf32> to vector<512xf32>
      %jit3A_670 = arith.constant 0x7F800000 : f32
      %broadcast_in_dim3A_671 = vector.broadcast %jit3A_670 : f32 to vector<32x512xf32>
      %select_n3A_672 = arith.select %eq3A_664, %broadcast_in_dim3A_671, %select_n3A_659 : vector<32x512xi1>, vector<32x512xf32>
      %reduce_min3A_673 = arith.constant dense<0x7F800000> : vector<512xf32>
      %reduce_min3A_674 = vector.multi_reduction <minimumf>, %select_n3A_672, %reduce_min3A_673 [0] : vector<32x512xf32> to vector<512xf32>
      %broadcast_in_dim3A_675 = vector.shape_cast %reduce_min3A_674 : vector<512xf32> to vector<1x512xf32>
      %eq3A_676 = vector.broadcast %broadcast_in_dim3A_675 : vector<1x512xf32> to vector<32x512xf32>
      %eq3A_677 = arith.cmpf oeq, %select_n3A_672, %eq3A_676 : vector<32x512xf32>
      %jit3A_678 = arith.constant 0x7F800000 : f32
      %broadcast_in_dim3A_679 = vector.broadcast %jit3A_678 : f32 to vector<32x512xf32>
      %select_n3A_680 = arith.select %eq3A_677, %concatenate3A_529, %broadcast_in_dim3A_679 : vector<32x512xi1>, vector<32x512xf32>
      %reduce_min3A_681 = arith.constant dense<0x7F800000> : vector<512xf32>
      %reduce_min3A_682 = vector.multi_reduction <minimumf>, %select_n3A_680, %reduce_min3A_681 [0] : vector<32x512xf32> to vector<512xf32>
      %jit3A_683 = arith.constant 0x7F800000 : f32
      %broadcast_in_dim3A_684 = vector.broadcast %jit3A_683 : f32 to vector<32x512xf32>
      %select_n3A_685 = arith.select %eq3A_677, %broadcast_in_dim3A_684, %select_n3A_672 : vector<32x512xi1>, vector<32x512xf32>
      %reduce_min3A_686 = arith.constant dense<0x7F800000> : vector<512xf32>
      %reduce_min3A_687 = vector.multi_reduction <minimumf>, %select_n3A_685, %reduce_min3A_686 [0] : vector<32x512xf32> to vector<512xf32>
      %broadcast_in_dim3A_688 = vector.shape_cast %reduce_min3A_687 : vector<512xf32> to vector<1x512xf32>
      %eq3A_689 = vector.broadcast %broadcast_in_dim3A_688 : vector<1x512xf32> to vector<32x512xf32>
      %eq3A_690 = arith.cmpf oeq, %select_n3A_685, %eq3A_689 : vector<32x512xf32>
      %jit3A_691 = arith.constant 0x7F800000 : f32
      %broadcast_in_dim3A_692 = vector.broadcast %jit3A_691 : f32 to vector<32x512xf32>
      %select_n3A_693 = arith.select %eq3A_690, %concatenate3A_529, %broadcast_in_dim3A_692 : vector<32x512xi1>, vector<32x512xf32>
      %reduce_min3A_694 = arith.constant dense<0x7F800000> : vector<512xf32>
      %reduce_min3A_695 = vector.multi_reduction <minimumf>, %select_n3A_693, %reduce_min3A_694 [0] : vector<32x512xf32> to vector<512xf32>
      %jit3A_696 = arith.constant 0x7F800000 : f32
      %broadcast_in_dim3A_697 = vector.broadcast %jit3A_696 : f32 to vector<32x512xf32>
      %select_n3A_698 = arith.select %eq3A_690, %broadcast_in_dim3A_697, %select_n3A_685 : vector<32x512xi1>, vector<32x512xf32>
      %reduce_min3A_699 = arith.constant dense<0x7F800000> : vector<512xf32>
      %reduce_min3A_700 = vector.multi_reduction <minimumf>, %select_n3A_698, %reduce_min3A_699 [0] : vector<32x512xf32> to vector<512xf32>
      %broadcast_in_dim3A_701 = vector.shape_cast %reduce_min3A_700 : vector<512xf32> to vector<1x512xf32>
      %eq3A_702 = vector.broadcast %broadcast_in_dim3A_701 : vector<1x512xf32> to vector<32x512xf32>
      %eq3A_703 = arith.cmpf oeq, %select_n3A_698, %eq3A_702 : vector<32x512xf32>
      %jit3A_704 = arith.constant 0x7F800000 : f32
      %broadcast_in_dim3A_705 = vector.broadcast %jit3A_704 : f32 to vector<32x512xf32>
      %select_n3A_706 = arith.select %eq3A_703, %concatenate3A_529, %broadcast_in_dim3A_705 : vector<32x512xi1>, vector<32x512xf32>
      %reduce_min3A_707 = arith.constant dense<0x7F800000> : vector<512xf32>
      %reduce_min3A_708 = vector.multi_reduction <minimumf>, %select_n3A_706, %reduce_min3A_707 [0] : vector<32x512xf32> to vector<512xf32>
      %jit3A_709 = arith.constant 0x7F800000 : f32
      %broadcast_in_dim3A_710 = vector.broadcast %jit3A_709 : f32 to vector<32x512xf32>
      %select_n3A_711 = arith.select %eq3A_703, %broadcast_in_dim3A_710, %select_n3A_698 : vector<32x512xi1>, vector<32x512xf32>
      %reduce_min3A_712 = arith.constant dense<0x7F800000> : vector<512xf32>
      %reduce_min3A_713 = vector.multi_reduction <minimumf>, %select_n3A_711, %reduce_min3A_712 [0] : vector<32x512xf32> to vector<512xf32>
      %broadcast_in_dim3A_714 = vector.shape_cast %reduce_min3A_713 : vector<512xf32> to vector<1x512xf32>
      %eq3A_715 = vector.broadcast %broadcast_in_dim3A_714 : vector<1x512xf32> to vector<32x512xf32>
      %eq3A_716 = arith.cmpf oeq, %select_n3A_711, %eq3A_715 : vector<32x512xf32>
      %jit3A_717 = arith.constant 0x7F800000 : f32
      %broadcast_in_dim3A_718 = vector.broadcast %jit3A_717 : f32 to vector<32x512xf32>
      %select_n3A_719 = arith.select %eq3A_716, %concatenate3A_529, %broadcast_in_dim3A_718 : vector<32x512xi1>, vector<32x512xf32>
      %reduce_min3A_720 = arith.constant dense<0x7F800000> : vector<512xf32>
      %reduce_min3A_721 = vector.multi_reduction <minimumf>, %select_n3A_719, %reduce_min3A_720 [0] : vector<32x512xf32> to vector<512xf32>
      %jit3A_722 = arith.constant 0x7F800000 : f32
      %broadcast_in_dim3A_723 = vector.broadcast %jit3A_722 : f32 to vector<32x512xf32>
      %select_n3A_724 = arith.select %eq3A_716, %broadcast_in_dim3A_723, %select_n3A_711 : vector<32x512xi1>, vector<32x512xf32>
      %reduce_min3A_725 = arith.constant dense<0x7F800000> : vector<512xf32>
      %reduce_min3A_726 = vector.multi_reduction <minimumf>, %select_n3A_724, %reduce_min3A_725 [0] : vector<32x512xf32> to vector<512xf32>
      %broadcast_in_dim3A_727 = vector.shape_cast %reduce_min3A_726 : vector<512xf32> to vector<1x512xf32>
      %eq3A_728 = vector.broadcast %broadcast_in_dim3A_727 : vector<1x512xf32> to vector<32x512xf32>
      %eq3A_729 = arith.cmpf oeq, %select_n3A_724, %eq3A_728 : vector<32x512xf32>
      %jit3A_730 = arith.constant 0x7F800000 : f32
      %broadcast_in_dim3A_731 = vector.broadcast %jit3A_730 : f32 to vector<32x512xf32>
      %select_n3A_732 = arith.select %eq3A_729, %concatenate3A_529, %broadcast_in_dim3A_731 : vector<32x512xi1>, vector<32x512xf32>
      %reduce_min3A_733 = arith.constant dense<0x7F800000> : vector<512xf32>
      %reduce_min3A_734 = vector.multi_reduction <minimumf>, %select_n3A_732, %reduce_min3A_733 [0] : vector<32x512xf32> to vector<512xf32>
      %stack3A_735 = vector.shape_cast %reduce_min3A_531 : vector<512xf32> to vector<1x512xf32>
      %stack3A_736 = vector.shape_cast %reduce_min3A_544 : vector<512xf32> to vector<1x512xf32>
      %stack3A_737 = vector.shape_cast %reduce_min3A_557 : vector<512xf32> to vector<1x512xf32>
      %stack3A_738 = vector.shape_cast %reduce_min3A_570 : vector<512xf32> to vector<1x512xf32>
      %stack3A_739 = vector.shape_cast %reduce_min3A_583 : vector<512xf32> to vector<1x512xf32>
      %stack3A_740 = vector.shape_cast %reduce_min3A_596 : vector<512xf32> to vector<1x512xf32>
      %stack3A_741 = vector.shape_cast %reduce_min3A_609 : vector<512xf32> to vector<1x512xf32>
      %stack3A_742 = vector.shape_cast %reduce_min3A_622 : vector<512xf32> to vector<1x512xf32>
      %stack3A_743 = vector.shape_cast %reduce_min3A_635 : vector<512xf32> to vector<1x512xf32>
      %stack3A_744 = vector.shape_cast %reduce_min3A_648 : vector<512xf32> to vector<1x512xf32>
      %stack3A_745 = vector.shape_cast %reduce_min3A_661 : vector<512xf32> to vector<1x512xf32>
      %stack3A_746 = vector.shape_cast %reduce_min3A_674 : vector<512xf32> to vector<1x512xf32>
      %stack3A_747 = vector.shape_cast %reduce_min3A_687 : vector<512xf32> to vector<1x512xf32>
      %stack3A_748 = vector.shape_cast %reduce_min3A_700 : vector<512xf32> to vector<1x512xf32>
      %stack3A_749 = vector.shape_cast %reduce_min3A_713 : vector<512xf32> to vector<1x512xf32>
      %stack3A_750 = vector.shape_cast %reduce_min3A_726 : vector<512xf32> to vector<1x512xf32>
      %stack3A_751 = tpu.concatenate %stack3A_735, %stack3A_736, %stack3A_737, %stack3A_738, %stack3A_739, %stack3A_740, %stack3A_741, %stack3A_742, %stack3A_743, %stack3A_744, %stack3A_745, %stack3A_746, %stack3A_747, %stack3A_748, %stack3A_749, %stack3A_750 in 0 : vector<1x512xf32>, vector<1x512xf32>, vector<1x512xf32>, vector<1x512xf32>, vector<1x512xf32>, vector<1x512xf32>, vector<1x512xf32>, vector<1x512xf32>, vector<1x512xf32>, vector<1x512xf32>, vector<1x512xf32>, vector<1x512xf32>, vector<1x512xf32>, vector<1x512xf32>, vector<1x512xf32>, vector<1x512xf32> -> vector<16x512xf32>
      %stack3A_752 = vector.shape_cast %reduce_min3A_539 : vector<512xf32> to vector<1x512xf32>
      %stack3A_753 = vector.shape_cast %reduce_min3A_552 : vector<512xf32> to vector<1x512xf32>
      %stack3A_754 = vector.shape_cast %reduce_min3A_565 : vector<512xf32> to vector<1x512xf32>
      %stack3A_755 = vector.shape_cast %reduce_min3A_578 : vector<512xf32> to vector<1x512xf32>
      %stack3A_756 = vector.shape_cast %reduce_min3A_591 : vector<512xf32> to vector<1x512xf32>
      %stack3A_757 = vector.shape_cast %reduce_min3A_604 : vector<512xf32> to vector<1x512xf32>
      %stack3A_758 = vector.shape_cast %reduce_min3A_617 : vector<512xf32> to vector<1x512xf32>
      %stack3A_759 = vector.shape_cast %reduce_min3A_630 : vector<512xf32> to vector<1x512xf32>
      %stack3A_760 = vector.shape_cast %reduce_min3A_643 : vector<512xf32> to vector<1x512xf32>
      %stack3A_761 = vector.shape_cast %reduce_min3A_656 : vector<512xf32> to vector<1x512xf32>
      %stack3A_762 = vector.shape_cast %reduce_min3A_669 : vector<512xf32> to vector<1x512xf32>
      %stack3A_763 = vector.shape_cast %reduce_min3A_682 : vector<512xf32> to vector<1x512xf32>
      %stack3A_764 = vector.shape_cast %reduce_min3A_695 : vector<512xf32> to vector<1x512xf32>
      %stack3A_765 = vector.shape_cast %reduce_min3A_708 : vector<512xf32> to vector<1x512xf32>
      %stack3A_766 = vector.shape_cast %reduce_min3A_721 : vector<512xf32> to vector<1x512xf32>
      %stack3A_767 = vector.shape_cast %reduce_min3A_734 : vector<512xf32> to vector<1x512xf32>
      %stack3A_768 = tpu.concatenate %stack3A_752, %stack3A_753, %stack3A_754, %stack3A_755, %stack3A_756, %stack3A_757, %stack3A_758, %stack3A_759, %stack3A_760, %stack3A_761, %stack3A_762, %stack3A_763, %stack3A_764, %stack3A_765, %stack3A_766, %stack3A_767 in 0 : vector<1x512xf32>, vector<1x512xf32>, vector<1x512xf32>, vector<1x512xf32>, vector<1x512xf32>, vector<1x512xf32>, vector<1x512xf32>, vector<1x512xf32>, vector<1x512xf32>, vector<1x512xf32>, vector<1x512xf32>, vector<1x512xf32>, vector<1x512xf32>, vector<1x512xf32>, vector<1x512xf32>, vector<1x512xf32> -> vector<16x512xf32>
      scf.yield %stack3A_751, %stack3A_768 : vector<16x512xf32>, vector<16x512xf32>
    }
    %scan3A_63 = arith.constant 20 : i32
    %max3A = arith.constant 0.000000e+00 : f32
    %max3A_64 = vector.broadcast %max3A : f32 to vector<16x512xf32>
    %max3A_65 = arith.maximumf %scan3A_62#1, %max3A_64 : vector<16x512xf32>
    %min3A = arith.constant 1.023900e+04 : f32
    %min3A_66 = vector.broadcast %min3A : f32 to vector<16x512xf32>
    %min3A_67 = arith.minimumf %max3A_65, %min3A_66 : vector<16x512xf32>
    %transpose3A = tpu.transpose %min3A_67, [1, 0] : vector<16x512xf32> -> vector<512x16xf32>
    %convert_element_type3A_68 = arith.fptosi %transpose3A : vector<512x16xf32> to vector<512x16xi32>
    %swap3A = arith.constant 0 : index
    %swap3A_69 = arith.constant 0 : index
    %swap3A_70 = arith.constant 0 : index
    %swap3A_71 = vector.load %arg4[%swap3A, %swap3A_69, %swap3A_70] : memref<1x512x16xi32, #tpu.memory_space<vmem>>, vector<1x512x16xi32>
    %swap3A_72 = vector.shape_cast %swap3A_71 : vector<1x512x16xi32> to vector<512x16xi32>
    %swap3A_73 = vector.shape_cast %convert_element_type3A_68 : vector<512x16xi32> to vector<1x512x16xi32>
    tpu.vector_store %arg4[%swap3A, %swap3A_69, %swap3A_70], %swap3A_73 {strides = array<i32>} : memref<1x512x16xi32, #tpu.memory_space<vmem>>, vector<1x512x16xi32>,
    return
  }
  func.func @transform_0(%arg0: i32, %arg1: i32) -> (i32, i32, i32) {
    %c0_i32 = arith.constant 0 : i32
    %c0_i32_0 = arith.constant 0 : i32
    return %arg0, %arg1, %c0_i32 : i32, i32, i32
  }
  func.func @transform_1(%arg0: i32, %arg1: i32) -> (i32, i32, i32) {
    %c0_i32 = arith.constant 0 : i32
    %c0_i32_0 = arith.constant 0 : i32
    %c0_i32_1 = arith.constant 0 : i32
    return %arg0, %c0_i32, %c0_i32_0 : i32, i32, i32
  }
  func.func @transform_2(%arg0: i32, %arg1: i32) -> (i32, i32, i32) {
    %c0_i32 = arith.constant 0 : i32
    %c0_i32_0 = arith.constant 0 : i32
    return %arg0, %arg1, %c0_i32 : i32, i32, i32
  }
}

module attributes {stable_mosaic.version = 14 : i64} {
  func.func @_linear_body(%arg0: i32, %arg1: i32, %arg2: memref<1x1024x8xf32, #tpu.memory_space<vmem>>, %arg3: memref<8x128xf32, #tpu.memory_space<vmem>>, %arg4: memref<1x1024x128xf32, #tpu.memory_space<vmem>>) attributes {dimension_semantics = [#tpu.dimension_semantics<arbitrary>, #tpu.dimension_semantics<arbitrary>], iteration_bounds = array<i64: 2, 10>, scalar_prefetch = 0 : i64, scratch_operands = 0 : i64, tpu.core_type = #tpu.core_type<tc>, window_params = [{transform_indices = @transform_0, window_bounds = array<i64: 1, 1024, 8>}, {pipeline_mode = #tpu.pipeline_mode<synchronous>, transform_indices = @transform_1, window_bounds = array<i64: 8, 128>}, {transform_indices = @transform_2, window_bounds = array<i64: 1, 1024, 128>}]} {
    %get3A = arith.constant 0 : index
    %get3A_0 = arith.constant 0 : index
    %get3A_1 = arith.constant 0 : index
    %get3A_2 = vector.load %arg2[%get3A, %get3A_0, %get3A_1] : memref<1x1024x8xf32, #tpu.memory_space<vmem>>, vector<1x1024x8xf32>
    %get3A_3 = vector.shape_cast %get3A_2 : vector<1x1024x8xf32> to vector<1024x8xf32>
    %get3A_4 = arith.constant 0 : index
    %get3A_5 = arith.constant 0 : index
    %get3A_6 = vector.load %arg3[%get3A_4, %get3A_5] : memref<8x128xf32, #tpu.memory_space<vmem>>, vector<8x128xf32>
    %dot_general3A = arith.constant dense<0.000000e+00> : vector<1024x128xf32>
    %dot_general3A_7 = tpu.matmul %get3A_3, %get3A_6, %dot_general3A {dimension_numbers = #tpu.dot_dimension_numbers<[1], [0], [0], [1], [0, 0, 1, 1], [], []>, transpose_lhs_hint = false} : vector<1024x8xf32>, vector<8x128xf32>, vector<1024x128xf32> -> vector<1024x128xf32>
    %swap3A = arith.constant 0 : index
    %swap3A_8 = arith.constant 0 : index
    %swap3A_9 = arith.constant 0 : index
    %swap3A_10 = vector.load %arg4[%swap3A, %swap3A_8, %swap3A_9] : memref<1x1024x128xf32, #tpu.memory_space<vmem>>, vector<1x1024x128xf32>
    %swap3A_11 = vector.shape_cast %swap3A_10 : vector<1x1024x128xf32> to vector<1024x128xf32>
    %swap3A_12 = vector.shape_cast %dot_general3A_7 : vector<1024x128xf32> to vector<1x1024x128xf32>
    tpu.vector_store %arg4[%swap3A, %swap3A_8, %swap3A_9], %swap3A_12 {strides = array<i32>} : memref<1x1024x128xf32, #tpu.memory_space<vmem>>, vector<1x1024x128xf32>,
    return
  }
  func.func @transform_0(%arg0: i32, %arg1: i32) -> (i32, i32, i32) {
    %c0_i32 = arith.constant 0 : i32
    %c0_i32_0 = arith.constant 0 : i32
    return %arg0, %arg1, %c0_i32 : i32, i32, i32
  }
  func.func @transform_1(%arg0: i32, %arg1: i32) -> (i32, i32) {
    %c0_i32 = arith.constant 0 : i32
    %c0_i32_0 = arith.constant 0 : i32
    %c0_i32_1 = arith.constant 0 : i32
    return %c0_i32, %c0_i32_0 : i32, i32
  }
  func.func @transform_2(%arg0: i32, %arg1: i32) -> (i32, i32, i32) {
    %c0_i32 = arith.constant 0 : i32
    %c0_i32_0 = arith.constant 0 : i32
    return %arg0, %arg1, %c0_i32 : i32, i32, i32
  }
}

module attributes {stable_mosaic.version = 14 : i64} {
  func.func @_layer_body(%arg0: i32, %arg1: i32, %arg2: memref<1x1024x128xf32, #tpu.memory_space<vmem>>, %arg3: memref<1x1024x128xf32, #tpu.memory_space<vmem>>, %arg4: memref<1x128xf32, #tpu.memory_space<vmem>>, %arg5: memref<128x128xf32, #tpu.memory_space<vmem>>, %arg6: memref<1x1024x128xf32, #tpu.memory_space<vmem>>) attributes {dimension_semantics = [#tpu.dimension_semantics<arbitrary>, #tpu.dimension_semantics<arbitrary>], iteration_bounds = array<i64: 2, 10>, scalar_prefetch = 0 : i64, scratch_operands = 0 : i64, tpu.core_type = #tpu.core_type<tc>, window_params = [{transform_indices = @transform_0, window_bounds = array<i64: 1, 1024, 128>}, {transform_indices = @transform_1, window_bounds = array<i64: 1, 1024, 128>}, {pipeline_mode = #tpu.pipeline_mode<synchronous>, transform_indices = @transform_2, window_bounds = array<i64: 1, 128>}, {pipeline_mode = #tpu.pipeline_mode<synchronous>, transform_indices = @transform_3, window_bounds = array<i64: 128, 128>}, {transform_indices = @transform_4, window_bounds = array<i64: 1, 1024, 128>}]} {
    %get3A = arith.constant 0 : index
    %get3A_0 = arith.constant 0 : index
    %get3A_1 = arith.constant 0 : index
    %get3A_2 = vector.load %arg2[%get3A, %get3A_0, %get3A_1] : memref<1x1024x128xf32, #tpu.memory_space<vmem>>, vector<1x1024x128xf32>
    %get3A_3 = vector.shape_cast %get3A_2 : vector<1x1024x128xf32> to vector<1024x128xf32>
    %get3A_4 = arith.constant 0 : index
    %get3A_5 = arith.constant 0 : index
    %get3A_6 = arith.constant 0 : index
    %get3A_7 = vector.load %arg3[%get3A_4, %get3A_5, %get3A_6] : memref<1x1024x128xf32, #tpu.memory_space<vmem>>, vector<1x1024x128xf32>
    %get3A_8 = vector.shape_cast %get3A_7 : vector<1x1024x128xf32> to vector<1024x128xf32>
    %add3A = arith.addf %get3A_3, %get3A_8 : vector<1024x128xf32>
    %mul3A = arith.constant 0.0588235259 : f32
    %mul3A_9 = vector.broadcast %mul3A : f32 to vector<1024x128xf32>
    %mul3A_10 = arith.mulf %add3A, %mul3A_9 : vector<1024x128xf32>
    %get3A_11 = arith.constant 0 : index
    %get3A_12 = arith.constant 0 : index
    %get3A_13 = vector.load %arg4[%get3A_11, %get3A_12] : memref<1x128xf32, #tpu.memory_space<vmem>>, vector<1x128xf32>
    %add3A_14 = vector.broadcast %get3A_13 : vector<1x128xf32> to vector<1024x128xf32>
    %add3A_15 = arith.addf %mul3A_10, %add3A_14 : vector<1024x128xf32>
    %max3A = arith.constant 0.000000e+00 : f32
    %max3A_16 = vector.broadcast %max3A : f32 to vector<1024x128xf32>
    %max3A_17 = arith.maximumf %add3A_15, %max3A_16 : vector<1024x128xf32>
    %get3A_18 = arith.constant 0 : index
    %get3A_19 = arith.constant 0 : index
    %get3A_20 = vector.load %arg5[%get3A_18, %get3A_19] : memref<128x128xf32, #tpu.memory_space<vmem>>, vector<128x128xf32>
    %dot_general3A = arith.constant dense<0.000000e+00> : vector<1024x128xf32>
    %dot_general3A_21 = tpu.matmul %max3A_17, %get3A_20, %dot_general3A {dimension_numbers = #tpu.dot_dimension_numbers<[1], [0], [0], [1], [0, 0, 1, 1], [], []>, transpose_lhs_hint = false} : vector<1024x128xf32>, vector<128x128xf32>, vector<1024x128xf32> -> vector<1024x128xf32>
    %swap3A = arith.constant 0 : index
    %swap3A_22 = arith.constant 0 : index
    %swap3A_23 = arith.constant 0 : index
    %swap3A_24 = vector.load %arg6[%swap3A, %swap3A_22, %swap3A_23] : memref<1x1024x128xf32, #tpu.memory_space<vmem>>, vector<1x1024x128xf32>
    %swap3A_25 = vector.shape_cast %swap3A_24 : vector<1x1024x128xf32> to vector<1024x128xf32>
    %swap3A_26 = vector.shape_cast %dot_general3A_21 : vector<1024x128xf32> to vector<1x1024x128xf32>
    tpu.vector_store %arg6[%swap3A, %swap3A_22, %swap3A_23], %swap3A_26 {strides = array<i32>} : memref<1x1024x128xf32, #tpu.memory_space<vmem>>, vector<1x1024x128xf32>,
    return
  }
  func.func @transform_0(%arg0: i32, %arg1: i32) -> (i32, i32, i32) {
    %c0_i32 = arith.constant 0 : i32
    %c0_i32_0 = arith.constant 0 : i32
    return %arg0, %arg1, %c0_i32 : i32, i32, i32
  }
  func.func @transform_1(%arg0: i32, %arg1: i32) -> (i32, i32, i32) {
    %c0_i32 = arith.constant 0 : i32
    %c0_i32_0 = arith.constant 0 : i32
    return %arg0, %arg1, %c0_i32 : i32, i32, i32
  }
  func.func @transform_2(%arg0: i32, %arg1: i32) -> (i32, i32) {
    %c0_i32 = arith.constant 0 : i32
    %c0_i32_0 = arith.constant 0 : i32
    %c0_i32_1 = arith.constant 0 : i32
    return %c0_i32, %c0_i32_0 : i32, i32
  }
  func.func @transform_3(%arg0: i32, %arg1: i32) -> (i32, i32) {
    %c0_i32 = arith.constant 0 : i32
    %c0_i32_0 = arith.constant 0 : i32
    %c0_i32_1 = arith.constant 0 : i32
    return %c0_i32, %c0_i32_0 : i32, i32
  }
  func.func @transform_4(%arg0: i32, %arg1: i32) -> (i32, i32, i32) {
    %c0_i32 = arith.constant 0 : i32
    %c0_i32_0 = arith.constant 0 : i32
    return %arg0, %arg1, %c0_i32 : i32, i32, i32
  }
}

module attributes {stable_mosaic.version = 14 : i64} {
  func.func @_final_body(%arg0: i32, %arg1: i32, %arg2: memref<1x1024x128xf32, #tpu.memory_space<vmem>>, %arg3: memref<1x1024x128xf32, #tpu.memory_space<vmem>>, %arg4: memref<1x128xf32, #tpu.memory_space<vmem>>, %arg5: memref<128x128xf32, #tpu.memory_space<vmem>>, %arg6: memref<1x128xf32, #tpu.memory_space<vmem>>, %arg7: memref<1x1024x128xf32, #tpu.memory_space<vmem>>) attributes {dimension_semantics = [#tpu.dimension_semantics<arbitrary>, #tpu.dimension_semantics<arbitrary>], iteration_bounds = array<i64: 2, 10>, scalar_prefetch = 0 : i64, scratch_operands = 0 : i64, tpu.core_type = #tpu.core_type<tc>, window_params = [{transform_indices = @transform_0, window_bounds = array<i64: 1, 1024, 128>}, {transform_indices = @transform_1, window_bounds = array<i64: 1, 1024, 128>}, {pipeline_mode = #tpu.pipeline_mode<synchronous>, transform_indices = @transform_2, window_bounds = array<i64: 1, 128>}, {pipeline_mode = #tpu.pipeline_mode<synchronous>, transform_indices = @transform_3, window_bounds = array<i64: 128, 128>}, {pipeline_mode = #tpu.pipeline_mode<synchronous>, transform_indices = @transform_4, window_bounds = array<i64: 1, 128>}, {transform_indices = @transform_5, window_bounds = array<i64: 1, 1024, 128>}]} {
    %get3A = arith.constant 0 : index
    %get3A_0 = arith.constant 0 : index
    %get3A_1 = arith.constant 0 : index
    %get3A_2 = vector.load %arg2[%get3A, %get3A_0, %get3A_1] : memref<1x1024x128xf32, #tpu.memory_space<vmem>>, vector<1x1024x128xf32>
    %get3A_3 = vector.shape_cast %get3A_2 : vector<1x1024x128xf32> to vector<1024x128xf32>
    %get3A_4 = arith.constant 0 : index
    %get3A_5 = arith.constant 0 : index
    %get3A_6 = arith.constant 0 : index
    %get3A_7 = vector.load %arg3[%get3A_4, %get3A_5, %get3A_6] : memref<1x1024x128xf32, #tpu.memory_space<vmem>>, vector<1x1024x128xf32>
    %get3A_8 = vector.shape_cast %get3A_7 : vector<1x1024x128xf32> to vector<1024x128xf32>
    %add3A = arith.addf %get3A_3, %get3A_8 : vector<1024x128xf32>
    %mul3A = arith.constant 0.0588235259 : f32
    %mul3A_9 = vector.broadcast %mul3A : f32 to vector<1024x128xf32>
    %mul3A_10 = arith.mulf %add3A, %mul3A_9 : vector<1024x128xf32>
    %get3A_11 = arith.constant 0 : index
    %get3A_12 = arith.constant 0 : index
    %get3A_13 = vector.load %arg4[%get3A_11, %get3A_12] : memref<1x128xf32, #tpu.memory_space<vmem>>, vector<1x128xf32>
    %add3A_14 = vector.broadcast %get3A_13 : vector<1x128xf32> to vector<1024x128xf32>
    %add3A_15 = arith.addf %mul3A_10, %add3A_14 : vector<1024x128xf32>
    %max3A = arith.constant 0.000000e+00 : f32
    %max3A_16 = vector.broadcast %max3A : f32 to vector<1024x128xf32>
    %max3A_17 = arith.maximumf %add3A_15, %max3A_16 : vector<1024x128xf32>
    %get3A_18 = arith.constant 0 : index
    %get3A_19 = arith.constant 0 : index
    %get3A_20 = vector.load %arg5[%get3A_18, %get3A_19] : memref<128x128xf32, #tpu.memory_space<vmem>>, vector<128x128xf32>
    %dot_general3A = arith.constant dense<0.000000e+00> : vector<1024x128xf32>
    %dot_general3A_21 = tpu.matmul %max3A_17, %get3A_20, %dot_general3A {dimension_numbers = #tpu.dot_dimension_numbers<[1], [0], [0], [1], [0, 0, 1, 1], [], []>, transpose_lhs_hint = false} : vector<1024x128xf32>, vector<128x128xf32>, vector<1024x128xf32> -> vector<1024x128xf32>
    %get3A_22 = arith.constant 0 : index
    %get3A_23 = arith.constant 0 : index
    %get3A_24 = vector.load %arg6[%get3A_22, %get3A_23] : memref<1x128xf32, #tpu.memory_space<vmem>>, vector<1x128xf32>
    %add3A_25 = vector.broadcast %get3A_24 : vector<1x128xf32> to vector<1024x128xf32>
    %add3A_26 = arith.addf %dot_general3A_21, %add3A_25 : vector<1024x128xf32>
    %swap3A = arith.constant 0 : index
    %swap3A_27 = arith.constant 0 : index
    %swap3A_28 = arith.constant 0 : index
    %swap3A_29 = vector.load %arg7[%swap3A, %swap3A_27, %swap3A_28] : memref<1x1024x128xf32, #tpu.memory_space<vmem>>, vector<1x1024x128xf32>
    %swap3A_30 = vector.shape_cast %swap3A_29 : vector<1x1024x128xf32> to vector<1024x128xf32>
    %swap3A_31 = vector.shape_cast %add3A_26 : vector<1024x128xf32> to vector<1x1024x128xf32>
    tpu.vector_store %arg7[%swap3A, %swap3A_27, %swap3A_28], %swap3A_31 {strides = array<i32>} : memref<1x1024x128xf32, #tpu.memory_space<vmem>>, vector<1x1024x128xf32>,
    return
  }
  func.func @transform_0(%arg0: i32, %arg1: i32) -> (i32, i32, i32) {
    %c0_i32 = arith.constant 0 : i32
    %c0_i32_0 = arith.constant 0 : i32
    return %arg0, %arg1, %c0_i32 : i32, i32, i32
  }
  func.func @transform_1(%arg0: i32, %arg1: i32) -> (i32, i32, i32) {
    %c0_i32 = arith.constant 0 : i32
    %c0_i32_0 = arith.constant 0 : i32
    return %arg0, %arg1, %c0_i32 : i32, i32, i32
  }
  func.func @transform_2(%arg0: i32, %arg1: i32) -> (i32, i32) {
    %c0_i32 = arith.constant 0 : i32
    %c0_i32_0 = arith.constant 0 : i32
    %c0_i32_1 = arith.constant 0 : i32
    return %c0_i32, %c0_i32_0 : i32, i32
  }
  func.func @transform_3(%arg0: i32, %arg1: i32) -> (i32, i32) {
    %c0_i32 = arith.constant 0 : i32
    %c0_i32_0 = arith.constant 0 : i32
    %c0_i32_1 = arith.constant 0 : i32
    return %c0_i32, %c0_i32_0 : i32, i32
  }
  func.func @transform_4(%arg0: i32, %arg1: i32) -> (i32, i32) {
    %c0_i32 = arith.constant 0 : i32
    %c0_i32_0 = arith.constant 0 : i32
    %c0_i32_1 = arith.constant 0 : i32
    return %c0_i32, %c0_i32_0 : i32, i32
  }
  func.func @transform_5(%arg0: i32, %arg1: i32) -> (i32, i32, i32) {
    %c0_i32 = arith.constant 0 : i32
    %c0_i32_0 = arith.constant 0 : i32
    return %arg0, %arg1, %c0_i32 : i32, i32, i32
  }
}

</mosaic_0001>

<sc_bundles>
// kernel: kernel.10.cloned.1.call-start
scs
__scs_entry_jumppad:
0x0: {  	(pc) =	sbr.rel $0x88, $3  }
0x1: {  	(tag) =	ssettag $0x0;
	lr =	simm.s32 $0x1  }
0x2: {  	[smem:$0x3F9A] =	sst lr;
	_ =	strace $0xD0000000  }
0x3: {  	_ = 	snop  }
0x4: {  	_ = 	snop  }
0x5: {  	_ = 	snop  }
0x6: {  	_ = 	snop  }
0x7: {  	_ = 	snop  }
__scs_overlays_trampoline_lowered:
0x8: {  	[smem:$0x3FA9] =	sst s0  }
0x9: {  	[smem:$0x3FAA] =	sst s1  }
0xa: {  	[smem:$0x3FAB] =	sst s2  }
0xb: {  	[smem:$0x3FAC] =	sst s3  }
0xc: {  	[smem:$0x3FAD] =	sst s4  }
0xd: {  	[smem:$0x3FAE] =	sst s5  }
0xe: {  	[smem:$0x3FAF] =	sst s6  }
0xf: {  	[smem:$0x3FB0] =	sst s7  }
0x10: {  	[smem:$0x3FB1] =	sst s8  }
0x11: {  	[smem:$0x3FB2] =	sst s9;
	s0 =	simm.s32 @!p0 $0x0  }
0x12: {  	s1 =	sld [smem:$0x3F98];
	s0 =	simm.s32 @p0 $0x1  }
0x13: {  	[smem:$0x3FB3] =	sst s0;
	s0 =	simm.s32 @!p1 $0x0  }
0x14: {  	s2 =	sld [smem:$0x3F97];
	s0 =	simm.s32 @p1 $0x1  }
0x15: {  	[smem:$0x3FB4] =	sst s0;
	s0 =	simm.s32 @!p2 $0x0  }
0x16: {  	s3 =	sld [smem:$0x3FDB];
	s0 =	simm.s32 @p2 $0x1  }
0x17: {  	s4 =	simm.s32 $0x1BF5;
	[smem:$0x3FB6] =	sst s0  }
0x18: {  	s0 =	sld [smem:$0x3F99];
	_ =	swait.ge [sflag:s4], $0x0  }
0x19: {  	s7 =	sld [smem:$0x3F9A]  }
0x1a: {  	s8 =	sadd.s32 $0xFFFFE003, lr  }
0x1b: {  	s9 =	sadd.s32 $0xFFFFFEF7, lr;
	s5 =	simm.s32 $0xFFFFFFFF;
	p2 =	slt.u32 s8, $0xFFFFF086  }
0x1c: {  	p1 =	slt.u32 s9, $0xF7A;
	s5 =	simm.s32 @!p2 $0x0  }
0x1d: {  	s5 =	simm.s32 @p1 $0x1;
	p0 =	seq.s32 s7, s2  }
0x1e: {  	s7 =	smul.u32 @!p0 $0xF7A, s2;
	p2 =	seq.s32 @!p0 s5, $0x0  }
0x1f: {  	s9 =	smul.u32 $0xF7A, s1;
	s8 =	simm.s32 @!p0 $0x1BF5;
	p2 =	por !p2, p0  }
0x20: {  	[sflag:s8] =	ssyncset.s32 @!p0 $0xFFFFF086;
	s6 =	sadd.s32 @!p0 s3, s7;
	s7 =	simm.s32 @!p0 $0x108  }
0x21: {  	s3 =	sadd.s32 s3, s9;
	s6 =	sadd.s32 @!p0 $0x88, s6;
	s7 =	simm.s32 @p2 $0x1082  }
0x22: {  	[simem:s7], [sflag:s8] =	dma.local @!p0 [hbm:s6], $0xF7A  }
0x23: {  	s9 =	sor.u32 $0xD0000000, s2;
	s6 =	simm.s32 $0x108;
	_ =	swait.ge @!p0 [sflag:s8], $0x0  }
0x24: {  	s3 =	sadd.s32 $0x88, s3;
	s6 =	simm.s32 @!p1 $0x1082;
	[sflag:s4] =	ssyncset.s32 $0xFFFFF086  }
0x25: {  	[simem:s6], [sflag:s4] =	dma.local [hbm:s3], $0xF7A  }
0x26: {  	[smem:$0x3F9A] =	sst s1;
	(tag) =	ssettag s2;
	_ =	strace s9  }
0x27: {  	s1 =	sld [smem:$0x3FAA]  }
0x28: {  	s2 =	sld [smem:$0x3FAB]  }
0x29: {  	s4 =	sld [smem:$0x3FAD]  }
0x2a: {  	p0 =	seq.s32 s5, $0x0;
	s5 =	sld [smem:$0x3FAE]  }
0x2b: {  	s6 =	sld [smem:$0x3FAF]  }
0x2c: {  	s7 =	sld [smem:$0x3FB0]  }
0x2d: {  	s3 =	simm.s32 $0x108;
	s8 =	sld [smem:$0x3FB1]  }
0x2e: {  	s3 =	simm.s32 @!p0 $0x1082;
	s9 =	sld [smem:$0x3FB2]  }
0x2f: {  	lr =	sadd.s32 s0, s3;
	s0 =	sld [smem:$0x3FA9]  }
0x30: {  	s3 =	sld [smem:$0x3FAC]  }
0x31: {  	[smem:$0x3FB5] =	sst s10  }
0x32: {  	s10 =	sld [smem:$0x3FB3];
	_ =	sdelay $0x3  }
0x33: {  	p0 =	seq.s32 s10, $0x1;
	s10 =	sld [smem:$0x3FB5];
	_ =	sdelay $0x3  }
0x34: {  	[smem:$0x3FB5] =	sst s10  }
0x35: {  	s10 =	sld [smem:$0x3FB4];
	_ =	sdelay $0x3  }
0x36: {  	p1 =	seq.s32 s10, $0x1;
	s10 =	sld [smem:$0x3FB5];
	_ =	sdelay $0x3  }
0x37: {  	[smem:$0x3FB5] =	sst s10  }
0x38: {  	s10 =	sld [smem:$0x3FB6]  }
0x39: {  	_ = 	snop;
	(pc) =	sbr.ind lr, $3  }
0x3a: {  	_ = 	snop  }
0x3b: {  	_ = 	snop  }
0x3c: {  	p2 =	seq.s32 s10, $0x1;
	s10 =	sld [smem:$0x3FB5]  }
0x3d: {  	_ =	shalt  }
0x3e: {  	_ =	shalt  }
0x3f: {  	_ =	shalt  }
0x40: {  	_ =	shalt  }
0x41: {  	_ =	shalt  }
0x42: {  	_ =	shalt  }
0x43: {  	_ =	shalt  }
0x44: {  	_ =	shalt  }
0x45: {  	_ =	shalt  }
0x46: {  	_ =	shalt  }
0x47: {  	_ =	shalt  }
0x48: {  	_ =	shalt  }
0x49: {  	_ =	shalt  }
0x4a: {  	_ =	shalt  }
0x4b: {  	_ =	shalt  }
0x4c: {  	_ =	shalt  }
0x4d: {  	_ =	shalt  }
0x4e: {  	_ =	shalt  }
0x4f: {  	_ =	shalt  }
0x50: {  	_ =	shalt  }
0x51: {  	_ =	shalt  }
0x52: {  	_ =	shalt  }
0x53: {  	_ =	shalt  }
0x54: {  	_ =	shalt  }
0x55: {  	_ =	shalt  }
0x56: {  	_ =	shalt  }
0x57: {  	_ =	shalt  }
0x58: {  	_ =	shalt  }
0x59: {  	_ =	shalt  }
0x5a: {  	_ =	shalt  }
0x5b: {  	_ =	shalt  }
0x5c: {  	_ =	shalt  }
0x5d: {  	_ =	shalt  }
0x5e: {  	_ =	shalt  }
0x5f: {  	_ =	shalt  }
0x60: {  	_ =	shalt  }
0x61: {  	_ =	shalt  }
0x62: {  	_ =	shalt  }
0x63: {  	_ =	shalt  }
0x64: {  	_ =	shalt  }
0x65: {  	_ =	shalt  }
0x66: {  	_ =	shalt  }
0x67: {  	_ =	shalt  }
0x68: {  	_ =	shalt  }
0x69: {  	_ =	shalt  }
0x6a: {  	_ =	shalt  }
0x6b: {  	_ =	shalt  }
0x6c: {  	_ =	shalt  }
0x6d: {  	_ =	shalt  }
0x6e: {  	_ =	shalt  }
0x6f: {  	_ =	shalt  }
0x70: {  	_ =	shalt  }
0x71: {  	_ =	shalt  }
0x72: {  	_ =	shalt  }
0x73: {  	_ =	shalt  }
0x74: {  	_ =	shalt  }
0x75: {  	_ =	shalt  }
0x76: {  	_ =	shalt  }
0x77: {  	_ =	shalt  }
0x78: {  	_ =	shalt  }
0x79: {  	_ =	shalt  }
0x7a: {  	_ =	shalt  }
0x7b: {  	_ =	shalt  }
0x7c: {  	_ =	shalt  }
0x7d: {  	_ =	shalt  }
0x7e: {  	_ =	shalt  }
0x7f: {  	_ =	shalt  }
0x80: {  	_ =	shalt  }
0x81: {  	_ =	shalt  }
0x82: {  	_ =	shalt  }
0x83: {  	_ =	shalt  }
0x84: {  	_ =	shalt  }
0x85: {  	_ =	shalt  }
0x86: {  	_ =	shalt  }
0x87: {  	_ =	shalt  }
.Lfunc_end0:
.L_simem_size_0:
called_computation_lowered:
.L_overlay_start_0:
0x88: {  	s2 =	sld [smem:$0x3FD9]  }
0x89: {  	s3 =	sld [smem:$0x3FFE];
	_ =	sdelay $0x1  }
0x8a: {  	s1 =	srdreg.scid  }
0x8b: {  	s0 =	sand.u32 $0x1, s1  }
0x8c: {  	s17 =	sshll.u32 s0, $0xA;
	s2 =	sadd.s32 s3, s2  }
0x8d: {  	s2 =	sadd.s32 s2, s17  }
0x8e: {  	[smem:$0x3FC1] =	sst s2  }
0x8f: {  	_ = 	snop  }
0x90: {  	s2 =	sld [smem:$0x3FD0];
	(tm) =	ssettm $0x1  }
0x91: {  	s18 =	sld [smem:$0x3FFB];
	_ =	sdelay $0x3  }
0x92: {  	_ =	strace s18  }
0x93: {  	s3 =	sld [smem:$0x3FFC];
	_ =	sdelay $0x3  }
0x94: {  	_ =	strace s3  }
0x95: {  	s3 =	sld [smem:$0x3FFD];
	_ =	sdelay $0x3  }
0x96: {  	_ =	strace s3  }
0x97: {  	_ =	strace $0x8FFFFFFF  }
0x98: {  	s19 =	sld [smem:$0x3FDB];
	_ =	sdelay $0x1  }
0x99: {  	s4 =	simm.s32 $_scs_section_size  }
0x9a: {  	s5 =	simm.s32 $_size__tile_overlayer_lowered;
	s6 =	simm.s32 $_tile_overlayer_lowered  }
0x9b: {  	s22 =	simm.s32 $0x1BFF;
	s21 =	sshll.u32 s6, $0x1;
	s3 =	sadd.s32 s4, s19  }
0x9c: {  	s7 =	simm.s32 $0x0;
	s20 =	sshll.u32 s5, $0x1;
	s5 =	sadd.s32 s21, s3  }
0x9d: {  	[timem:s7], [sflag:s22] =	dma.local [hbm:s5], s20  }
0x9e: {  	_ =	swait.ge [sflag:s22], s20  }
0x9f: {  	s4 =	ssub.s32 $0x0, s20;
	[sflag:s22] =	ssyncset.done $0x0  }
0xa0: {  	[sflag:s22] =	ssyncadd.s32 s4;
	_ =	sdelay $0x1  }
0xa1: {  	s23 =	simm.s32 $0x1B8B  }
0xa2: {  	_ =	swait.ge [sflag:s23], $0x1  }
0xa3: {  	[sflag:s23] =	ssyncset.done $0x0  }
0xa4: {  	s25 =	simm.s32 $0x1B8E;
	s24 =	sld [smem:$0x3FFE];
	[sflag:s23] =	ssyncadd.s32 $0xFFFFFFFF  }
0xa5: {  	s26 =	simm.s32 $execute0_lowered;
	[smem:$0x3FD2] =	sst s25  }
0xa6: {  	s5 =	sshll.u32 s26, $0x1;
	_ =	strace $0x80000046;
	[dreg:$0x1] =	wrdreg $0xFFFFFFFF  }
0xa7: {  	s28 =	simm.s32 $_size_execute0_lowered;
	s3 =	sadd.s32 s3, s5;
	[dreg:$0x0] =	wrdreg $0x0  }
0xa8: {  	s5 =	sshll.u32 s28, $0x1;
	[dreg:$0x2] =	wrdreg s3  }
0xa9: {  	[dreg:$0x3] =	wrdreg s5  }
0xaa: {  	[dreg:$0x4] =	wrdreg $0xC0  }
0xab: {  	_ =	task [dreg:s7], $0x5FFFF  }
0xac: {  	[dreg:$0x1] =	wrdreg $0xFFFFFFFF  }
0xad: {  	[dreg:$0x0] =	wrdreg $0x60  }
0xae: {  	[dreg:$0x2] =	wrdreg s2  }
0xaf: {  	[dreg:$0x3] =	wrdreg s24  }
0xb0: {  	[dreg:$0x4] =	wrdreg $0x9  }
0xb1: {  	_ =	task.clear_ibuf [dreg:s7], $0x5FFFF;
	_ =	strace $0x90000046  }
0xb2: {  	s29 =	simm.s32 $0x9;
	_ =	strace $0x80000048  }
0xb3: {  	_ =	swait.ge [sflag:s29], $0x1  }
0xb4: {  	[sflag:s29] =	ssyncadd.s32 $0xFFFFFFFF  }
0xb5: {  	_ =	strace $0x90000048  }
0xb6: {  	_ =	sfence  }
0xb7: {  	s30 =	sld [smem:$0x0];
	_ =	sdelay $0x2  }
0xb8: {  	s31 =	sshll.u32 s1, $0xD;
	s1 =	sshrl.u32 s1, $0x2  }
0xb9: {  	s3 =	sand.u32 $0x4000, s31;
	s1 =	sadd.s32 s1, s30  }
0xba: {  	s0 =	sor.u32 s3, s0;
	s1 =	sshll.u32 s1, $0x11  }
0xbb: {  	s0 =	sor.u32 s1, s0  }
0xbc: {  	s0 =	sadd.s32 $0x8F2B, s0  }
0xbd: {  	[sflag:s0] =	ssyncadd.remote.s32 $0x1  }
0xbe: {  	_ =	sfence.sel $0xFFFF  }
0xbf: {  	[dreg:$0x0] =	wrdreg $0xFFFFFFFF;
	(pc) =	sbr.abs _section_cstart, $3  }
0xc0: {  	[dreg:$0x1] =	wrdreg $0xFFFFFFFF  }
0xc1: {  	_ =	task.clear_ibuf [dreg:s7], $0x2FFFF;
	_ =	strace $0x9FFFFFFF  }
0xc2: {  	(tm) =	ssettm $0x7FFFFFFF  }
0xc3: {  	_ =	shalt  }
tec
execute0_lowered:
.L_overlay_start_1:
0x0: {  	(tag) =	ssettag $0x1  }
0x1: {  	s1 =	srdreg.scid;
	s0 =	stileid.u32  }
0x2: {  	s24 =	sand.u32 $0x1, s1;
	s31 =	sshll.u32 s0, $0x1  }
0x3: {  	s2 =	rddreg [dreg:$0x0];
	s25 =	sor.u32 s24, s31  }
0x4: {  	s23 =	rddreg [dreg:$0x1];
	s4 =	smul.u32 $0x280, s25  }
0x5: {  	s3 =	simm.s32 $0x0;
	s1 =	rddreg [dreg:$0x2]  }
0x6: {  	[smem:$0x7FF] =	sst s3;
	s4 =	sadd.s32 s4, s23  }
0x7: {  	_ =	strace $0x80000047;
	s5 =	sadd.s32 $0x2600, s4;
	s4 =	simm.s32 $0x2  }
0x8: {  	[tilespmem:s3], [sflag:$0x2] =	stream.linear.gather [hbm4b:s5+s3], $0x1400, $0x38;
	[tilespmem:$0xB400] =	vst v63  }
0x9: {  	_ =	swait.ge [sflag:s4], $0x1400  }
0xa: {  	s6 =	simm.s32 $0x140;
	[sflag:s4] =	ssyncset.done $0x0  }
0xb: {  	s7 =	simm.s32 $0x1400;
	s8 =	simm.s32 $0x1;
	[sflag:s4] =	ssyncadd.s32 $0xFFFFEC00  }
0xc: {  	[tilespmem:s7], [sflag:$0x1] =	stream.indirect.gather [hbm4b:s2+s6], $0x80, s3, s6, $0xb8;
	[tilespmem:$0xB400] =	vst v63  }
0xd: {  	_ =	swait.ge [sflag:s8], $0xA000  }
0xe: {  	[sflag:s8] =	ssyncset.done $0x0  }
0xf: {  	[sflag:s8] =	ssyncadd.s32 $0xFFFF6000  }
0x10: {  	[tilespmem:s7], [sflag:$0x1] =	stream.indirect.gather.add.f32 [hbm:s2], $0x80, s6, s6, $0xb8;
	[tilespmem:$0xB400] =	vst v63  }
0x11: {  	s9 =	simm.s32 $0x280  }
0x12: {  	[tilespmem:s7], [sflag:$0x1] =	stream.indirect.gather.add.f32 [hbm:s2], $0x80, s9, s6, $0xb8;
	[tilespmem:$0xB400] =	vst v63  }
0x13: {  	s10 =	simm.s32 $0x3C0  }
0x14: {  	[tilespmem:s7], [sflag:$0x1] =	stream.indirect.gather.add.f32 [hbm:s2], $0x80, s10, s6, $0xb8;
	[tilespmem:$0xB400] =	vst v63  }
0x15: {  	s11 =	simm.s32 $0x500  }
0x16: {  	[tilespmem:s7], [sflag:$0x1] =	stream.indirect.gather.add.f32 [hbm:s2], $0x80, s11, s6, $0xb8;
	[tilespmem:$0xB400] =	vst v63  }
0x17: {  	s12 =	simm.s32 $0x640  }
0x18: {  	[tilespmem:s7], [sflag:$0x1] =	stream.indirect.gather.add.f32 [hbm:s2], $0x80, s12, s6, $0xb8;
	[tilespmem:$0xB400] =	vst v63  }
0x19: {  	s13 =	simm.s32 $0x780  }
0x1a: {  	[tilespmem:s7], [sflag:$0x1] =	stream.indirect.gather.add.f32 [hbm:s2], $0x80, s13, s6, $0xb8;
	[tilespmem:$0xB400] =	vst v63  }
0x1b: {  	s14 =	simm.s32 $0x8C0  }
0x1c: {  	[tilespmem:s7], [sflag:$0x1] =	stream.indirect.gather.add.f32 [hbm:s2], $0x80, s14, s6, $0xb8;
	[tilespmem:$0xB400] =	vst v63  }
0x1d: {  	s15 =	simm.s32 $0xA00  }
0x1e: {  	[tilespmem:s7], [sflag:$0x1] =	stream.indirect.gather.add.f32 [hbm:s2], $0x80, s15, s6, $0xb8;
	[tilespmem:$0xB400] =	vst v63  }
0x1f: {  	s16 =	simm.s32 $0xB40  }
0x20: {  	[tilespmem:s7], [sflag:$0x1] =	stream.indirect.gather.add.f32 [hbm:s2], $0x80, s16, s6, $0xb8;
	[tilespmem:$0xB400] =	vst v63  }
0x21: {  	s17 =	simm.s32 $0xC80  }
0x22: {  	[tilespmem:s7], [sflag:$0x1] =	stream.indirect.gather.add.f32 [hbm:s2], $0x80, s17, s6, $0xb8;
	[tilespmem:$0xB400] =	vst v63  }
0x23: {  	s18 =	simm.s32 $0xDC0  }
0x24: {  	[tilespmem:s7], [sflag:$0x1] =	stream.indirect.gather.add.f32 [hbm:s2], $0x80, s18, s6, $0xb8;
	[tilespmem:$0xB400] =	vst v63  }
0x25: {  	s19 =	simm.s32 $0xF00  }
0x26: {  	[tilespmem:s7], [sflag:$0x1] =	stream.indirect.gather.add.f32 [hbm:s2], $0x80, s19, s6, $0xb8;
	[tilespmem:$0xB400] =	vst v63  }
0x27: {  	s20 =	simm.s32 $0x1040  }
0x28: {  	[tilespmem:s7], [sflag:$0x1] =	stream.indirect.gather.add.f32 [hbm:s2], $0x80, s20, s6, $0xb8;
	[tilespmem:$0xB400] =	vst v63  }
0x29: {  	s21 =	simm.s32 $0x1180  }
0x2a: {  	[tilespmem:s7], [sflag:$0x1] =	stream.indirect.gather.add.f32 [hbm:s2], $0x80, s21, s6, $0xb8;
	[tilespmem:$0xB400] =	vst v63  }
0x2b: {  	s22 =	simm.s32 $0x12C0  }
0x2c: {  	[tilespmem:s7], [sflag:$0x1] =	stream.indirect.gather.add.f32 [hbm:s2], $0x80, s22, s6, $0xb8;
	[tilespmem:$0xB400] =	vst v63  }
0x2d: {  	_ =	swait.ge [sflag:s8], $0xA000  }
0x2e: {  	[sflag:s8] =	ssyncset.done $0x0  }
0x2f: {  	[sflag:s8] =	ssyncadd.s32 $0xFFFF6000  }
0x30: {  	_ =	swait.ge [sflag:s8], $0xA000  }
0x31: {  	[sflag:s8] =	ssyncset.done $0x0  }
0x32: {  	[sflag:s8] =	ssyncadd.s32 $0xFFFF6000  }
0x33: {  	_ =	swait.ge [sflag:s8], $0xA000  }
0x34: {  	[sflag:s8] =	ssyncset.done $0x0  }
0x35: {  	[sflag:s8] =	ssyncadd.s32 $0xFFFF6000  }
0x36: {  	_ =	swait.ge [sflag:s8], $0xA000  }
0x37: {  	[sflag:s8] =	ssyncset.done $0x0  }
0x38: {  	[sflag:s8] =	ssyncadd.s32 $0xFFFF6000  }
0x39: {  	_ =	swait.ge [sflag:s8], $0xA000  }
0x3a: {  	[sflag:s8] =	ssyncset.done $0x0  }
0x3b: {  	[sflag:s8] =	ssyncadd.s32 $0xFFFF6000  }
0x3c: {  	_ =	swait.ge [sflag:s8], $0xA000  }
0x3d: {  	[sflag:s8] =	ssyncset.done $0x0  }
0x3e: {  	[sflag:s8] =	ssyncadd.s32 $0xFFFF6000  }
0x3f: {  	_ =	swait.ge [sflag:s8], $0xA000  }
0x40: {  	[sflag:s8] =	ssyncset.done $0x0  }
0x41: {  	[sflag:s8] =	ssyncadd.s32 $0xFFFF6000  }
0x42: {  	_ =	swait.ge [sflag:s8], $0xA000  }
0x43: {  	[sflag:s8] =	ssyncset.done $0x0  }
0x44: {  	[sflag:s8] =	ssyncadd.s32 $0xFFFF6000  }
0x45: {  	_ =	swait.ge [sflag:s8], $0xA000  }
0x46: {  	[sflag:s8] =	ssyncset.done $0x0  }
0x47: {  	[sflag:s8] =	ssyncadd.s32 $0xFFFF6000  }
0x48: {  	_ =	swait.ge [sflag:s8], $0xA000  }
0x49: {  	[sflag:s8] =	ssyncset.done $0x0  }
0x4a: {  	[sflag:s8] =	ssyncadd.s32 $0xFFFF6000  }
0x4b: {  	_ =	swait.ge [sflag:s8], $0xA000  }
0x4c: {  	[sflag:s8] =	ssyncset.done $0x0  }
0x4d: {  	[sflag:s8] =	ssyncadd.s32 $0xFFFF6000  }
0x4e: {  	_ =	swait.ge [sflag:s8], $0xA000  }
0x4f: {  	[sflag:s8] =	ssyncset.done $0x0  }
0x50: {  	[sflag:s8] =	ssyncadd.s32 $0xFFFF6000  }
0x51: {  	_ =	swait.ge [sflag:s8], $0xA000  }
0x52: {  	[sflag:s8] =	ssyncset.done $0x0  }
0x53: {  	s24 =	ssub.s32 $0x2, s24;
	[sflag:s8] =	ssyncadd.s32 $0xFFFF6000  }
0x54: {  	s26 =	sshrl.u32 s24, $0x1;
	_ =	swait.ge [sflag:s8], $0xA000  }
0x55: {  	s24 =	ssub.s32 s24, s26;
	[sflag:s8] =	ssyncset.done $0x0  }
0x56: {  	s25 =	smul.u32 $0x1400, s25;
	s24 =	smax.u32 s24, $0x1;
	[sflag:s8] =	ssyncadd.s32 $0xFFFF6000  }
0x57: {  	p0 =	sne.s32 s24, $0x1;
	_ =	swait.ge [sflag:s8], $0xA000  }
.Ltmp0:
0x58: {  	s23 =	sadd.s32 s25, s23;
	[sflag:s8] =	ssyncset.done $0x0;
	(pc) =	sbr.rel @!p0 .LBB2_2-.Ltmp0, $4  }
0x59: {  	s23 =	sadd.s32 $0x7F600, s23;
	[sflag:s8] =	ssyncadd.s32 $0xFFFF6000  }
0x5a: {  	[hbm4b:s23+s3] =	stream.linear.scatter [tilespmem:s7], [sflag:$0x2], $0xA000, $0x38;
	[tilespmem:$0xB400] =	vst v63  }
0x5b: {  	_ =	swait.ge [sflag:s4], $0xA000  }
0x5c: {  	s24 =	sadd.s32 $0xFFFFFFFF, s24;
	[sflag:s4] =	ssyncset.done $0x0  }
.LBB2_1:
0x5d: {  	p0 =	sne.s32 s24, $0x1;
	s24 =	sadd.s32 $0xFFFFFFFF, s24;
	[sflag:s4] =	ssyncadd.s32 $0xFFFF6000  }
0x5e: {  	[tilespmem:s3], [sflag:$0x2] =	stream.linear.gather [hbm4b:s5+s3], $0x1400, $0x38;
	[tilespmem:$0xB400] =	vst v63  }
0x5f: {  	_ =	swait.ge [sflag:s4], $0x1400  }
0x60: {  	[sflag:s4] =	ssyncset.done $0x0  }
0x61: {  	[sflag:s4] =	ssyncadd.s32 $0xFFFFEC00  }
0x62: {  	[tilespmem:s7], [sflag:$0x1] =	stream.indirect.gather [hbm4b:s2+s6], $0x80, s3, s6, $0xb8;
	[tilespmem:$0xB400] =	vst v63  }
0x63: {  	_ =	swait.ge [sflag:s8], $0xA000  }
0x64: {  	[sflag:s8] =	ssyncset.done $0x0  }
0x65: {  	[sflag:s8] =	ssyncadd.s32 $0xFFFF6000  }
0x66: {  	[tilespmem:s7], [sflag:$0x1] =	stream.indirect.gather.add.f32 [hbm:s2], $0x80, s6, s6, $0xb8;
	[tilespmem:$0xB400] =	vst v63  }
0x67: {  	_ = 	snop  }
0x68: {  	[tilespmem:s7], [sflag:$0x1] =	stream.indirect.gather.add.f32 [hbm:s2], $0x80, s9, s6, $0xb8;
	[tilespmem:$0xB400] =	vst v63  }
0x69: {  	_ = 	snop  }
0x6a: {  	[tilespmem:s7], [sflag:$0x1] =	stream.indirect.gather.add.f32 [hbm:s2], $0x80, s10, s6, $0xb8;
	[tilespmem:$0xB400] =	vst v63  }
0x6b: {  	_ = 	snop  }
0x6c: {  	[tilespmem:s7], [sflag:$0x1] =	stream.indirect.gather.add.f32 [hbm:s2], $0x80, s11, s6, $0xb8;
	[tilespmem:$0xB400] =	vst v63  }
0x6d: {  	_ = 	snop  }
0x6e: {  	[tilespmem:s7], [sflag:$0x1] =	stream.indirect.gather.add.f32 [hbm:s2], $0x80, s12, s6, $0xb8;
	[tilespmem:$0xB400] =	vst v63  }
0x6f: {  	_ = 	snop  }
0x70: {  	[tilespmem:s7], [sflag:$0x1] =	stream.indirect.gather.add.f32 [hbm:s2], $0x80, s13, s6, $0xb8;
	[tilespmem:$0xB400] =	vst v63  }
0x71: {  	_ = 	snop  }
0x72: {  	[tilespmem:s7], [sflag:$0x1] =	stream.indirect.gather.add.f32 [hbm:s2], $0x80, s14, s6, $0xb8;
	[tilespmem:$0xB400] =	vst v63  }
0x73: {  	_ = 	snop  }
0x74: {  	[tilespmem:s7], [sflag:$0x1] =	stream.indirect.gather.add.f32 [hbm:s2], $0x80, s15, s6, $0xb8;
	[tilespmem:$0xB400] =	vst v63  }
0x75: {  	_ = 	snop  }
0x76: {  	[tilespmem:s7], [sflag:$0x1] =	stream.indirect.gather.add.f32 [hbm:s2], $0x80, s16, s6, $0xb8;
	[tilespmem:$0xB400] =	vst v63  }
0x77: {  	_ = 	snop  }
0x78: {  	[tilespmem:s7], [sflag:$0x1] =	stream.indirect.gather.add.f32 [hbm:s2], $0x80, s17, s6, $0xb8;
	[tilespmem:$0xB400] =	vst v63  }
0x79: {  	_ = 	snop  }
0x7a: {  	[tilespmem:s7], [sflag:$0x1] =	stream.indirect.gather.add.f32 [hbm:s2], $0x80, s18, s6, $0xb8;
	[tilespmem:$0xB400] =	vst v63  }
0x7b: {  	_ = 	snop  }
0x7c: {  	[tilespmem:s7], [sflag:$0x1] =	stream.indirect.gather.add.f32 [hbm:s2], $0x80, s19, s6, $0xb8;
	[tilespmem:$0xB400] =	vst v63  }
0x7d: {  	_ = 	snop  }
0x7e: {  	[tilespmem:s7], [sflag:$0x1] =	stream.indirect.gather.add.f32 [hbm:s2], $0x80, s20, s6, $0xb8;
	[tilespmem:$0xB400] =	vst v63  }
0x7f: {  	_ = 	snop  }
0x80: {  	[tilespmem:s7], [sflag:$0x1] =	stream.indirect.gather.add.f32 [hbm:s2], $0x80, s21, s6, $0xb8;
	[tilespmem:$0xB400] =	vst v63  }
0x81: {  	_ = 	snop  }
0x82: {  	[tilespmem:s7], [sflag:$0x1] =	stream.indirect.gather.add.f32 [hbm:s2], $0x80, s22, s6, $0xb8;
	[tilespmem:$0xB400] =	vst v63  }
0x83: {  	_ =	swait.ge [sflag:s8], $0xA000  }
0x84: {  	[sflag:s8] =	ssyncset.done $0x0  }
0x85: {  	[sflag:s8] =	ssyncadd.s32 $0xFFFF6000  }
0x86: {  	_ =	swait.ge [sflag:s8], $0xA000  }
0x87: {  	[sflag:s8] =	ssyncset.done $0x0  }
0x88: {  	[sflag:s8] =	ssyncadd.s32 $0xFFFF6000  }
0x89: {  	_ =	swait.ge [sflag:s8], $0xA000  }
0x8a: {  	[sflag:s8] =	ssyncset.done $0x0  }
0x8b: {  	[sflag:s8] =	ssyncadd.s32 $0xFFFF6000  }
0x8c: {  	_ =	swait.ge [sflag:s8], $0xA000  }
0x8d: {  	[sflag:s8] =	ssyncset.done $0x0  }
0x8e: {  	[sflag:s8] =	ssyncadd.s32 $0xFFFF6000  }
0x8f: {  	_ =	swait.ge [sflag:s8], $0xA000  }
0x90: {  	[sflag:s8] =	ssyncset.done $0x0  }
0x91: {  	[sflag:s8] =	ssyncadd.s32 $0xFFFF6000  }
0x92: {  	_ =	swait.ge [sflag:s8], $0xA000  }
0x93: {  	[sflag:s8] =	ssyncset.done $0x0  }
0x94: {  	[sflag:s8] =	ssyncadd.s32 $0xFFFF6000  }
0x95: {  	_ =	swait.ge [sflag:s8], $0xA000  }
0x96: {  	[sflag:s8] =	ssyncset.done $0x0  }
0x97: {  	[sflag:s8] =	ssyncadd.s32 $0xFFFF6000  }
0x98: {  	_ =	swait.ge [sflag:s8], $0xA000  }
0x99: {  	[sflag:s8] =	ssyncset.done $0x0  }
0x9a: {  	[sflag:s8] =	ssyncadd.s32 $0xFFFF6000  }
0x9b: {  	_ =	swait.ge [sflag:s8], $0xA000  }
0x9c: {  	[sflag:s8] =	ssyncset.done $0x0  }
0x9d: {  	[sflag:s8] =	ssyncadd.s32 $0xFFFF6000  }
0x9e: {  	_ =	swait.ge [sflag:s8], $0xA000  }
0x9f: {  	[sflag:s8] =	ssyncset.done $0x0  }
0xa0: {  	[sflag:s8] =	ssyncadd.s32 $0xFFFF6000  }
0xa1: {  	_ =	swait.ge [sflag:s8], $0xA000  }
0xa2: {  	[sflag:s8] =	ssyncset.done $0x0  }
0xa3: {  	[sflag:s8] =	ssyncadd.s32 $0xFFFF6000  }
0xa4: {  	_ =	swait.ge [sflag:s8], $0xA000  }
0xa5: {  	[sflag:s8] =	ssyncset.done $0x0  }
0xa6: {  	[sflag:s8] =	ssyncadd.s32 $0xFFFF6000  }
0xa7: {  	_ =	swait.ge [sflag:s8], $0xA000  }
0xa8: {  	[sflag:s8] =	ssyncset.done $0x0  }
0xa9: {  	[sflag:s8] =	ssyncadd.s32 $0xFFFF6000  }
0xaa: {  	_ =	swait.ge [sflag:s8], $0xA000  }
0xab: {  	[sflag:s8] =	ssyncset.done $0x0  }
0xac: {  	[sflag:s8] =	ssyncadd.s32 $0xFFFF6000  }
0xad: {  	_ =	swait.ge [sflag:s8], $0xA000  }
.Ltmp1:
0xae: {  	[sflag:s8] =	ssyncset.done $0x0;
	(pc) =	sbr.rel @p0 .LBB2_1-.Ltmp1, $4  }
0xaf: {  	[sflag:s8] =	ssyncadd.s32 $0xFFFF6000  }
0xb0: {  	[hbm4b:s23+s3] =	stream.linear.scatter [tilespmem:s7], [sflag:$0x2], $0xA000, $0x38;
	[tilespmem:$0xB400] =	vst v63  }
0xb1: {  	_ =	swait.ge [sflag:s4], $0xA000  }
0xb2: {  	[sflag:s4] =	ssyncset.done $0x0  }
.LBB2_2:
0xb3: {  	[sflag:s4] =	ssyncadd.s32 $0xFFFF6000  }
0xb4: {  	_ =	sfence.sel $0x180000  }
0xb5: {  	[bflag:$0x0] =	sbarrier.arrive $0xFFFF  }
0xb6: {  	p0 =	sne.s32 s0, $0x0;
	_ =	strace $0x90000047  }
0xb7: {  	s0 =	sadd.s32 @!p0 $0x100000, s1;
	[bflag:$0x2] =	sbarrier.arrive $0xFFFF  }
0xb8: {  	[sflag:s0] =	ssyncadd.tile.s32 @!p0 $0x1;
	_ =	shalt  }
.Lfunc_end2:
_tile_overlayer_lowered:
.L_overlay_start_2:
0xb9: {  	(tag) =	ssettag $0x2  }
0xba: {  	s0 =	rddreg [dreg:$0x0];
	s2 =	stileid.u32  }
0xbb: {  	s1 =	rddreg [dreg:$0x1];
	p0 =	sne.s32 s2, $0x0  }
0xbc: {  	s3 =	rddreg [dreg:$0x2];
	[bflag:$0x3] =	sbarrier.arrive $0xFFFF;
	s2 =	simm.s32 @!p0 $0x1C02  }
0xbd: {  	[timem:s3], [sflag:s2] =	dma.local @!p0 [hbm:s0], s1  }
0xbe: {  	s0 =	simm.s32 @!p0 $0x2  }
0xbf: {  	_ =	swait.ge @!p0 [sflag:s0], s1  }
0xc0: {  	s1 =	ssub.s32 @!p0 $0x0, s1;
	[sflag:s0] =	ssyncset.done @!p0 $0x0  }
0xc1: {  	[sflag:s0] =	ssyncadd.s32 @!p0 s1  }
0xc2: {  	[bflag:$0x3] =	sbarrier.arrive $0xFFFF  }
0xc3: {  	_ =	shalt  }

// kernel: kernel.13.cloned.1.call-start
scs
__scs_entry_jumppad:
0x0: {  	(pc) =	sbr.rel $0x88, $3  }
0x1: {  	(tag) =	ssettag $0x0;
	lr =	simm.s32 $0x1  }
0x2: {  	[smem:$0x3F9A] =	sst lr;
	_ =	strace $0xD0000000  }
0x3: {  	_ = 	snop  }
0x4: {  	_ = 	snop  }
0x5: {  	_ = 	snop  }
0x6: {  	_ = 	snop  }
0x7: {  	_ = 	snop  }
__scs_overlays_trampoline_lowered:
0x8: {  	[smem:$0x3FA9] =	sst s0  }
0x9: {  	[smem:$0x3FAA] =	sst s1  }
0xa: {  	[smem:$0x3FAB] =	sst s2  }
0xb: {  	[smem:$0x3FAC] =	sst s3  }
0xc: {  	[smem:$0x3FAD] =	sst s4  }
0xd: {  	[smem:$0x3FAE] =	sst s5  }
0xe: {  	[smem:$0x3FAF] =	sst s6  }
0xf: {  	[smem:$0x3FB0] =	sst s7  }
0x10: {  	[smem:$0x3FB1] =	sst s8  }
0x11: {  	[smem:$0x3FB2] =	sst s9;
	s0 =	simm.s32 @!p0 $0x0  }
0x12: {  	s1 =	sld [smem:$0x3F98];
	s0 =	simm.s32 @p0 $0x1  }
0x13: {  	[smem:$0x3FB3] =	sst s0;
	s0 =	simm.s32 @!p1 $0x0  }
0x14: {  	s2 =	sld [smem:$0x3F97];
	s0 =	simm.s32 @p1 $0x1  }
0x15: {  	[smem:$0x3FB4] =	sst s0;
	s0 =	simm.s32 @!p2 $0x0  }
0x16: {  	s3 =	sld [smem:$0x3FDB];
	s0 =	simm.s32 @p2 $0x1  }
0x17: {  	s4 =	simm.s32 $0x1BF5;
	[smem:$0x3FB6] =	sst s0  }
0x18: {  	s0 =	sld [smem:$0x3F99];
	_ =	swait.ge [sflag:s4], $0x0  }
0x19: {  	s7 =	sld [smem:$0x3F9A]  }
0x1a: {  	s8 =	sadd.s32 $0xFFFFE003, lr  }
0x1b: {  	s9 =	sadd.s32 $0xFFFFFEF7, lr;
	s5 =	simm.s32 $0xFFFFFFFF;
	p2 =	slt.u32 s8, $0xFFFFF086  }
0x1c: {  	p1 =	slt.u32 s9, $0xF7A;
	s5 =	simm.s32 @!p2 $0x0  }
0x1d: {  	s5 =	simm.s32 @p1 $0x1;
	p0 =	seq.s32 s7, s2  }
0x1e: {  	s7 =	smul.u32 @!p0 $0xF7A, s2;
	p2 =	seq.s32 @!p0 s5, $0x0  }
0x1f: {  	s9 =	smul.u32 $0xF7A, s1;
	s8 =	simm.s32 @!p0 $0x1BF5;
	p2 =	por !p2, p0  }
0x20: {  	[sflag:s8] =	ssyncset.s32 @!p0 $0xFFFFF086;
	s6 =	sadd.s32 @!p0 s3, s7;
	s7 =	simm.s32 @!p0 $0x108  }
0x21: {  	s3 =	sadd.s32 s3, s9;
	s6 =	sadd.s32 @!p0 $0x88, s6;
	s7 =	simm.s32 @p2 $0x1082  }
0x22: {  	[simem:s7], [sflag:s8] =	dma.local @!p0 [hbm:s6], $0xF7A  }
0x23: {  	s9 =	sor.u32 $0xD0000000, s2;
	s6 =	simm.s32 $0x108;
	_ =	swait.ge @!p0 [sflag:s8], $0x0  }
0x24: {  	s3 =	sadd.s32 $0x88, s3;
	s6 =	simm.s32 @!p1 $0x1082;
	[sflag:s4] =	ssyncset.s32 $0xFFFFF086  }
0x25: {  	[simem:s6], [sflag:s4] =	dma.local [hbm:s3], $0xF7A  }
0x26: {  	[smem:$0x3F9A] =	sst s1;
	(tag) =	ssettag s2;
	_ =	strace s9  }
0x27: {  	s1 =	sld [smem:$0x3FAA]  }
0x28: {  	s2 =	sld [smem:$0x3FAB]  }
0x29: {  	s4 =	sld [smem:$0x3FAD]  }
0x2a: {  	p0 =	seq.s32 s5, $0x0;
	s5 =	sld [smem:$0x3FAE]  }
0x2b: {  	s6 =	sld [smem:$0x3FAF]  }
0x2c: {  	s7 =	sld [smem:$0x3FB0]  }
0x2d: {  	s3 =	simm.s32 $0x108;
	s8 =	sld [smem:$0x3FB1]  }
0x2e: {  	s3 =	simm.s32 @!p0 $0x1082;
	s9 =	sld [smem:$0x3FB2]  }
0x2f: {  	lr =	sadd.s32 s0, s3;
	s0 =	sld [smem:$0x3FA9]  }
0x30: {  	s3 =	sld [smem:$0x3FAC]  }
0x31: {  	[smem:$0x3FB5] =	sst s10  }
0x32: {  	s10 =	sld [smem:$0x3FB3];
	_ =	sdelay $0x3  }
0x33: {  	p0 =	seq.s32 s10, $0x1;
	s10 =	sld [smem:$0x3FB5];
	_ =	sdelay $0x3  }
0x34: {  	[smem:$0x3FB5] =	sst s10  }
0x35: {  	s10 =	sld [smem:$0x3FB4];
	_ =	sdelay $0x3  }
0x36: {  	p1 =	seq.s32 s10, $0x1;
	s10 =	sld [smem:$0x3FB5];
	_ =	sdelay $0x3  }
0x37: {  	[smem:$0x3FB5] =	sst s10  }
0x38: {  	s10 =	sld [smem:$0x3FB6]  }
0x39: {  	_ = 	snop;
	(pc) =	sbr.ind lr, $3  }
0x3a: {  	_ = 	snop  }
0x3b: {  	_ = 	snop  }
0x3c: {  	p2 =	seq.s32 s10, $0x1;
	s10 =	sld [smem:$0x3FB5]  }
0x3d: {  	_ =	shalt  }
0x3e: {  	_ =	shalt  }
0x3f: {  	_ =	shalt  }
0x40: {  	_ =	shalt  }
0x41: {  	_ =	shalt  }
0x42: {  	_ =	shalt  }
0x43: {  	_ =	shalt  }
0x44: {  	_ =	shalt  }
0x45: {  	_ =	shalt  }
0x46: {  	_ =	shalt  }
0x47: {  	_ =	shalt  }
0x48: {  	_ =	shalt  }
0x49: {  	_ =	shalt  }
0x4a: {  	_ =	shalt  }
0x4b: {  	_ =	shalt  }
0x4c: {  	_ =	shalt  }
0x4d: {  	_ =	shalt  }
0x4e: {  	_ =	shalt  }
0x4f: {  	_ =	shalt  }
0x50: {  	_ =	shalt  }
0x51: {  	_ =	shalt  }
0x52: {  	_ =	shalt  }
0x53: {  	_ =	shalt  }
0x54: {  	_ =	shalt  }
0x55: {  	_ =	shalt  }
0x56: {  	_ =	shalt  }
0x57: {  	_ =	shalt  }
0x58: {  	_ =	shalt  }
0x59: {  	_ =	shalt  }
0x5a: {  	_ =	shalt  }
0x5b: {  	_ =	shalt  }
0x5c: {  	_ =	shalt  }
0x5d: {  	_ =	shalt  }
0x5e: {  	_ =	shalt  }
0x5f: {  	_ =	shalt  }
0x60: {  	_ =	shalt  }
0x61: {  	_ =	shalt  }
0x62: {  	_ =	shalt  }
0x63: {  	_ =	shalt  }
0x64: {  	_ =	shalt  }
0x65: {  	_ =	shalt  }
0x66: {  	_ =	shalt  }
0x67: {  	_ =	shalt  }
0x68: {  	_ =	shalt  }
0x69: {  	_ =	shalt  }
0x6a: {  	_ =	shalt  }
0x6b: {  	_ =	shalt  }
0x6c: {  	_ =	shalt  }
0x6d: {  	_ =	shalt  }
0x6e: {  	_ =	shalt  }
0x6f: {  	_ =	shalt  }
0x70: {  	_ =	shalt  }
0x71: {  	_ =	shalt  }
0x72: {  	_ =	shalt  }
0x73: {  	_ =	shalt  }
0x74: {  	_ =	shalt  }
0x75: {  	_ =	shalt  }
0x76: {  	_ =	shalt  }
0x77: {  	_ =	shalt  }
0x78: {  	_ =	shalt  }
0x79: {  	_ =	shalt  }
0x7a: {  	_ =	shalt  }
0x7b: {  	_ =	shalt  }
0x7c: {  	_ =	shalt  }
0x7d: {  	_ =	shalt  }
0x7e: {  	_ =	shalt  }
0x7f: {  	_ =	shalt  }
0x80: {  	_ =	shalt  }
0x81: {  	_ =	shalt  }
0x82: {  	_ =	shalt  }
0x83: {  	_ =	shalt  }
0x84: {  	_ =	shalt  }
0x85: {  	_ =	shalt  }
0x86: {  	_ =	shalt  }
0x87: {  	_ =	shalt  }
.Lfunc_end0:
.L_simem_size_0:
called_computation.1_lowered:
.L_overlay_start_0:
0x88: {  	s2 =	sld [smem:$0x3FD9]  }
0x89: {  	s3 =	sld [smem:$0x3FFE];
	_ =	sdelay $0x1  }
0x8a: {  	s1 =	srdreg.scid  }
0x8b: {  	s0 =	sand.u32 $0x1, s1  }
0x8c: {  	s17 =	sshll.u32 s0, $0xA;
	s2 =	sadd.s32 s3, s2  }
0x8d: {  	s2 =	sadd.s32 s2, s17  }
0x8e: {  	[smem:$0x3FC1] =	sst s2  }
0x8f: {  	_ = 	snop  }
0x90: {  	(tm) =	ssettm $0x1  }
0x91: {  	s18 =	sld [smem:$0x3FFB];
	_ =	sdelay $0x3  }
0x92: {  	_ =	strace s18  }
0x93: {  	s2 =	sld [smem:$0x3FFC];
	_ =	sdelay $0x3  }
0x94: {  	_ =	strace s2  }
0x95: {  	s2 =	sld [smem:$0x3FFD];
	_ =	sdelay $0x3  }
0x96: {  	_ =	strace s2  }
0x97: {  	_ =	strace $0x8FFFFFFF  }
0x98: {  	s19 =	sld [smem:$0x3FDB];
	_ =	sdelay $0x1  }
0x99: {  	s20 =	simm.s32 $_scs_section_size  }
0x9a: {  	s4 =	simm.s32 $_size__tile_overlayer_lowered;
	s5 =	simm.s32 $_tile_overlayer_lowered  }
0x9b: {  	s6 =	simm.s32 $0x1BFF;
	s21 =	sshll.u32 s5, $0x1;
	s3 =	sadd.s32 s20, s19  }
0x9c: {  	s22 =	simm.s32 $0x0;
	s4 =	sshll.u32 s4, $0x1;
	s5 =	sadd.s32 s21, s3  }
0x9d: {  	[timem:s22], [sflag:s6] =	dma.local [hbm:s5], s4  }
0x9e: {  	_ =	swait.ge [sflag:s6], s4  }
0x9f: {  	s4 =	ssub.s32 $0x0, s4;
	[sflag:s6] =	ssyncset.done $0x0  }
0xa0: {  	[sflag:s6] =	ssyncadd.s32 s4;
	_ =	sdelay $0x1  }
0xa1: {  	s23 =	simm.s32 $0x1B8B  }
0xa2: {  	_ =	swait.ge [sflag:s23], $0x1  }
0xa3: {  	[sflag:s23] =	ssyncset.done $0x0  }
0xa4: {  	[sflag:s23] =	ssyncadd.s32 $0xFFFFFFFF  }
0xa5: {  	s4 =	sld [smem:$0x0]  }
0xa6: {  	s5 =	sand.u32 $0xFFFFFFFE, s1  }
0xa7: {  	p0 =	sne.s32 s1, s5  }
0xa8: {  	s5 =	sshll.u32 @p0 s5, $0xE  }
0xa9: {  	s5 =	sadd.s32 @p0 $0x11B8D, s5;
	s6 =	sshll.u32 @p0 s4, $0x11  }
0xaa: {  	s5 =	sor.u32 @p0 s6, s5  }
0xab: {  	[sflag:s5] =	ssyncadd.remote.s32 @p0 $0x1;
	_ =	sdelay $0x1  }
0xac: {  	s5 =	simm.s32 @p0 $0x1B8D  }
0xad: {  	_ =	swait.eq @p0 [sflag:s5], $0x1  }
0xae: {  	[sflag:s5] =	ssyncadd.s32 @p0 $0xFFFFFFFF  }
0xaf: {  	s6 =	sshll.u32 @!p0 s1, $0xE  }
0xb0: {  	s6 =	sor.u32 @!p0 $0x4000, s6;
	s5 =	simm.s32 @!p0 $0x1B8D  }
0xb1: {  	s4 =	sshll.u32 @!p0 s4, $0x11;
	s6 =	sadd.s32 @!p0 $0x11B8D, s6;
	_ =	swait.eq @!p0 [sflag:s5], $0x1  }
0xb2: {  	s4 =	sor.u32 @!p0 s4, s6;
	[sflag:s5] =	ssyncadd.s32 @!p0 $0xFFFFFFFF  }
0xb3: {  	s25 =	simm.s32 $0x1B8E;
	s24 =	sld [smem:$0x3FFE];
	[sflag:s4] =	ssyncadd.remote.s32 @!p0 $0x1  }
0xb4: {  	s26 =	simm.s32 $execute0_lowered;
	[smem:$0x3FD2] =	sst s25  }
0xb5: {  	s5 =	sshll.u32 s26, $0x1;
	_ =	strace $0x80000049;
	[dreg:$0x1] =	wrdreg $0xFFFFFFFF  }
0xb6: {  	s28 =	simm.s32 $_size_execute0_lowered;
	s3 =	sadd.s32 s3, s5;
	[dreg:$0x0] =	wrdreg $0x0  }
0xb7: {  	s5 =	sshll.u32 s28, $0x1;
	[dreg:$0x2] =	wrdreg s3  }
0xb8: {  	[dreg:$0x3] =	wrdreg s5  }
0xb9: {  	[dreg:$0x4] =	wrdreg $0xC0  }
0xba: {  	_ =	task [dreg:s22], $0x5FFFF  }
0xbb: {  	[dreg:$0x1] =	wrdreg $0xFFFFFFFF  }
0xbc: {  	[dreg:$0x0] =	wrdreg $0x60  }
0xbd: {  	[dreg:$0x2] =	wrdreg s24  }
0xbe: {  	[dreg:$0x3] =	wrdreg $0xA  }
0xbf: {  	_ =	task.clear_ibuf [dreg:s22], $0x4FFFF;
	_ =	strace $0x90000049  }
0xc0: {  	s29 =	simm.s32 $0xA;
	_ =	strace $0x8000004B  }
0xc1: {  	_ =	swait.ge [sflag:s29], $0x1  }
0xc2: {  	[sflag:s29] =	ssyncadd.s32 $0xFFFFFFFF  }
0xc3: {  	_ =	strace $0x9000004B  }
0xc4: {  	_ =	sfence  }
0xc5: {  	s30 =	sld [smem:$0x0];
	_ =	sdelay $0x2  }
0xc6: {  	s31 =	sshll.u32 s1, $0xD;
	s1 =	sshrl.u32 s1, $0x2  }
0xc7: {  	s4 =	sand.u32 $0x4000, s31;
	s1 =	sadd.s32 s1, s30  }
0xc8: {  	s0 =	sor.u32 s4, s0;
	s1 =	sshll.u32 s1, $0x11  }
0xc9: {  	s0 =	sor.u32 s1, s0  }
0xca: {  	s0 =	sadd.s32 $0x8F2B, s0  }
0xcb: {  	[sflag:s0] =	ssyncadd.remote.s32 $0x1  }
0xcc: {  	_ =	sfence.sel $0xFFFF  }
0xcd: {  	[dreg:$0x0] =	wrdreg $0xFFFFFFFF;
	(pc) =	sbr.abs _section_cstart, $3  }
0xce: {  	[dreg:$0x1] =	wrdreg $0xFFFFFFFF  }
0xcf: {  	_ =	task.clear_ibuf [dreg:s22], $0x2FFFF;
	_ =	strace $0x9FFFFFFF  }
0xd0: {  	(tm) =	ssettm $0x7FFFFFFF  }
0xd1: {  	_ =	shalt  }
tec
execute0_lowered:
.L_overlay_start_1:
0x0: {  	(tag) =	ssettag $0x1  }
0x1: {  	s1 =	srdreg.scid;
	s0 =	stileid.u32  }
0x2: {  	s24 =	sand.u32 $0x1, s1;
	s31 =	sshll.u32 s0, $0x1  }
0x3: {  	s25 =	sor.u32 s24, s31  }
0x4: {  	s23 =	rddreg [dreg:$0x0];
	s3 =	smul.u32 $0x280, s25  }
0x5: {  	s2 =	simm.s32 $0x0;
	s1 =	rddreg [dreg:$0x1]  }
0x6: {  	[smem:$0x7FF] =	sst s2;
	s3 =	sadd.s32 s3, s23  }
0x7: {  	_ =	strace $0x8000004A;
	s4 =	sadd.s32 $0xA7600, s3;
	s3 =	simm.s32 $0x2  }
0x8: {  	[tilespmem:s2], [sflag:$0x2] =	stream.linear.gather [hbm4b:s4+s2], $0x1400, $0x38;
	[tilespmem:$0xB400] =	vst v63  }
0x9: {  	_ =	swait.ge [sflag:s3], $0x1400  }
0xa: {  	s6 =	simm.s32 $0x140;
	s7 =	simm.s32 $0x1400;
	[sflag:s3] =	ssyncset.done $0x0  }
0xb: {  	s8 =	simm.s32 $0x1;
	s5 =	sadd.s32 $0x57600, s23;
	[sflag:s3] =	ssyncadd.s32 $0xFFFFEC00  }
0xc: {  	[tilespmem:s7], [sflag:$0x1] =	stream.indirect.gather [hbm4b:s5+s6], $0x80, s2, s6, $0xb8;
	[tilespmem:$0xB400] =	vst v63  }
0xd: {  	_ =	swait.ge [sflag:s8], $0xA000  }
0xe: {  	[sflag:s8] =	ssyncset.done $0x0  }
0xf: {  	[sflag:s8] =	ssyncadd.s32 $0xFFFF6000  }
0x10: {  	[tilespmem:s7], [sflag:$0x1] =	stream.indirect.gather.add.f32 [hbm:s5], $0x80, s6, s6, $0xb8;
	[tilespmem:$0xB400] =	vst v63  }
0x11: {  	s9 =	simm.s32 $0x280  }
0x12: {  	[tilespmem:s7], [sflag:$0x1] =	stream.indirect.gather.add.f32 [hbm:s5], $0x80, s9, s6, $0xb8;
	[tilespmem:$0xB400] =	vst v63  }
0x13: {  	s10 =	simm.s32 $0x3C0  }
0x14: {  	[tilespmem:s7], [sflag:$0x1] =	stream.indirect.gather.add.f32 [hbm:s5], $0x80, s10, s6, $0xb8;
	[tilespmem:$0xB400] =	vst v63  }
0x15: {  	s11 =	simm.s32 $0x500  }
0x16: {  	[tilespmem:s7], [sflag:$0x1] =	stream.indirect.gather.add.f32 [hbm:s5], $0x80, s11, s6, $0xb8;
	[tilespmem:$0xB400] =	vst v63  }
0x17: {  	s12 =	simm.s32 $0x640  }
0x18: {  	[tilespmem:s7], [sflag:$0x1] =	stream.indirect.gather.add.f32 [hbm:s5], $0x80, s12, s6, $0xb8;
	[tilespmem:$0xB400] =	vst v63  }
0x19: {  	s13 =	simm.s32 $0x780  }
0x1a: {  	[tilespmem:s7], [sflag:$0x1] =	stream.indirect.gather.add.f32 [hbm:s5], $0x80, s13, s6, $0xb8;
	[tilespmem:$0xB400] =	vst v63  }
0x1b: {  	s14 =	simm.s32 $0x8C0  }
0x1c: {  	[tilespmem:s7], [sflag:$0x1] =	stream.indirect.gather.add.f32 [hbm:s5], $0x80, s14, s6, $0xb8;
	[tilespmem:$0xB400] =	vst v63  }
0x1d: {  	s15 =	simm.s32 $0xA00  }
0x1e: {  	[tilespmem:s7], [sflag:$0x1] =	stream.indirect.gather.add.f32 [hbm:s5], $0x80, s15, s6, $0xb8;
	[tilespmem:$0xB400] =	vst v63  }
0x1f: {  	s16 =	simm.s32 $0xB40  }
0x20: {  	[tilespmem:s7], [sflag:$0x1] =	stream.indirect.gather.add.f32 [hbm:s5], $0x80, s16, s6, $0xb8;
	[tilespmem:$0xB400] =	vst v63  }
0x21: {  	s17 =	simm.s32 $0xC80  }
0x22: {  	[tilespmem:s7], [sflag:$0x1] =	stream.indirect.gather.add.f32 [hbm:s5], $0x80, s17, s6, $0xb8;
	[tilespmem:$0xB400] =	vst v63  }
0x23: {  	s18 =	simm.s32 $0xDC0  }
0x24: {  	[tilespmem:s7], [sflag:$0x1] =	stream.indirect.gather.add.f32 [hbm:s5], $0x80, s18, s6, $0xb8;
	[tilespmem:$0xB400] =	vst v63  }
0x25: {  	s19 =	simm.s32 $0xF00  }
0x26: {  	[tilespmem:s7], [sflag:$0x1] =	stream.indirect.gather.add.f32 [hbm:s5], $0x80, s19, s6, $0xb8;
	[tilespmem:$0xB400] =	vst v63  }
0x27: {  	s20 =	simm.s32 $0x1040  }
0x28: {  	[tilespmem:s7], [sflag:$0x1] =	stream.indirect.gather.add.f32 [hbm:s5], $0x80, s20, s6, $0xb8;
	[tilespmem:$0xB400] =	vst v63  }
0x29: {  	s21 =	simm.s32 $0x1180  }
0x2a: {  	[tilespmem:s7], [sflag:$0x1] =	stream.indirect.gather.add.f32 [hbm:s5], $0x80, s21, s6, $0xb8;
	[tilespmem:$0xB400] =	vst v63  }
0x2b: {  	s22 =	simm.s32 $0x12C0  }
0x2c: {  	[tilespmem:s7], [sflag:$0x1] =	stream.indirect.gather.add.f32 [hbm:s5], $0x80, s22, s6, $0xb8;
	[tilespmem:$0xB400] =	vst v63  }
0x2d: {  	_ =	swait.ge [sflag:s8], $0xA000  }
0x2e: {  	[sflag:s8] =	ssyncset.done $0x0  }
0x2f: {  	[sflag:s8] =	ssyncadd.s32 $0xFFFF6000  }
0x30: {  	_ =	swait.ge [sflag:s8], $0xA000  }
0x31: {  	[sflag:s8] =	ssyncset.done $0x0  }
0x32: {  	[sflag:s8] =	ssyncadd.s32 $0xFFFF6000  }
0x33: {  	_ =	swait.ge [sflag:s8], $0xA000  }
0x34: {  	[sflag:s8] =	ssyncset.done $0x0  }
0x35: {  	[sflag:s8] =	ssyncadd.s32 $0xFFFF6000  }
0x36: {  	_ =	swait.ge [sflag:s8], $0xA000  }
0x37: {  	[sflag:s8] =	ssyncset.done $0x0  }
0x38: {  	[sflag:s8] =	ssyncadd.s32 $0xFFFF6000  }
0x39: {  	_ =	swait.ge [sflag:s8], $0xA000  }
0x3a: {  	[sflag:s8] =	ssyncset.done $0x0  }
0x3b: {  	[sflag:s8] =	ssyncadd.s32 $0xFFFF6000  }
0x3c: {  	_ =	swait.ge [sflag:s8], $0xA000  }
0x3d: {  	[sflag:s8] =	ssyncset.done $0x0  }
0x3e: {  	[sflag:s8] =	ssyncadd.s32 $0xFFFF6000  }
0x3f: {  	_ =	swait.ge [sflag:s8], $0xA000  }
0x40: {  	[sflag:s8] =	ssyncset.done $0x0  }
0x41: {  	[sflag:s8] =	ssyncadd.s32 $0xFFFF6000  }
0x42: {  	_ =	swait.ge [sflag:s8], $0xA000  }
0x43: {  	[sflag:s8] =	ssyncset.done $0x0  }
0x44: {  	[sflag:s8] =	ssyncadd.s32 $0xFFFF6000  }
0x45: {  	_ =	swait.ge [sflag:s8], $0xA000  }
0x46: {  	[sflag:s8] =	ssyncset.done $0x0  }
0x47: {  	[sflag:s8] =	ssyncadd.s32 $0xFFFF6000  }
0x48: {  	_ =	swait.ge [sflag:s8], $0xA000  }
0x49: {  	[sflag:s8] =	ssyncset.done $0x0  }
0x4a: {  	[sflag:s8] =	ssyncadd.s32 $0xFFFF6000  }
0x4b: {  	_ =	swait.ge [sflag:s8], $0xA000  }
0x4c: {  	[sflag:s8] =	ssyncset.done $0x0  }
0x4d: {  	[sflag:s8] =	ssyncadd.s32 $0xFFFF6000  }
0x4e: {  	_ =	swait.ge [sflag:s8], $0xA000  }
0x4f: {  	[sflag:s8] =	ssyncset.done $0x0  }
0x50: {  	[sflag:s8] =	ssyncadd.s32 $0xFFFF6000  }
0x51: {  	_ =	swait.ge [sflag:s8], $0xA000  }
0x52: {  	[sflag:s8] =	ssyncset.done $0x0  }
0x53: {  	s24 =	ssub.s32 $0x2, s24;
	[sflag:s8] =	ssyncadd.s32 $0xFFFF6000  }
0x54: {  	s26 =	sshrl.u32 s24, $0x1;
	_ =	swait.ge [sflag:s8], $0xA000  }
0x55: {  	s24 =	ssub.s32 s24, s26;
	[sflag:s8] =	ssyncset.done $0x0  }
0x56: {  	s25 =	smul.u32 $0x1400, s25;
	s24 =	smax.u32 s24, $0x1;
	[sflag:s8] =	ssyncadd.s32 $0xFFFF6000  }
0x57: {  	p0 =	sne.s32 s24, $0x1;
	_ =	swait.ge [sflag:s8], $0xA000  }
.Ltmp0:
0x58: {  	s23 =	sadd.s32 s25, s23;
	[sflag:s8] =	ssyncset.done $0x0;
	(pc) =	sbr.rel @!p0 .LBB2_2-.Ltmp0, $4  }
0x59: {  	s23 =	sadd.s32 $0xAC600, s23;
	[sflag:s8] =	ssyncadd.s32 $0xFFFF6000  }
0x5a: {  	[hbm4b:s23+s2] =	stream.linear.scatter [tilespmem:s7], [sflag:$0x2], $0xA000, $0x38;
	[tilespmem:$0xB400] =	vst v63  }
0x5b: {  	_ =	swait.ge [sflag:s3], $0xA000  }
0x5c: {  	s24 =	sadd.s32 $0xFFFFFFFF, s24;
	[sflag:s3] =	ssyncset.done $0x0  }
.LBB2_1:
0x5d: {  	p0 =	sne.s32 s24, $0x1;
	s24 =	sadd.s32 $0xFFFFFFFF, s24;
	[sflag:s3] =	ssyncadd.s32 $0xFFFF6000  }
0x5e: {  	[tilespmem:s2], [sflag:$0x2] =	stream.linear.gather [hbm4b:s4+s2], $0x1400, $0x38;
	[tilespmem:$0xB400] =	vst v63  }
0x5f: {  	_ =	swait.ge [sflag:s3], $0x1400  }
0x60: {  	[sflag:s3] =	ssyncset.done $0x0  }
0x61: {  	[sflag:s3] =	ssyncadd.s32 $0xFFFFEC00  }
0x62: {  	[tilespmem:s7], [sflag:$0x1] =	stream.indirect.gather [hbm4b:s5+s6], $0x80, s2, s6, $0xb8;
	[tilespmem:$0xB400] =	vst v63  }
0x63: {  	_ =	swait.ge [sflag:s8], $0xA000  }
0x64: {  	[sflag:s8] =	ssyncset.done $0x0  }
0x65: {  	[sflag:s8] =	ssyncadd.s32 $0xFFFF6000  }
0x66: {  	[tilespmem:s7], [sflag:$0x1] =	stream.indirect.gather.add.f32 [hbm:s5], $0x80, s6, s6, $0xb8;
	[tilespmem:$0xB400] =	vst v63  }
0x67: {  	_ = 	snop  }
0x68: {  	[tilespmem:s7], [sflag:$0x1] =	stream.indirect.gather.add.f32 [hbm:s5], $0x80, s9, s6, $0xb8;
	[tilespmem:$0xB400] =	vst v63  }
0x69: {  	_ = 	snop  }
0x6a: {  	[tilespmem:s7], [sflag:$0x1] =	stream.indirect.gather.add.f32 [hbm:s5], $0x80, s10, s6, $0xb8;
	[tilespmem:$0xB400] =	vst v63  }
0x6b: {  	_ = 	snop  }
0x6c: {  	[tilespmem:s7], [sflag:$0x1] =	stream.indirect.gather.add.f32 [hbm:s5], $0x80, s11, s6, $0xb8;
	[tilespmem:$0xB400] =	vst v63  }
0x6d: {  	_ = 	snop  }
0x6e: {  	[tilespmem:s7], [sflag:$0x1] =	stream.indirect.gather.add.f32 [hbm:s5], $0x80, s12, s6, $0xb8;
	[tilespmem:$0xB400] =	vst v63  }
0x6f: {  	_ = 	snop  }
0x70: {  	[tilespmem:s7], [sflag:$0x1] =	stream.indirect.gather.add.f32 [hbm:s5], $0x80, s13, s6, $0xb8;
	[tilespmem:$0xB400] =	vst v63  }
0x71: {  	_ = 	snop  }
0x72: {  	[tilespmem:s7], [sflag:$0x1] =	stream.indirect.gather.add.f32 [hbm:s5], $0x80, s14, s6, $0xb8;
	[tilespmem:$0xB400] =	vst v63  }
0x73: {  	_ = 	snop  }
0x74: {  	[tilespmem:s7], [sflag:$0x1] =	stream.indirect.gather.add.f32 [hbm:s5], $0x80, s15, s6, $0xb8;
	[tilespmem:$0xB400] =	vst v63  }
0x75: {  	_ = 	snop  }
0x76: {  	[tilespmem:s7], [sflag:$0x1] =	stream.indirect.gather.add.f32 [hbm:s5], $0x80, s16, s6, $0xb8;
	[tilespmem:$0xB400] =	vst v63  }
0x77: {  	_ = 	snop  }
0x78: {  	[tilespmem:s7], [sflag:$0x1] =	stream.indirect.gather.add.f32 [hbm:s5], $0x80, s17, s6, $0xb8;
	[tilespmem:$0xB400] =	vst v63  }
0x79: {  	_ = 	snop  }
0x7a: {  	[tilespmem:s7], [sflag:$0x1] =	stream.indirect.gather.add.f32 [hbm:s5], $0x80, s18, s6, $0xb8;
	[tilespmem:$0xB400] =	vst v63  }
0x7b: {  	_ = 	snop  }
0x7c: {  	[tilespmem:s7], [sflag:$0x1] =	stream.indirect.gather.add.f32 [hbm:s5], $0x80, s19, s6, $0xb8;
	[tilespmem:$0xB400] =	vst v63  }
0x7d: {  	_ = 	snop  }
0x7e: {  	[tilespmem:s7], [sflag:$0x1] =	stream.indirect.gather.add.f32 [hbm:s5], $0x80, s20, s6, $0xb8;
	[tilespmem:$0xB400] =	vst v63  }
0x7f: {  	_ = 	snop  }
0x80: {  	[tilespmem:s7], [sflag:$0x1] =	stream.indirect.gather.add.f32 [hbm:s5], $0x80, s21, s6, $0xb8;
	[tilespmem:$0xB400] =	vst v63  }
0x81: {  	_ = 	snop  }
0x82: {  	[tilespmem:s7], [sflag:$0x1] =	stream.indirect.gather.add.f32 [hbm:s5], $0x80, s22, s6, $0xb8;
	[tilespmem:$0xB400] =	vst v63  }
0x83: {  	_ =	swait.ge [sflag:s8], $0xA000  }
0x84: {  	[sflag:s8] =	ssyncset.done $0x0  }
0x85: {  	[sflag:s8] =	ssyncadd.s32 $0xFFFF6000  }
0x86: {  	_ =	swait.ge [sflag:s8], $0xA000  }
0x87: {  	[sflag:s8] =	ssyncset.done $0x0  }
0x88: {  	[sflag:s8] =	ssyncadd.s32 $0xFFFF6000  }
0x89: {  	_ =	swait.ge [sflag:s8], $0xA000  }
0x8a: {  	[sflag:s8] =	ssyncset.done $0x0  }
0x8b: {  	[sflag:s8] =	ssyncadd.s32 $0xFFFF6000  }
0x8c: {  	_ =	swait.ge [sflag:s8], $0xA000  }
0x8d: {  	[sflag:s8] =	ssyncset.done $0x0  }
0x8e: {  	[sflag:s8] =	ssyncadd.s32 $0xFFFF6000  }
0x8f: {  	_ =	swait.ge [sflag:s8], $0xA000  }
0x90: {  	[sflag:s8] =	ssyncset.done $0x0  }
0x91: {  	[sflag:s8] =	ssyncadd.s32 $0xFFFF6000  }
0x92: {  	_ =	swait.ge [sflag:s8], $0xA000  }
0x93: {  	[sflag:s8] =	ssyncset.done $0x0  }
0x94: {  	[sflag:s8] =	ssyncadd.s32 $0xFFFF6000  }
0x95: {  	_ =	swait.ge [sflag:s8], $0xA000  }
0x96: {  	[sflag:s8] =	ssyncset.done $0x0  }
0x97: {  	[sflag:s8] =	ssyncadd.s32 $0xFFFF6000  }
0x98: {  	_ =	swait.ge [sflag:s8], $0xA000  }
0x99: {  	[sflag:s8] =	ssyncset.done $0x0  }
0x9a: {  	[sflag:s8] =	ssyncadd.s32 $0xFFFF6000  }
0x9b: {  	_ =	swait.ge [sflag:s8], $0xA000  }
0x9c: {  	[sflag:s8] =	ssyncset.done $0x0  }
0x9d: {  	[sflag:s8] =	ssyncadd.s32 $0xFFFF6000  }
0x9e: {  	_ =	swait.ge [sflag:s8], $0xA000  }
0x9f: {  	[sflag:s8] =	ssyncset.done $0x0  }
0xa0: {  	[sflag:s8] =	ssyncadd.s32 $0xFFFF6000  }
0xa1: {  	_ =	swait.ge [sflag:s8], $0xA000  }
0xa2: {  	[sflag:s8] =	ssyncset.done $0x0  }
0xa3: {  	[sflag:s8] =	ssyncadd.s32 $0xFFFF6000  }
0xa4: {  	_ =	swait.ge [sflag:s8], $0xA000  }
0xa5: {  	[sflag:s8] =	ssyncset.done $0x0  }
0xa6: {  	[sflag:s8] =	ssyncadd.s32 $0xFFFF6000  }
0xa7: {  	_ =	swait.ge [sflag:s8], $0xA000  }
0xa8: {  	[sflag:s8] =	ssyncset.done $0x0  }
0xa9: {  	[sflag:s8] =	ssyncadd.s32 $0xFFFF6000  }
0xaa: {  	_ =	swait.ge [sflag:s8], $0xA000  }
0xab: {  	[sflag:s8] =	ssyncset.done $0x0  }
0xac: {  	[sflag:s8] =	ssyncadd.s32 $0xFFFF6000  }
0xad: {  	_ =	swait.ge [sflag:s8], $0xA000  }
.Ltmp1:
0xae: {  	[sflag:s8] =	ssyncset.done $0x0;
	(pc) =	sbr.rel @p0 .LBB2_1-.Ltmp1, $4  }
0xaf: {  	[sflag:s8] =	ssyncadd.s32 $0xFFFF6000  }
0xb0: {  	[hbm4b:s23+s2] =	stream.linear.scatter [tilespmem:s7], [sflag:$0x2], $0xA000, $0x38;
	[tilespmem:$0xB400] =	vst v63  }
0xb1: {  	_ =	swait.ge [sflag:s3], $0xA000  }
0xb2: {  	[sflag:s3] =	ssyncset.done $0x0  }
.LBB2_2:
0xb3: {  	[sflag:s3] =	ssyncadd.s32 $0xFFFF6000  }
0xb4: {  	_ =	sfence.sel $0x180000  }
0xb5: {  	[bflag:$0x0] =	sbarrier.arrive $0xFFFF  }
0xb6: {  	p0 =	sne.s32 s0, $0x0;
	_ =	strace $0x9000004A  }
0xb7: {  	s0 =	sadd.s32 @!p0 $0x100000, s1;
	[bflag:$0x2] =	sbarrier.arrive $0xFFFF  }
0xb8: {  	[sflag:s0] =	ssyncadd.tile.s32 @!p0 $0x1;
	_ =	shalt  }
.Lfunc_end2:
_tile_overlayer_lowered:
.L_overlay_start_2:
0xb9: {  	(tag) =	ssettag $0x2  }
0xba: {  	s0 =	rddreg [dreg:$0x0];
	s2 =	stileid.u32  }
0xbb: {  	s1 =	rddreg [dreg:$0x1];
	p0 =	sne.s32 s2, $0x0  }
0xbc: {  	s3 =	rddreg [dreg:$0x2];
	[bflag:$0x3] =	sbarrier.arrive $0xFFFF;
	s2 =	simm.s32 @!p0 $0x1C02  }
0xbd: {  	[timem:s3], [sflag:s2] =	dma.local @!p0 [hbm:s0], s1  }
0xbe: {  	s0 =	simm.s32 @!p0 $0x2  }
0xbf: {  	_ =	swait.ge @!p0 [sflag:s0], s1  }
0xc0: {  	s1 =	ssub.s32 @!p0 $0x0, s1;
	[sflag:s0] =	ssyncset.done @!p0 $0x0  }
0xc1: {  	[sflag:s0] =	ssyncadd.s32 @!p0 s1  }
0xc2: {  	[bflag:$0x3] =	sbarrier.arrive $0xFFFF  }
0xc3: {  	_ =	shalt  }

// kernel: kernel.16.cloned.1.call-start
scs
__scs_entry_jumppad:
0x0: {  	(pc) =	sbr.rel $0x88, $3  }
0x1: {  	(tag) =	ssettag $0x0;
	lr =	simm.s32 $0x1  }
0x2: {  	[smem:$0x3F9A] =	sst lr;
	_ =	strace $0xD0000000  }
0x3: {  	_ = 	snop  }
0x4: {  	_ = 	snop  }
0x5: {  	_ = 	snop  }
0x6: {  	_ = 	snop  }
0x7: {  	_ = 	snop  }
__scs_overlays_trampoline_lowered:
0x8: {  	[smem:$0x3FA9] =	sst s0  }
0x9: {  	[smem:$0x3FAA] =	sst s1  }
0xa: {  	[smem:$0x3FAB] =	sst s2  }
0xb: {  	[smem:$0x3FAC] =	sst s3  }
0xc: {  	[smem:$0x3FAD] =	sst s4  }
0xd: {  	[smem:$0x3FAE] =	sst s5  }
0xe: {  	[smem:$0x3FAF] =	sst s6  }
0xf: {  	[smem:$0x3FB0] =	sst s7  }
0x10: {  	[smem:$0x3FB1] =	sst s8  }
0x11: {  	[smem:$0x3FB2] =	sst s9;
	s0 =	simm.s32 @!p0 $0x0  }
0x12: {  	s1 =	sld [smem:$0x3F98];
	s0 =	simm.s32 @p0 $0x1  }
0x13: {  	[smem:$0x3FB3] =	sst s0;
	s0 =	simm.s32 @!p1 $0x0  }
0x14: {  	s2 =	sld [smem:$0x3F97];
	s0 =	simm.s32 @p1 $0x1  }
0x15: {  	[smem:$0x3FB4] =	sst s0;
	s0 =	simm.s32 @!p2 $0x0  }
0x16: {  	s3 =	sld [smem:$0x3FDB];
	s0 =	simm.s32 @p2 $0x1  }
0x17: {  	s4 =	simm.s32 $0x1BF5;
	[smem:$0x3FB6] =	sst s0  }
0x18: {  	s0 =	sld [smem:$0x3F99];
	_ =	swait.ge [sflag:s4], $0x0  }
0x19: {  	s7 =	sld [smem:$0x3F9A]  }
0x1a: {  	s8 =	sadd.s32 $0xFFFFE003, lr  }
0x1b: {  	s9 =	sadd.s32 $0xFFFFFEF7, lr;
	s5 =	simm.s32 $0xFFFFFFFF;
	p2 =	slt.u32 s8, $0xFFFFF086  }
0x1c: {  	p1 =	slt.u32 s9, $0xF7A;
	s5 =	simm.s32 @!p2 $0x0  }
0x1d: {  	s5 =	simm.s32 @p1 $0x1;
	p0 =	seq.s32 s7, s2  }
0x1e: {  	s7 =	smul.u32 @!p0 $0xF7A, s2;
	p2 =	seq.s32 @!p0 s5, $0x0  }
0x1f: {  	s9 =	smul.u32 $0xF7A, s1;
	s8 =	simm.s32 @!p0 $0x1BF5;
	p2 =	por !p2, p0  }
0x20: {  	[sflag:s8] =	ssyncset.s32 @!p0 $0xFFFFF086;
	s6 =	sadd.s32 @!p0 s3, s7;
	s7 =	simm.s32 @!p0 $0x108  }
0x21: {  	s3 =	sadd.s32 s3, s9;
	s6 =	sadd.s32 @!p0 $0x88, s6;
	s7 =	simm.s32 @p2 $0x1082  }
0x22: {  	[simem:s7], [sflag:s8] =	dma.local @!p0 [hbm:s6], $0xF7A  }
0x23: {  	s9 =	sor.u32 $0xD0000000, s2;
	s6 =	simm.s32 $0x108;
	_ =	swait.ge @!p0 [sflag:s8], $0x0  }
0x24: {  	s3 =	sadd.s32 $0x88, s3;
	s6 =	simm.s32 @!p1 $0x1082;
	[sflag:s4] =	ssyncset.s32 $0xFFFFF086  }
0x25: {  	[simem:s6], [sflag:s4] =	dma.local [hbm:s3], $0xF7A  }
0x26: {  	[smem:$0x3F9A] =	sst s1;
	(tag) =	ssettag s2;
	_ =	strace s9  }
0x27: {  	s1 =	sld [smem:$0x3FAA]  }
0x28: {  	s2 =	sld [smem:$0x3FAB]  }
0x29: {  	s4 =	sld [smem:$0x3FAD]  }
0x2a: {  	p0 =	seq.s32 s5, $0x0;
	s5 =	sld [smem:$0x3FAE]  }
0x2b: {  	s6 =	sld [smem:$0x3FAF]  }
0x2c: {  	s7 =	sld [smem:$0x3FB0]  }
0x2d: {  	s3 =	simm.s32 $0x108;
	s8 =	sld [smem:$0x3FB1]  }
0x2e: {  	s3 =	simm.s32 @!p0 $0x1082;
	s9 =	sld [smem:$0x3FB2]  }
0x2f: {  	lr =	sadd.s32 s0, s3;
	s0 =	sld [smem:$0x3FA9]  }
0x30: {  	s3 =	sld [smem:$0x3FAC]  }
0x31: {  	[smem:$0x3FB5] =	sst s10  }
0x32: {  	s10 =	sld [smem:$0x3FB3];
	_ =	sdelay $0x3  }
0x33: {  	p0 =	seq.s32 s10, $0x1;
	s10 =	sld [smem:$0x3FB5];
	_ =	sdelay $0x3  }
0x34: {  	[smem:$0x3FB5] =	sst s10  }
0x35: {  	s10 =	sld [smem:$0x3FB4];
	_ =	sdelay $0x3  }
0x36: {  	p1 =	seq.s32 s10, $0x1;
	s10 =	sld [smem:$0x3FB5];
	_ =	sdelay $0x3  }
0x37: {  	[smem:$0x3FB5] =	sst s10  }
0x38: {  	s10 =	sld [smem:$0x3FB6]  }
0x39: {  	_ = 	snop;
	(pc) =	sbr.ind lr, $3  }
0x3a: {  	_ = 	snop  }
0x3b: {  	_ = 	snop  }
0x3c: {  	p2 =	seq.s32 s10, $0x1;
	s10 =	sld [smem:$0x3FB5]  }
0x3d: {  	_ =	shalt  }
0x3e: {  	_ =	shalt  }
0x3f: {  	_ =	shalt  }
0x40: {  	_ =	shalt  }
0x41: {  	_ =	shalt  }
0x42: {  	_ =	shalt  }
0x43: {  	_ =	shalt  }
0x44: {  	_ =	shalt  }
0x45: {  	_ =	shalt  }
0x46: {  	_ =	shalt  }
0x47: {  	_ =	shalt  }
0x48: {  	_ =	shalt  }
0x49: {  	_ =	shalt  }
0x4a: {  	_ =	shalt  }
0x4b: {  	_ =	shalt  }
0x4c: {  	_ =	shalt  }
0x4d: {  	_ =	shalt  }
0x4e: {  	_ =	shalt  }
0x4f: {  	_ =	shalt  }
0x50: {  	_ =	shalt  }
0x51: {  	_ =	shalt  }
0x52: {  	_ =	shalt  }
0x53: {  	_ =	shalt  }
0x54: {  	_ =	shalt  }
0x55: {  	_ =	shalt  }
0x56: {  	_ =	shalt  }
0x57: {  	_ =	shalt  }
0x58: {  	_ =	shalt  }
0x59: {  	_ =	shalt  }
0x5a: {  	_ =	shalt  }
0x5b: {  	_ =	shalt  }
0x5c: {  	_ =	shalt  }
0x5d: {  	_ =	shalt  }
0x5e: {  	_ =	shalt  }
0x5f: {  	_ =	shalt  }
0x60: {  	_ =	shalt  }
0x61: {  	_ =	shalt  }
0x62: {  	_ =	shalt  }
0x63: {  	_ =	shalt  }
0x64: {  	_ =	shalt  }
0x65: {  	_ =	shalt  }
0x66: {  	_ =	shalt  }
0x67: {  	_ =	shalt  }
0x68: {  	_ =	shalt  }
0x69: {  	_ =	shalt  }
0x6a: {  	_ =	shalt  }
0x6b: {  	_ =	shalt  }
0x6c: {  	_ =	shalt  }
0x6d: {  	_ =	shalt  }
0x6e: {  	_ =	shalt  }
0x6f: {  	_ =	shalt  }
0x70: {  	_ =	shalt  }
0x71: {  	_ =	shalt  }
0x72: {  	_ =	shalt  }
0x73: {  	_ =	shalt  }
0x74: {  	_ =	shalt  }
0x75: {  	_ =	shalt  }
0x76: {  	_ =	shalt  }
0x77: {  	_ =	shalt  }
0x78: {  	_ =	shalt  }
0x79: {  	_ =	shalt  }
0x7a: {  	_ =	shalt  }
0x7b: {  	_ =	shalt  }
0x7c: {  	_ =	shalt  }
0x7d: {  	_ =	shalt  }
0x7e: {  	_ =	shalt  }
0x7f: {  	_ =	shalt  }
0x80: {  	_ =	shalt  }
0x81: {  	_ =	shalt  }
0x82: {  	_ =	shalt  }
0x83: {  	_ =	shalt  }
0x84: {  	_ =	shalt  }
0x85: {  	_ =	shalt  }
0x86: {  	_ =	shalt  }
0x87: {  	_ =	shalt  }
.Lfunc_end0:
.L_simem_size_0:
called_computation.2_lowered:
.L_overlay_start_0:
0x88: {  	s2 =	sld [smem:$0x3FD9]  }
0x89: {  	s3 =	sld [smem:$0x3FFE];
	_ =	sdelay $0x1  }
0x8a: {  	s1 =	srdreg.scid  }
0x8b: {  	s0 =	sand.u32 $0x1, s1  }
0x8c: {  	s17 =	sshll.u32 s0, $0xA;
	s2 =	sadd.s32 s3, s2  }
0x8d: {  	s2 =	sadd.s32 s2, s17  }
0x8e: {  	[smem:$0x3FC1] =	sst s2  }
0x8f: {  	_ = 	snop  }
0x90: {  	s2 =	sld [smem:$0x3FD0];
	(tm) =	ssettm $0x1  }
0x91: {  	s18 =	sld [smem:$0x3FFB];
	_ =	sdelay $0x3  }
0x92: {  	_ =	strace s18  }
0x93: {  	s3 =	sld [smem:$0x3FFC];
	_ =	sdelay $0x3  }
0x94: {  	_ =	strace s3  }
0x95: {  	s3 =	sld [smem:$0x3FFD];
	_ =	sdelay $0x3  }
0x96: {  	_ =	strace s3  }
0x97: {  	_ =	strace $0x8FFFFFFF  }
0x98: {  	s19 =	sld [smem:$0x3FDB];
	_ =	sdelay $0x1  }
0x99: {  	s4 =	simm.s32 $_scs_section_size  }
0x9a: {  	s5 =	simm.s32 $_size__tile_overlayer_lowered;
	s6 =	simm.s32 $_tile_overlayer_lowered  }
0x9b: {  	s22 =	simm.s32 $0x1BFF;
	s21 =	sshll.u32 s6, $0x1;
	s3 =	sadd.s32 s4, s19  }
0x9c: {  	s7 =	simm.s32 $0x0;
	s20 =	sshll.u32 s5, $0x1;
	s5 =	sadd.s32 s21, s3  }
0x9d: {  	[timem:s7], [sflag:s22] =	dma.local [hbm:s5], s20  }
0x9e: {  	_ =	swait.ge [sflag:s22], s20  }
0x9f: {  	s4 =	ssub.s32 $0x0, s20;
	[sflag:s22] =	ssyncset.done $0x0  }
0xa0: {  	[sflag:s22] =	ssyncadd.s32 s4;
	_ =	sdelay $0x1  }
0xa1: {  	s23 =	simm.s32 $0x1B8B  }
0xa2: {  	_ =	swait.ge [sflag:s23], $0x1  }
0xa3: {  	[sflag:s23] =	ssyncset.done $0x0  }
0xa4: {  	s25 =	simm.s32 $0x1B8E;
	s24 =	sld [smem:$0x3FFE];
	[sflag:s23] =	ssyncadd.s32 $0xFFFFFFFF  }
0xa5: {  	s26 =	simm.s32 $execute0_lowered;
	[smem:$0x3FD2] =	sst s25  }
0xa6: {  	s5 =	sshll.u32 s26, $0x1;
	_ =	strace $0x8000004C;
	[dreg:$0x1] =	wrdreg $0xFFFFFFFF  }
0xa7: {  	s28 =	simm.s32 $_size_execute0_lowered;
	s3 =	sadd.s32 s3, s5;
	[dreg:$0x0] =	wrdreg $0x0  }
0xa8: {  	s5 =	sshll.u32 s28, $0x1;
	[dreg:$0x2] =	wrdreg s3  }
0xa9: {  	[dreg:$0x3] =	wrdreg s5  }
0xaa: {  	[dreg:$0x4] =	wrdreg $0xC0  }
0xab: {  	_ =	task [dreg:s7], $0x5FFFF  }
0xac: {  	[dreg:$0x1] =	wrdreg $0xFFFFFFFF  }
0xad: {  	[dreg:$0x0] =	wrdreg $0x60  }
0xae: {  	[dreg:$0x2] =	wrdreg s2  }
0xaf: {  	[dreg:$0x3] =	wrdreg s24  }
0xb0: {  	[dreg:$0x4] =	wrdreg $0x9  }
0xb1: {  	_ =	task.clear_ibuf [dreg:s7], $0x5FFFF;
	_ =	strace $0x9000004C  }
0xb2: {  	s29 =	simm.s32 $0x9;
	_ =	strace $0x8000004E  }
0xb3: {  	_ =	swait.ge [sflag:s29], $0x1  }
0xb4: {  	[sflag:s29] =	ssyncadd.s32 $0xFFFFFFFF  }
0xb5: {  	_ =	strace $0x9000004E  }
0xb6: {  	_ =	sfence  }
0xb7: {  	s30 =	sld [smem:$0x0];
	_ =	sdelay $0x2  }
0xb8: {  	s31 =	sshll.u32 s1, $0xD;
	s1 =	sshrl.u32 s1, $0x2  }
0xb9: {  	s3 =	sand.u32 $0x4000, s31;
	s1 =	sadd.s32 s1, s30  }
0xba: {  	s0 =	sor.u32 s3, s0;
	s1 =	sshll.u32 s1, $0x11  }
0xbb: {  	s0 =	sor.u32 s1, s0  }
0xbc: {  	s0 =	sadd.s32 $0x8F2B, s0  }
0xbd: {  	[sflag:s0] =	ssyncadd.remote.s32 $0x1  }
0xbe: {  	_ =	sfence.sel $0xFFFF  }
0xbf: {  	[dreg:$0x0] =	wrdreg $0xFFFFFFFF;
	(pc) =	sbr.abs _section_cstart, $3  }
0xc0: {  	[dreg:$0x1] =	wrdreg $0xFFFFFFFF  }
0xc1: {  	_ =	task.clear_ibuf [dreg:s7], $0x2FFFF;
	_ =	strace $0x9FFFFFFF  }
0xc2: {  	(tm) =	ssettm $0x7FFFFFFF  }
0xc3: {  	_ =	shalt  }
tec
execute0_lowered:
.L_overlay_start_1:
0x0: {  	(tag) =	ssettag $0x1  }
0x1: {  	s1 =	srdreg.scid;
	s0 =	stileid.u32  }
0x2: {  	s24 =	sand.u32 $0x1, s1;
	s31 =	sshll.u32 s0, $0x1  }
0x3: {  	s2 =	rddreg [dreg:$0x0];
	s25 =	sor.u32 s24, s31  }
0x4: {  	s23 =	rddreg [dreg:$0x1];
	s4 =	smul.u32 $0x280, s25  }
0x5: {  	s3 =	simm.s32 $0x0;
	s1 =	rddreg [dreg:$0x2]  }
0x6: {  	[smem:$0x7FF] =	sst s3;
	s4 =	sadd.s32 s4, s23  }
0x7: {  	_ =	strace $0x8000004D;
	s5 =	sadd.s32 $0x2600, s4;
	s4 =	simm.s32 $0x2  }
0x8: {  	[tilespmem:s3], [sflag:$0x2] =	stream.linear.gather [hbm4b:s5+s3], $0x1400, $0x38;
	[tilespmem:$0xB400] =	vst v63  }
0x9: {  	_ =	swait.ge [sflag:s4], $0x1400  }
0xa: {  	s6 =	simm.s32 $0x140;
	[sflag:s4] =	ssyncset.done $0x0  }
0xb: {  	s7 =	simm.s32 $0x1400;
	s8 =	simm.s32 $0x1;
	[sflag:s4] =	ssyncadd.s32 $0xFFFFEC00  }
0xc: {  	[tilespmem:s7], [sflag:$0x1] =	stream.indirect.gather [hbm4b:s2+s6], $0x80, s3, s6, $0xb8;
	[tilespmem:$0xB400] =	vst v63  }
0xd: {  	_ =	swait.ge [sflag:s8], $0xA000  }
0xe: {  	[sflag:s8] =	ssyncset.done $0x0  }
0xf: {  	[sflag:s8] =	ssyncadd.s32 $0xFFFF6000  }
0x10: {  	[tilespmem:s7], [sflag:$0x1] =	stream.indirect.gather.add.f32 [hbm:s2], $0x80, s6, s6, $0xb8;
	[tilespmem:$0xB400] =	vst v63  }
0x11: {  	s9 =	simm.s32 $0x280  }
0x12: {  	[tilespmem:s7], [sflag:$0x1] =	stream.indirect.gather.add.f32 [hbm:s2], $0x80, s9, s6, $0xb8;
	[tilespmem:$0xB400] =	vst v63  }
0x13: {  	s10 =	simm.s32 $0x3C0  }
0x14: {  	[tilespmem:s7], [sflag:$0x1] =	stream.indirect.gather.add.f32 [hbm:s2], $0x80, s10, s6, $0xb8;
	[tilespmem:$0xB400] =	vst v63  }
0x15: {  	s11 =	simm.s32 $0x500  }
0x16: {  	[tilespmem:s7], [sflag:$0x1] =	stream.indirect.gather.add.f32 [hbm:s2], $0x80, s11, s6, $0xb8;
	[tilespmem:$0xB400] =	vst v63  }
0x17: {  	s12 =	simm.s32 $0x640  }
0x18: {  	[tilespmem:s7], [sflag:$0x1] =	stream.indirect.gather.add.f32 [hbm:s2], $0x80, s12, s6, $0xb8;
	[tilespmem:$0xB400] =	vst v63  }
0x19: {  	s13 =	simm.s32 $0x780  }
0x1a: {  	[tilespmem:s7], [sflag:$0x1] =	stream.indirect.gather.add.f32 [hbm:s2], $0x80, s13, s6, $0xb8;
	[tilespmem:$0xB400] =	vst v63  }
0x1b: {  	s14 =	simm.s32 $0x8C0  }
0x1c: {  	[tilespmem:s7], [sflag:$0x1] =	stream.indirect.gather.add.f32 [hbm:s2], $0x80, s14, s6, $0xb8;
	[tilespmem:$0xB400] =	vst v63  }
0x1d: {  	s15 =	simm.s32 $0xA00  }
0x1e: {  	[tilespmem:s7], [sflag:$0x1] =	stream.indirect.gather.add.f32 [hbm:s2], $0x80, s15, s6, $0xb8;
	[tilespmem:$0xB400] =	vst v63  }
0x1f: {  	s16 =	simm.s32 $0xB40  }
0x20: {  	[tilespmem:s7], [sflag:$0x1] =	stream.indirect.gather.add.f32 [hbm:s2], $0x80, s16, s6, $0xb8;
	[tilespmem:$0xB400] =	vst v63  }
0x21: {  	s17 =	simm.s32 $0xC80  }
0x22: {  	[tilespmem:s7], [sflag:$0x1] =	stream.indirect.gather.add.f32 [hbm:s2], $0x80, s17, s6, $0xb8;
	[tilespmem:$0xB400] =	vst v63  }
0x23: {  	s18 =	simm.s32 $0xDC0  }
0x24: {  	[tilespmem:s7], [sflag:$0x1] =	stream.indirect.gather.add.f32 [hbm:s2], $0x80, s18, s6, $0xb8;
	[tilespmem:$0xB400] =	vst v63  }
0x25: {  	s19 =	simm.s32 $0xF00  }
0x26: {  	[tilespmem:s7], [sflag:$0x1] =	stream.indirect.gather.add.f32 [hbm:s2], $0x80, s19, s6, $0xb8;
	[tilespmem:$0xB400] =	vst v63  }
0x27: {  	s20 =	simm.s32 $0x1040  }
0x28: {  	[tilespmem:s7], [sflag:$0x1] =	stream.indirect.gather.add.f32 [hbm:s2], $0x80, s20, s6, $0xb8;
	[tilespmem:$0xB400] =	vst v63  }
0x29: {  	s21 =	simm.s32 $0x1180  }
0x2a: {  	[tilespmem:s7], [sflag:$0x1] =	stream.indirect.gather.add.f32 [hbm:s2], $0x80, s21, s6, $0xb8;
	[tilespmem:$0xB400] =	vst v63  }
0x2b: {  	s22 =	simm.s32 $0x12C0  }
0x2c: {  	[tilespmem:s7], [sflag:$0x1] =	stream.indirect.gather.add.f32 [hbm:s2], $0x80, s22, s6, $0xb8;
	[tilespmem:$0xB400] =	vst v63  }
0x2d: {  	_ =	swait.ge [sflag:s8], $0xA000  }
0x2e: {  	[sflag:s8] =	ssyncset.done $0x0  }
0x2f: {  	[sflag:s8] =	ssyncadd.s32 $0xFFFF6000  }
0x30: {  	_ =	swait.ge [sflag:s8], $0xA000  }
0x31: {  	[sflag:s8] =	ssyncset.done $0x0  }
0x32: {  	[sflag:s8] =	ssyncadd.s32 $0xFFFF6000  }
0x33: {  	_ =	swait.ge [sflag:s8], $0xA000  }
0x34: {  	[sflag:s8] =	ssyncset.done $0x0  }
0x35: {  	[sflag:s8] =	ssyncadd.s32 $0xFFFF6000  }
0x36: {  	_ =	swait.ge [sflag:s8], $0xA000  }
0x37: {  	[sflag:s8] =	ssyncset.done $0x0  }
0x38: {  	[sflag:s8] =	ssyncadd.s32 $0xFFFF6000  }
0x39: {  	_ =	swait.ge [sflag:s8], $0xA000  }
0x3a: {  	[sflag:s8] =	ssyncset.done $0x0  }
0x3b: {  	[sflag:s8] =	ssyncadd.s32 $0xFFFF6000  }
0x3c: {  	_ =	swait.ge [sflag:s8], $0xA000  }
0x3d: {  	[sflag:s8] =	ssyncset.done $0x0  }
0x3e: {  	[sflag:s8] =	ssyncadd.s32 $0xFFFF6000  }
0x3f: {  	_ =	swait.ge [sflag:s8], $0xA000  }
0x40: {  	[sflag:s8] =	ssyncset.done $0x0  }
0x41: {  	[sflag:s8] =	ssyncadd.s32 $0xFFFF6000  }
0x42: {  	_ =	swait.ge [sflag:s8], $0xA000  }
0x43: {  	[sflag:s8] =	ssyncset.done $0x0  }
0x44: {  	[sflag:s8] =	ssyncadd.s32 $0xFFFF6000  }
0x45: {  	_ =	swait.ge [sflag:s8], $0xA000  }
0x46: {  	[sflag:s8] =	ssyncset.done $0x0  }
0x47: {  	[sflag:s8] =	ssyncadd.s32 $0xFFFF6000  }
0x48: {  	_ =	swait.ge [sflag:s8], $0xA000  }
0x49: {  	[sflag:s8] =	ssyncset.done $0x0  }
0x4a: {  	[sflag:s8] =	ssyncadd.s32 $0xFFFF6000  }
0x4b: {  	_ =	swait.ge [sflag:s8], $0xA000  }
0x4c: {  	[sflag:s8] =	ssyncset.done $0x0  }
0x4d: {  	[sflag:s8] =	ssyncadd.s32 $0xFFFF6000  }
0x4e: {  	_ =	swait.ge [sflag:s8], $0xA000  }
0x4f: {  	[sflag:s8] =	ssyncset.done $0x0  }
0x50: {  	[sflag:s8] =	ssyncadd.s32 $0xFFFF6000  }
0x51: {  	_ =	swait.ge [sflag:s8], $0xA000  }
0x52: {  	[sflag:s8] =	ssyncset.done $0x0  }
0x53: {  	s24 =	ssub.s32 $0x2, s24;
	[sflag:s8] =	ssyncadd.s32 $0xFFFF6000  }
0x54: {  	s26 =	sshrl.u32 s24, $0x1;
	_ =	swait.ge [sflag:s8], $0xA000  }
0x55: {  	s24 =	ssub.s32 s24, s26;
	[sflag:s8] =	ssyncset.done $0x0  }
0x56: {  	s25 =	smul.u32 $0x1400, s25;
	s24 =	smax.u32 s24, $0x1;
	[sflag:s8] =	ssyncadd.s32 $0xFFFF6000  }
0x57: {  	p0 =	sne.s32 s24, $0x1;
	_ =	swait.ge [sflag:s8], $0xA000  }
.Ltmp0:
0x58: {  	s23 =	sadd.s32 s25, s23;
	[sflag:s8] =	ssyncset.done $0x0;
	(pc) =	sbr.rel @!p0 .LBB2_2-.Ltmp0, $4  }
0x59: {  	s23 =	sadd.s32 $0x7F600, s23;
	[sflag:s8] =	ssyncadd.s32 $0xFFFF6000  }
0x5a: {  	[hbm4b:s23+s3] =	stream.linear.scatter [tilespmem:s7], [sflag:$0x2], $0xA000, $0x38;
	[tilespmem:$0xB400] =	vst v63  }
0x5b: {  	_ =	swait.ge [sflag:s4], $0xA000  }
0x5c: {  	s24 =	sadd.s32 $0xFFFFFFFF, s24;
	[sflag:s4] =	ssyncset.done $0x0  }
.LBB2_1:
0x5d: {  	p0 =	sne.s32 s24, $0x1;
	s24 =	sadd.s32 $0xFFFFFFFF, s24;
	[sflag:s4] =	ssyncadd.s32 $0xFFFF6000  }
0x5e: {  	[tilespmem:s3], [sflag:$0x2] =	stream.linear.gather [hbm4b:s5+s3], $0x1400, $0x38;
	[tilespmem:$0xB400] =	vst v63  }
0x5f: {  	_ =	swait.ge [sflag:s4], $0x1400  }
0x60: {  	[sflag:s4] =	ssyncset.done $0x0  }
0x61: {  	[sflag:s4] =	ssyncadd.s32 $0xFFFFEC00  }
0x62: {  	[tilespmem:s7], [sflag:$0x1] =	stream.indirect.gather [hbm4b:s2+s6], $0x80, s3, s6, $0xb8;
	[tilespmem:$0xB400] =	vst v63  }
0x63: {  	_ =	swait.ge [sflag:s8], $0xA000  }
0x64: {  	[sflag:s8] =	ssyncset.done $0x0  }
0x65: {  	[sflag:s8] =	ssyncadd.s32 $0xFFFF6000  }
0x66: {  	[tilespmem:s7], [sflag:$0x1] =	stream.indirect.gather.add.f32 [hbm:s2], $0x80, s6, s6, $0xb8;
	[tilespmem:$0xB400] =	vst v63  }
0x67: {  	_ = 	snop  }
0x68: {  	[tilespmem:s7], [sflag:$0x1] =	stream.indirect.gather.add.f32 [hbm:s2], $0x80, s9, s6, $0xb8;
	[tilespmem:$0xB400] =	vst v63  }
0x69: {  	_ = 	snop  }
0x6a: {  	[tilespmem:s7], [sflag:$0x1] =	stream.indirect.gather.add.f32 [hbm:s2], $0x80, s10, s6, $0xb8;
	[tilespmem:$0xB400] =	vst v63  }
0x6b: {  	_ = 	snop  }
0x6c: {  	[tilespmem:s7], [sflag:$0x1] =	stream.indirect.gather.add.f32 [hbm:s2], $0x80, s11, s6, $0xb8;
	[tilespmem:$0xB400] =	vst v63  }
0x6d: {  	_ = 	snop  }
0x6e: {  	[tilespmem:s7], [sflag:$0x1] =	stream.indirect.gather.add.f32 [hbm:s2], $0x80, s12, s6, $0xb8;
	[tilespmem:$0xB400] =	vst v63  }
0x6f: {  	_ = 	snop  }
0x70: {  	[tilespmem:s7], [sflag:$0x1] =	stream.indirect.gather.add.f32 [hbm:s2], $0x80, s13, s6, $0xb8;
	[tilespmem:$0xB400] =	vst v63  }
0x71: {  	_ = 	snop  }
0x72: {  	[tilespmem:s7], [sflag:$0x1] =	stream.indirect.gather.add.f32 [hbm:s2], $0x80, s14, s6, $0xb8;
	[tilespmem:$0xB400] =	vst v63  }
0x73: {  	_ = 	snop  }
0x74: {  	[tilespmem:s7], [sflag:$0x1] =	stream.indirect.gather.add.f32 [hbm:s2], $0x80, s15, s6, $0xb8;
	[tilespmem:$0xB400] =	vst v63  }
0x75: {  	_ = 	snop  }
0x76: {  	[tilespmem:s7], [sflag:$0x1] =	stream.indirect.gather.add.f32 [hbm:s2], $0x80, s16, s6, $0xb8;
	[tilespmem:$0xB400] =	vst v63  }
0x77: {  	_ = 	snop  }
0x78: {  	[tilespmem:s7], [sflag:$0x1] =	stream.indirect.gather.add.f32 [hbm:s2], $0x80, s17, s6, $0xb8;
	[tilespmem:$0xB400] =	vst v63  }
0x79: {  	_ = 	snop  }
0x7a: {  	[tilespmem:s7], [sflag:$0x1] =	stream.indirect.gather.add.f32 [hbm:s2], $0x80, s18, s6, $0xb8;
	[tilespmem:$0xB400] =	vst v63  }
0x7b: {  	_ = 	snop  }
0x7c: {  	[tilespmem:s7], [sflag:$0x1] =	stream.indirect.gather.add.f32 [hbm:s2], $0x80, s19, s6, $0xb8;
	[tilespmem:$0xB400] =	vst v63  }
0x7d: {  	_ = 	snop  }
0x7e: {  	[tilespmem:s7], [sflag:$0x1] =	stream.indirect.gather.add.f32 [hbm:s2], $0x80, s20, s6, $0xb8;
	[tilespmem:$0xB400] =	vst v63  }
0x7f: {  	_ = 	snop  }
0x80: {  	[tilespmem:s7], [sflag:$0x1] =	stream.indirect.gather.add.f32 [hbm:s2], $0x80, s21, s6, $0xb8;
	[tilespmem:$0xB400] =	vst v63  }
0x81: {  	_ = 	snop  }
0x82: {  	[tilespmem:s7], [sflag:$0x1] =	stream.indirect.gather.add.f32 [hbm:s2], $0x80, s22, s6, $0xb8;
	[tilespmem:$0xB400] =	vst v63  }
0x83: {  	_ =	swait.ge [sflag:s8], $0xA000  }
0x84: {  	[sflag:s8] =	ssyncset.done $0x0  }
0x85: {  	[sflag:s8] =	ssyncadd.s32 $0xFFFF6000  }
0x86: {  	_ =	swait.ge [sflag:s8], $0xA000  }
0x87: {  	[sflag:s8] =	ssyncset.done $0x0  }
0x88: {  	[sflag:s8] =	ssyncadd.s32 $0xFFFF6000  }
0x89: {  	_ =	swait.ge [sflag:s8], $0xA000  }
0x8a: {  	[sflag:s8] =	ssyncset.done $0x0  }
0x8b: {  	[sflag:s8] =	ssyncadd.s32 $0xFFFF6000  }
0x8c: {  	_ =	swait.ge [sflag:s8], $0xA000  }
0x8d: {  	[sflag:s8] =	ssyncset.done $0x0  }
0x8e: {  	[sflag:s8] =	ssyncadd.s32 $0xFFFF6000  }
0x8f: {  	_ =	swait.ge [sflag:s8], $0xA000  }
0x90: {  	[sflag:s8] =	ssyncset.done $0x0  }
0x91: {  	[sflag:s8] =	ssyncadd.s32 $0xFFFF6000  }
0x92: {  	_ =	swait.ge [sflag:s8], $0xA000  }
0x93: {  	[sflag:s8] =	ssyncset.done $0x0  }
0x94: {  	[sflag:s8] =	ssyncadd.s32 $0xFFFF6000  }
0x95: {  	_ =	swait.ge [sflag:s8], $0xA000  }
0x96: {  	[sflag:s8] =	ssyncset.done $0x0  }
0x97: {  	[sflag:s8] =	ssyncadd.s32 $0xFFFF6000  }
0x98: {  	_ =	swait.ge [sflag:s8], $0xA000  }
0x99: {  	[sflag:s8] =	ssyncset.done $0x0  }
0x9a: {  	[sflag:s8] =	ssyncadd.s32 $0xFFFF6000  }
0x9b: {  	_ =	swait.ge [sflag:s8], $0xA000  }
0x9c: {  	[sflag:s8] =	ssyncset.done $0x0  }
0x9d: {  	[sflag:s8] =	ssyncadd.s32 $0xFFFF6000  }
0x9e: {  	_ =	swait.ge [sflag:s8], $0xA000  }
0x9f: {  	[sflag:s8] =	ssyncset.done $0x0  }
0xa0: {  	[sflag:s8] =	ssyncadd.s32 $0xFFFF6000  }
0xa1: {  	_ =	swait.ge [sflag:s8], $0xA000  }
0xa2: {  	[sflag:s8] =	ssyncset.done $0x0  }
0xa3: {  	[sflag:s8] =	ssyncadd.s32 $0xFFFF6000  }
0xa4: {  	_ =	swait.ge [sflag:s8], $0xA000  }
0xa5: {  	[sflag:s8] =	ssyncset.done $0x0  }
0xa6: {  	[sflag:s8] =	ssyncadd.s32 $0xFFFF6000  }
0xa7: {  	_ =	swait.ge [sflag:s8], $0xA000  }
0xa8: {  	[sflag:s8] =	ssyncset.done $0x0  }
0xa9: {  	[sflag:s8] =	ssyncadd.s32 $0xFFFF6000  }
0xaa: {  	_ =	swait.ge [sflag:s8], $0xA000  }
0xab: {  	[sflag:s8] =	ssyncset.done $0x0  }
0xac: {  	[sflag:s8] =	ssyncadd.s32 $0xFFFF6000  }
0xad: {  	_ =	swait.ge [sflag:s8], $0xA000  }
.Ltmp1:
0xae: {  	[sflag:s8] =	ssyncset.done $0x0;
	(pc) =	sbr.rel @p0 .LBB2_1-.Ltmp1, $4  }
0xaf: {  	[sflag:s8] =	ssyncadd.s32 $0xFFFF6000  }
0xb0: {  	[hbm4b:s23+s3] =	stream.linear.scatter [tilespmem:s7], [sflag:$0x2], $0xA000, $0x38;
	[tilespmem:$0xB400] =	vst v63  }
0xb1: {  	_ =	swait.ge [sflag:s4], $0xA000  }
0xb2: {  	[sflag:s4] =	ssyncset.done $0x0  }
.LBB2_2:
0xb3: {  	[sflag:s4] =	ssyncadd.s32 $0xFFFF6000  }
0xb4: {  	_ =	sfence.sel $0x180000  }
0xb5: {  	[bflag:$0x0] =	sbarrier.arrive $0xFFFF  }
0xb6: {  	p0 =	sne.s32 s0, $0x0;
	_ =	strace $0x9000004D  }
0xb7: {  	s0 =	sadd.s32 @!p0 $0x100000, s1;
	[bflag:$0x2] =	sbarrier.arrive $0xFFFF  }
0xb8: {  	[sflag:s0] =	ssyncadd.tile.s32 @!p0 $0x1;
	_ =	shalt  }
.Lfunc_end2:
_tile_overlayer_lowered:
.L_overlay_start_2:
0xb9: {  	(tag) =	ssettag $0x2  }
0xba: {  	s0 =	rddreg [dreg:$0x0];
	s2 =	stileid.u32  }
0xbb: {  	s1 =	rddreg [dreg:$0x1];
	p0 =	sne.s32 s2, $0x0  }
0xbc: {  	s3 =	rddreg [dreg:$0x2];
	[bflag:$0x3] =	sbarrier.arrive $0xFFFF;
	s2 =	simm.s32 @!p0 $0x1C02  }
0xbd: {  	[timem:s3], [sflag:s2] =	dma.local @!p0 [hbm:s0], s1  }
0xbe: {  	s0 =	simm.s32 @!p0 $0x2  }
0xbf: {  	_ =	swait.ge @!p0 [sflag:s0], s1  }
0xc0: {  	s1 =	ssub.s32 @!p0 $0x0, s1;
	[sflag:s0] =	ssyncset.done @!p0 $0x0  }
0xc1: {  	[sflag:s0] =	ssyncadd.s32 @!p0 s1  }
0xc2: {  	[bflag:$0x3] =	sbarrier.arrive $0xFFFF  }
0xc3: {  	_ =	shalt  }

// kernel: kernel.19.cloned.1.call-start
scs
__scs_entry_jumppad:
0x0: {  	(pc) =	sbr.rel $0x88, $3  }
0x1: {  	(tag) =	ssettag $0x0;
	lr =	simm.s32 $0x1  }
0x2: {  	[smem:$0x3F9A] =	sst lr;
	_ =	strace $0xD0000000  }
0x3: {  	_ = 	snop  }
0x4: {  	_ = 	snop  }
0x5: {  	_ = 	snop  }
0x6: {  	_ = 	snop  }
0x7: {  	_ = 	snop  }
__scs_overlays_trampoline_lowered:
0x8: {  	[smem:$0x3FA9] =	sst s0  }
0x9: {  	[smem:$0x3FAA] =	sst s1  }
0xa: {  	[smem:$0x3FAB] =	sst s2  }
0xb: {  	[smem:$0x3FAC] =	sst s3  }
0xc: {  	[smem:$0x3FAD] =	sst s4  }
0xd: {  	[smem:$0x3FAE] =	sst s5  }
0xe: {  	[smem:$0x3FAF] =	sst s6  }
0xf: {  	[smem:$0x3FB0] =	sst s7  }
0x10: {  	[smem:$0x3FB1] =	sst s8  }
0x11: {  	[smem:$0x3FB2] =	sst s9;
	s0 =	simm.s32 @!p0 $0x0  }
0x12: {  	s1 =	sld [smem:$0x3F98];
	s0 =	simm.s32 @p0 $0x1  }
0x13: {  	[smem:$0x3FB3] =	sst s0;
	s0 =	simm.s32 @!p1 $0x0  }
0x14: {  	s2 =	sld [smem:$0x3F97];
	s0 =	simm.s32 @p1 $0x1  }
0x15: {  	[smem:$0x3FB4] =	sst s0;
	s0 =	simm.s32 @!p2 $0x0  }
0x16: {  	s3 =	sld [smem:$0x3FDB];
	s0 =	simm.s32 @p2 $0x1  }
0x17: {  	s4 =	simm.s32 $0x1BF5;
	[smem:$0x3FB6] =	sst s0  }
0x18: {  	s0 =	sld [smem:$0x3F99];
	_ =	swait.ge [sflag:s4], $0x0  }
0x19: {  	s7 =	sld [smem:$0x3F9A]  }
0x1a: {  	s8 =	sadd.s32 $0xFFFFE003, lr  }
0x1b: {  	s9 =	sadd.s32 $0xFFFFFEF7, lr;
	s5 =	simm.s32 $0xFFFFFFFF;
	p2 =	slt.u32 s8, $0xFFFFF086  }
0x1c: {  	p1 =	slt.u32 s9, $0xF7A;
	s5 =	simm.s32 @!p2 $0x0  }
0x1d: {  	s5 =	simm.s32 @p1 $0x1;
	p0 =	seq.s32 s7, s2  }
0x1e: {  	s7 =	smul.u32 @!p0 $0xF7A, s2;
	p2 =	seq.s32 @!p0 s5, $0x0  }
0x1f: {  	s9 =	smul.u32 $0xF7A, s1;
	s8 =	simm.s32 @!p0 $0x1BF5;
	p2 =	por !p2, p0  }
0x20: {  	[sflag:s8] =	ssyncset.s32 @!p0 $0xFFFFF086;
	s6 =	sadd.s32 @!p0 s3, s7;
	s7 =	simm.s32 @!p0 $0x108  }
0x21: {  	s3 =	sadd.s32 s3, s9;
	s6 =	sadd.s32 @!p0 $0x88, s6;
	s7 =	simm.s32 @p2 $0x1082  }
0x22: {  	[simem:s7], [sflag:s8] =	dma.local @!p0 [hbm:s6], $0xF7A  }
0x23: {  	s9 =	sor.u32 $0xD0000000, s2;
	s6 =	simm.s32 $0x108;
	_ =	swait.ge @!p0 [sflag:s8], $0x0  }
0x24: {  	s3 =	sadd.s32 $0x88, s3;
	s6 =	simm.s32 @!p1 $0x1082;
	[sflag:s4] =	ssyncset.s32 $0xFFFFF086  }
0x25: {  	[simem:s6], [sflag:s4] =	dma.local [hbm:s3], $0xF7A  }
0x26: {  	[smem:$0x3F9A] =	sst s1;
	(tag) =	ssettag s2;
	_ =	strace s9  }
0x27: {  	s1 =	sld [smem:$0x3FAA]  }
0x28: {  	s2 =	sld [smem:$0x3FAB]  }
0x29: {  	s4 =	sld [smem:$0x3FAD]  }
0x2a: {  	p0 =	seq.s32 s5, $0x0;
	s5 =	sld [smem:$0x3FAE]  }
0x2b: {  	s6 =	sld [smem:$0x3FAF]  }
0x2c: {  	s7 =	sld [smem:$0x3FB0]  }
0x2d: {  	s3 =	simm.s32 $0x108;
	s8 =	sld [smem:$0x3FB1]  }
0x2e: {  	s3 =	simm.s32 @!p0 $0x1082;
	s9 =	sld [smem:$0x3FB2]  }
0x2f: {  	lr =	sadd.s32 s0, s3;
	s0 =	sld [smem:$0x3FA9]  }
0x30: {  	s3 =	sld [smem:$0x3FAC]  }
0x31: {  	[smem:$0x3FB5] =	sst s10  }
0x32: {  	s10 =	sld [smem:$0x3FB3];
	_ =	sdelay $0x3  }
0x33: {  	p0 =	seq.s32 s10, $0x1;
	s10 =	sld [smem:$0x3FB5];
	_ =	sdelay $0x3  }
0x34: {  	[smem:$0x3FB5] =	sst s10  }
0x35: {  	s10 =	sld [smem:$0x3FB4];
	_ =	sdelay $0x3  }
0x36: {  	p1 =	seq.s32 s10, $0x1;
	s10 =	sld [smem:$0x3FB5];
	_ =	sdelay $0x3  }
0x37: {  	[smem:$0x3FB5] =	sst s10  }
0x38: {  	s10 =	sld [smem:$0x3FB6]  }
0x39: {  	_ = 	snop;
	(pc) =	sbr.ind lr, $3  }
0x3a: {  	_ = 	snop  }
0x3b: {  	_ = 	snop  }
0x3c: {  	p2 =	seq.s32 s10, $0x1;
	s10 =	sld [smem:$0x3FB5]  }
0x3d: {  	_ =	shalt  }
0x3e: {  	_ =	shalt  }
0x3f: {  	_ =	shalt  }
0x40: {  	_ =	shalt  }
0x41: {  	_ =	shalt  }
0x42: {  	_ =	shalt  }
0x43: {  	_ =	shalt  }
0x44: {  	_ =	shalt  }
0x45: {  	_ =	shalt  }
0x46: {  	_ =	shalt  }
0x47: {  	_ =	shalt  }
0x48: {  	_ =	shalt  }
0x49: {  	_ =	shalt  }
0x4a: {  	_ =	shalt  }
0x4b: {  	_ =	shalt  }
0x4c: {  	_ =	shalt  }
0x4d: {  	_ =	shalt  }
0x4e: {  	_ =	shalt  }
0x4f: {  	_ =	shalt  }
0x50: {  	_ =	shalt  }
0x51: {  	_ =	shalt  }
0x52: {  	_ =	shalt  }
0x53: {  	_ =	shalt  }
0x54: {  	_ =	shalt  }
0x55: {  	_ =	shalt  }
0x56: {  	_ =	shalt  }
0x57: {  	_ =	shalt  }
0x58: {  	_ =	shalt  }
0x59: {  	_ =	shalt  }
0x5a: {  	_ =	shalt  }
0x5b: {  	_ =	shalt  }
0x5c: {  	_ =	shalt  }
0x5d: {  	_ =	shalt  }
0x5e: {  	_ =	shalt  }
0x5f: {  	_ =	shalt  }
0x60: {  	_ =	shalt  }
0x61: {  	_ =	shalt  }
0x62: {  	_ =	shalt  }
0x63: {  	_ =	shalt  }
0x64: {  	_ =	shalt  }
0x65: {  	_ =	shalt  }
0x66: {  	_ =	shalt  }
0x67: {  	_ =	shalt  }
0x68: {  	_ =	shalt  }
0x69: {  	_ =	shalt  }
0x6a: {  	_ =	shalt  }
0x6b: {  	_ =	shalt  }
0x6c: {  	_ =	shalt  }
0x6d: {  	_ =	shalt  }
0x6e: {  	_ =	shalt  }
0x6f: {  	_ =	shalt  }
0x70: {  	_ =	shalt  }
0x71: {  	_ =	shalt  }
0x72: {  	_ =	shalt  }
0x73: {  	_ =	shalt  }
0x74: {  	_ =	shalt  }
0x75: {  	_ =	shalt  }
0x76: {  	_ =	shalt  }
0x77: {  	_ =	shalt  }
0x78: {  	_ =	shalt  }
0x79: {  	_ =	shalt  }
0x7a: {  	_ =	shalt  }
0x7b: {  	_ =	shalt  }
0x7c: {  	_ =	shalt  }
0x7d: {  	_ =	shalt  }
0x7e: {  	_ =	shalt  }
0x7f: {  	_ =	shalt  }
0x80: {  	_ =	shalt  }
0x81: {  	_ =	shalt  }
0x82: {  	_ =	shalt  }
0x83: {  	_ =	shalt  }
0x84: {  	_ =	shalt  }
0x85: {  	_ =	shalt  }
0x86: {  	_ =	shalt  }
0x87: {  	_ =	shalt  }
.Lfunc_end0:
.L_simem_size_0:
called_computation.3_lowered:
.L_overlay_start_0:
0x88: {  	s2 =	sld [smem:$0x3FD9]  }
0x89: {  	s3 =	sld [smem:$0x3FFE];
	_ =	sdelay $0x1  }
0x8a: {  	s1 =	srdreg.scid  }
0x8b: {  	s0 =	sand.u32 $0x1, s1  }
0x8c: {  	s17 =	sshll.u32 s0, $0xA;
	s2 =	sadd.s32 s3, s2  }
0x8d: {  	s2 =	sadd.s32 s2, s17  }
0x8e: {  	[smem:$0x3FC1] =	sst s2  }
0x8f: {  	_ = 	snop  }
0x90: {  	(tm) =	ssettm $0x1  }
0x91: {  	s18 =	sld [smem:$0x3FFB];
	_ =	sdelay $0x3  }
0x92: {  	_ =	strace s18  }
0x93: {  	s2 =	sld [smem:$0x3FFC];
	_ =	sdelay $0x3  }
0x94: {  	_ =	strace s2  }
0x95: {  	s2 =	sld [smem:$0x3FFD];
	_ =	sdelay $0x3  }
0x96: {  	_ =	strace s2  }
0x97: {  	_ =	strace $0x8FFFFFFF  }
0x98: {  	s19 =	sld [smem:$0x3FDB];
	_ =	sdelay $0x1  }
0x99: {  	s20 =	simm.s32 $_scs_section_size  }
0x9a: {  	s4 =	simm.s32 $_size__tile_overlayer_lowered;
	s5 =	simm.s32 $_tile_overlayer_lowered  }
0x9b: {  	s6 =	simm.s32 $0x1BFF;
	s21 =	sshll.u32 s5, $0x1;
	s3 =	sadd.s32 s20, s19  }
0x9c: {  	s22 =	simm.s32 $0x0;
	s4 =	sshll.u32 s4, $0x1;
	s5 =	sadd.s32 s21, s3  }
0x9d: {  	[timem:s22], [sflag:s6] =	dma.local [hbm:s5], s4  }
0x9e: {  	_ =	swait.ge [sflag:s6], s4  }
0x9f: {  	s4 =	ssub.s32 $0x0, s4;
	[sflag:s6] =	ssyncset.done $0x0  }
0xa0: {  	[sflag:s6] =	ssyncadd.s32 s4;
	_ =	sdelay $0x1  }
0xa1: {  	s23 =	simm.s32 $0x1B8B  }
0xa2: {  	_ =	swait.ge [sflag:s23], $0x1  }
0xa3: {  	[sflag:s23] =	ssyncset.done $0x0  }
0xa4: {  	[sflag:s23] =	ssyncadd.s32 $0xFFFFFFFF  }
0xa5: {  	s4 =	sld [smem:$0x0]  }
0xa6: {  	s5 =	sand.u32 $0xFFFFFFFE, s1  }
0xa7: {  	p0 =	sne.s32 s1, s5  }
0xa8: {  	s5 =	sshll.u32 @p0 s5, $0xE  }
0xa9: {  	s5 =	sadd.s32 @p0 $0x11B8D, s5;
	s6 =	sshll.u32 @p0 s4, $0x11  }
0xaa: {  	s5 =	sor.u32 @p0 s6, s5  }
0xab: {  	[sflag:s5] =	ssyncadd.remote.s32 @p0 $0x1;
	_ =	sdelay $0x1  }
0xac: {  	s5 =	simm.s32 @p0 $0x1B8D  }
0xad: {  	_ =	swait.eq @p0 [sflag:s5], $0x1  }
0xae: {  	[sflag:s5] =	ssyncadd.s32 @p0 $0xFFFFFFFF  }
0xaf: {  	s6 =	sshll.u32 @!p0 s1, $0xE  }
0xb0: {  	s6 =	sor.u32 @!p0 $0x4000, s6;
	s5 =	simm.s32 @!p0 $0x1B8D  }
0xb1: {  	s4 =	sshll.u32 @!p0 s4, $0x11;
	s6 =	sadd.s32 @!p0 $0x11B8D, s6;
	_ =	swait.eq @!p0 [sflag:s5], $0x1  }
0xb2: {  	s4 =	sor.u32 @!p0 s4, s6;
	[sflag:s5] =	ssyncadd.s32 @!p0 $0xFFFFFFFF  }
0xb3: {  	s25 =	simm.s32 $0x1B8E;
	s24 =	sld [smem:$0x3FFE];
	[sflag:s4] =	ssyncadd.remote.s32 @!p0 $0x1  }
0xb4: {  	s26 =	simm.s32 $execute0_lowered;
	[smem:$0x3FD2] =	sst s25  }
0xb5: {  	s5 =	sshll.u32 s26, $0x1;
	_ =	strace $0x8000004F;
	[dreg:$0x1] =	wrdreg $0xFFFFFFFF  }
0xb6: {  	s28 =	simm.s32 $_size_execute0_lowered;
	s3 =	sadd.s32 s3, s5;
	[dreg:$0x0] =	wrdreg $0x0  }
0xb7: {  	s5 =	sshll.u32 s28, $0x1;
	[dreg:$0x2] =	wrdreg s3  }
0xb8: {  	[dreg:$0x3] =	wrdreg s5  }
0xb9: {  	[dreg:$0x4] =	wrdreg $0xC0  }
0xba: {  	_ =	task [dreg:s22], $0x5FFFF  }
0xbb: {  	[dreg:$0x1] =	wrdreg $0xFFFFFFFF  }
0xbc: {  	[dreg:$0x0] =	wrdreg $0x60  }
0xbd: {  	[dreg:$0x2] =	wrdreg s24  }
0xbe: {  	[dreg:$0x3] =	wrdreg $0xA  }
0xbf: {  	_ =	task.clear_ibuf [dreg:s22], $0x4FFFF;
	_ =	strace $0x9000004F  }
0xc0: {  	s29 =	simm.s32 $0xA;
	_ =	strace $0x80000051  }
0xc1: {  	_ =	swait.ge [sflag:s29], $0x1  }
0xc2: {  	[sflag:s29] =	ssyncadd.s32 $0xFFFFFFFF  }
0xc3: {  	_ =	strace $0x90000051  }
0xc4: {  	_ =	sfence  }
0xc5: {  	s30 =	sld [smem:$0x0];
	_ =	sdelay $0x2  }
0xc6: {  	s31 =	sshll.u32 s1, $0xD;
	s1 =	sshrl.u32 s1, $0x2  }
0xc7: {  	s4 =	sand.u32 $0x4000, s31;
	s1 =	sadd.s32 s1, s30  }
0xc8: {  	s0 =	sor.u32 s4, s0;
	s1 =	sshll.u32 s1, $0x11  }
0xc9: {  	s0 =	sor.u32 s1, s0  }
0xca: {  	s0 =	sadd.s32 $0x8F2B, s0  }
0xcb: {  	[sflag:s0] =	ssyncadd.remote.s32 $0x1  }
0xcc: {  	_ =	sfence.sel $0xFFFF  }
0xcd: {  	[dreg:$0x0] =	wrdreg $0xFFFFFFFF;
	(pc) =	sbr.abs _section_cstart, $3  }
0xce: {  	[dreg:$0x1] =	wrdreg $0xFFFFFFFF  }
0xcf: {  	_ =	task.clear_ibuf [dreg:s22], $0x2FFFF;
	_ =	strace $0x9FFFFFFF  }
0xd0: {  	(tm) =	ssettm $0x7FFFFFFF  }
0xd1: {  	_ =	shalt  }
tec
execute0_lowered:
.L_overlay_start_1:
0x0: {  	(tag) =	ssettag $0x1  }
0x1: {  	s1 =	srdreg.scid;
	s0 =	stileid.u32  }
0x2: {  	s24 =	sand.u32 $0x1, s1;
	s31 =	sshll.u32 s0, $0x1  }
0x3: {  	s25 =	sor.u32 s24, s31  }
0x4: {  	s23 =	rddreg [dreg:$0x0];
	s3 =	smul.u32 $0x280, s25  }
0x5: {  	s2 =	simm.s32 $0x0;
	s1 =	rddreg [dreg:$0x1]  }
0x6: {  	[smem:$0x7FF] =	sst s2;
	s3 =	sadd.s32 s3, s23  }
0x7: {  	_ =	strace $0x80000050;
	s4 =	sadd.s32 $0xA7600, s3;
	s3 =	simm.s32 $0x2  }
0x8: {  	[tilespmem:s2], [sflag:$0x2] =	stream.linear.gather [hbm4b:s4+s2], $0x1400, $0x38;
	[tilespmem:$0xB400] =	vst v63  }
0x9: {  	_ =	swait.ge [sflag:s3], $0x1400  }
0xa: {  	s6 =	simm.s32 $0x140;
	s7 =	simm.s32 $0x1400;
	[sflag:s3] =	ssyncset.done $0x0  }
0xb: {  	s8 =	simm.s32 $0x1;
	s5 =	sadd.s32 $0x57600, s23;
	[sflag:s3] =	ssyncadd.s32 $0xFFFFEC00  }
0xc: {  	[tilespmem:s7], [sflag:$0x1] =	stream.indirect.gather [hbm4b:s5+s6], $0x80, s2, s6, $0xb8;
	[tilespmem:$0xB400] =	vst v63  }
0xd: {  	_ =	swait.ge [sflag:s8], $0xA000  }
0xe: {  	[sflag:s8] =	ssyncset.done $0x0  }
0xf: {  	[sflag:s8] =	ssyncadd.s32 $0xFFFF6000  }
0x10: {  	[tilespmem:s7], [sflag:$0x1] =	stream.indirect.gather.add.f32 [hbm:s5], $0x80, s6, s6, $0xb8;
	[tilespmem:$0xB400] =	vst v63  }
0x11: {  	s9 =	simm.s32 $0x280  }
0x12: {  	[tilespmem:s7], [sflag:$0x1] =	stream.indirect.gather.add.f32 [hbm:s5], $0x80, s9, s6, $0xb8;
	[tilespmem:$0xB400] =	vst v63  }
0x13: {  	s10 =	simm.s32 $0x3C0  }
0x14: {  	[tilespmem:s7], [sflag:$0x1] =	stream.indirect.gather.add.f32 [hbm:s5], $0x80, s10, s6, $0xb8;
	[tilespmem:$0xB400] =	vst v63  }
0x15: {  	s11 =	simm.s32 $0x500  }
0x16: {  	[tilespmem:s7], [sflag:$0x1] =	stream.indirect.gather.add.f32 [hbm:s5], $0x80, s11, s6, $0xb8;
	[tilespmem:$0xB400] =	vst v63  }
0x17: {  	s12 =	simm.s32 $0x640  }
0x18: {  	[tilespmem:s7], [sflag:$0x1] =	stream.indirect.gather.add.f32 [hbm:s5], $0x80, s12, s6, $0xb8;
	[tilespmem:$0xB400] =	vst v63  }
0x19: {  	s13 =	simm.s32 $0x780  }
0x1a: {  	[tilespmem:s7], [sflag:$0x1] =	stream.indirect.gather.add.f32 [hbm:s5], $0x80, s13, s6, $0xb8;
	[tilespmem:$0xB400] =	vst v63  }
0x1b: {  	s14 =	simm.s32 $0x8C0  }
0x1c: {  	[tilespmem:s7], [sflag:$0x1] =	stream.indirect.gather.add.f32 [hbm:s5], $0x80, s14, s6, $0xb8;
	[tilespmem:$0xB400] =	vst v63  }
0x1d: {  	s15 =	simm.s32 $0xA00  }
0x1e: {  	[tilespmem:s7], [sflag:$0x1] =	stream.indirect.gather.add.f32 [hbm:s5], $0x80, s15, s6, $0xb8;
	[tilespmem:$0xB400] =	vst v63  }
0x1f: {  	s16 =	simm.s32 $0xB40  }
0x20: {  	[tilespmem:s7], [sflag:$0x1] =	stream.indirect.gather.add.f32 [hbm:s5], $0x80, s16, s6, $0xb8;
	[tilespmem:$0xB400] =	vst v63  }
0x21: {  	s17 =	simm.s32 $0xC80  }
0x22: {  	[tilespmem:s7], [sflag:$0x1] =	stream.indirect.gather.add.f32 [hbm:s5], $0x80, s17, s6, $0xb8;
	[tilespmem:$0xB400] =	vst v63  }
0x23: {  	s18 =	simm.s32 $0xDC0  }
0x24: {  	[tilespmem:s7], [sflag:$0x1] =	stream.indirect.gather.add.f32 [hbm:s5], $0x80, s18, s6, $0xb8;
	[tilespmem:$0xB400] =	vst v63  }
0x25: {  	s19 =	simm.s32 $0xF00  }
0x26: {  	[tilespmem:s7], [sflag:$0x1] =	stream.indirect.gather.add.f32 [hbm:s5], $0x80, s19, s6, $0xb8;
	[tilespmem:$0xB400] =	vst v63  }
0x27: {  	s20 =	simm.s32 $0x1040  }
0x28: {  	[tilespmem:s7], [sflag:$0x1] =	stream.indirect.gather.add.f32 [hbm:s5], $0x80, s20, s6, $0xb8;
	[tilespmem:$0xB400] =	vst v63  }
0x29: {  	s21 =	simm.s32 $0x1180  }
0x2a: {  	[tilespmem:s7], [sflag:$0x1] =	stream.indirect.gather.add.f32 [hbm:s5], $0x80, s21, s6, $0xb8;
	[tilespmem:$0xB400] =	vst v63  }
0x2b: {  	s22 =	simm.s32 $0x12C0  }
0x2c: {  	[tilespmem:s7], [sflag:$0x1] =	stream.indirect.gather.add.f32 [hbm:s5], $0x80, s22, s6, $0xb8;
	[tilespmem:$0xB400] =	vst v63  }
0x2d: {  	_ =	swait.ge [sflag:s8], $0xA000  }
0x2e: {  	[sflag:s8] =	ssyncset.done $0x0  }
0x2f: {  	[sflag:s8] =	ssyncadd.s32 $0xFFFF6000  }
0x30: {  	_ =	swait.ge [sflag:s8], $0xA000  }
0x31: {  	[sflag:s8] =	ssyncset.done $0x0  }
0x32: {  	[sflag:s8] =	ssyncadd.s32 $0xFFFF6000  }
0x33: {  	_ =	swait.ge [sflag:s8], $0xA000  }
0x34: {  	[sflag:s8] =	ssyncset.done $0x0  }
0x35: {  	[sflag:s8] =	ssyncadd.s32 $0xFFFF6000  }
0x36: {  	_ =	swait.ge [sflag:s8], $0xA000  }
0x37: {  	[sflag:s8] =	ssyncset.done $0x0  }
0x38: {  	[sflag:s8] =	ssyncadd.s32 $0xFFFF6000  }
0x39: {  	_ =	swait.ge [sflag:s8], $0xA000  }
0x3a: {  	[sflag:s8] =	ssyncset.done $0x0  }
0x3b: {  	[sflag:s8] =	ssyncadd.s32 $0xFFFF6000  }
0x3c: {  	_ =	swait.ge [sflag:s8], $0xA000  }
0x3d: {  	[sflag:s8] =	ssyncset.done $0x0  }
0x3e: {  	[sflag:s8] =	ssyncadd.s32 $0xFFFF6000  }
0x3f: {  	_ =	swait.ge [sflag:s8], $0xA000  }
0x40: {  	[sflag:s8] =	ssyncset.done $0x0  }
0x41: {  	[sflag:s8] =	ssyncadd.s32 $0xFFFF6000  }
0x42: {  	_ =	swait.ge [sflag:s8], $0xA000  }
0x43: {  	[sflag:s8] =	ssyncset.done $0x0  }
0x44: {  	[sflag:s8] =	ssyncadd.s32 $0xFFFF6000  }
0x45: {  	_ =	swait.ge [sflag:s8], $0xA000  }
0x46: {  	[sflag:s8] =	ssyncset.done $0x0  }
0x47: {  	[sflag:s8] =	ssyncadd.s32 $0xFFFF6000  }
0x48: {  	_ =	swait.ge [sflag:s8], $0xA000  }
0x49: {  	[sflag:s8] =	ssyncset.done $0x0  }
0x4a: {  	[sflag:s8] =	ssyncadd.s32 $0xFFFF6000  }
0x4b: {  	_ =	swait.ge [sflag:s8], $0xA000  }
0x4c: {  	[sflag:s8] =	ssyncset.done $0x0  }
0x4d: {  	[sflag:s8] =	ssyncadd.s32 $0xFFFF6000  }
0x4e: {  	_ =	swait.ge [sflag:s8], $0xA000  }
0x4f: {  	[sflag:s8] =	ssyncset.done $0x0  }
0x50: {  	[sflag:s8] =	ssyncadd.s32 $0xFFFF6000  }
0x51: {  	_ =	swait.ge [sflag:s8], $0xA000  }
0x52: {  	[sflag:s8] =	ssyncset.done $0x0  }
0x53: {  	s24 =	ssub.s32 $0x2, s24;
	[sflag:s8] =	ssyncadd.s32 $0xFFFF6000  }
0x54: {  	s26 =	sshrl.u32 s24, $0x1;
	_ =	swait.ge [sflag:s8], $0xA000  }
0x55: {  	s24 =	ssub.s32 s24, s26;
	[sflag:s8] =	ssyncset.done $0x0  }
0x56: {  	s25 =	smul.u32 $0x1400, s25;
	s24 =	smax.u32 s24, $0x1;
	[sflag:s8] =	ssyncadd.s32 $0xFFFF6000  }
0x57: {  	p0 =	sne.s32 s24, $0x1;
	_ =	swait.ge [sflag:s8], $0xA000  }
.Ltmp0:
0x58: {  	s23 =	sadd.s32 s25, s23;
	[sflag:s8] =	ssyncset.done $0x0;
	(pc) =	sbr.rel @!p0 .LBB2_2-.Ltmp0, $4  }
0x59: {  	s23 =	sadd.s32 $0xAC600, s23;
	[sflag:s8] =	ssyncadd.s32 $0xFFFF6000  }
0x5a: {  	[hbm4b:s23+s2] =	stream.linear.scatter [tilespmem:s7], [sflag:$0x2], $0xA000, $0x38;
	[tilespmem:$0xB400] =	vst v63  }
0x5b: {  	_ =	swait.ge [sflag:s3], $0xA000  }
0x5c: {  	s24 =	sadd.s32 $0xFFFFFFFF, s24;
	[sflag:s3] =	ssyncset.done $0x0  }
.LBB2_1:
0x5d: {  	p0 =	sne.s32 s24, $0x1;
	s24 =	sadd.s32 $0xFFFFFFFF, s24;
	[sflag:s3] =	ssyncadd.s32 $0xFFFF6000  }
0x5e: {  	[tilespmem:s2], [sflag:$0x2] =	stream.linear.gather [hbm4b:s4+s2], $0x1400, $0x38;
	[tilespmem:$0xB400] =	vst v63  }
0x5f: {  	_ =	swait.ge [sflag:s3], $0x1400  }
0x60: {  	[sflag:s3] =	ssyncset.done $0x0  }
0x61: {  	[sflag:s3] =	ssyncadd.s32 $0xFFFFEC00  }
0x62: {  	[tilespmem:s7], [sflag:$0x1] =	stream.indirect.gather [hbm4b:s5+s6], $0x80, s2, s6, $0xb8;
	[tilespmem:$0xB400] =	vst v63  }
0x63: {  	_ =	swait.ge [sflag:s8], $0xA000  }
0x64: {  	[sflag:s8] =	ssyncset.done $0x0  }
0x65: {  	[sflag:s8] =	ssyncadd.s32 $0xFFFF6000  }
0x66: {  	[tilespmem:s7], [sflag:$0x1] =	stream.indirect.gather.add.f32 [hbm:s5], $0x80, s6, s6, $0xb8;
	[tilespmem:$0xB400] =	vst v63  }
0x67: {  	_ = 	snop  }
0x68: {  	[tilespmem:s7], [sflag:$0x1] =	stream.indirect.gather.add.f32 [hbm:s5], $0x80, s9, s6, $0xb8;
	[tilespmem:$0xB400] =	vst v63  }
0x69: {  	_ = 	snop  }
0x6a: {  	[tilespmem:s7], [sflag:$0x1] =	stream.indirect.gather.add.f32 [hbm:s5], $0x80, s10, s6, $0xb8;
	[tilespmem:$0xB400] =	vst v63  }
0x6b: {  	_ = 	snop  }
0x6c: {  	[tilespmem:s7], [sflag:$0x1] =	stream.indirect.gather.add.f32 [hbm:s5], $0x80, s11, s6, $0xb8;
	[tilespmem:$0xB400] =	vst v63  }
0x6d: {  	_ = 	snop  }
0x6e: {  	[tilespmem:s7], [sflag:$0x1] =	stream.indirect.gather.add.f32 [hbm:s5], $0x80, s12, s6, $0xb8;
	[tilespmem:$0xB400] =	vst v63  }
0x6f: {  	_ = 	snop  }
0x70: {  	[tilespmem:s7], [sflag:$0x1] =	stream.indirect.gather.add.f32 [hbm:s5], $0x80, s13, s6, $0xb8;
	[tilespmem:$0xB400] =	vst v63  }
0x71: {  	_ = 	snop  }
0x72: {  	[tilespmem:s7], [sflag:$0x1] =	stream.indirect.gather.add.f32 [hbm:s5], $0x80, s14, s6, $0xb8;
	[tilespmem:$0xB400] =	vst v63  }
0x73: {  	_ = 	snop  }
0x74: {  	[tilespmem:s7], [sflag:$0x1] =	stream.indirect.gather.add.f32 [hbm:s5], $0x80, s15, s6, $0xb8;
	[tilespmem:$0xB400] =	vst v63  }
0x75: {  	_ = 	snop  }
0x76: {  	[tilespmem:s7], [sflag:$0x1] =	stream.indirect.gather.add.f32 [hbm:s5], $0x80, s16, s6, $0xb8;
	[tilespmem:$0xB400] =	vst v63  }
0x77: {  	_ = 	snop  }
0x78: {  	[tilespmem:s7], [sflag:$0x1] =	stream.indirect.gather.add.f32 [hbm:s5], $0x80, s17, s6, $0xb8;
	[tilespmem:$0xB400] =	vst v63  }
0x79: {  	_ = 	snop  }
0x7a: {  	[tilespmem:s7], [sflag:$0x1] =	stream.indirect.gather.add.f32 [hbm:s5], $0x80, s18, s6, $0xb8;
	[tilespmem:$0xB400] =	vst v63  }
0x7b: {  	_ = 	snop  }
0x7c: {  	[tilespmem:s7], [sflag:$0x1] =	stream.indirect.gather.add.f32 [hbm:s5], $0x80, s19, s6, $0xb8;
	[tilespmem:$0xB400] =	vst v63  }
0x7d: {  	_ = 	snop  }
0x7e: {  	[tilespmem:s7], [sflag:$0x1] =	stream.indirect.gather.add.f32 [hbm:s5], $0x80, s20, s6, $0xb8;
	[tilespmem:$0xB400] =	vst v63  }
0x7f: {  	_ = 	snop  }
0x80: {  	[tilespmem:s7], [sflag:$0x1] =	stream.indirect.gather.add.f32 [hbm:s5], $0x80, s21, s6, $0xb8;
	[tilespmem:$0xB400] =	vst v63  }
0x81: {  	_ = 	snop  }
0x82: {  	[tilespmem:s7], [sflag:$0x1] =	stream.indirect.gather.add.f32 [hbm:s5], $0x80, s22, s6, $0xb8;
	[tilespmem:$0xB400] =	vst v63  }
0x83: {  	_ =	swait.ge [sflag:s8], $0xA000  }
0x84: {  	[sflag:s8] =	ssyncset.done $0x0  }
0x85: {  	[sflag:s8] =	ssyncadd.s32 $0xFFFF6000  }
0x86: {  	_ =	swait.ge [sflag:s8], $0xA000  }
0x87: {  	[sflag:s8] =	ssyncset.done $0x0  }
0x88: {  	[sflag:s8] =	ssyncadd.s32 $0xFFFF6000  }
0x89: {  	_ =	swait.ge [sflag:s8], $0xA000  }
0x8a: {  	[sflag:s8] =	ssyncset.done $0x0  }
0x8b: {  	[sflag:s8] =	ssyncadd.s32 $0xFFFF6000  }
0x8c: {  	_ =	swait.ge [sflag:s8], $0xA000  }
0x8d: {  	[sflag:s8] =	ssyncset.done $0x0  }
0x8e: {  	[sflag:s8] =	ssyncadd.s32 $0xFFFF6000  }
0x8f: {  	_ =	swait.ge [sflag:s8], $0xA000  }
0x90: {  	[sflag:s8] =	ssyncset.done $0x0  }
0x91: {  	[sflag:s8] =	ssyncadd.s32 $0xFFFF6000  }
0x92: {  	_ =	swait.ge [sflag:s8], $0xA000  }
0x93: {  	[sflag:s8] =	ssyncset.done $0x0  }
0x94: {  	[sflag:s8] =	ssyncadd.s32 $0xFFFF6000  }
0x95: {  	_ =	swait.ge [sflag:s8], $0xA000  }
0x96: {  	[sflag:s8] =	ssyncset.done $0x0  }
0x97: {  	[sflag:s8] =	ssyncadd.s32 $0xFFFF6000  }
0x98: {  	_ =	swait.ge [sflag:s8], $0xA000  }
0x99: {  	[sflag:s8] =	ssyncset.done $0x0  }
0x9a: {  	[sflag:s8] =	ssyncadd.s32 $0xFFFF6000  }
0x9b: {  	_ =	swait.ge [sflag:s8], $0xA000  }
0x9c: {  	[sflag:s8] =	ssyncset.done $0x0  }
0x9d: {  	[sflag:s8] =	ssyncadd.s32 $0xFFFF6000  }
0x9e: {  	_ =	swait.ge [sflag:s8], $0xA000  }
0x9f: {  	[sflag:s8] =	ssyncset.done $0x0  }
0xa0: {  	[sflag:s8] =	ssyncadd.s32 $0xFFFF6000  }
0xa1: {  	_ =	swait.ge [sflag:s8], $0xA000  }
0xa2: {  	[sflag:s8] =	ssyncset.done $0x0  }
0xa3: {  	[sflag:s8] =	ssyncadd.s32 $0xFFFF6000  }
0xa4: {  	_ =	swait.ge [sflag:s8], $0xA000  }
0xa5: {  	[sflag:s8] =	ssyncset.done $0x0  }
0xa6: {  	[sflag:s8] =	ssyncadd.s32 $0xFFFF6000  }
0xa7: {  	_ =	swait.ge [sflag:s8], $0xA000  }
0xa8: {  	[sflag:s8] =	ssyncset.done $0x0  }
0xa9: {  	[sflag:s8] =	ssyncadd.s32 $0xFFFF6000  }
0xaa: {  	_ =	swait.ge [sflag:s8], $0xA000  }
0xab: {  	[sflag:s8] =	ssyncset.done $0x0  }
0xac: {  	[sflag:s8] =	ssyncadd.s32 $0xFFFF6000  }
0xad: {  	_ =	swait.ge [sflag:s8], $0xA000  }
.Ltmp1:
0xae: {  	[sflag:s8] =	ssyncset.done $0x0;
	(pc) =	sbr.rel @p0 .LBB2_1-.Ltmp1, $4  }
0xaf: {  	[sflag:s8] =	ssyncadd.s32 $0xFFFF6000  }
0xb0: {  	[hbm4b:s23+s2] =	stream.linear.scatter [tilespmem:s7], [sflag:$0x2], $0xA000, $0x38;
	[tilespmem:$0xB400] =	vst v63  }
0xb1: {  	_ =	swait.ge [sflag:s3], $0xA000  }
0xb2: {  	[sflag:s3] =	ssyncset.done $0x0  }
.LBB2_2:
0xb3: {  	[sflag:s3] =	ssyncadd.s32 $0xFFFF6000  }
0xb4: {  	_ =	sfence.sel $0x180000  }
0xb5: {  	[bflag:$0x0] =	sbarrier.arrive $0xFFFF  }
0xb6: {  	p0 =	sne.s32 s0, $0x0;
	_ =	strace $0x90000050  }
0xb7: {  	s0 =	sadd.s32 @!p0 $0x100000, s1;
	[bflag:$0x2] =	sbarrier.arrive $0xFFFF  }
0xb8: {  	[sflag:s0] =	ssyncadd.tile.s32 @!p0 $0x1;
	_ =	shalt  }
.Lfunc_end2:
_tile_overlayer_lowered:
.L_overlay_start_2:
0xb9: {  	(tag) =	ssettag $0x2  }
0xba: {  	s0 =	rddreg [dreg:$0x0];
	s2 =	stileid.u32  }
0xbb: {  	s1 =	rddreg [dreg:$0x1];
	p0 =	sne.s32 s2, $0x0  }
0xbc: {  	s3 =	rddreg [dreg:$0x2];
	[bflag:$0x3] =	sbarrier.arrive $0xFFFF;
	s2 =	simm.s32 @!p0 $0x1C02  }
0xbd: {  	[timem:s3], [sflag:s2] =	dma.local @!p0 [hbm:s0], s1  }
0xbe: {  	s0 =	simm.s32 @!p0 $0x2  }
0xbf: {  	_ =	swait.ge @!p0 [sflag:s0], s1  }
0xc0: {  	s1 =	ssub.s32 @!p0 $0x0, s1;
	[sflag:s0] =	ssyncset.done @!p0 $0x0  }
0xc1: {  	[sflag:s0] =	ssyncadd.s32 @!p0 s1  }
0xc2: {  	[bflag:$0x3] =	sbarrier.arrive $0xFFFF  }
0xc3: {  	_ =	shalt  }

</sc_bundles>
